<compile_context>
chip_gen: v7x
topology: tpu7x:2x2x1
jax: 0.10.2.dev20260603
libtpu: 0.0.44.dev20260713+nightly
codegen_flags: <defaults>
</compile_context>

<pallas_src>
import jax
import jax.numpy as jnp
from jax import lax
from jax.experimental import pallas as pl
from jax.experimental.pallas import tpu as pltpu
from jax.experimental.pallas import tpu_sc as plsc

N = 10000
NP = 10240
E = 320000
D = 128
H = 256
C = 6

NCORE = 2
NSUB = 16
CB = 125
NW = NCORE * NSUB
CPW = E // (NW * CB)
RPT = NP // NSUB
BM = 5120
GRID = NP // BM
STAGE = 16


def _sc_agg(table, ei4, with_deg, *, split_edges, stage):
    mesh = plsc.VectorSubcoreMesh(core_axis_name="c", subcore_axis_name="s")
    out_type = [jax.ShapeDtypeStruct((NCORE, NP, D), jnp.float32)]
    if with_deg:
        out_type.append(jax.ShapeDtypeStruct((NW, 1, NP), jnp.float32))
    spw = CPW // stage
    phases = spw if split_edges else 2 * spw
    scratch = [
        pltpu.VMEM_SHARED((NP, D), jnp.float32),
        pltpu.VMEM((stage, CB), jnp.int32),
        pltpu.VMEM((stage, CB), jnp.int32),
        pltpu.VMEM((CB, D), jnp.float32),
        pltpu.VMEM((CB, D), jnp.float32),
        pltpu.SemaphoreType.DMA,
        pltpu.SemaphoreType.DMA,
    ]
    if with_deg:
        scratch.append(pltpu.VMEM((NP,), jnp.float32))

    def body(*refs):
        if with_deg:
            (table_h, ei_h, agg_o, deg_o,
             acc, row_v, col_v, gbuf0, gbuf1, sem0, sem1, deg_v) = refs
        else:
            (table_h, ei_h, agg_o,
             acc, row_v, col_v, gbuf0, gbuf1, sem0, sem1) = refs
        c = lax.axis_index("c")
        s = lax.axis_index("s")
        tbl = table_h.at[c] if table.ndim == 3 else table_h

        zeros16 = jnp.zeros((16,), jnp.float32)

        def gzero(i, carry):
            gbuf0[i // 8, pl.ds((i % 8) * 16, 16)] = zeros16
            return carry

        lax.fori_loop(0, CB * 8, gzero, 0)
        for q in range(RPT // CB):
            pltpu.sync_copy(gbuf0, acc.at[pl.ds(s * RPT + q * CB, CB)])
        tail = RPT - (RPT // CB) * CB
        if tail:
            pltpu.sync_copy(gbuf0.at[pl.ds(0, tail)],
                            acc.at[pl.ds(s * RPT + (RPT // CB) * CB, tail)])

        if with_deg:
            def dzero(i, carry):
                deg_v[pl.ds(i * 16, 16)] = zeros16
                return carry

            lax.fori_loop(0, NP // 16, dzero, 0)

        plsc.subcore_barrier()

        ones16 = jnp.ones((16,), jnp.float32)
        tailmask = lax.iota(jnp.int32, 16) >= 3

        def dupd(j):
            if with_deg:
                for k in range(7):
                    idx = row_v[j, pl.ds(k * 16, 16)]
                    plsc.addupdate_scatter(deg_v, [idx], ones16)
                idx = row_v[j, pl.ds(CB - 16, 16)]
                plsc.addupdate_scatter(deg_v, [idx], ones16, mask=tailmask)

        for p in range(phases):
            if split_edges:
                wrow = c * NSUB + s
                roff = p * stage
            else:
                wrow = 2 * s + p // spw
                roff = (p % spw) * stage
            pltpu.sync_copy(ei_h.at[0, wrow, pl.ds(roff, stage)], row_v)
            pltpu.sync_copy(ei_h.at[1, wrow, pl.ds(roff, stage)], col_v)

            pltpu.async_copy(tbl.at[col_v.at[0]], gbuf0, sem0)

            def pair(i, carry):
                j0 = 2 * i
                pltpu.async_copy(tbl.at[col_v.at[j0 + 1]], gbuf1, sem1)
                pltpu.make_async_copy(
                    tbl.at[col_v.at[j0]], gbuf0, sem0).wait()
                dupd(j0)
                pltpu.sync_copy(gbuf0, acc.at[row_v.at[j0]], add=True)

                @pl.when(i < stage // 2 - 1)
                def _():
                    pltpu.async_copy(tbl.at[col_v.at[j0 + 2]], gbuf0, sem0)

                pltpu.make_async_copy(
                    tbl.at[col_v.at[j0 + 1]], gbuf1, sem1).wait()
                dupd(j0 + 1)
                pltpu.sync_copy(gbuf1, acc.at[row_v.at[j0 + 1]], add=True)
                return carry

            lax.fori_loop(0, stage // 2, pair, 0)

        if with_deg:
            w = c * NSUB + s
            pltpu.sync_copy(deg_v, deg_o.at[w, 0])

        plsc.subcore_barrier()
        pltpu.sync_copy(acc.at[pl.ds(s * RPT, RPT)],
                        agg_o.at[c, pl.ds(s * RPT, RPT)])

    return pl.kernel(
        body, out_type=out_type, mesh=mesh, scratch_types=scratch,
        compiler_params=pltpu.CompilerParams(needs_layout_passes=False),
    )(table, ei4)


_f32 = jnp.float32


def _dot(a, b):
    return jnp.dot(a, b, preferred_element_type=_f32)


def _wspec(*shape):
    nd = len(shape)
    return pl.BlockSpec(shape, lambda i, nd=nd: (0,) * nd)


def _rspec(*shape):
    return pl.BlockSpec(shape, lambda i: (i,) + (0,) * (len(shape) - 1))


_spec2 = pl.BlockSpec((2, BM, D), lambda i: (0, i, 0))
_dspec = pl.BlockSpec((NW, 1, BM), lambda i: (0, 0, i))


def _tc_pre1(x, sk0, b0r, sk1r, nk1r):
    def body(x_r, sk0_r, b0_r, sk1_r, nk1_r, s1a_r, t1a_r):
        h1a = jnp.maximum(_dot(x_r[...], sk0_r[...]) + b0_r[0, :H], 0.0)
        s1a_r[...] = _dot(h1a, sk1_r[0]).astype(jnp.bfloat16)
        t1a_r[...] = _dot(h1a, nk1_r[0]).astype(jnp.bfloat16)

    return pl.pallas_call(
        body,
        grid=(GRID,),
        in_specs=[_rspec(BM, D), _wspec(D, H), _wspec(1, 2 * H),
                  _wspec(2, H, H), _wspec(2, H, H)],
        out_specs=[_rspec(BM, H), _rspec(BM, H)],
        out_shape=[jax.ShapeDtypeStruct((NP, H), jnp.bfloat16),
                   jax.ShapeDtypeStruct((NP, H), jnp.bfloat16)],
    )(x, sk0, b0r, sk1r, nk1r)


def _tc_mid(agg0, degp, t1a, nk0, b0r, nk1r):
    def body(a_r, degp_r, t1a_r, nk0_r, b0_r, nk1_r, t1_r, h1b_r):
        deg = jnp.maximum(jnp.sum(degp_r[...].reshape(NW, BM), axis=0), 1.0)
        mean = (a_r[0] + a_r[1]) / deg[:, None]
        h1b = jnp.maximum(_dot(mean, nk0_r[...]) + b0_r[0, H:], 0.0)
        h1b_r[...] = h1b.astype(jnp.bfloat16)
        t1 = t1a_r[...].astype(_f32) + _dot(h1b, nk1_r[1])
        t1_r[0] = t1[:, :D]
        t1_r[1] = t1[:, D:]

    return pl.pallas_call(
        body,
        grid=(GRID,),
        in_specs=[_spec2, _dspec, _rspec(BM, H),
                  _wspec(D, H), _wspec(1, 2 * H), _wspec(2, H, H)],
        out_specs=[_spec2, _rspec(BM, H)],
        out_shape=[jax.ShapeDtypeStruct((2, NP, D), _f32),
                   jax.ShapeDtypeStruct((NP, H), jnp.bfloat16)],
    )(agg0, degp, t1a, nk0, b0r, nk1r)


def _tc_pre2(s1a, h1b, sk1r, b1r, w1r):
    def body(s1a_r, h1b_r, sk1_r, b1_r, w1_r, p3_r):
        s1 = s1a_r[...].astype(_f32) + _dot(h1b_r[...].astype(_f32), sk1_r[1])
        h2a = jnp.maximum(s1 + b1_r[0, :H], 0.0)
        p3_r[...] = _dot(h2a, w1_r[0]).astype(jnp.bfloat16)

    return pl.pallas_call(
        body,
        grid=(GRID,),
        in_specs=[_rspec(BM, H), _rspec(BM, H), _wspec(2, H, H),
                  _wspec(1, 2 * H), _wspec(2, H, H)],
        out_specs=_rspec(BM, H),
        out_shape=jax.ShapeDtypeStruct((NP, H), jnp.bfloat16),
    )(s1a, h1b, sk1r, b1r, w1r)


def _tc_post(agg1, degp, p3, b1r, w1r, b1mr, w2, b2mr):
    def body(a_r, degp_r, p3_r, b1_r, w1_r, b1m_r, w2_r, b2m_r, o_r):
        deg = jnp.maximum(jnp.sum(degp_r[...].reshape(NW, BM), axis=0), 1.0)
        m = jnp.concatenate([a_r[0], a_r[1]], axis=1) / deg[:, None]
        h2b = jnp.maximum(m + b1_r[0, H:], 0.0)
        h3 = jnp.maximum(p3_r[...].astype(_f32) + _dot(h2b, w1_r[1])
                         + b1m_r[0], 0.0)
        o_r[...] = _dot(h3, w2_r[...]) + b2m_r[0]

    return pl.pallas_call(
        body,
        grid=(GRID,),
        in_specs=[_spec2, _dspec,
                  _rspec(BM, H), _wspec(1, 2 * H), _wspec(2, H, H),
                  _wspec(1, H), _wspec(H, C), _wspec(1, C)],
        out_specs=_rspec(BM, C),
        out_shape=jax.ShapeDtypeStruct((N, C), _f32),
    )(agg1, degp, p3, b1r, w1r, b1mr, w2, b2mr)


def kernel(x, edge_index, edge_weight, self_k0, nbr_k0, b0,
           self_k1, nbr_k1, b1, mlp_w1, mlp_b1, mlp_w2, mlp_b2):
    b0r = b0.reshape(1, 2 * H)
    b1r = b1.reshape(1, 2 * H)
    sk1r = self_k1.reshape(2, H, H)
    nk1r = nbr_k1.reshape(2, H, H)
    w1r = mlp_w1.reshape(2, H, H)
    b1mr = mlp_b1.reshape(1, H)
    b2mr = mlp_b2.reshape(1, C)
    ei4 = edge_index.reshape(2, NW, CPW, CB)

    agg0, degp = _sc_agg(x, ei4, True, split_edges=True, stage=16)
    s1a, t1a = _tc_pre1(x, self_k0, b0r, sk1r, nk1r)

    t1, h1b = _tc_mid(agg0, degp, t1a, nbr_k0, b0r, nk1r)

    (agg1,) = _sc_agg(t1, ei4, False, split_edges=False, stage=40)

    p3 = _tc_pre2(s1a, h1b, sk1r, b1r, w1r)

    return _tc_post(agg1, degp, p3, b1r, w1r, b1mr, mlp_w2, b2mr)

# --- scband reference (transcript-rebuilt; emitter-appended) ---
"""Pipeline reference for scband-sagemodel-10986526343326 (READ-ONLY COPY).

The authoritative reference and input builder live on the scoring server;
editing this copy changes nothing except your own understanding.
"""

import jax, jax.numpy as jnp
import numpy as np

N = 10000
E = 320000
D = 128
H = 256
C = 6

def setup_inputs(seed: int = 0):
    key = jax.random.key(seed)
    ks = jax.random.split(key, 12)
    x = jax.random.normal(ks[0], (N, D), dtype=jnp.float32)
    edge_index = jax.random.randint(ks[1], (2, E), 0, N, dtype=jnp.int32)
    edge_weight = jax.random.uniform(ks[2], (E,), dtype=jnp.float32)
    self_k0 = jax.random.normal(ks[3], (D, H), dtype=jnp.float32) * 0.05
    nbr_k0 = jax.random.normal(ks[4], (D, H), dtype=jnp.float32) * 0.05
    b0 = jnp.zeros((2 * H,), dtype=jnp.float32)
    self_k1 = jax.random.normal(ks[5], (2 * H, H), dtype=jnp.float32) * 0.05
    nbr_k1 = jax.random.normal(ks[6], (2 * H, H), dtype=jnp.float32) * 0.05
    b1 = jnp.zeros((2 * H,), dtype=jnp.float32)
    mlp_w1 = jax.random.normal(ks[7], (2 * H, 256), dtype=jnp.float32) * 0.05
    mlp_b1 = jnp.zeros((256,), dtype=jnp.float32)
    mlp_w2 = jax.random.normal(ks[8], (256, C), dtype=jnp.float32) * 0.05
    mlp_b2 = jnp.zeros((C,), dtype=jnp.float32)
    return {"x": x, "edge_index": edge_index, "edge_weight": edge_weight,
            "self_k0": self_k0, "nbr_k0": nbr_k0, "b0": b0,
            "self_k1": self_k1, "nbr_k1": nbr_k1, "b1": b1,
            "mlp_w1": mlp_w1, "mlp_b1": mlp_b1, "mlp_w2": mlp_w2, "mlp_b2": mlp_b2}

def _sage_layer(h, row, col, sk, nk, b):
    # MeanGraphSage: mean-aggregate neighbor features, transform self and neighbor, concat, bias, relu
    nbr = jnp.take(h, col, axis=0)
    agg = jax.ops.segment_sum(nbr, row, num_segments=N)
    deg = jax.ops.segment_sum(jnp.ones((E,), jnp.float32), row, num_segments=N)
    mean = agg / jnp.maximum(deg, 1.0)[:, None]
    out = jnp.concatenate([h @ sk, mean @ nk], axis=1) + b
    return jax.nn.relu(out)

def reference(x, edge_index, edge_weight, self_k0, nbr_k0, b0, self_k1, nbr_k1, b1, mlp_w1, mlp_b1, mlp_w2, mlp_b2):
    row = edge_index[0]
    col = edge_index[1]
    h = _sage_layer(x, row, col, self_k0, nbr_k0, b0)
    h = _sage_layer(h, row, col, self_k1, nbr_k1, b1)
    # per-node MLP head: Flatten is identity on [N, 512]
    h = jax.nn.relu(h @ mlp_w1 + mlp_b1)
    h = h @ mlp_w2 + mlp_b2
    return h

if __name__ == "__main__":
    import jax
    _d = setup_inputs()
    print(jax.jit(kernel)(*tuple(_d.values())))

</pallas_src>

<mosaic_0001>
#map = affine_map<(d0, d1) -> (0, 0, 0)>
#map1 = affine_map<(d0, d1) -> (0, 0, 0, 0)>
module attributes {stable_mosaic.version = 14 : i64} {
  func.func @body(%arg0: i32, %arg1: i32, %arg2: memref<2x10240x128xf32, #tpu.memory_space<hbm>>, %arg3: memref<2x32x80x125xi32, #tpu.memory_space<hbm>>, %arg4: memref<2x10240x128xf32, #tpu.memory_space<hbm>>, %arg5: memref<10240x128xf32, #tpu.memory_space<vmem_shared>>, %arg6: memref<40x125xi32, #tpu.memory_space<vmem>>, %arg7: memref<40x125xi32, #tpu.memory_space<vmem>>, %arg8: memref<125x128xf32, #tpu.memory_space<vmem>>, %arg9: memref<125x128xf32, #tpu.memory_space<vmem>>, %arg10: memref<!tpu.dma_semaphore, #tpu.memory_space<semaphore_mem>>, %arg11: memref<!tpu.dma_semaphore, #tpu.memory_space<semaphore_mem>>) attributes {dimension_semantics = [#tpu.dimension_semantics<core_parallel>, #tpu.dimension_semantics<subcore_parallel>], iteration_bounds = array<i64: 2, 16>, scalar_prefetch = 0 : i64, scratch_operands = 7 : i64, tpu.core_type = #tpu.core_type<sc_vector_subcore>, window_params = [{transform_indices = #map}, {transform_indices = #map1}, {transform_indices = #map}]} {
    %broadcast_in_dim3A = arith.constant 0.000000e+00 : f32
    %broadcast_in_dim3A_0 = vector.broadcast %broadcast_in_dim3A : f32 to vector<16xf32>
    %scan3A = arith.constant 0 : i32
    %scan3A_1 = arith.constant 0 : i32
    %scan3A_2 = arith.constant 1000 : i32
    %scan3A_3 = arith.addi %scan3A_1, %scan3A_2 : i32
    %scan3A_4 = arith.constant 1 : i32
    scf.for %scan3A_127 = %scan3A_1 to %scan3A_3 step %scan3A_4  : i32 {
      %jit3A = arith.constant 8 : i32
      %div3A = arith.divsi %scan3A_127, %jit3A : i32
      %sign3A = arith.constant 0 : i32
      %sign3A_128 = arith.cmpi sgt, %scan3A_127, %sign3A : i32
      %sign3A_129 = arith.extui %sign3A_128 : i1 to i32
      %sign3A_130 = arith.constant 0 : i32
      %sign3A_131 = arith.cmpi slt, %scan3A_127, %sign3A_130 : i32
      %sign3A_132 = arith.extui %sign3A_131 : i1 to i32
      %sign3A_133 = arith.subi %sign3A_129, %sign3A_132 : i32
      %sign3A_134 = arith.constant 0 : i32
      %sign3A_135 = arith.cmpi sgt, %jit3A, %sign3A_134 : i32
      %sign3A_136 = arith.extui %sign3A_135 : i1 to i32
      %sign3A_137 = arith.constant 0 : i32
      %sign3A_138 = arith.cmpi slt, %jit3A, %sign3A_137 : i32
      %sign3A_139 = arith.extui %sign3A_138 : i1 to i32
      %sign3A_140 = arith.subi %sign3A_136, %sign3A_139 : i32
      %ne3A = arith.cmpi ne, %sign3A_133, %sign3A_140 : i32
      %rem3A = arith.remsi %scan3A_127, %jit3A : i32
      %ne3A_141 = arith.constant 0 : i32
      %ne3A_142 = arith.cmpi ne, %rem3A, %ne3A_141 : i32
      %and3A = arith.andi %ne3A, %ne3A_142 : i1
      %sub3A = arith.constant 1 : i32
      %sub3A_143 = arith.subi %div3A, %sub3A : i32
      %select_n3A = arith.select %and3A, %sub3A_143, %div3A : i32
      %jit3A_144 = arith.constant 8 : i32
      %eq3A = arith.constant 0 : i32
      %eq3A_145 = arith.cmpi eq, %jit3A_144, %eq3A : i32
      %jit3A_146 = arith.constant 1 : i32
      %select_n3A_147 = arith.select %eq3A_145, %jit3A_146, %jit3A_144 : i32
      %rem3A_148 = arith.remsi %scan3A_127, %select_n3A_147 : i32
      %ne3A_149 = arith.constant 0 : i32
      %ne3A_150 = arith.cmpi ne, %rem3A_148, %ne3A_149 : i32
      %lt3A = arith.constant 0 : i32
      %lt3A_151 = arith.cmpi slt, %rem3A_148, %lt3A : i32
      %lt3A_152 = arith.constant 0 : i32
      %lt3A_153 = arith.cmpi slt, %select_n3A_147, %lt3A_152 : i32
      %ne3A_154 = arith.xori %lt3A_151, %lt3A_153 : i1
      %and3A_155 = arith.andi %ne3A_154, %ne3A_150 : i1
      %add3A_156 = arith.addi %rem3A_148, %select_n3A_147 : i32
      %select_n3A_157 = arith.select %and3A_155, %add3A_156, %rem3A_148 : i32
      %mul3A_158 = arith.constant 16 : i32
      %mul3A_159 = arith.muli %select_n3A_157, %mul3A_158 : i32
      %swap3A = arith.index_cast %select_n3A : i32 to index
      %swap3A_160 = arith.index_cast %mul3A_159 : i32 to index
      %swap3A_161 = tpu.vector_load %arg8[%swap3A, %swap3A_160] {strides = array<i32>} : memref<125x128xf32, #tpu.memory_space<vmem>>, vector<16xf32>,
      tpu.vector_store %arg8[%swap3A, %swap3A_160], %broadcast_in_dim3A_0 {strides = array<i32>} : memref<125x128xf32, #tpu.memory_space<vmem>>, vector<16xf32>,
    }
    %scan3A_5 = arith.constant 1000 : i32
    %mul3A = arith.constant 640 : i32
    %mul3A_6 = arith.muli %arg1, %mul3A : i32
    %add3A = arith.constant 0 : i32
    %add3A_7 = arith.addi %mul3A_6, %add3A : i32
    "tpu.region"() ({
      %run_scoped3A_127 = tpu.sem_alloc : memref<!tpu.dma_semaphore, #tpu.memory_space<semaphore_mem>>
      %dma_start3A_128 = arith.constant 0 : i32
      %dma_start3A_129 = tpu.memref_slice %arg5[%add3A_7, %dma_start3A_128] : memref<10240x128xf32, #tpu.memory_space<vmem_shared>> -> memref<125x128xf32, #tpu.memory_space<vmem_shared>>
      %dma_start3A_130 = arith.constant 0 : i32
      %dma_start3A_131 = tpu.memref_slice %arg5[%add3A_7, %dma_start3A_130] : memref<10240x128xf32, #tpu.memory_space<vmem_shared>> -> memref<125x128xf32, #tpu.memory_space<vmem_shared>>
      tpu.enqueue_dma source(%arg8 : memref<125x128xf32, #tpu.memory_space<vmem>>) target(%dma_start3A_131 : memref<125x128xf32, #tpu.memory_space<vmem_shared>>) target_semaphore(%run_scoped3A_127 : memref<!tpu.dma_semaphore, #tpu.memory_space<semaphore_mem>>)
      %dma_wait3A = arith.constant 0 : i32
      %dma_wait3A_132 = tpu.memref_slice %arg5[%add3A_7, %dma_wait3A] : memref<10240x128xf32, #tpu.memory_space<vmem_shared>> -> memref<125x128xf32, #tpu.memory_space<vmem_shared>>
      %dma_wait3A_133 = arith.constant 0 : i32
      %dma_wait3A_134 = tpu.memref_slice %arg5[%add3A_7, %dma_wait3A_133] : memref<10240x128xf32, #tpu.memory_space<vmem_shared>> -> memref<125x128xf32, #tpu.memory_space<vmem_shared>>
      tpu.wait_dma2 semaphore(%run_scoped3A_127 : memref<!tpu.dma_semaphore, #tpu.memory_space<semaphore_mem>>) src(%arg8 : memref<125x128xf32, #tpu.memory_space<vmem>>) dst(%dma_wait3A_134 : memref<125x128xf32, #tpu.memory_space<vmem_shared>>)
      tpu.yield
    }) : () -> ()
    %mul3A_8 = arith.constant 640 : i32
    %mul3A_9 = arith.muli %arg1, %mul3A_8 : i32
    %add3A_10 = arith.constant 125 : i32
    %add3A_11 = arith.addi %mul3A_9, %add3A_10 : i32
    "tpu.region"() ({
      %run_scoped3A_127 = tpu.sem_alloc : memref<!tpu.dma_semaphore, #tpu.memory_space<semaphore_mem>>
      %dma_start3A_128 = arith.constant 0 : i32
      %dma_start3A_129 = tpu.memref_slice %arg5[%add3A_11, %dma_start3A_128] : memref<10240x128xf32, #tpu.memory_space<vmem_shared>> -> memref<125x128xf32, #tpu.memory_space<vmem_shared>>
      %dma_start3A_130 = arith.constant 0 : i32
      %dma_start3A_131 = tpu.memref_slice %arg5[%add3A_11, %dma_start3A_130] : memref<10240x128xf32, #tpu.memory_space<vmem_shared>> -> memref<125x128xf32, #tpu.memory_space<vmem_shared>>
      tpu.enqueue_dma source(%arg8 : memref<125x128xf32, #tpu.memory_space<vmem>>) target(%dma_start3A_131 : memref<125x128xf32, #tpu.memory_space<vmem_shared>>) target_semaphore(%run_scoped3A_127 : memref<!tpu.dma_semaphore, #tpu.memory_space<semaphore_mem>>)
      %dma_wait3A = arith.constant 0 : i32
      %dma_wait3A_132 = tpu.memref_slice %arg5[%add3A_11, %dma_wait3A] : memref<10240x128xf32, #tpu.memory_space<vmem_shared>> -> memref<125x128xf32, #tpu.memory_space<vmem_shared>>
      %dma_wait3A_133 = arith.constant 0 : i32
      %dma_wait3A_134 = tpu.memref_slice %arg5[%add3A_11, %dma_wait3A_133] : memref<10240x128xf32, #tpu.memory_space<vmem_shared>> -> memref<125x128xf32, #tpu.memory_space<vmem_shared>>
      tpu.wait_dma2 semaphore(%run_scoped3A_127 : memref<!tpu.dma_semaphore, #tpu.memory_space<semaphore_mem>>) src(%arg8 : memref<125x128xf32, #tpu.memory_space<vmem>>) dst(%dma_wait3A_134 : memref<125x128xf32, #tpu.memory_space<vmem_shared>>)
      tpu.yield
    }) : () -> ()
    %mul3A_12 = arith.constant 640 : i32
    %mul3A_13 = arith.muli %arg1, %mul3A_12 : i32
    %add3A_14 = arith.constant 250 : i32
    %add3A_15 = arith.addi %mul3A_13, %add3A_14 : i32
    "tpu.region"() ({
      %run_scoped3A_127 = tpu.sem_alloc : memref<!tpu.dma_semaphore, #tpu.memory_space<semaphore_mem>>
      %dma_start3A_128 = arith.constant 0 : i32
      %dma_start3A_129 = tpu.memref_slice %arg5[%add3A_15, %dma_start3A_128] : memref<10240x128xf32, #tpu.memory_space<vmem_shared>> -> memref<125x128xf32, #tpu.memory_space<vmem_shared>>
      %dma_start3A_130 = arith.constant 0 : i32
      %dma_start3A_131 = tpu.memref_slice %arg5[%add3A_15, %dma_start3A_130] : memref<10240x128xf32, #tpu.memory_space<vmem_shared>> -> memref<125x128xf32, #tpu.memory_space<vmem_shared>>
      tpu.enqueue_dma source(%arg8 : memref<125x128xf32, #tpu.memory_space<vmem>>) target(%dma_start3A_131 : memref<125x128xf32, #tpu.memory_space<vmem_shared>>) target_semaphore(%run_scoped3A_127 : memref<!tpu.dma_semaphore, #tpu.memory_space<semaphore_mem>>)
      %dma_wait3A = arith.constant 0 : i32
      %dma_wait3A_132 = tpu.memref_slice %arg5[%add3A_15, %dma_wait3A] : memref<10240x128xf32, #tpu.memory_space<vmem_shared>> -> memref<125x128xf32, #tpu.memory_space<vmem_shared>>
      %dma_wait3A_133 = arith.constant 0 : i32
      %dma_wait3A_134 = tpu.memref_slice %arg5[%add3A_15, %dma_wait3A_133] : memref<10240x128xf32, #tpu.memory_space<vmem_shared>> -> memref<125x128xf32, #tpu.memory_space<vmem_shared>>
      tpu.wait_dma2 semaphore(%run_scoped3A_127 : memref<!tpu.dma_semaphore, #tpu.memory_space<semaphore_mem>>) src(%arg8 : memref<125x128xf32, #tpu.memory_space<vmem>>) dst(%dma_wait3A_134 : memref<125x128xf32, #tpu.memory_space<vmem_shared>>)
      tpu.yield
    }) : () -> ()
    %mul3A_16 = arith.constant 640 : i32
    %mul3A_17 = arith.muli %arg1, %mul3A_16 : i32
    %add3A_18 = arith.constant 375 : i32
    %add3A_19 = arith.addi %mul3A_17, %add3A_18 : i32
    "tpu.region"() ({
      %run_scoped3A_127 = tpu.sem_alloc : memref<!tpu.dma_semaphore, #tpu.memory_space<semaphore_mem>>
      %dma_start3A_128 = arith.constant 0 : i32
      %dma_start3A_129 = tpu.memref_slice %arg5[%add3A_19, %dma_start3A_128] : memref<10240x128xf32, #tpu.memory_space<vmem_shared>> -> memref<125x128xf32, #tpu.memory_space<vmem_shared>>
      %dma_start3A_130 = arith.constant 0 : i32
      %dma_start3A_131 = tpu.memref_slice %arg5[%add3A_19, %dma_start3A_130] : memref<10240x128xf32, #tpu.memory_space<vmem_shared>> -> memref<125x128xf32, #tpu.memory_space<vmem_shared>>
      tpu.enqueue_dma source(%arg8 : memref<125x128xf32, #tpu.memory_space<vmem>>) target(%dma_start3A_131 : memref<125x128xf32, #tpu.memory_space<vmem_shared>>) target_semaphore(%run_scoped3A_127 : memref<!tpu.dma_semaphore, #tpu.memory_space<semaphore_mem>>)
      %dma_wait3A = arith.constant 0 : i32
      %dma_wait3A_132 = tpu.memref_slice %arg5[%add3A_19, %dma_wait3A] : memref<10240x128xf32, #tpu.memory_space<vmem_shared>> -> memref<125x128xf32, #tpu.memory_space<vmem_shared>>
      %dma_wait3A_133 = arith.constant 0 : i32
      %dma_wait3A_134 = tpu.memref_slice %arg5[%add3A_19, %dma_wait3A_133] : memref<10240x128xf32, #tpu.memory_space<vmem_shared>> -> memref<125x128xf32, #tpu.memory_space<vmem_shared>>
      tpu.wait_dma2 semaphore(%run_scoped3A_127 : memref<!tpu.dma_semaphore, #tpu.memory_space<semaphore_mem>>) src(%arg8 : memref<125x128xf32, #tpu.memory_space<vmem>>) dst(%dma_wait3A_134 : memref<125x128xf32, #tpu.memory_space<vmem_shared>>)
      tpu.yield
    }) : () -> ()
    %mul3A_20 = arith.constant 640 : i32
    %mul3A_21 = arith.muli %arg1, %mul3A_20 : i32
    %add3A_22 = arith.constant 500 : i32
    %add3A_23 = arith.addi %mul3A_21, %add3A_22 : i32
    "tpu.region"() ({
      %run_scoped3A_127 = tpu.sem_alloc : memref<!tpu.dma_semaphore, #tpu.memory_space<semaphore_mem>>
      %dma_start3A_128 = arith.constant 0 : i32
      %dma_start3A_129 = tpu.memref_slice %arg5[%add3A_23, %dma_start3A_128] : memref<10240x128xf32, #tpu.memory_space<vmem_shared>> -> memref<125x128xf32, #tpu.memory_space<vmem_shared>>
      %dma_start3A_130 = arith.constant 0 : i32
      %dma_start3A_131 = tpu.memref_slice %arg5[%add3A_23, %dma_start3A_130] : memref<10240x128xf32, #tpu.memory_space<vmem_shared>> -> memref<125x128xf32, #tpu.memory_space<vmem_shared>>
      tpu.enqueue_dma source(%arg8 : memref<125x128xf32, #tpu.memory_space<vmem>>) target(%dma_start3A_131 : memref<125x128xf32, #tpu.memory_space<vmem_shared>>) target_semaphore(%run_scoped3A_127 : memref<!tpu.dma_semaphore, #tpu.memory_space<semaphore_mem>>)
      %dma_wait3A = arith.constant 0 : i32
      %dma_wait3A_132 = tpu.memref_slice %arg5[%add3A_23, %dma_wait3A] : memref<10240x128xf32, #tpu.memory_space<vmem_shared>> -> memref<125x128xf32, #tpu.memory_space<vmem_shared>>
      %dma_wait3A_133 = arith.constant 0 : i32
      %dma_wait3A_134 = tpu.memref_slice %arg5[%add3A_23, %dma_wait3A_133] : memref<10240x128xf32, #tpu.memory_space<vmem_shared>> -> memref<125x128xf32, #tpu.memory_space<vmem_shared>>
      tpu.wait_dma2 semaphore(%run_scoped3A_127 : memref<!tpu.dma_semaphore, #tpu.memory_space<semaphore_mem>>) src(%arg8 : memref<125x128xf32, #tpu.memory_space<vmem>>) dst(%dma_wait3A_134 : memref<125x128xf32, #tpu.memory_space<vmem_shared>>)
      tpu.yield
    }) : () -> ()
    %mul3A_24 = arith.constant 640 : i32
    %mul3A_25 = arith.muli %arg1, %mul3A_24 : i32
    %add3A_26 = arith.constant 625 : i32
    %add3A_27 = arith.addi %mul3A_25, %add3A_26 : i32
    "tpu.region"() ({
      %run_scoped3A_127 = tpu.sem_alloc : memref<!tpu.dma_semaphore, #tpu.memory_space<semaphore_mem>>
      %dma_start3A_128 = arith.constant 0 : i32
      %dma_start3A_129 = arith.constant 0 : i32
      %dma_start3A_130 = tpu.memref_slice %arg8[%dma_start3A_128, %dma_start3A_129] : memref<125x128xf32, #tpu.memory_space<vmem>> -> memref<15x128xf32, #tpu.memory_space<vmem>>
      %dma_start3A_131 = arith.constant 0 : i32
      %dma_start3A_132 = tpu.memref_slice %arg5[%add3A_27, %dma_start3A_131] : memref<10240x128xf32, #tpu.memory_space<vmem_shared>> -> memref<15x128xf32, #tpu.memory_space<vmem_shared>>
      %dma_start3A_133 = arith.constant 0 : i32
      %dma_start3A_134 = tpu.memref_slice %arg5[%add3A_27, %dma_start3A_133] : memref<10240x128xf32, #tpu.memory_space<vmem_shared>> -> memref<15x128xf32, #tpu.memory_space<vmem_shared>>
      %dma_start3A_135 = arith.constant 0 : i32
      %dma_start3A_136 = arith.constant 0 : i32
      %dma_start3A_137 = tpu.memref_slice %arg8[%dma_start3A_135, %dma_start3A_136] : memref<125x128xf32, #tpu.memory_space<vmem>> -> memref<15x128xf32, #tpu.memory_space<vmem>>
      tpu.enqueue_dma source(%dma_start3A_137 : memref<15x128xf32, #tpu.memory_space<vmem>>) target(%dma_start3A_134 : memref<15x128xf32, #tpu.memory_space<vmem_shared>>) target_semaphore(%run_scoped3A_127 : memref<!tpu.dma_semaphore, #tpu.memory_space<semaphore_mem>>)
      %dma_wait3A = arith.constant 0 : i32
      %dma_wait3A_138 = arith.constant 0 : i32
      %dma_wait3A_139 = tpu.memref_slice %arg8[%dma_wait3A, %dma_wait3A_138] : memref<125x128xf32, #tpu.memory_space<vmem>> -> memref<15x128xf32, #tpu.memory_space<vmem>>
      %dma_wait3A_140 = arith.constant 0 : i32
      %dma_wait3A_141 = tpu.memref_slice %arg5[%add3A_27, %dma_wait3A_140] : memref<10240x128xf32, #tpu.memory_space<vmem_shared>> -> memref<15x128xf32, #tpu.memory_space<vmem_shared>>
      %dma_wait3A_142 = arith.constant 0 : i32
      %dma_wait3A_143 = tpu.memref_slice %arg5[%add3A_27, %dma_wait3A_142] : memref<10240x128xf32, #tpu.memory_space<vmem_shared>> -> memref<15x128xf32, #tpu.memory_space<vmem_shared>>
      %dma_wait3A_144 = arith.constant 0 : i32
      %dma_wait3A_145 = arith.constant 0 : i32
      %dma_wait3A_146 = tpu.memref_slice %arg8[%dma_wait3A_144, %dma_wait3A_145] : memref<125x128xf32, #tpu.memory_space<vmem>> -> memref<15x128xf32, #tpu.memory_space<vmem>>
      tpu.wait_dma2 semaphore(%run_scoped3A_127 : memref<!tpu.dma_semaphore, #tpu.memory_space<semaphore_mem>>) src(%dma_wait3A_146 : memref<15x128xf32, #tpu.memory_space<vmem>>) dst(%dma_wait3A_143 : memref<15x128xf32, #tpu.memory_space<vmem_shared>>)
      tpu.yield
    }) : () -> ()
    %barrier3A = arith.constant 0 : index
    tpu.barrier barrier_id(%barrier3A)
    %broadcast_in_dim3A_28 = arith.constant 1.000000e+00 : f32
    %broadcast_in_dim3A_29 = vector.broadcast %broadcast_in_dim3A_28 : f32 to vector<16xf32>
    %iota3A = tpu.iota {dimensions = array<i32: 0>} : vector<16xi32>
    %ge3A = arith.constant 3 : i32
    %ge3A_30 = vector.broadcast %ge3A : i32 to vector<16xi32>
    %ge3A_31 = arith.cmpi sge, %iota3A, %ge3A_30 : vector<16xi32>
    %mul3A_32 = arith.constant 2 : i32
    %mul3A_33 = arith.muli %mul3A_32, %arg1 : i32
    %add3A_34 = arith.constant 0 : i32
    %add3A_35 = arith.addi %mul3A_33, %add3A_34 : i32
    %run_scoped3A = arith.constant 0 : i32
    "tpu.region"() ({
      %run_scoped3A_127 = tpu.sem_alloc : memref<!tpu.dma_semaphore, #tpu.memory_space<semaphore_mem>>
      %dma_start3A_128 = arith.constant 0 : i32
      %dma_start3A_129 = arith.constant 0 : i32
      %dma_start3A_130 = tpu.memref_slice %arg3[%run_scoped3A, %add3A_35, %dma_start3A_128, %dma_start3A_129] : memref<2x32x80x125xi32, #tpu.memory_space<hbm>> -> memref<1x1x40x125xi32, #tpu.memory_space<hbm>>
      %dma_start3A_131 = tpu.memref_squeeze %dma_start3A_130 : memref<1x1x40x125xi32, #tpu.memory_space<hbm>> -> memref<40x125xi32, #tpu.memory_space<hbm>>
      %dma_start3A_132 = arith.constant 0 : i32
      %dma_start3A_133 = arith.constant 0 : i32
      %dma_start3A_134 = tpu.memref_slice %arg3[%run_scoped3A, %add3A_35, %dma_start3A_132, %dma_start3A_133] : memref<2x32x80x125xi32, #tpu.memory_space<hbm>> -> memref<1x1x40x125xi32, #tpu.memory_space<hbm>>
      %dma_start3A_135 = tpu.memref_squeeze %dma_start3A_134 : memref<1x1x40x125xi32, #tpu.memory_space<hbm>> -> memref<40x125xi32, #tpu.memory_space<hbm>>
      tpu.enqueue_dma source(%dma_start3A_135 : memref<40x125xi32, #tpu.memory_space<hbm>>) target(%arg6 : memref<40x125xi32, #tpu.memory_space<vmem>>) target_semaphore(%run_scoped3A_127 : memref<!tpu.dma_semaphore, #tpu.memory_space<semaphore_mem>>)
      %dma_wait3A = arith.constant 0 : i32
      %dma_wait3A_136 = arith.constant 0 : i32
      %dma_wait3A_137 = tpu.memref_slice %arg3[%run_scoped3A, %add3A_35, %dma_wait3A, %dma_wait3A_136] : memref<2x32x80x125xi32, #tpu.memory_space<hbm>> -> memref<1x1x40x125xi32, #tpu.memory_space<hbm>>
      %dma_wait3A_138 = tpu.memref_squeeze %dma_wait3A_137 : memref<1x1x40x125xi32, #tpu.memory_space<hbm>> -> memref<40x125xi32, #tpu.memory_space<hbm>>
      %dma_wait3A_139 = arith.constant 0 : i32
      %dma_wait3A_140 = arith.constant 0 : i32
      %dma_wait3A_141 = tpu.memref_slice %arg3[%run_scoped3A, %add3A_35, %dma_wait3A_139, %dma_wait3A_140] : memref<2x32x80x125xi32, #tpu.memory_space<hbm>> -> memref<1x1x40x125xi32, #tpu.memory_space<hbm>>
      %dma_wait3A_142 = tpu.memref_squeeze %dma_wait3A_141 : memref<1x1x40x125xi32, #tpu.memory_space<hbm>> -> memref<40x125xi32, #tpu.memory_space<hbm>>
      tpu.wait_dma2 semaphore(%run_scoped3A_127 : memref<!tpu.dma_semaphore, #tpu.memory_space<semaphore_mem>>) src(%dma_wait3A_142 : memref<40x125xi32, #tpu.memory_space<hbm>>) dst(%arg6 : memref<40x125xi32, #tpu.memory_space<vmem>>)
      tpu.yield
    }) : () -> ()
    %run_scoped3A_36 = arith.constant 1 : i32
    "tpu.region"() ({
      %run_scoped3A_127 = tpu.sem_alloc : memref<!tpu.dma_semaphore, #tpu.memory_space<semaphore_mem>>
      %dma_start3A_128 = arith.constant 0 : i32
      %dma_start3A_129 = arith.constant 0 : i32
      %dma_start3A_130 = tpu.memref_slice %arg3[%run_scoped3A_36, %add3A_35, %dma_start3A_128, %dma_start3A_129] : memref<2x32x80x125xi32, #tpu.memory_space<hbm>> -> memref<1x1x40x125xi32, #tpu.memory_space<hbm>>
      %dma_start3A_131 = tpu.memref_squeeze %dma_start3A_130 : memref<1x1x40x125xi32, #tpu.memory_space<hbm>> -> memref<40x125xi32, #tpu.memory_space<hbm>>
      %dma_start3A_132 = arith.constant 0 : i32
      %dma_start3A_133 = arith.constant 0 : i32
      %dma_start3A_134 = tpu.memref_slice %arg3[%run_scoped3A_36, %add3A_35, %dma_start3A_132, %dma_start3A_133] : memref<2x32x80x125xi32, #tpu.memory_space<hbm>> -> memref<1x1x40x125xi32, #tpu.memory_space<hbm>>
      %dma_start3A_135 = tpu.memref_squeeze %dma_start3A_134 : memref<1x1x40x125xi32, #tpu.memory_space<hbm>> -> memref<40x125xi32, #tpu.memory_space<hbm>>
      tpu.enqueue_dma source(%dma_start3A_135 : memref<40x125xi32, #tpu.memory_space<hbm>>) target(%arg7 : memref<40x125xi32, #tpu.memory_space<vmem>>) target_semaphore(%run_scoped3A_127 : memref<!tpu.dma_semaphore, #tpu.memory_space<semaphore_mem>>)
      %dma_wait3A = arith.constant 0 : i32
      %dma_wait3A_136 = arith.constant 0 : i32
      %dma_wait3A_137 = tpu.memref_slice %arg3[%run_scoped3A_36, %add3A_35, %dma_wait3A, %dma_wait3A_136] : memref<2x32x80x125xi32, #tpu.memory_space<hbm>> -> memref<1x1x40x125xi32, #tpu.memory_space<hbm>>
      %dma_wait3A_138 = tpu.memref_squeeze %dma_wait3A_137 : memref<1x1x40x125xi32, #tpu.memory_space<hbm>> -> memref<40x125xi32, #tpu.memory_space<hbm>>
      %dma_wait3A_139 = arith.constant 0 : i32
      %dma_wait3A_140 = arith.constant 0 : i32
      %dma_wait3A_141 = tpu.memref_slice %arg3[%run_scoped3A_36, %add3A_35, %dma_wait3A_139, %dma_wait3A_140] : memref<2x32x80x125xi32, #tpu.memory_space<hbm>> -> memref<1x1x40x125xi32, #tpu.memory_space<hbm>>
      %dma_wait3A_142 = tpu.memref_squeeze %dma_wait3A_141 : memref<1x1x40x125xi32, #tpu.memory_space<hbm>> -> memref<40x125xi32, #tpu.memory_space<hbm>>
      tpu.wait_dma2 semaphore(%run_scoped3A_127 : memref<!tpu.dma_semaphore, #tpu.memory_space<semaphore_mem>>) src(%dma_wait3A_142 : memref<40x125xi32, #tpu.memory_space<hbm>>) dst(%arg7 : memref<40x125xi32, #tpu.memory_space<vmem>>)
      tpu.yield
    }) : () -> ()
    %dma_start3A = arith.constant 0 : i32
    %dma_start3A_37 = arith.constant 0 : i32
    %dma_start3A_38 = tpu.memref_slice %arg7[%dma_start3A, %dma_start3A_37] : memref<40x125xi32, #tpu.memory_space<vmem>> -> memref<1x125xi32, #tpu.memory_space<vmem>>
    %dma_start3A_39 = tpu.memref_squeeze %dma_start3A_38 : memref<1x125xi32, #tpu.memory_space<vmem>> -> memref<125xi32, #tpu.memory_space<vmem>>
    %dma_start3A_40 = arith.constant 0 : i32
    %dma_start3A_41 = arith.constant 0 : i32
    %dma_start3A_42 = tpu.memref_slice %arg2[%arg0, %dma_start3A_40, %dma_start3A_41] : memref<2x10240x128xf32, #tpu.memory_space<hbm>> -> memref<1x10240x128xf32, #tpu.memory_space<hbm>>
    %dma_start3A_43 = tpu.memref_squeeze %dma_start3A_42 : memref<1x10240x128xf32, #tpu.memory_space<hbm>> -> memref<10240x128xf32, #tpu.memory_space<hbm>>
    %dma_start3A_44 = arith.constant 0 : i32
    %dma_start3A_45 = arith.constant 0 : i32
    %dma_start3A_46 = tpu.memref_slice %dma_start3A_43[%dma_start3A_44, %dma_start3A_45] : memref<10240x128xf32, #tpu.memory_space<hbm>> -> memref<10240x128xf32, #tpu.memory_space<hbm>>
    tpu.enqueue_indirect_dma source(%dma_start3A_46 : memref<10240x128xf32, #tpu.memory_space<hbm>>) target(%arg8 : memref<125x128xf32, #tpu.memory_space<vmem>>) offsets(%dma_start3A_39 : memref<125xi32, #tpu.memory_space<vmem>>) semaphore(%arg10 : memref<!tpu.dma_semaphore, #tpu.memory_space<semaphore_mem>>)
    %scan3A_47 = arith.constant 0 : i32
    %scan3A_48 = arith.constant 0 : i32
    %scan3A_49 = arith.constant 20 : i32
    %scan3A_50 = arith.addi %scan3A_48, %scan3A_49 : i32
    %scan3A_51 = arith.constant 1 : i32
    scf.for %scan3A_127 = %scan3A_48 to %scan3A_50 step %scan3A_51  : i32 {
      %mul3A_128 = arith.constant 2 : i32
      %mul3A_129 = arith.muli %mul3A_128, %scan3A_127 : i32
      %add3A_130 = arith.constant 1 : i32
      %add3A_131 = arith.addi %mul3A_129, %add3A_130 : i32
      %dma_start3A_132 = arith.constant 0 : i32
      %dma_start3A_133 = tpu.memref_slice %arg7[%add3A_131, %dma_start3A_132] : memref<40x125xi32, #tpu.memory_space<vmem>> -> memref<1x125xi32, #tpu.memory_space<vmem>>
      %dma_start3A_134 = tpu.memref_squeeze %dma_start3A_133 : memref<1x125xi32, #tpu.memory_space<vmem>> -> memref<125xi32, #tpu.memory_space<vmem>>
      %dma_start3A_135 = arith.constant 0 : i32
      %dma_start3A_136 = arith.constant 0 : i32
      %dma_start3A_137 = tpu.memref_slice %arg2[%arg0, %dma_start3A_135, %dma_start3A_136] : memref<2x10240x128xf32, #tpu.memory_space<hbm>> -> memref<1x10240x128xf32, #tpu.memory_space<hbm>>
      %dma_start3A_138 = tpu.memref_squeeze %dma_start3A_137 : memref<1x10240x128xf32, #tpu.memory_space<hbm>> -> memref<10240x128xf32, #tpu.memory_space<hbm>>
      %dma_start3A_139 = arith.constant 0 : i32
      %dma_start3A_140 = arith.constant 0 : i32
      %dma_start3A_141 = tpu.memref_slice %dma_start3A_138[%dma_start3A_139, %dma_start3A_140] : memref<10240x128xf32, #tpu.memory_space<hbm>> -> memref<10240x128xf32, #tpu.memory_space<hbm>>
      tpu.enqueue_indirect_dma source(%dma_start3A_141 : memref<10240x128xf32, #tpu.memory_space<hbm>>) target(%arg9 : memref<125x128xf32, #tpu.memory_space<vmem>>) offsets(%dma_start3A_134 : memref<125xi32, #tpu.memory_space<vmem>>) semaphore(%arg11 : memref<!tpu.dma_semaphore, #tpu.memory_space<semaphore_mem>>)
      %dma_wait3A = arith.constant 0 : i32
      %dma_wait3A_142 = tpu.memref_slice %arg7[%mul3A_129, %dma_wait3A] : memref<40x125xi32, #tpu.memory_space<vmem>> -> memref<1x125xi32, #tpu.memory_space<vmem>>
      %dma_wait3A_143 = tpu.memref_squeeze %dma_wait3A_142 : memref<1x125xi32, #tpu.memory_space<vmem>> -> memref<125xi32, #tpu.memory_space<vmem>>
      %dma_wait3A_144 = arith.constant 0 : i32
      %dma_wait3A_145 = arith.constant 0 : i32
      %dma_wait3A_146 = tpu.memref_slice %arg2[%arg0, %dma_wait3A_144, %dma_wait3A_145] : memref<2x10240x128xf32, #tpu.memory_space<hbm>> -> memref<1x10240x128xf32, #tpu.memory_space<hbm>>
      %dma_wait3A_147 = tpu.memref_squeeze %dma_wait3A_146 : memref<1x10240x128xf32, #tpu.memory_space<hbm>> -> memref<10240x128xf32, #tpu.memory_space<hbm>>
      %dma_wait3A_148 = arith.constant 0 : i32
      %dma_wait3A_149 = arith.constant 0 : i32
      %dma_wait3A_150 = tpu.memref_slice %dma_wait3A_147[%dma_wait3A_148, %dma_wait3A_149] : memref<10240x128xf32, #tpu.memory_space<hbm>> -> memref<10240x128xf32, #tpu.memory_space<hbm>>
      tpu.wait_indirect_dma semaphore(%arg10 : memref<!tpu.dma_semaphore, #tpu.memory_space<semaphore_mem>>) src(%dma_wait3A_150 : memref<10240x128xf32, #tpu.memory_space<hbm>>) dst(%arg8 : memref<125x128xf32, #tpu.memory_space<vmem>>)
      "tpu.region"() ({
        %run_scoped3A_169 = tpu.sem_alloc : memref<!tpu.dma_semaphore, #tpu.memory_space<semaphore_mem>>
        %dma_start3A_170 = arith.constant 0 : i32
        %dma_start3A_171 = tpu.memref_slice %arg6[%mul3A_129, %dma_start3A_170] : memref<40x125xi32, #tpu.memory_space<vmem>> -> memref<1x125xi32, #tpu.memory_space<vmem>>
        %dma_start3A_172 = tpu.memref_squeeze %dma_start3A_171 : memref<1x125xi32, #tpu.memory_space<vmem>> -> memref<125xi32, #tpu.memory_space<vmem>>
        %dma_start3A_173 = arith.constant 0 : i32
        %dma_start3A_174 = arith.constant 0 : i32
        %dma_start3A_175 = tpu.memref_slice %arg5[%dma_start3A_173, %dma_start3A_174] : memref<10240x128xf32, #tpu.memory_space<vmem_shared>> -> memref<10240x128xf32, #tpu.memory_space<vmem_shared>>
        tpu.enqueue_indirect_dma source(%arg8 : memref<125x128xf32, #tpu.memory_space<vmem>>) target(%dma_start3A_175 : memref<10240x128xf32, #tpu.memory_space<vmem_shared>>) offsets(%dma_start3A_172 : memref<125xi32, #tpu.memory_space<vmem>>) semaphore(%run_scoped3A_169 : memref<!tpu.dma_semaphore, #tpu.memory_space<semaphore_mem>>) {add = true}
        %dma_wait3A_176 = arith.constant 0 : i32
        %dma_wait3A_177 = tpu.memref_slice %arg6[%mul3A_129, %dma_wait3A_176] : memref<40x125xi32, #tpu.memory_space<vmem>> -> memref<1x125xi32, #tpu.memory_space<vmem>>
        %dma_wait3A_178 = tpu.memref_squeeze %dma_wait3A_177 : memref<1x125xi32, #tpu.memory_space<vmem>> -> memref<125xi32, #tpu.memory_space<vmem>>
        %dma_wait3A_179 = arith.constant 0 : i32
        %dma_wait3A_180 = arith.constant 0 : i32
        %dma_wait3A_181 = tpu.memref_slice %arg5[%dma_wait3A_179, %dma_wait3A_180] : memref<10240x128xf32, #tpu.memory_space<vmem_shared>> -> memref<10240x128xf32, #tpu.memory_space<vmem_shared>>
        tpu.wait_indirect_dma semaphore(%run_scoped3A_169 : memref<!tpu.dma_semaphore, #tpu.memory_space<semaphore_mem>>) src(%arg8 : memref<125x128xf32, #tpu.memory_space<vmem>>) dst(%dma_wait3A_181 : memref<10240x128xf32, #tpu.memory_space<vmem_shared>>)
        tpu.yield
      }) : () -> ()
      %lt3A = arith.constant 19 : i32
      %lt3A_151 = arith.cmpi slt, %scan3A_127, %lt3A : i32
      %convert_element_type3A = arith.extui %lt3A_151 : i1 to i32
      %cond3A = arith.constant 0 : i32
      %cond3A_152 = arith.cmpi ne, %convert_element_type3A, %cond3A : i32
      scf.if %cond3A_152 {
        %add3A_169 = arith.constant 2 : i32
        %add3A_170 = arith.addi %mul3A_129, %add3A_169 : i32
        %dma_start3A_171 = arith.constant 0 : i32
        %dma_start3A_172 = tpu.memref_slice %arg7[%add3A_170, %dma_start3A_171] : memref<40x125xi32, #tpu.memory_space<vmem>> -> memref<1x125xi32, #tpu.memory_space<vmem>>
        %dma_start3A_173 = tpu.memref_squeeze %dma_start3A_172 : memref<1x125xi32, #tpu.memory_space<vmem>> -> memref<125xi32, #tpu.memory_space<vmem>>
        %dma_start3A_174 = arith.constant 0 : i32
        %dma_start3A_175 = arith.constant 0 : i32
        %dma_start3A_176 = tpu.memref_slice %arg2[%arg0, %dma_start3A_174, %dma_start3A_175] : memref<2x10240x128xf32, #tpu.memory_space<hbm>> -> memref<1x10240x128xf32, #tpu.memory_space<hbm>>
        %dma_start3A_177 = tpu.memref_squeeze %dma_start3A_176 : memref<1x10240x128xf32, #tpu.memory_space<hbm>> -> memref<10240x128xf32, #tpu.memory_space<hbm>>
        %dma_start3A_178 = arith.constant 0 : i32
        %dma_start3A_179 = arith.constant 0 : i32
        %dma_start3A_180 = tpu.memref_slice %dma_start3A_177[%dma_start3A_178, %dma_start3A_179] : memref<10240x128xf32, #tpu.memory_space<hbm>> -> memref<10240x128xf32, #tpu.memory_space<hbm>>
        tpu.enqueue_indirect_dma source(%dma_start3A_180 : memref<10240x128xf32, #tpu.memory_space<hbm>>) target(%arg8 : memref<125x128xf32, #tpu.memory_space<vmem>>) offsets(%dma_start3A_173 : memref<125xi32, #tpu.memory_space<vmem>>) semaphore(%arg10 : memref<!tpu.dma_semaphore, #tpu.memory_space<semaphore_mem>>)
      } else {
      }
      %add3A_153 = arith.constant 1 : i32
      %add3A_154 = arith.addi %mul3A_129, %add3A_153 : i32
      %dma_wait3A_155 = arith.constant 0 : i32
      %dma_wait3A_156 = tpu.memref_slice %arg7[%add3A_154, %dma_wait3A_155] : memref<40x125xi32, #tpu.memory_space<vmem>> -> memref<1x125xi32, #tpu.memory_space<vmem>>
      %dma_wait3A_157 = tpu.memref_squeeze %dma_wait3A_156 : memref<1x125xi32, #tpu.memory_space<vmem>> -> memref<125xi32, #tpu.memory_space<vmem>>
      %dma_wait3A_158 = arith.constant 0 : i32
      %dma_wait3A_159 = arith.constant 0 : i32
      %dma_wait3A_160 = tpu.memref_slice %arg2[%arg0, %dma_wait3A_158, %dma_wait3A_159] : memref<2x10240x128xf32, #tpu.memory_space<hbm>> -> memref<1x10240x128xf32, #tpu.memory_space<hbm>>
      %dma_wait3A_161 = tpu.memref_squeeze %dma_wait3A_160 : memref<1x10240x128xf32, #tpu.memory_space<hbm>> -> memref<10240x128xf32, #tpu.memory_space<hbm>>
      %dma_wait3A_162 = arith.constant 0 : i32
      %dma_wait3A_163 = arith.constant 0 : i32
      %dma_wait3A_164 = tpu.memref_slice %dma_wait3A_161[%dma_wait3A_162, %dma_wait3A_163] : memref<10240x128xf32, #tpu.memory_space<hbm>> -> memref<10240x128xf32, #tpu.memory_space<hbm>>
      tpu.wait_indirect_dma semaphore(%arg11 : memref<!tpu.dma_semaphore, #tpu.memory_space<semaphore_mem>>) src(%dma_wait3A_164 : memref<10240x128xf32, #tpu.memory_space<hbm>>) dst(%arg9 : memref<125x128xf32, #tpu.memory_space<vmem>>)
      %add3A_165 = arith.constant 1 : i32
      %add3A_166 = arith.addi %mul3A_129, %add3A_165 : i32
      %add3A_167 = arith.constant 1 : i32
      %add3A_168 = arith.addi %mul3A_129, %add3A_167 : i32
      "tpu.region"() ({
        %run_scoped3A_169 = tpu.sem_alloc : memref<!tpu.dma_semaphore, #tpu.memory_space<semaphore_mem>>
        %dma_start3A_170 = arith.constant 0 : i32
        %dma_start3A_171 = tpu.memref_slice %arg6[%add3A_168, %dma_start3A_170] : memref<40x125xi32, #tpu.memory_space<vmem>> -> memref<1x125xi32, #tpu.memory_space<vmem>>
        %dma_start3A_172 = tpu.memref_squeeze %dma_start3A_171 : memref<1x125xi32, #tpu.memory_space<vmem>> -> memref<125xi32, #tpu.memory_space<vmem>>
        %dma_start3A_173 = arith.constant 0 : i32
        %dma_start3A_174 = arith.constant 0 : i32
        %dma_start3A_175 = tpu.memref_slice %arg5[%dma_start3A_173, %dma_start3A_174] : memref<10240x128xf32, #tpu.memory_space<vmem_shared>> -> memref<10240x128xf32, #tpu.memory_space<vmem_shared>>
        tpu.enqueue_indirect_dma source(%arg9 : memref<125x128xf32, #tpu.memory_space<vmem>>) target(%dma_start3A_175 : memref<10240x128xf32, #tpu.memory_space<vmem_shared>>) offsets(%dma_start3A_172 : memref<125xi32, #tpu.memory_space<vmem>>) semaphore(%run_scoped3A_169 : memref<!tpu.dma_semaphore, #tpu.memory_space<semaphore_mem>>) {add = true}
        %dma_wait3A_176 = arith.constant 0 : i32
        %dma_wait3A_177 = tpu.memref_slice %arg6[%add3A_168, %dma_wait3A_176] : memref<40x125xi32, #tpu.memory_space<vmem>> -> memref<1x125xi32, #tpu.memory_space<vmem>>
        %dma_wait3A_178 = tpu.memref_squeeze %dma_wait3A_177 : memref<1x125xi32, #tpu.memory_space<vmem>> -> memref<125xi32, #tpu.memory_space<vmem>>
        %dma_wait3A_179 = arith.constant 0 : i32
        %dma_wait3A_180 = arith.constant 0 : i32
        %dma_wait3A_181 = tpu.memref_slice %arg5[%dma_wait3A_179, %dma_wait3A_180] : memref<10240x128xf32, #tpu.memory_space<vmem_shared>> -> memref<10240x128xf32, #tpu.memory_space<vmem_shared>>
        tpu.wait_indirect_dma semaphore(%run_scoped3A_169 : memref<!tpu.dma_semaphore, #tpu.memory_space<semaphore_mem>>) src(%arg9 : memref<125x128xf32, #tpu.memory_space<vmem>>) dst(%dma_wait3A_181 : memref<10240x128xf32, #tpu.memory_space<vmem_shared>>)
        tpu.yield
      }) : () -> ()
    }
    %scan3A_52 = arith.constant 20 : i32
    %mul3A_53 = arith.constant 2 : i32
    %mul3A_54 = arith.muli %mul3A_53, %arg1 : i32
    %add3A_55 = arith.constant 0 : i32
    %add3A_56 = arith.addi %mul3A_54, %add3A_55 : i32
    %run_scoped3A_57 = arith.constant 0 : i32
    "tpu.region"() ({
      %run_scoped3A_127 = tpu.sem_alloc : memref<!tpu.dma_semaphore, #tpu.memory_space<semaphore_mem>>
      %dma_start3A_128 = arith.constant 40 : i32
      %dma_start3A_129 = arith.constant 0 : i32
      %dma_start3A_130 = tpu.memref_slice %arg3[%run_scoped3A_57, %add3A_56, %dma_start3A_128, %dma_start3A_129] : memref<2x32x80x125xi32, #tpu.memory_space<hbm>> -> memref<1x1x40x125xi32, #tpu.memory_space<hbm>>
      %dma_start3A_131 = tpu.memref_squeeze %dma_start3A_130 : memref<1x1x40x125xi32, #tpu.memory_space<hbm>> -> memref<40x125xi32, #tpu.memory_space<hbm>>
      %dma_start3A_132 = arith.constant 40 : i32
      %dma_start3A_133 = arith.constant 0 : i32
      %dma_start3A_134 = tpu.memref_slice %arg3[%run_scoped3A_57, %add3A_56, %dma_start3A_132, %dma_start3A_133] : memref<2x32x80x125xi32, #tpu.memory_space<hbm>> -> memref<1x1x40x125xi32, #tpu.memory_space<hbm>>
      %dma_start3A_135 = tpu.memref_squeeze %dma_start3A_134 : memref<1x1x40x125xi32, #tpu.memory_space<hbm>> -> memref<40x125xi32, #tpu.memory_space<hbm>>
      tpu.enqueue_dma source(%dma_start3A_135 : memref<40x125xi32, #tpu.memory_space<hbm>>) target(%arg6 : memref<40x125xi32, #tpu.memory_space<vmem>>) target_semaphore(%run_scoped3A_127 : memref<!tpu.dma_semaphore, #tpu.memory_space<semaphore_mem>>)
      %dma_wait3A = arith.constant 40 : i32
      %dma_wait3A_136 = arith.constant 0 : i32
      %dma_wait3A_137 = tpu.memref_slice %arg3[%run_scoped3A_57, %add3A_56, %dma_wait3A, %dma_wait3A_136] : memref<2x32x80x125xi32, #tpu.memory_space<hbm>> -> memref<1x1x40x125xi32, #tpu.memory_space<hbm>>
      %dma_wait3A_138 = tpu.memref_squeeze %dma_wait3A_137 : memref<1x1x40x125xi32, #tpu.memory_space<hbm>> -> memref<40x125xi32, #tpu.memory_space<hbm>>
      %dma_wait3A_139 = arith.constant 40 : i32
      %dma_wait3A_140 = arith.constant 0 : i32
      %dma_wait3A_141 = tpu.memref_slice %arg3[%run_scoped3A_57, %add3A_56, %dma_wait3A_139, %dma_wait3A_140] : memref<2x32x80x125xi32, #tpu.memory_space<hbm>> -> memref<1x1x40x125xi32, #tpu.memory_space<hbm>>
      %dma_wait3A_142 = tpu.memref_squeeze %dma_wait3A_141 : memref<1x1x40x125xi32, #tpu.memory_space<hbm>> -> memref<40x125xi32, #tpu.memory_space<hbm>>
      tpu.wait_dma2 semaphore(%run_scoped3A_127 : memref<!tpu.dma_semaphore, #tpu.memory_space<semaphore_mem>>) src(%dma_wait3A_142 : memref<40x125xi32, #tpu.memory_space<hbm>>) dst(%arg6 : memref<40x125xi32, #tpu.memory_space<vmem>>)
      tpu.yield
    }) : () -> ()
    %run_scoped3A_58 = arith.constant 1 : i32
    "tpu.region"() ({
      %run_scoped3A_127 = tpu.sem_alloc : memref<!tpu.dma_semaphore, #tpu.memory_space<semaphore_mem>>
      %dma_start3A_128 = arith.constant 40 : i32
      %dma_start3A_129 = arith.constant 0 : i32
      %dma_start3A_130 = tpu.memref_slice %arg3[%run_scoped3A_58, %add3A_56, %dma_start3A_128, %dma_start3A_129] : memref<2x32x80x125xi32, #tpu.memory_space<hbm>> -> memref<1x1x40x125xi32, #tpu.memory_space<hbm>>
      %dma_start3A_131 = tpu.memref_squeeze %dma_start3A_130 : memref<1x1x40x125xi32, #tpu.memory_space<hbm>> -> memref<40x125xi32, #tpu.memory_space<hbm>>
      %dma_start3A_132 = arith.constant 40 : i32
      %dma_start3A_133 = arith.constant 0 : i32
      %dma_start3A_134 = tpu.memref_slice %arg3[%run_scoped3A_58, %add3A_56, %dma_start3A_132, %dma_start3A_133] : memref<2x32x80x125xi32, #tpu.memory_space<hbm>> -> memref<1x1x40x125xi32, #tpu.memory_space<hbm>>
      %dma_start3A_135 = tpu.memref_squeeze %dma_start3A_134 : memref<1x1x40x125xi32, #tpu.memory_space<hbm>> -> memref<40x125xi32, #tpu.memory_space<hbm>>
      tpu.enqueue_dma source(%dma_start3A_135 : memref<40x125xi32, #tpu.memory_space<hbm>>) target(%arg7 : memref<40x125xi32, #tpu.memory_space<vmem>>) target_semaphore(%run_scoped3A_127 : memref<!tpu.dma_semaphore, #tpu.memory_space<semaphore_mem>>)
      %dma_wait3A = arith.constant 40 : i32
      %dma_wait3A_136 = arith.constant 0 : i32
      %dma_wait3A_137 = tpu.memref_slice %arg3[%run_scoped3A_58, %add3A_56, %dma_wait3A, %dma_wait3A_136] : memref<2x32x80x125xi32, #tpu.memory_space<hbm>> -> memref<1x1x40x125xi32, #tpu.memory_space<hbm>>
      %dma_wait3A_138 = tpu.memref_squeeze %dma_wait3A_137 : memref<1x1x40x125xi32, #tpu.memory_space<hbm>> -> memref<40x125xi32, #tpu.memory_space<hbm>>
      %dma_wait3A_139 = arith.constant 40 : i32
      %dma_wait3A_140 = arith.constant 0 : i32
      %dma_wait3A_141 = tpu.memref_slice %arg3[%run_scoped3A_58, %add3A_56, %dma_wait3A_139, %dma_wait3A_140] : memref<2x32x80x125xi32, #tpu.memory_space<hbm>> -> memref<1x1x40x125xi32, #tpu.memory_space<hbm>>
      %dma_wait3A_142 = tpu.memref_squeeze %dma_wait3A_141 : memref<1x1x40x125xi32, #tpu.memory_space<hbm>> -> memref<40x125xi32, #tpu.memory_space<hbm>>
      tpu.wait_dma2 semaphore(%run_scoped3A_127 : memref<!tpu.dma_semaphore, #tpu.memory_space<semaphore_mem>>) src(%dma_wait3A_142 : memref<40x125xi32, #tpu.memory_space<hbm>>) dst(%arg7 : memref<40x125xi32, #tpu.memory_space<vmem>>)
      tpu.yield
    }) : () -> ()
    %dma_start3A_59 = arith.constant 0 : i32
    %dma_start3A_60 = arith.constant 0 : i32
    %dma_start3A_61 = tpu.memref_slice %arg7[%dma_start3A_59, %dma_start3A_60] : memref<40x125xi32, #tpu.memory_space<vmem>> -> memref<1x125xi32, #tpu.memory_space<vmem>>
    %dma_start3A_62 = tpu.memref_squeeze %dma_start3A_61 : memref<1x125xi32, #tpu.memory_space<vmem>> -> memref<125xi32, #tpu.memory_space<vmem>>
    %dma_start3A_63 = arith.constant 0 : i32
    %dma_start3A_64 = arith.constant 0 : i32
    %dma_start3A_65 = tpu.memref_slice %arg2[%arg0, %dma_start3A_63, %dma_start3A_64] : memref<2x10240x128xf32, #tpu.memory_space<hbm>> -> memref<1x10240x128xf32, #tpu.memory_space<hbm>>
    %dma_start3A_66 = tpu.memref_squeeze %dma_start3A_65 : memref<1x10240x128xf32, #tpu.memory_space<hbm>> -> memref<10240x128xf32, #tpu.memory_space<hbm>>
    %dma_start3A_67 = arith.constant 0 : i32
    %dma_start3A_68 = arith.constant 0 : i32
    %dma_start3A_69 = tpu.memref_slice %dma_start3A_66[%dma_start3A_67, %dma_start3A_68] : memref<10240x128xf32, #tpu.memory_space<hbm>> -> memref<10240x128xf32, #tpu.memory_space<hbm>>
    tpu.enqueue_indirect_dma source(%dma_start3A_69 : memref<10240x128xf32, #tpu.memory_space<hbm>>) target(%arg8 : memref<125x128xf32, #tpu.memory_space<vmem>>) offsets(%dma_start3A_62 : memref<125xi32, #tpu.memory_space<vmem>>) semaphore(%arg10 : memref<!tpu.dma_semaphore, #tpu.memory_space<semaphore_mem>>)
    %scan3A_70 = arith.constant 0 : i32
    %scan3A_71 = arith.constant 0 : i32
    %scan3A_72 = arith.constant 20 : i32
    %scan3A_73 = arith.addi %scan3A_71, %scan3A_72 : i32
    %scan3A_74 = arith.constant 1 : i32
    scf.for %scan3A_127 = %scan3A_71 to %scan3A_73 step %scan3A_74  : i32 {
      %mul3A_128 = arith.constant 2 : i32
      %mul3A_129 = arith.muli %mul3A_128, %scan3A_127 : i32
      %add3A_130 = arith.constant 1 : i32
      %add3A_131 = arith.addi %mul3A_129, %add3A_130 : i32
      %dma_start3A_132 = arith.constant 0 : i32
      %dma_start3A_133 = tpu.memref_slice %arg7[%add3A_131, %dma_start3A_132] : memref<40x125xi32, #tpu.memory_space<vmem>> -> memref<1x125xi32, #tpu.memory_space<vmem>>
      %dma_start3A_134 = tpu.memref_squeeze %dma_start3A_133 : memref<1x125xi32, #tpu.memory_space<vmem>> -> memref<125xi32, #tpu.memory_space<vmem>>
      %dma_start3A_135 = arith.constant 0 : i32
      %dma_start3A_136 = arith.constant 0 : i32
      %dma_start3A_137 = tpu.memref_slice %arg2[%arg0, %dma_start3A_135, %dma_start3A_136] : memref<2x10240x128xf32, #tpu.memory_space<hbm>> -> memref<1x10240x128xf32, #tpu.memory_space<hbm>>
      %dma_start3A_138 = tpu.memref_squeeze %dma_start3A_137 : memref<1x10240x128xf32, #tpu.memory_space<hbm>> -> memref<10240x128xf32, #tpu.memory_space<hbm>>
      %dma_start3A_139 = arith.constant 0 : i32
      %dma_start3A_140 = arith.constant 0 : i32
      %dma_start3A_141 = tpu.memref_slice %dma_start3A_138[%dma_start3A_139, %dma_start3A_140] : memref<10240x128xf32, #tpu.memory_space<hbm>> -> memref<10240x128xf32, #tpu.memory_space<hbm>>
      tpu.enqueue_indirect_dma source(%dma_start3A_141 : memref<10240x128xf32, #tpu.memory_space<hbm>>) target(%arg9 : memref<125x128xf32, #tpu.memory_space<vmem>>) offsets(%dma_start3A_134 : memref<125xi32, #tpu.memory_space<vmem>>) semaphore(%arg11 : memref<!tpu.dma_semaphore, #tpu.memory_space<semaphore_mem>>)
      %dma_wait3A = arith.constant 0 : i32
      %dma_wait3A_142 = tpu.memref_slice %arg7[%mul3A_129, %dma_wait3A] : memref<40x125xi32, #tpu.memory_space<vmem>> -> memref<1x125xi32, #tpu.memory_space<vmem>>
      %dma_wait3A_143 = tpu.memref_squeeze %dma_wait3A_142 : memref<1x125xi32, #tpu.memory_space<vmem>> -> memref<125xi32, #tpu.memory_space<vmem>>
      %dma_wait3A_144 = arith.constant 0 : i32
      %dma_wait3A_145 = arith.constant 0 : i32
      %dma_wait3A_146 = tpu.memref_slice %arg2[%arg0, %dma_wait3A_144, %dma_wait3A_145] : memref<2x10240x128xf32, #tpu.memory_space<hbm>> -> memref<1x10240x128xf32, #tpu.memory_space<hbm>>
      %dma_wait3A_147 = tpu.memref_squeeze %dma_wait3A_146 : memref<1x10240x128xf32, #tpu.memory_space<hbm>> -> memref<10240x128xf32, #tpu.memory_space<hbm>>
      %dma_wait3A_148 = arith.constant 0 : i32
      %dma_wait3A_149 = arith.constant 0 : i32
      %dma_wait3A_150 = tpu.memref_slice %dma_wait3A_147[%dma_wait3A_148, %dma_wait3A_149] : memref<10240x128xf32, #tpu.memory_space<hbm>> -> memref<10240x128xf32, #tpu.memory_space<hbm>>
      tpu.wait_indirect_dma semaphore(%arg10 : memref<!tpu.dma_semaphore, #tpu.memory_space<semaphore_mem>>) src(%dma_wait3A_150 : memref<10240x128xf32, #tpu.memory_space<hbm>>) dst(%arg8 : memref<125x128xf32, #tpu.memory_space<vmem>>)
      "tpu.region"() ({
        %run_scoped3A_169 = tpu.sem_alloc : memref<!tpu.dma_semaphore, #tpu.memory_space<semaphore_mem>>
        %dma_start3A_170 = arith.constant 0 : i32
        %dma_start3A_171 = tpu.memref_slice %arg6[%mul3A_129, %dma_start3A_170] : memref<40x125xi32, #tpu.memory_space<vmem>> -> memref<1x125xi32, #tpu.memory_space<vmem>>
        %dma_start3A_172 = tpu.memref_squeeze %dma_start3A_171 : memref<1x125xi32, #tpu.memory_space<vmem>> -> memref<125xi32, #tpu.memory_space<vmem>>
        %dma_start3A_173 = arith.constant 0 : i32
        %dma_start3A_174 = arith.constant 0 : i32
        %dma_start3A_175 = tpu.memref_slice %arg5[%dma_start3A_173, %dma_start3A_174] : memref<10240x128xf32, #tpu.memory_space<vmem_shared>> -> memref<10240x128xf32, #tpu.memory_space<vmem_shared>>
        tpu.enqueue_indirect_dma source(%arg8 : memref<125x128xf32, #tpu.memory_space<vmem>>) target(%dma_start3A_175 : memref<10240x128xf32, #tpu.memory_space<vmem_shared>>) offsets(%dma_start3A_172 : memref<125xi32, #tpu.memory_space<vmem>>) semaphore(%run_scoped3A_169 : memref<!tpu.dma_semaphore, #tpu.memory_space<semaphore_mem>>) {add = true}
        %dma_wait3A_176 = arith.constant 0 : i32
        %dma_wait3A_177 = tpu.memref_slice %arg6[%mul3A_129, %dma_wait3A_176] : memref<40x125xi32, #tpu.memory_space<vmem>> -> memref<1x125xi32, #tpu.memory_space<vmem>>
        %dma_wait3A_178 = tpu.memref_squeeze %dma_wait3A_177 : memref<1x125xi32, #tpu.memory_space<vmem>> -> memref<125xi32, #tpu.memory_space<vmem>>
        %dma_wait3A_179 = arith.constant 0 : i32
        %dma_wait3A_180 = arith.constant 0 : i32
        %dma_wait3A_181 = tpu.memref_slice %arg5[%dma_wait3A_179, %dma_wait3A_180] : memref<10240x128xf32, #tpu.memory_space<vmem_shared>> -> memref<10240x128xf32, #tpu.memory_space<vmem_shared>>
        tpu.wait_indirect_dma semaphore(%run_scoped3A_169 : memref<!tpu.dma_semaphore, #tpu.memory_space<semaphore_mem>>) src(%arg8 : memref<125x128xf32, #tpu.memory_space<vmem>>) dst(%dma_wait3A_181 : memref<10240x128xf32, #tpu.memory_space<vmem_shared>>)
        tpu.yield
      }) : () -> ()
      %lt3A = arith.constant 19 : i32
      %lt3A_151 = arith.cmpi slt, %scan3A_127, %lt3A : i32
      %convert_element_type3A = arith.extui %lt3A_151 : i1 to i32
      %cond3A = arith.constant 0 : i32
      %cond3A_152 = arith.cmpi ne, %convert_element_type3A, %cond3A : i32
      scf.if %cond3A_152 {
        %add3A_169 = arith.constant 2 : i32
        %add3A_170 = arith.addi %mul3A_129, %add3A_169 : i32
        %dma_start3A_171 = arith.constant 0 : i32
        %dma_start3A_172 = tpu.memref_slice %arg7[%add3A_170, %dma_start3A_171] : memref<40x125xi32, #tpu.memory_space<vmem>> -> memref<1x125xi32, #tpu.memory_space<vmem>>
        %dma_start3A_173 = tpu.memref_squeeze %dma_start3A_172 : memref<1x125xi32, #tpu.memory_space<vmem>> -> memref<125xi32, #tpu.memory_space<vmem>>
        %dma_start3A_174 = arith.constant 0 : i32
        %dma_start3A_175 = arith.constant 0 : i32
        %dma_start3A_176 = tpu.memref_slice %arg2[%arg0, %dma_start3A_174, %dma_start3A_175] : memref<2x10240x128xf32, #tpu.memory_space<hbm>> -> memref<1x10240x128xf32, #tpu.memory_space<hbm>>
        %dma_start3A_177 = tpu.memref_squeeze %dma_start3A_176 : memref<1x10240x128xf32, #tpu.memory_space<hbm>> -> memref<10240x128xf32, #tpu.memory_space<hbm>>
        %dma_start3A_178 = arith.constant 0 : i32
        %dma_start3A_179 = arith.constant 0 : i32
        %dma_start3A_180 = tpu.memref_slice %dma_start3A_177[%dma_start3A_178, %dma_start3A_179] : memref<10240x128xf32, #tpu.memory_space<hbm>> -> memref<10240x128xf32, #tpu.memory_space<hbm>>
        tpu.enqueue_indirect_dma source(%dma_start3A_180 : memref<10240x128xf32, #tpu.memory_space<hbm>>) target(%arg8 : memref<125x128xf32, #tpu.memory_space<vmem>>) offsets(%dma_start3A_173 : memref<125xi32, #tpu.memory_space<vmem>>) semaphore(%arg10 : memref<!tpu.dma_semaphore, #tpu.memory_space<semaphore_mem>>)
      } else {
      }
      %add3A_153 = arith.constant 1 : i32
      %add3A_154 = arith.addi %mul3A_129, %add3A_153 : i32
      %dma_wait3A_155 = arith.constant 0 : i32
      %dma_wait3A_156 = tpu.memref_slice %arg7[%add3A_154, %dma_wait3A_155] : memref<40x125xi32, #tpu.memory_space<vmem>> -> memref<1x125xi32, #tpu.memory_space<vmem>>
      %dma_wait3A_157 = tpu.memref_squeeze %dma_wait3A_156 : memref<1x125xi32, #tpu.memory_space<vmem>> -> memref<125xi32, #tpu.memory_space<vmem>>
      %dma_wait3A_158 = arith.constant 0 : i32
      %dma_wait3A_159 = arith.constant 0 : i32
      %dma_wait3A_160 = tpu.memref_slice %arg2[%arg0, %dma_wait3A_158, %dma_wait3A_159] : memref<2x10240x128xf32, #tpu.memory_space<hbm>> -> memref<1x10240x128xf32, #tpu.memory_space<hbm>>
      %dma_wait3A_161 = tpu.memref_squeeze %dma_wait3A_160 : memref<1x10240x128xf32, #tpu.memory_space<hbm>> -> memref<10240x128xf32, #tpu.memory_space<hbm>>
      %dma_wait3A_162 = arith.constant 0 : i32
      %dma_wait3A_163 = arith.constant 0 : i32
      %dma_wait3A_164 = tpu.memref_slice %dma_wait3A_161[%dma_wait3A_162, %dma_wait3A_163] : memref<10240x128xf32, #tpu.memory_space<hbm>> -> memref<10240x128xf32, #tpu.memory_space<hbm>>
      tpu.wait_indirect_dma semaphore(%arg11 : memref<!tpu.dma_semaphore, #tpu.memory_space<semaphore_mem>>) src(%dma_wait3A_164 : memref<10240x128xf32, #tpu.memory_space<hbm>>) dst(%arg9 : memref<125x128xf32, #tpu.memory_space<vmem>>)
      %add3A_165 = arith.constant 1 : i32
      %add3A_166 = arith.addi %mul3A_129, %add3A_165 : i32
      %add3A_167 = arith.constant 1 : i32
      %add3A_168 = arith.addi %mul3A_129, %add3A_167 : i32
      "tpu.region"() ({
        %run_scoped3A_169 = tpu.sem_alloc : memref<!tpu.dma_semaphore, #tpu.memory_space<semaphore_mem>>
        %dma_start3A_170 = arith.constant 0 : i32
        %dma_start3A_171 = tpu.memref_slice %arg6[%add3A_168, %dma_start3A_170] : memref<40x125xi32, #tpu.memory_space<vmem>> -> memref<1x125xi32, #tpu.memory_space<vmem>>
        %dma_start3A_172 = tpu.memref_squeeze %dma_start3A_171 : memref<1x125xi32, #tpu.memory_space<vmem>> -> memref<125xi32, #tpu.memory_space<vmem>>
        %dma_start3A_173 = arith.constant 0 : i32
        %dma_start3A_174 = arith.constant 0 : i32
        %dma_start3A_175 = tpu.memref_slice %arg5[%dma_start3A_173, %dma_start3A_174] : memref<10240x128xf32, #tpu.memory_space<vmem_shared>> -> memref<10240x128xf32, #tpu.memory_space<vmem_shared>>
        tpu.enqueue_indirect_dma source(%arg9 : memref<125x128xf32, #tpu.memory_space<vmem>>) target(%dma_start3A_175 : memref<10240x128xf32, #tpu.memory_space<vmem_shared>>) offsets(%dma_start3A_172 : memref<125xi32, #tpu.memory_space<vmem>>) semaphore(%run_scoped3A_169 : memref<!tpu.dma_semaphore, #tpu.memory_space<semaphore_mem>>) {add = true}
        %dma_wait3A_176 = arith.constant 0 : i32
        %dma_wait3A_177 = tpu.memref_slice %arg6[%add3A_168, %dma_wait3A_176] : memref<40x125xi32, #tpu.memory_space<vmem>> -> memref<1x125xi32, #tpu.memory_space<vmem>>
        %dma_wait3A_178 = tpu.memref_squeeze %dma_wait3A_177 : memref<1x125xi32, #tpu.memory_space<vmem>> -> memref<125xi32, #tpu.memory_space<vmem>>
        %dma_wait3A_179 = arith.constant 0 : i32
        %dma_wait3A_180 = arith.constant 0 : i32
        %dma_wait3A_181 = tpu.memref_slice %arg5[%dma_wait3A_179, %dma_wait3A_180] : memref<10240x128xf32, #tpu.memory_space<vmem_shared>> -> memref<10240x128xf32, #tpu.memory_space<vmem_shared>>
        tpu.wait_indirect_dma semaphore(%run_scoped3A_169 : memref<!tpu.dma_semaphore, #tpu.memory_space<semaphore_mem>>) src(%arg9 : memref<125x128xf32, #tpu.memory_space<vmem>>) dst(%dma_wait3A_181 : memref<10240x128xf32, #tpu.memory_space<vmem_shared>>)
        tpu.yield
      }) : () -> ()
    }
    %scan3A_75 = arith.constant 20 : i32
    %mul3A_76 = arith.constant 2 : i32
    %mul3A_77 = arith.muli %mul3A_76, %arg1 : i32
    %add3A_78 = arith.constant 1 : i32
    %add3A_79 = arith.addi %mul3A_77, %add3A_78 : i32
    %run_scoped3A_80 = arith.constant 0 : i32
    "tpu.region"() ({
      %run_scoped3A_127 = tpu.sem_alloc : memref<!tpu.dma_semaphore, #tpu.memory_space<semaphore_mem>>
      %dma_start3A_128 = arith.constant 0 : i32
      %dma_start3A_129 = arith.constant 0 : i32
      %dma_start3A_130 = tpu.memref_slice %arg3[%run_scoped3A_80, %add3A_79, %dma_start3A_128, %dma_start3A_129] : memref<2x32x80x125xi32, #tpu.memory_space<hbm>> -> memref<1x1x40x125xi32, #tpu.memory_space<hbm>>
      %dma_start3A_131 = tpu.memref_squeeze %dma_start3A_130 : memref<1x1x40x125xi32, #tpu.memory_space<hbm>> -> memref<40x125xi32, #tpu.memory_space<hbm>>
      %dma_start3A_132 = arith.constant 0 : i32
      %dma_start3A_133 = arith.constant 0 : i32
      %dma_start3A_134 = tpu.memref_slice %arg3[%run_scoped3A_80, %add3A_79, %dma_start3A_132, %dma_start3A_133] : memref<2x32x80x125xi32, #tpu.memory_space<hbm>> -> memref<1x1x40x125xi32, #tpu.memory_space<hbm>>
      %dma_start3A_135 = tpu.memref_squeeze %dma_start3A_134 : memref<1x1x40x125xi32, #tpu.memory_space<hbm>> -> memref<40x125xi32, #tpu.memory_space<hbm>>
      tpu.enqueue_dma source(%dma_start3A_135 : memref<40x125xi32, #tpu.memory_space<hbm>>) target(%arg6 : memref<40x125xi32, #tpu.memory_space<vmem>>) target_semaphore(%run_scoped3A_127 : memref<!tpu.dma_semaphore, #tpu.memory_space<semaphore_mem>>)
      %dma_wait3A = arith.constant 0 : i32
      %dma_wait3A_136 = arith.constant 0 : i32
      %dma_wait3A_137 = tpu.memref_slice %arg3[%run_scoped3A_80, %add3A_79, %dma_wait3A, %dma_wait3A_136] : memref<2x32x80x125xi32, #tpu.memory_space<hbm>> -> memref<1x1x40x125xi32, #tpu.memory_space<hbm>>
      %dma_wait3A_138 = tpu.memref_squeeze %dma_wait3A_137 : memref<1x1x40x125xi32, #tpu.memory_space<hbm>> -> memref<40x125xi32, #tpu.memory_space<hbm>>
      %dma_wait3A_139 = arith.constant 0 : i32
      %dma_wait3A_140 = arith.constant 0 : i32
      %dma_wait3A_141 = tpu.memref_slice %arg3[%run_scoped3A_80, %add3A_79, %dma_wait3A_139, %dma_wait3A_140] : memref<2x32x80x125xi32, #tpu.memory_space<hbm>> -> memref<1x1x40x125xi32, #tpu.memory_space<hbm>>
      %dma_wait3A_142 = tpu.memref_squeeze %dma_wait3A_141 : memref<1x1x40x125xi32, #tpu.memory_space<hbm>> -> memref<40x125xi32, #tpu.memory_space<hbm>>
      tpu.wait_dma2 semaphore(%run_scoped3A_127 : memref<!tpu.dma_semaphore, #tpu.memory_space<semaphore_mem>>) src(%dma_wait3A_142 : memref<40x125xi32, #tpu.memory_space<hbm>>) dst(%arg6 : memref<40x125xi32, #tpu.memory_space<vmem>>)
      tpu.yield
    }) : () -> ()
    %run_scoped3A_81 = arith.constant 1 : i32
    "tpu.region"() ({
      %run_scoped3A_127 = tpu.sem_alloc : memref<!tpu.dma_semaphore, #tpu.memory_space<semaphore_mem>>
      %dma_start3A_128 = arith.constant 0 : i32
      %dma_start3A_129 = arith.constant 0 : i32
      %dma_start3A_130 = tpu.memref_slice %arg3[%run_scoped3A_81, %add3A_79, %dma_start3A_128, %dma_start3A_129] : memref<2x32x80x125xi32, #tpu.memory_space<hbm>> -> memref<1x1x40x125xi32, #tpu.memory_space<hbm>>
      %dma_start3A_131 = tpu.memref_squeeze %dma_start3A_130 : memref<1x1x40x125xi32, #tpu.memory_space<hbm>> -> memref<40x125xi32, #tpu.memory_space<hbm>>
      %dma_start3A_132 = arith.constant 0 : i32
      %dma_start3A_133 = arith.constant 0 : i32
      %dma_start3A_134 = tpu.memref_slice %arg3[%run_scoped3A_81, %add3A_79, %dma_start3A_132, %dma_start3A_133] : memref<2x32x80x125xi32, #tpu.memory_space<hbm>> -> memref<1x1x40x125xi32, #tpu.memory_space<hbm>>
      %dma_start3A_135 = tpu.memref_squeeze %dma_start3A_134 : memref<1x1x40x125xi32, #tpu.memory_space<hbm>> -> memref<40x125xi32, #tpu.memory_space<hbm>>
      tpu.enqueue_dma source(%dma_start3A_135 : memref<40x125xi32, #tpu.memory_space<hbm>>) target(%arg7 : memref<40x125xi32, #tpu.memory_space<vmem>>) target_semaphore(%run_scoped3A_127 : memref<!tpu.dma_semaphore, #tpu.memory_space<semaphore_mem>>)
      %dma_wait3A = arith.constant 0 : i32
      %dma_wait3A_136 = arith.constant 0 : i32
      %dma_wait3A_137 = tpu.memref_slice %arg3[%run_scoped3A_81, %add3A_79, %dma_wait3A, %dma_wait3A_136] : memref<2x32x80x125xi32, #tpu.memory_space<hbm>> -> memref<1x1x40x125xi32, #tpu.memory_space<hbm>>
      %dma_wait3A_138 = tpu.memref_squeeze %dma_wait3A_137 : memref<1x1x40x125xi32, #tpu.memory_space<hbm>> -> memref<40x125xi32, #tpu.memory_space<hbm>>
      %dma_wait3A_139 = arith.constant 0 : i32
      %dma_wait3A_140 = arith.constant 0 : i32
      %dma_wait3A_141 = tpu.memref_slice %arg3[%run_scoped3A_81, %add3A_79, %dma_wait3A_139, %dma_wait3A_140] : memref<2x32x80x125xi32, #tpu.memory_space<hbm>> -> memref<1x1x40x125xi32, #tpu.memory_space<hbm>>
      %dma_wait3A_142 = tpu.memref_squeeze %dma_wait3A_141 : memref<1x1x40x125xi32, #tpu.memory_space<hbm>> -> memref<40x125xi32, #tpu.memory_space<hbm>>
      tpu.wait_dma2 semaphore(%run_scoped3A_127 : memref<!tpu.dma_semaphore, #tpu.memory_space<semaphore_mem>>) src(%dma_wait3A_142 : memref<40x125xi32, #tpu.memory_space<hbm>>) dst(%arg7 : memref<40x125xi32, #tpu.memory_space<vmem>>)
      tpu.yield
    }) : () -> ()
    %dma_start3A_82 = arith.constant 0 : i32
    %dma_start3A_83 = arith.constant 0 : i32
    %dma_start3A_84 = tpu.memref_slice %arg7[%dma_start3A_82, %dma_start3A_83] : memref<40x125xi32, #tpu.memory_space<vmem>> -> memref<1x125xi32, #tpu.memory_space<vmem>>
    %dma_start3A_85 = tpu.memref_squeeze %dma_start3A_84 : memref<1x125xi32, #tpu.memory_space<vmem>> -> memref<125xi32, #tpu.memory_space<vmem>>
    %dma_start3A_86 = arith.constant 0 : i32
    %dma_start3A_87 = arith.constant 0 : i32
    %dma_start3A_88 = tpu.memref_slice %arg2[%arg0, %dma_start3A_86, %dma_start3A_87] : memref<2x10240x128xf32, #tpu.memory_space<hbm>> -> memref<1x10240x128xf32, #tpu.memory_space<hbm>>
    %dma_start3A_89 = tpu.memref_squeeze %dma_start3A_88 : memref<1x10240x128xf32, #tpu.memory_space<hbm>> -> memref<10240x128xf32, #tpu.memory_space<hbm>>
    %dma_start3A_90 = arith.constant 0 : i32
    %dma_start3A_91 = arith.constant 0 : i32
    %dma_start3A_92 = tpu.memref_slice %dma_start3A_89[%dma_start3A_90, %dma_start3A_91] : memref<10240x128xf32, #tpu.memory_space<hbm>> -> memref<10240x128xf32, #tpu.memory_space<hbm>>
    tpu.enqueue_indirect_dma source(%dma_start3A_92 : memref<10240x128xf32, #tpu.memory_space<hbm>>) target(%arg8 : memref<125x128xf32, #tpu.memory_space<vmem>>) offsets(%dma_start3A_85 : memref<125xi32, #tpu.memory_space<vmem>>) semaphore(%arg10 : memref<!tpu.dma_semaphore, #tpu.memory_space<semaphore_mem>>)
    %scan3A_93 = arith.constant 0 : i32
    %scan3A_94 = arith.constant 0 : i32
    %scan3A_95 = arith.constant 20 : i32
    %scan3A_96 = arith.addi %scan3A_94, %scan3A_95 : i32
    %scan3A_97 = arith.constant 1 : i32
    scf.for %scan3A_127 = %scan3A_94 to %scan3A_96 step %scan3A_97  : i32 {
      %mul3A_128 = arith.constant 2 : i32
      %mul3A_129 = arith.muli %mul3A_128, %scan3A_127 : i32
      %add3A_130 = arith.constant 1 : i32
      %add3A_131 = arith.addi %mul3A_129, %add3A_130 : i32
      %dma_start3A_132 = arith.constant 0 : i32
      %dma_start3A_133 = tpu.memref_slice %arg7[%add3A_131, %dma_start3A_132] : memref<40x125xi32, #tpu.memory_space<vmem>> -> memref<1x125xi32, #tpu.memory_space<vmem>>
      %dma_start3A_134 = tpu.memref_squeeze %dma_start3A_133 : memref<1x125xi32, #tpu.memory_space<vmem>> -> memref<125xi32, #tpu.memory_space<vmem>>
      %dma_start3A_135 = arith.constant 0 : i32
      %dma_start3A_136 = arith.constant 0 : i32
      %dma_start3A_137 = tpu.memref_slice %arg2[%arg0, %dma_start3A_135, %dma_start3A_136] : memref<2x10240x128xf32, #tpu.memory_space<hbm>> -> memref<1x10240x128xf32, #tpu.memory_space<hbm>>
      %dma_start3A_138 = tpu.memref_squeeze %dma_start3A_137 : memref<1x10240x128xf32, #tpu.memory_space<hbm>> -> memref<10240x128xf32, #tpu.memory_space<hbm>>
      %dma_start3A_139 = arith.constant 0 : i32
      %dma_start3A_140 = arith.constant 0 : i32
      %dma_start3A_141 = tpu.memref_slice %dma_start3A_138[%dma_start3A_139, %dma_start3A_140] : memref<10240x128xf32, #tpu.memory_space<hbm>> -> memref<10240x128xf32, #tpu.memory_space<hbm>>
      tpu.enqueue_indirect_dma source(%dma_start3A_141 : memref<10240x128xf32, #tpu.memory_space<hbm>>) target(%arg9 : memref<125x128xf32, #tpu.memory_space<vmem>>) offsets(%dma_start3A_134 : memref<125xi32, #tpu.memory_space<vmem>>) semaphore(%arg11 : memref<!tpu.dma_semaphore, #tpu.memory_space<semaphore_mem>>)
      %dma_wait3A = arith.constant 0 : i32
      %dma_wait3A_142 = tpu.memref_slice %arg7[%mul3A_129, %dma_wait3A] : memref<40x125xi32, #tpu.memory_space<vmem>> -> memref<1x125xi32, #tpu.memory_space<vmem>>
      %dma_wait3A_143 = tpu.memref_squeeze %dma_wait3A_142 : memref<1x125xi32, #tpu.memory_space<vmem>> -> memref<125xi32, #tpu.memory_space<vmem>>
      %dma_wait3A_144 = arith.constant 0 : i32
      %dma_wait3A_145 = arith.constant 0 : i32
      %dma_wait3A_146 = tpu.memref_slice %arg2[%arg0, %dma_wait3A_144, %dma_wait3A_145] : memref<2x10240x128xf32, #tpu.memory_space<hbm>> -> memref<1x10240x128xf32, #tpu.memory_space<hbm>>
      %dma_wait3A_147 = tpu.memref_squeeze %dma_wait3A_146 : memref<1x10240x128xf32, #tpu.memory_space<hbm>> -> memref<10240x128xf32, #tpu.memory_space<hbm>>
      %dma_wait3A_148 = arith.constant 0 : i32
      %dma_wait3A_149 = arith.constant 0 : i32
      %dma_wait3A_150 = tpu.memref_slice %dma_wait3A_147[%dma_wait3A_148, %dma_wait3A_149] : memref<10240x128xf32, #tpu.memory_space<hbm>> -> memref<10240x128xf32, #tpu.memory_space<hbm>>
      tpu.wait_indirect_dma semaphore(%arg10 : memref<!tpu.dma_semaphore, #tpu.memory_space<semaphore_mem>>) src(%dma_wait3A_150 : memref<10240x128xf32, #tpu.memory_space<hbm>>) dst(%arg8 : memref<125x128xf32, #tpu.memory_space<vmem>>)
      "tpu.region"() ({
        %run_scoped3A_169 = tpu.sem_alloc : memref<!tpu.dma_semaphore, #tpu.memory_space<semaphore_mem>>
        %dma_start3A_170 = arith.constant 0 : i32
        %dma_start3A_171 = tpu.memref_slice %arg6[%mul3A_129, %dma_start3A_170] : memref<40x125xi32, #tpu.memory_space<vmem>> -> memref<1x125xi32, #tpu.memory_space<vmem>>
        %dma_start3A_172 = tpu.memref_squeeze %dma_start3A_171 : memref<1x125xi32, #tpu.memory_space<vmem>> -> memref<125xi32, #tpu.memory_space<vmem>>
        %dma_start3A_173 = arith.constant 0 : i32
        %dma_start3A_174 = arith.constant 0 : i32
        %dma_start3A_175 = tpu.memref_slice %arg5[%dma_start3A_173, %dma_start3A_174] : memref<10240x128xf32, #tpu.memory_space<vmem_shared>> -> memref<10240x128xf32, #tpu.memory_space<vmem_shared>>
        tpu.enqueue_indirect_dma source(%arg8 : memref<125x128xf32, #tpu.memory_space<vmem>>) target(%dma_start3A_175 : memref<10240x128xf32, #tpu.memory_space<vmem_shared>>) offsets(%dma_start3A_172 : memref<125xi32, #tpu.memory_space<vmem>>) semaphore(%run_scoped3A_169 : memref<!tpu.dma_semaphore, #tpu.memory_space<semaphore_mem>>) {add = true}
        %dma_wait3A_176 = arith.constant 0 : i32
        %dma_wait3A_177 = tpu.memref_slice %arg6[%mul3A_129, %dma_wait3A_176] : memref<40x125xi32, #tpu.memory_space<vmem>> -> memref<1x125xi32, #tpu.memory_space<vmem>>
        %dma_wait3A_178 = tpu.memref_squeeze %dma_wait3A_177 : memref<1x125xi32, #tpu.memory_space<vmem>> -> memref<125xi32, #tpu.memory_space<vmem>>
        %dma_wait3A_179 = arith.constant 0 : i32
        %dma_wait3A_180 = arith.constant 0 : i32
        %dma_wait3A_181 = tpu.memref_slice %arg5[%dma_wait3A_179, %dma_wait3A_180] : memref<10240x128xf32, #tpu.memory_space<vmem_shared>> -> memref<10240x128xf32, #tpu.memory_space<vmem_shared>>
        tpu.wait_indirect_dma semaphore(%run_scoped3A_169 : memref<!tpu.dma_semaphore, #tpu.memory_space<semaphore_mem>>) src(%arg8 : memref<125x128xf32, #tpu.memory_space<vmem>>) dst(%dma_wait3A_181 : memref<10240x128xf32, #tpu.memory_space<vmem_shared>>)
        tpu.yield
      }) : () -> ()
      %lt3A = arith.constant 19 : i32
      %lt3A_151 = arith.cmpi slt, %scan3A_127, %lt3A : i32
      %convert_element_type3A = arith.extui %lt3A_151 : i1 to i32
      %cond3A = arith.constant 0 : i32
      %cond3A_152 = arith.cmpi ne, %convert_element_type3A, %cond3A : i32
      scf.if %cond3A_152 {
        %add3A_169 = arith.constant 2 : i32
        %add3A_170 = arith.addi %mul3A_129, %add3A_169 : i32
        %dma_start3A_171 = arith.constant 0 : i32
        %dma_start3A_172 = tpu.memref_slice %arg7[%add3A_170, %dma_start3A_171] : memref<40x125xi32, #tpu.memory_space<vmem>> -> memref<1x125xi32, #tpu.memory_space<vmem>>
        %dma_start3A_173 = tpu.memref_squeeze %dma_start3A_172 : memref<1x125xi32, #tpu.memory_space<vmem>> -> memref<125xi32, #tpu.memory_space<vmem>>
        %dma_start3A_174 = arith.constant 0 : i32
        %dma_start3A_175 = arith.constant 0 : i32
        %dma_start3A_176 = tpu.memref_slice %arg2[%arg0, %dma_start3A_174, %dma_start3A_175] : memref<2x10240x128xf32, #tpu.memory_space<hbm>> -> memref<1x10240x128xf32, #tpu.memory_space<hbm>>
        %dma_start3A_177 = tpu.memref_squeeze %dma_start3A_176 : memref<1x10240x128xf32, #tpu.memory_space<hbm>> -> memref<10240x128xf32, #tpu.memory_space<hbm>>
        %dma_start3A_178 = arith.constant 0 : i32
        %dma_start3A_179 = arith.constant 0 : i32
        %dma_start3A_180 = tpu.memref_slice %dma_start3A_177[%dma_start3A_178, %dma_start3A_179] : memref<10240x128xf32, #tpu.memory_space<hbm>> -> memref<10240x128xf32, #tpu.memory_space<hbm>>
        tpu.enqueue_indirect_dma source(%dma_start3A_180 : memref<10240x128xf32, #tpu.memory_space<hbm>>) target(%arg8 : memref<125x128xf32, #tpu.memory_space<vmem>>) offsets(%dma_start3A_173 : memref<125xi32, #tpu.memory_space<vmem>>) semaphore(%arg10 : memref<!tpu.dma_semaphore, #tpu.memory_space<semaphore_mem>>)
      } else {
      }
      %add3A_153 = arith.constant 1 : i32
      %add3A_154 = arith.addi %mul3A_129, %add3A_153 : i32
      %dma_wait3A_155 = arith.constant 0 : i32
      %dma_wait3A_156 = tpu.memref_slice %arg7[%add3A_154, %dma_wait3A_155] : memref<40x125xi32, #tpu.memory_space<vmem>> -> memref<1x125xi32, #tpu.memory_space<vmem>>
      %dma_wait3A_157 = tpu.memref_squeeze %dma_wait3A_156 : memref<1x125xi32, #tpu.memory_space<vmem>> -> memref<125xi32, #tpu.memory_space<vmem>>
      %dma_wait3A_158 = arith.constant 0 : i32
      %dma_wait3A_159 = arith.constant 0 : i32
      %dma_wait3A_160 = tpu.memref_slice %arg2[%arg0, %dma_wait3A_158, %dma_wait3A_159] : memref<2x10240x128xf32, #tpu.memory_space<hbm>> -> memref<1x10240x128xf32, #tpu.memory_space<hbm>>
      %dma_wait3A_161 = tpu.memref_squeeze %dma_wait3A_160 : memref<1x10240x128xf32, #tpu.memory_space<hbm>> -> memref<10240x128xf32, #tpu.memory_space<hbm>>
      %dma_wait3A_162 = arith.constant 0 : i32
      %dma_wait3A_163 = arith.constant 0 : i32
      %dma_wait3A_164 = tpu.memref_slice %dma_wait3A_161[%dma_wait3A_162, %dma_wait3A_163] : memref<10240x128xf32, #tpu.memory_space<hbm>> -> memref<10240x128xf32, #tpu.memory_space<hbm>>
      tpu.wait_indirect_dma semaphore(%arg11 : memref<!tpu.dma_semaphore, #tpu.memory_space<semaphore_mem>>) src(%dma_wait3A_164 : memref<10240x128xf32, #tpu.memory_space<hbm>>) dst(%arg9 : memref<125x128xf32, #tpu.memory_space<vmem>>)
      %add3A_165 = arith.constant 1 : i32
      %add3A_166 = arith.addi %mul3A_129, %add3A_165 : i32
      %add3A_167 = arith.constant 1 : i32
      %add3A_168 = arith.addi %mul3A_129, %add3A_167 : i32
      "tpu.region"() ({
        %run_scoped3A_169 = tpu.sem_alloc : memref<!tpu.dma_semaphore, #tpu.memory_space<semaphore_mem>>
        %dma_start3A_170 = arith.constant 0 : i32
        %dma_start3A_171 = tpu.memref_slice %arg6[%add3A_168, %dma_start3A_170] : memref<40x125xi32, #tpu.memory_space<vmem>> -> memref<1x125xi32, #tpu.memory_space<vmem>>
        %dma_start3A_172 = tpu.memref_squeeze %dma_start3A_171 : memref<1x125xi32, #tpu.memory_space<vmem>> -> memref<125xi32, #tpu.memory_space<vmem>>
        %dma_start3A_173 = arith.constant 0 : i32
        %dma_start3A_174 = arith.constant 0 : i32
        %dma_start3A_175 = tpu.memref_slice %arg5[%dma_start3A_173, %dma_start3A_174] : memref<10240x128xf32, #tpu.memory_space<vmem_shared>> -> memref<10240x128xf32, #tpu.memory_space<vmem_shared>>
        tpu.enqueue_indirect_dma source(%arg9 : memref<125x128xf32, #tpu.memory_space<vmem>>) target(%dma_start3A_175 : memref<10240x128xf32, #tpu.memory_space<vmem_shared>>) offsets(%dma_start3A_172 : memref<125xi32, #tpu.memory_space<vmem>>) semaphore(%run_scoped3A_169 : memref<!tpu.dma_semaphore, #tpu.memory_space<semaphore_mem>>) {add = true}
        %dma_wait3A_176 = arith.constant 0 : i32
        %dma_wait3A_177 = tpu.memref_slice %arg6[%add3A_168, %dma_wait3A_176] : memref<40x125xi32, #tpu.memory_space<vmem>> -> memref<1x125xi32, #tpu.memory_space<vmem>>
        %dma_wait3A_178 = tpu.memref_squeeze %dma_wait3A_177 : memref<1x125xi32, #tpu.memory_space<vmem>> -> memref<125xi32, #tpu.memory_space<vmem>>
        %dma_wait3A_179 = arith.constant 0 : i32
        %dma_wait3A_180 = arith.constant 0 : i32
        %dma_wait3A_181 = tpu.memref_slice %arg5[%dma_wait3A_179, %dma_wait3A_180] : memref<10240x128xf32, #tpu.memory_space<vmem_shared>> -> memref<10240x128xf32, #tpu.memory_space<vmem_shared>>
        tpu.wait_indirect_dma semaphore(%run_scoped3A_169 : memref<!tpu.dma_semaphore, #tpu.memory_space<semaphore_mem>>) src(%arg9 : memref<125x128xf32, #tpu.memory_space<vmem>>) dst(%dma_wait3A_181 : memref<10240x128xf32, #tpu.memory_space<vmem_shared>>)
        tpu.yield
      }) : () -> ()
    }
    %scan3A_98 = arith.constant 20 : i32
    %mul3A_99 = arith.constant 2 : i32
    %mul3A_100 = arith.muli %mul3A_99, %arg1 : i32
    %add3A_101 = arith.constant 1 : i32
    %add3A_102 = arith.addi %mul3A_100, %add3A_101 : i32
    %run_scoped3A_103 = arith.constant 0 : i32
    "tpu.region"() ({
      %run_scoped3A_127 = tpu.sem_alloc : memref<!tpu.dma_semaphore, #tpu.memory_space<semaphore_mem>>
      %dma_start3A_128 = arith.constant 40 : i32
      %dma_start3A_129 = arith.constant 0 : i32
      %dma_start3A_130 = tpu.memref_slice %arg3[%run_scoped3A_103, %add3A_102, %dma_start3A_128, %dma_start3A_129] : memref<2x32x80x125xi32, #tpu.memory_space<hbm>> -> memref<1x1x40x125xi32, #tpu.memory_space<hbm>>
      %dma_start3A_131 = tpu.memref_squeeze %dma_start3A_130 : memref<1x1x40x125xi32, #tpu.memory_space<hbm>> -> memref<40x125xi32, #tpu.memory_space<hbm>>
      %dma_start3A_132 = arith.constant 40 : i32
      %dma_start3A_133 = arith.constant 0 : i32
      %dma_start3A_134 = tpu.memref_slice %arg3[%run_scoped3A_103, %add3A_102, %dma_start3A_132, %dma_start3A_133] : memref<2x32x80x125xi32, #tpu.memory_space<hbm>> -> memref<1x1x40x125xi32, #tpu.memory_space<hbm>>
      %dma_start3A_135 = tpu.memref_squeeze %dma_start3A_134 : memref<1x1x40x125xi32, #tpu.memory_space<hbm>> -> memref<40x125xi32, #tpu.memory_space<hbm>>
      tpu.enqueue_dma source(%dma_start3A_135 : memref<40x125xi32, #tpu.memory_space<hbm>>) target(%arg6 : memref<40x125xi32, #tpu.memory_space<vmem>>) target_semaphore(%run_scoped3A_127 : memref<!tpu.dma_semaphore, #tpu.memory_space<semaphore_mem>>)
      %dma_wait3A = arith.constant 40 : i32
      %dma_wait3A_136 = arith.constant 0 : i32
      %dma_wait3A_137 = tpu.memref_slice %arg3[%run_scoped3A_103, %add3A_102, %dma_wait3A, %dma_wait3A_136] : memref<2x32x80x125xi32, #tpu.memory_space<hbm>> -> memref<1x1x40x125xi32, #tpu.memory_space<hbm>>
      %dma_wait3A_138 = tpu.memref_squeeze %dma_wait3A_137 : memref<1x1x40x125xi32, #tpu.memory_space<hbm>> -> memref<40x125xi32, #tpu.memory_space<hbm>>
      %dma_wait3A_139 = arith.constant 40 : i32
      %dma_wait3A_140 = arith.constant 0 : i32
      %dma_wait3A_141 = tpu.memref_slice %arg3[%run_scoped3A_103, %add3A_102, %dma_wait3A_139, %dma_wait3A_140] : memref<2x32x80x125xi32, #tpu.memory_space<hbm>> -> memref<1x1x40x125xi32, #tpu.memory_space<hbm>>
      %dma_wait3A_142 = tpu.memref_squeeze %dma_wait3A_141 : memref<1x1x40x125xi32, #tpu.memory_space<hbm>> -> memref<40x125xi32, #tpu.memory_space<hbm>>
      tpu.wait_dma2 semaphore(%run_scoped3A_127 : memref<!tpu.dma_semaphore, #tpu.memory_space<semaphore_mem>>) src(%dma_wait3A_142 : memref<40x125xi32, #tpu.memory_space<hbm>>) dst(%arg6 : memref<40x125xi32, #tpu.memory_space<vmem>>)
      tpu.yield
    }) : () -> ()
    %run_scoped3A_104 = arith.constant 1 : i32
    "tpu.region"() ({
      %run_scoped3A_127 = tpu.sem_alloc : memref<!tpu.dma_semaphore, #tpu.memory_space<semaphore_mem>>
      %dma_start3A_128 = arith.constant 40 : i32
      %dma_start3A_129 = arith.constant 0 : i32
      %dma_start3A_130 = tpu.memref_slice %arg3[%run_scoped3A_104, %add3A_102, %dma_start3A_128, %dma_start3A_129] : memref<2x32x80x125xi32, #tpu.memory_space<hbm>> -> memref<1x1x40x125xi32, #tpu.memory_space<hbm>>
      %dma_start3A_131 = tpu.memref_squeeze %dma_start3A_130 : memref<1x1x40x125xi32, #tpu.memory_space<hbm>> -> memref<40x125xi32, #tpu.memory_space<hbm>>
      %dma_start3A_132 = arith.constant 40 : i32
      %dma_start3A_133 = arith.constant 0 : i32
      %dma_start3A_134 = tpu.memref_slice %arg3[%run_scoped3A_104, %add3A_102, %dma_start3A_132, %dma_start3A_133] : memref<2x32x80x125xi32, #tpu.memory_space<hbm>> -> memref<1x1x40x125xi32, #tpu.memory_space<hbm>>
      %dma_start3A_135 = tpu.memref_squeeze %dma_start3A_134 : memref<1x1x40x125xi32, #tpu.memory_space<hbm>> -> memref<40x125xi32, #tpu.memory_space<hbm>>
      tpu.enqueue_dma source(%dma_start3A_135 : memref<40x125xi32, #tpu.memory_space<hbm>>) target(%arg7 : memref<40x125xi32, #tpu.memory_space<vmem>>) target_semaphore(%run_scoped3A_127 : memref<!tpu.dma_semaphore, #tpu.memory_space<semaphore_mem>>)
      %dma_wait3A = arith.constant 40 : i32
      %dma_wait3A_136 = arith.constant 0 : i32
      %dma_wait3A_137 = tpu.memref_slice %arg3[%run_scoped3A_104, %add3A_102, %dma_wait3A, %dma_wait3A_136] : memref<2x32x80x125xi32, #tpu.memory_space<hbm>> -> memref<1x1x40x125xi32, #tpu.memory_space<hbm>>
      %dma_wait3A_138 = tpu.memref_squeeze %dma_wait3A_137 : memref<1x1x40x125xi32, #tpu.memory_space<hbm>> -> memref<40x125xi32, #tpu.memory_space<hbm>>
      %dma_wait3A_139 = arith.constant 40 : i32
      %dma_wait3A_140 = arith.constant 0 : i32
      %dma_wait3A_141 = tpu.memref_slice %arg3[%run_scoped3A_104, %add3A_102, %dma_wait3A_139, %dma_wait3A_140] : memref<2x32x80x125xi32, #tpu.memory_space<hbm>> -> memref<1x1x40x125xi32, #tpu.memory_space<hbm>>
      %dma_wait3A_142 = tpu.memref_squeeze %dma_wait3A_141 : memref<1x1x40x125xi32, #tpu.memory_space<hbm>> -> memref<40x125xi32, #tpu.memory_space<hbm>>
      tpu.wait_dma2 semaphore(%run_scoped3A_127 : memref<!tpu.dma_semaphore, #tpu.memory_space<semaphore_mem>>) src(%dma_wait3A_142 : memref<40x125xi32, #tpu.memory_space<hbm>>) dst(%arg7 : memref<40x125xi32, #tpu.memory_space<vmem>>)
      tpu.yield
    }) : () -> ()
    %dma_start3A_105 = arith.constant 0 : i32
    %dma_start3A_106 = arith.constant 0 : i32
    %dma_start3A_107 = tpu.memref_slice %arg7[%dma_start3A_105, %dma_start3A_106] : memref<40x125xi32, #tpu.memory_space<vmem>> -> memref<1x125xi32, #tpu.memory_space<vmem>>
    %dma_start3A_108 = tpu.memref_squeeze %dma_start3A_107 : memref<1x125xi32, #tpu.memory_space<vmem>> -> memref<125xi32, #tpu.memory_space<vmem>>
    %dma_start3A_109 = arith.constant 0 : i32
    %dma_start3A_110 = arith.constant 0 : i32
    %dma_start3A_111 = tpu.memref_slice %arg2[%arg0, %dma_start3A_109, %dma_start3A_110] : memref<2x10240x128xf32, #tpu.memory_space<hbm>> -> memref<1x10240x128xf32, #tpu.memory_space<hbm>>
    %dma_start3A_112 = tpu.memref_squeeze %dma_start3A_111 : memref<1x10240x128xf32, #tpu.memory_space<hbm>> -> memref<10240x128xf32, #tpu.memory_space<hbm>>
    %dma_start3A_113 = arith.constant 0 : i32
    %dma_start3A_114 = arith.constant 0 : i32
    %dma_start3A_115 = tpu.memref_slice %dma_start3A_112[%dma_start3A_113, %dma_start3A_114] : memref<10240x128xf32, #tpu.memory_space<hbm>> -> memref<10240x128xf32, #tpu.memory_space<hbm>>
    tpu.enqueue_indirect_dma source(%dma_start3A_115 : memref<10240x128xf32, #tpu.memory_space<hbm>>) target(%arg8 : memref<125x128xf32, #tpu.memory_space<vmem>>) offsets(%dma_start3A_108 : memref<125xi32, #tpu.memory_space<vmem>>) semaphore(%arg10 : memref<!tpu.dma_semaphore, #tpu.memory_space<semaphore_mem>>)
    %scan3A_116 = arith.constant 0 : i32
    %scan3A_117 = arith.constant 0 : i32
    %scan3A_118 = arith.constant 20 : i32
    %scan3A_119 = arith.addi %scan3A_117, %scan3A_118 : i32
    %scan3A_120 = arith.constant 1 : i32
    scf.for %scan3A_127 = %scan3A_117 to %scan3A_119 step %scan3A_120  : i32 {
      %mul3A_128 = arith.constant 2 : i32
      %mul3A_129 = arith.muli %mul3A_128, %scan3A_127 : i32
      %add3A_130 = arith.constant 1 : i32
      %add3A_131 = arith.addi %mul3A_129, %add3A_130 : i32
      %dma_start3A_132 = arith.constant 0 : i32
      %dma_start3A_133 = tpu.memref_slice %arg7[%add3A_131, %dma_start3A_132] : memref<40x125xi32, #tpu.memory_space<vmem>> -> memref<1x125xi32, #tpu.memory_space<vmem>>
      %dma_start3A_134 = tpu.memref_squeeze %dma_start3A_133 : memref<1x125xi32, #tpu.memory_space<vmem>> -> memref<125xi32, #tpu.memory_space<vmem>>
      %dma_start3A_135 = arith.constant 0 : i32
      %dma_start3A_136 = arith.constant 0 : i32
      %dma_start3A_137 = tpu.memref_slice %arg2[%arg0, %dma_start3A_135, %dma_start3A_136] : memref<2x10240x128xf32, #tpu.memory_space<hbm>> -> memref<1x10240x128xf32, #tpu.memory_space<hbm>>
      %dma_start3A_138 = tpu.memref_squeeze %dma_start3A_137 : memref<1x10240x128xf32, #tpu.memory_space<hbm>> -> memref<10240x128xf32, #tpu.memory_space<hbm>>
      %dma_start3A_139 = arith.constant 0 : i32
      %dma_start3A_140 = arith.constant 0 : i32
      %dma_start3A_141 = tpu.memref_slice %dma_start3A_138[%dma_start3A_139, %dma_start3A_140] : memref<10240x128xf32, #tpu.memory_space<hbm>> -> memref<10240x128xf32, #tpu.memory_space<hbm>>
      tpu.enqueue_indirect_dma source(%dma_start3A_141 : memref<10240x128xf32, #tpu.memory_space<hbm>>) target(%arg9 : memref<125x128xf32, #tpu.memory_space<vmem>>) offsets(%dma_start3A_134 : memref<125xi32, #tpu.memory_space<vmem>>) semaphore(%arg11 : memref<!tpu.dma_semaphore, #tpu.memory_space<semaphore_mem>>)
      %dma_wait3A = arith.constant 0 : i32
      %dma_wait3A_142 = tpu.memref_slice %arg7[%mul3A_129, %dma_wait3A] : memref<40x125xi32, #tpu.memory_space<vmem>> -> memref<1x125xi32, #tpu.memory_space<vmem>>
      %dma_wait3A_143 = tpu.memref_squeeze %dma_wait3A_142 : memref<1x125xi32, #tpu.memory_space<vmem>> -> memref<125xi32, #tpu.memory_space<vmem>>
      %dma_wait3A_144 = arith.constant 0 : i32
      %dma_wait3A_145 = arith.constant 0 : i32
      %dma_wait3A_146 = tpu.memref_slice %arg2[%arg0, %dma_wait3A_144, %dma_wait3A_145] : memref<2x10240x128xf32, #tpu.memory_space<hbm>> -> memref<1x10240x128xf32, #tpu.memory_space<hbm>>
      %dma_wait3A_147 = tpu.memref_squeeze %dma_wait3A_146 : memref<1x10240x128xf32, #tpu.memory_space<hbm>> -> memref<10240x128xf32, #tpu.memory_space<hbm>>
      %dma_wait3A_148 = arith.constant 0 : i32
      %dma_wait3A_149 = arith.constant 0 : i32
      %dma_wait3A_150 = tpu.memref_slice %dma_wait3A_147[%dma_wait3A_148, %dma_wait3A_149] : memref<10240x128xf32, #tpu.memory_space<hbm>> -> memref<10240x128xf32, #tpu.memory_space<hbm>>
      tpu.wait_indirect_dma semaphore(%arg10 : memref<!tpu.dma_semaphore, #tpu.memory_space<semaphore_mem>>) src(%dma_wait3A_150 : memref<10240x128xf32, #tpu.memory_space<hbm>>) dst(%arg8 : memref<125x128xf32, #tpu.memory_space<vmem>>)
      "tpu.region"() ({
        %run_scoped3A_169 = tpu.sem_alloc : memref<!tpu.dma_semaphore, #tpu.memory_space<semaphore_mem>>
        %dma_start3A_170 = arith.constant 0 : i32
        %dma_start3A_171 = tpu.memref_slice %arg6[%mul3A_129, %dma_start3A_170] : memref<40x125xi32, #tpu.memory_space<vmem>> -> memref<1x125xi32, #tpu.memory_space<vmem>>
        %dma_start3A_172 = tpu.memref_squeeze %dma_start3A_171 : memref<1x125xi32, #tpu.memory_space<vmem>> -> memref<125xi32, #tpu.memory_space<vmem>>
        %dma_start3A_173 = arith.constant 0 : i32
        %dma_start3A_174 = arith.constant 0 : i32
        %dma_start3A_175 = tpu.memref_slice %arg5[%dma_start3A_173, %dma_start3A_174] : memref<10240x128xf32, #tpu.memory_space<vmem_shared>> -> memref<10240x128xf32, #tpu.memory_space<vmem_shared>>
        tpu.enqueue_indirect_dma source(%arg8 : memref<125x128xf32, #tpu.memory_space<vmem>>) target(%dma_start3A_175 : memref<10240x128xf32, #tpu.memory_space<vmem_shared>>) offsets(%dma_start3A_172 : memref<125xi32, #tpu.memory_space<vmem>>) semaphore(%run_scoped3A_169 : memref<!tpu.dma_semaphore, #tpu.memory_space<semaphore_mem>>) {add = true}
        %dma_wait3A_176 = arith.constant 0 : i32
        %dma_wait3A_177 = tpu.memref_slice %arg6[%mul3A_129, %dma_wait3A_176] : memref<40x125xi32, #tpu.memory_space<vmem>> -> memref<1x125xi32, #tpu.memory_space<vmem>>
        %dma_wait3A_178 = tpu.memref_squeeze %dma_wait3A_177 : memref<1x125xi32, #tpu.memory_space<vmem>> -> memref<125xi32, #tpu.memory_space<vmem>>
        %dma_wait3A_179 = arith.constant 0 : i32
        %dma_wait3A_180 = arith.constant 0 : i32
        %dma_wait3A_181 = tpu.memref_slice %arg5[%dma_wait3A_179, %dma_wait3A_180] : memref<10240x128xf32, #tpu.memory_space<vmem_shared>> -> memref<10240x128xf32, #tpu.memory_space<vmem_shared>>
        tpu.wait_indirect_dma semaphore(%run_scoped3A_169 : memref<!tpu.dma_semaphore, #tpu.memory_space<semaphore_mem>>) src(%arg8 : memref<125x128xf32, #tpu.memory_space<vmem>>) dst(%dma_wait3A_181 : memref<10240x128xf32, #tpu.memory_space<vmem_shared>>)
        tpu.yield
      }) : () -> ()
      %lt3A = arith.constant 19 : i32
      %lt3A_151 = arith.cmpi slt, %scan3A_127, %lt3A : i32
      %convert_element_type3A = arith.extui %lt3A_151 : i1 to i32
      %cond3A = arith.constant 0 : i32
      %cond3A_152 = arith.cmpi ne, %convert_element_type3A, %cond3A : i32
      scf.if %cond3A_152 {
        %add3A_169 = arith.constant 2 : i32
        %add3A_170 = arith.addi %mul3A_129, %add3A_169 : i32
        %dma_start3A_171 = arith.constant 0 : i32
        %dma_start3A_172 = tpu.memref_slice %arg7[%add3A_170, %dma_start3A_171] : memref<40x125xi32, #tpu.memory_space<vmem>> -> memref<1x125xi32, #tpu.memory_space<vmem>>
        %dma_start3A_173 = tpu.memref_squeeze %dma_start3A_172 : memref<1x125xi32, #tpu.memory_space<vmem>> -> memref<125xi32, #tpu.memory_space<vmem>>
        %dma_start3A_174 = arith.constant 0 : i32
        %dma_start3A_175 = arith.constant 0 : i32
        %dma_start3A_176 = tpu.memref_slice %arg2[%arg0, %dma_start3A_174, %dma_start3A_175] : memref<2x10240x128xf32, #tpu.memory_space<hbm>> -> memref<1x10240x128xf32, #tpu.memory_space<hbm>>
        %dma_start3A_177 = tpu.memref_squeeze %dma_start3A_176 : memref<1x10240x128xf32, #tpu.memory_space<hbm>> -> memref<10240x128xf32, #tpu.memory_space<hbm>>
        %dma_start3A_178 = arith.constant 0 : i32
        %dma_start3A_179 = arith.constant 0 : i32
        %dma_start3A_180 = tpu.memref_slice %dma_start3A_177[%dma_start3A_178, %dma_start3A_179] : memref<10240x128xf32, #tpu.memory_space<hbm>> -> memref<10240x128xf32, #tpu.memory_space<hbm>>
        tpu.enqueue_indirect_dma source(%dma_start3A_180 : memref<10240x128xf32, #tpu.memory_space<hbm>>) target(%arg8 : memref<125x128xf32, #tpu.memory_space<vmem>>) offsets(%dma_start3A_173 : memref<125xi32, #tpu.memory_space<vmem>>) semaphore(%arg10 : memref<!tpu.dma_semaphore, #tpu.memory_space<semaphore_mem>>)
      } else {
      }
      %add3A_153 = arith.constant 1 : i32
      %add3A_154 = arith.addi %mul3A_129, %add3A_153 : i32
      %dma_wait3A_155 = arith.constant 0 : i32
      %dma_wait3A_156 = tpu.memref_slice %arg7[%add3A_154, %dma_wait3A_155] : memref<40x125xi32, #tpu.memory_space<vmem>> -> memref<1x125xi32, #tpu.memory_space<vmem>>
      %dma_wait3A_157 = tpu.memref_squeeze %dma_wait3A_156 : memref<1x125xi32, #tpu.memory_space<vmem>> -> memref<125xi32, #tpu.memory_space<vmem>>
      %dma_wait3A_158 = arith.constant 0 : i32
      %dma_wait3A_159 = arith.constant 0 : i32
      %dma_wait3A_160 = tpu.memref_slice %arg2[%arg0, %dma_wait3A_158, %dma_wait3A_159] : memref<2x10240x128xf32, #tpu.memory_space<hbm>> -> memref<1x10240x128xf32, #tpu.memory_space<hbm>>
      %dma_wait3A_161 = tpu.memref_squeeze %dma_wait3A_160 : memref<1x10240x128xf32, #tpu.memory_space<hbm>> -> memref<10240x128xf32, #tpu.memory_space<hbm>>
      %dma_wait3A_162 = arith.constant 0 : i32
      %dma_wait3A_163 = arith.constant 0 : i32
      %dma_wait3A_164 = tpu.memref_slice %dma_wait3A_161[%dma_wait3A_162, %dma_wait3A_163] : memref<10240x128xf32, #tpu.memory_space<hbm>> -> memref<10240x128xf32, #tpu.memory_space<hbm>>
      tpu.wait_indirect_dma semaphore(%arg11 : memref<!tpu.dma_semaphore, #tpu.memory_space<semaphore_mem>>) src(%dma_wait3A_164 : memref<10240x128xf32, #tpu.memory_space<hbm>>) dst(%arg9 : memref<125x128xf32, #tpu.memory_space<vmem>>)
      %add3A_165 = arith.constant 1 : i32
      %add3A_166 = arith.addi %mul3A_129, %add3A_165 : i32
      %add3A_167 = arith.constant 1 : i32
      %add3A_168 = arith.addi %mul3A_129, %add3A_167 : i32
      "tpu.region"() ({
        %run_scoped3A_169 = tpu.sem_alloc : memref<!tpu.dma_semaphore, #tpu.memory_space<semaphore_mem>>
        %dma_start3A_170 = arith.constant 0 : i32
        %dma_start3A_171 = tpu.memref_slice %arg6[%add3A_168, %dma_start3A_170] : memref<40x125xi32, #tpu.memory_space<vmem>> -> memref<1x125xi32, #tpu.memory_space<vmem>>
        %dma_start3A_172 = tpu.memref_squeeze %dma_start3A_171 : memref<1x125xi32, #tpu.memory_space<vmem>> -> memref<125xi32, #tpu.memory_space<vmem>>
        %dma_start3A_173 = arith.constant 0 : i32
        %dma_start3A_174 = arith.constant 0 : i32
        %dma_start3A_175 = tpu.memref_slice %arg5[%dma_start3A_173, %dma_start3A_174] : memref<10240x128xf32, #tpu.memory_space<vmem_shared>> -> memref<10240x128xf32, #tpu.memory_space<vmem_shared>>
        tpu.enqueue_indirect_dma source(%arg9 : memref<125x128xf32, #tpu.memory_space<vmem>>) target(%dma_start3A_175 : memref<10240x128xf32, #tpu.memory_space<vmem_shared>>) offsets(%dma_start3A_172 : memref<125xi32, #tpu.memory_space<vmem>>) semaphore(%run_scoped3A_169 : memref<!tpu.dma_semaphore, #tpu.memory_space<semaphore_mem>>) {add = true}
        %dma_wait3A_176 = arith.constant 0 : i32
        %dma_wait3A_177 = tpu.memref_slice %arg6[%add3A_168, %dma_wait3A_176] : memref<40x125xi32, #tpu.memory_space<vmem>> -> memref<1x125xi32, #tpu.memory_space<vmem>>
        %dma_wait3A_178 = tpu.memref_squeeze %dma_wait3A_177 : memref<1x125xi32, #tpu.memory_space<vmem>> -> memref<125xi32, #tpu.memory_space<vmem>>
        %dma_wait3A_179 = arith.constant 0 : i32
        %dma_wait3A_180 = arith.constant 0 : i32
        %dma_wait3A_181 = tpu.memref_slice %arg5[%dma_wait3A_179, %dma_wait3A_180] : memref<10240x128xf32, #tpu.memory_space<vmem_shared>> -> memref<10240x128xf32, #tpu.memory_space<vmem_shared>>
        tpu.wait_indirect_dma semaphore(%run_scoped3A_169 : memref<!tpu.dma_semaphore, #tpu.memory_space<semaphore_mem>>) src(%arg9 : memref<125x128xf32, #tpu.memory_space<vmem>>) dst(%dma_wait3A_181 : memref<10240x128xf32, #tpu.memory_space<vmem_shared>>)
        tpu.yield
      }) : () -> ()
    }
    %scan3A_121 = arith.constant 20 : i32
    %barrier3A_122 = arith.constant 0 : index
    tpu.barrier barrier_id(%barrier3A_122)
    %mul3A_123 = arith.constant 640 : i32
    %mul3A_124 = arith.muli %arg1, %mul3A_123 : i32
    %mul3A_125 = arith.constant 640 : i32
    %mul3A_126 = arith.muli %arg1, %mul3A_125 : i32
    "tpu.region"() ({
      %run_scoped3A_127 = tpu.sem_alloc : memref<!tpu.dma_semaphore, #tpu.memory_space<semaphore_mem>>
      %dma_start3A_128 = arith.constant 0 : i32
      %dma_start3A_129 = tpu.memref_slice %arg4[%arg0, %mul3A_126, %dma_start3A_128] : memref<2x10240x128xf32, #tpu.memory_space<hbm>> -> memref<1x640x128xf32, #tpu.memory_space<hbm>>
      %dma_start3A_130 = tpu.memref_squeeze %dma_start3A_129 : memref<1x640x128xf32, #tpu.memory_space<hbm>> -> memref<640x128xf32, #tpu.memory_space<hbm>>
      %dma_start3A_131 = arith.constant 0 : i32
      %dma_start3A_132 = tpu.memref_slice %arg5[%mul3A_124, %dma_start3A_131] : memref<10240x128xf32, #tpu.memory_space<vmem_shared>> -> memref<640x128xf32, #tpu.memory_space<vmem_shared>>
      tpu.enqueue_dma source(%dma_start3A_132 : memref<640x128xf32, #tpu.memory_space<vmem_shared>>) target(%dma_start3A_130 : memref<640x128xf32, #tpu.memory_space<hbm>>) target_semaphore(%run_scoped3A_127 : memref<!tpu.dma_semaphore, #tpu.memory_space<semaphore_mem>>)
      %dma_wait3A = arith.constant 0 : i32
      %dma_wait3A_133 = tpu.memref_slice %arg4[%arg0, %mul3A_126, %dma_wait3A] : memref<2x10240x128xf32, #tpu.memory_space<hbm>> -> memref<1x640x128xf32, #tpu.memory_space<hbm>>
      %dma_wait3A_134 = tpu.memref_squeeze %dma_wait3A_133 : memref<1x640x128xf32, #tpu.memory_space<hbm>> -> memref<640x128xf32, #tpu.memory_space<hbm>>
      %dma_wait3A_135 = arith.constant 0 : i32
      %dma_wait3A_136 = tpu.memref_slice %arg5[%mul3A_124, %dma_wait3A_135] : memref<10240x128xf32, #tpu.memory_space<vmem_shared>> -> memref<640x128xf32, #tpu.memory_space<vmem_shared>>
      tpu.wait_dma2 semaphore(%run_scoped3A_127 : memref<!tpu.dma_semaphore, #tpu.memory_space<semaphore_mem>>) src(%dma_wait3A_136 : memref<640x128xf32, #tpu.memory_space<vmem_shared>>) dst(%dma_wait3A_134 : memref<640x128xf32, #tpu.memory_space<hbm>>)
      tpu.yield
    }) : () -> ()
    return
  }
}

#map = affine_map<(d0, d1) -> (0, 0)>
#map1 = affine_map<(d0, d1) -> (0, 0, 0, 0)>
#map2 = affine_map<(d0, d1) -> (0, 0, 0)>
module attributes {stable_mosaic.version = 14 : i64} {
  func.func @body(%arg0: i32, %arg1: i32, %arg2: memref<10000x128xf32, #tpu.memory_space<hbm>>, %arg3: memref<2x32x80x125xi32, #tpu.memory_space<hbm>>, %arg4: memref<2x10240x128xf32, #tpu.memory_space<hbm>>, %arg5: memref<32x1x10240xf32, #tpu.memory_space<hbm>>, %arg6: memref<10240x128xf32, #tpu.memory_space<vmem_shared>>, %arg7: memref<16x125xi32, #tpu.memory_space<vmem>>, %arg8: memref<16x125xi32, #tpu.memory_space<vmem>>, %arg9: memref<125x128xf32, #tpu.memory_space<vmem>>, %arg10: memref<125x128xf32, #tpu.memory_space<vmem>>, %arg11: memref<!tpu.dma_semaphore, #tpu.memory_space<semaphore_mem>>, %arg12: memref<!tpu.dma_semaphore, #tpu.memory_space<semaphore_mem>>, %arg13: memref<10240xf32, #tpu.memory_space<vmem>>) attributes {dimension_semantics = [#tpu.dimension_semantics<core_parallel>, #tpu.dimension_semantics<subcore_parallel>], iteration_bounds = array<i64: 2, 16>, scalar_prefetch = 0 : i64, scratch_operands = 8 : i64, tpu.core_type = #tpu.core_type<sc_vector_subcore>, window_params = [{transform_indices = #map}, {transform_indices = #map1}, {transform_indices = #map2}, {transform_indices = #map2}]} {
    %broadcast_in_dim3A = arith.constant 0.000000e+00 : f32
    %broadcast_in_dim3A_0 = vector.broadcast %broadcast_in_dim3A : f32 to vector<16xf32>
    %scan3A = arith.constant 0 : i32
    %scan3A_1 = arith.constant 0 : i32
    %scan3A_2 = arith.constant 1000 : i32
    %scan3A_3 = arith.addi %scan3A_1, %scan3A_2 : i32
    %scan3A_4 = arith.constant 1 : i32
    scf.for %scan3A_135 = %scan3A_1 to %scan3A_3 step %scan3A_4  : i32 {
      %jit3A = arith.constant 8 : i32
      %div3A = arith.divsi %scan3A_135, %jit3A : i32
      %sign3A = arith.constant 0 : i32
      %sign3A_136 = arith.cmpi sgt, %scan3A_135, %sign3A : i32
      %sign3A_137 = arith.extui %sign3A_136 : i1 to i32
      %sign3A_138 = arith.constant 0 : i32
      %sign3A_139 = arith.cmpi slt, %scan3A_135, %sign3A_138 : i32
      %sign3A_140 = arith.extui %sign3A_139 : i1 to i32
      %sign3A_141 = arith.subi %sign3A_137, %sign3A_140 : i32
      %sign3A_142 = arith.constant 0 : i32
      %sign3A_143 = arith.cmpi sgt, %jit3A, %sign3A_142 : i32
      %sign3A_144 = arith.extui %sign3A_143 : i1 to i32
      %sign3A_145 = arith.constant 0 : i32
      %sign3A_146 = arith.cmpi slt, %jit3A, %sign3A_145 : i32
      %sign3A_147 = arith.extui %sign3A_146 : i1 to i32
      %sign3A_148 = arith.subi %sign3A_144, %sign3A_147 : i32
      %ne3A = arith.cmpi ne, %sign3A_141, %sign3A_148 : i32
      %rem3A = arith.remsi %scan3A_135, %jit3A : i32
      %ne3A_149 = arith.constant 0 : i32
      %ne3A_150 = arith.cmpi ne, %rem3A, %ne3A_149 : i32
      %and3A = arith.andi %ne3A, %ne3A_150 : i1
      %sub3A = arith.constant 1 : i32
      %sub3A_151 = arith.subi %div3A, %sub3A : i32
      %select_n3A = arith.select %and3A, %sub3A_151, %div3A : i32
      %jit3A_152 = arith.constant 8 : i32
      %eq3A = arith.constant 0 : i32
      %eq3A_153 = arith.cmpi eq, %jit3A_152, %eq3A : i32
      %jit3A_154 = arith.constant 1 : i32
      %select_n3A_155 = arith.select %eq3A_153, %jit3A_154, %jit3A_152 : i32
      %rem3A_156 = arith.remsi %scan3A_135, %select_n3A_155 : i32
      %ne3A_157 = arith.constant 0 : i32
      %ne3A_158 = arith.cmpi ne, %rem3A_156, %ne3A_157 : i32
      %lt3A = arith.constant 0 : i32
      %lt3A_159 = arith.cmpi slt, %rem3A_156, %lt3A : i32
      %lt3A_160 = arith.constant 0 : i32
      %lt3A_161 = arith.cmpi slt, %select_n3A_155, %lt3A_160 : i32
      %ne3A_162 = arith.xori %lt3A_159, %lt3A_161 : i1
      %and3A_163 = arith.andi %ne3A_162, %ne3A_158 : i1
      %add3A_164 = arith.addi %rem3A_156, %select_n3A_155 : i32
      %select_n3A_165 = arith.select %and3A_163, %add3A_164, %rem3A_156 : i32
      %mul3A_166 = arith.constant 16 : i32
      %mul3A_167 = arith.muli %select_n3A_165, %mul3A_166 : i32
      %swap3A = arith.index_cast %select_n3A : i32 to index
      %swap3A_168 = arith.index_cast %mul3A_167 : i32 to index
      %swap3A_169 = tpu.vector_load %arg9[%swap3A, %swap3A_168] {strides = array<i32>} : memref<125x128xf32, #tpu.memory_space<vmem>>, vector<16xf32>,
      tpu.vector_store %arg9[%swap3A, %swap3A_168], %broadcast_in_dim3A_0 {strides = array<i32>} : memref<125x128xf32, #tpu.memory_space<vmem>>, vector<16xf32>,
    }
    %scan3A_5 = arith.constant 1000 : i32
    %mul3A = arith.constant 640 : i32
    %mul3A_6 = arith.muli %arg1, %mul3A : i32
    %add3A = arith.constant 0 : i32
    %add3A_7 = arith.addi %mul3A_6, %add3A : i32
    "tpu.region"() ({
      %run_scoped3A_135 = tpu.sem_alloc : memref<!tpu.dma_semaphore, #tpu.memory_space<semaphore_mem>>
      %dma_start3A_136 = arith.constant 0 : i32
      %dma_start3A_137 = tpu.memref_slice %arg6[%add3A_7, %dma_start3A_136] : memref<10240x128xf32, #tpu.memory_space<vmem_shared>> -> memref<125x128xf32, #tpu.memory_space<vmem_shared>>
      %dma_start3A_138 = arith.constant 0 : i32
      %dma_start3A_139 = tpu.memref_slice %arg6[%add3A_7, %dma_start3A_138] : memref<10240x128xf32, #tpu.memory_space<vmem_shared>> -> memref<125x128xf32, #tpu.memory_space<vmem_shared>>
      tpu.enqueue_dma source(%arg9 : memref<125x128xf32, #tpu.memory_space<vmem>>) target(%dma_start3A_139 : memref<125x128xf32, #tpu.memory_space<vmem_shared>>) target_semaphore(%run_scoped3A_135 : memref<!tpu.dma_semaphore, #tpu.memory_space<semaphore_mem>>)
      %dma_wait3A = arith.constant 0 : i32
      %dma_wait3A_140 = tpu.memref_slice %arg6[%add3A_7, %dma_wait3A] : memref<10240x128xf32, #tpu.memory_space<vmem_shared>> -> memref<125x128xf32, #tpu.memory_space<vmem_shared>>
      %dma_wait3A_141 = arith.constant 0 : i32
      %dma_wait3A_142 = tpu.memref_slice %arg6[%add3A_7, %dma_wait3A_141] : memref<10240x128xf32, #tpu.memory_space<vmem_shared>> -> memref<125x128xf32, #tpu.memory_space<vmem_shared>>
      tpu.wait_dma2 semaphore(%run_scoped3A_135 : memref<!tpu.dma_semaphore, #tpu.memory_space<semaphore_mem>>) src(%arg9 : memref<125x128xf32, #tpu.memory_space<vmem>>) dst(%dma_wait3A_142 : memref<125x128xf32, #tpu.memory_space<vmem_shared>>)
      tpu.yield
    }) : () -> ()
    %mul3A_8 = arith.constant 640 : i32
    %mul3A_9 = arith.muli %arg1, %mul3A_8 : i32
    %add3A_10 = arith.constant 125 : i32
    %add3A_11 = arith.addi %mul3A_9, %add3A_10 : i32
    "tpu.region"() ({
      %run_scoped3A_135 = tpu.sem_alloc : memref<!tpu.dma_semaphore, #tpu.memory_space<semaphore_mem>>
      %dma_start3A_136 = arith.constant 0 : i32
      %dma_start3A_137 = tpu.memref_slice %arg6[%add3A_11, %dma_start3A_136] : memref<10240x128xf32, #tpu.memory_space<vmem_shared>> -> memref<125x128xf32, #tpu.memory_space<vmem_shared>>
      %dma_start3A_138 = arith.constant 0 : i32
      %dma_start3A_139 = tpu.memref_slice %arg6[%add3A_11, %dma_start3A_138] : memref<10240x128xf32, #tpu.memory_space<vmem_shared>> -> memref<125x128xf32, #tpu.memory_space<vmem_shared>>
      tpu.enqueue_dma source(%arg9 : memref<125x128xf32, #tpu.memory_space<vmem>>) target(%dma_start3A_139 : memref<125x128xf32, #tpu.memory_space<vmem_shared>>) target_semaphore(%run_scoped3A_135 : memref<!tpu.dma_semaphore, #tpu.memory_space<semaphore_mem>>)
      %dma_wait3A = arith.constant 0 : i32
      %dma_wait3A_140 = tpu.memref_slice %arg6[%add3A_11, %dma_wait3A] : memref<10240x128xf32, #tpu.memory_space<vmem_shared>> -> memref<125x128xf32, #tpu.memory_space<vmem_shared>>
      %dma_wait3A_141 = arith.constant 0 : i32
      %dma_wait3A_142 = tpu.memref_slice %arg6[%add3A_11, %dma_wait3A_141] : memref<10240x128xf32, #tpu.memory_space<vmem_shared>> -> memref<125x128xf32, #tpu.memory_space<vmem_shared>>
      tpu.wait_dma2 semaphore(%run_scoped3A_135 : memref<!tpu.dma_semaphore, #tpu.memory_space<semaphore_mem>>) src(%arg9 : memref<125x128xf32, #tpu.memory_space<vmem>>) dst(%dma_wait3A_142 : memref<125x128xf32, #tpu.memory_space<vmem_shared>>)
      tpu.yield
    }) : () -> ()
    %mul3A_12 = arith.constant 640 : i32
    %mul3A_13 = arith.muli %arg1, %mul3A_12 : i32
    %add3A_14 = arith.constant 250 : i32
    %add3A_15 = arith.addi %mul3A_13, %add3A_14 : i32
    "tpu.region"() ({
      %run_scoped3A_135 = tpu.sem_alloc : memref<!tpu.dma_semaphore, #tpu.memory_space<semaphore_mem>>
      %dma_start3A_136 = arith.constant 0 : i32
      %dma_start3A_137 = tpu.memref_slice %arg6[%add3A_15, %dma_start3A_136] : memref<10240x128xf32, #tpu.memory_space<vmem_shared>> -> memref<125x128xf32, #tpu.memory_space<vmem_shared>>
      %dma_start3A_138 = arith.constant 0 : i32
      %dma_start3A_139 = tpu.memref_slice %arg6[%add3A_15, %dma_start3A_138] : memref<10240x128xf32, #tpu.memory_space<vmem_shared>> -> memref<125x128xf32, #tpu.memory_space<vmem_shared>>
      tpu.enqueue_dma source(%arg9 : memref<125x128xf32, #tpu.memory_space<vmem>>) target(%dma_start3A_139 : memref<125x128xf32, #tpu.memory_space<vmem_shared>>) target_semaphore(%run_scoped3A_135 : memref<!tpu.dma_semaphore, #tpu.memory_space<semaphore_mem>>)
      %dma_wait3A = arith.constant 0 : i32
      %dma_wait3A_140 = tpu.memref_slice %arg6[%add3A_15, %dma_wait3A] : memref<10240x128xf32, #tpu.memory_space<vmem_shared>> -> memref<125x128xf32, #tpu.memory_space<vmem_shared>>
      %dma_wait3A_141 = arith.constant 0 : i32
      %dma_wait3A_142 = tpu.memref_slice %arg6[%add3A_15, %dma_wait3A_141] : memref<10240x128xf32, #tpu.memory_space<vmem_shared>> -> memref<125x128xf32, #tpu.memory_space<vmem_shared>>
      tpu.wait_dma2 semaphore(%run_scoped3A_135 : memref<!tpu.dma_semaphore, #tpu.memory_space<semaphore_mem>>) src(%arg9 : memref<125x128xf32, #tpu.memory_space<vmem>>) dst(%dma_wait3A_142 : memref<125x128xf32, #tpu.memory_space<vmem_shared>>)
      tpu.yield
    }) : () -> ()
    %mul3A_16 = arith.constant 640 : i32
    %mul3A_17 = arith.muli %arg1, %mul3A_16 : i32
    %add3A_18 = arith.constant 375 : i32
    %add3A_19 = arith.addi %mul3A_17, %add3A_18 : i32
    "tpu.region"() ({
      %run_scoped3A_135 = tpu.sem_alloc : memref<!tpu.dma_semaphore, #tpu.memory_space<semaphore_mem>>
      %dma_start3A_136 = arith.constant 0 : i32
      %dma_start3A_137 = tpu.memref_slice %arg6[%add3A_19, %dma_start3A_136] : memref<10240x128xf32, #tpu.memory_space<vmem_shared>> -> memref<125x128xf32, #tpu.memory_space<vmem_shared>>
      %dma_start3A_138 = arith.constant 0 : i32
      %dma_start3A_139 = tpu.memref_slice %arg6[%add3A_19, %dma_start3A_138] : memref<10240x128xf32, #tpu.memory_space<vmem_shared>> -> memref<125x128xf32, #tpu.memory_space<vmem_shared>>
      tpu.enqueue_dma source(%arg9 : memref<125x128xf32, #tpu.memory_space<vmem>>) target(%dma_start3A_139 : memref<125x128xf32, #tpu.memory_space<vmem_shared>>) target_semaphore(%run_scoped3A_135 : memref<!tpu.dma_semaphore, #tpu.memory_space<semaphore_mem>>)
      %dma_wait3A = arith.constant 0 : i32
      %dma_wait3A_140 = tpu.memref_slice %arg6[%add3A_19, %dma_wait3A] : memref<10240x128xf32, #tpu.memory_space<vmem_shared>> -> memref<125x128xf32, #tpu.memory_space<vmem_shared>>
      %dma_wait3A_141 = arith.constant 0 : i32
      %dma_wait3A_142 = tpu.memref_slice %arg6[%add3A_19, %dma_wait3A_141] : memref<10240x128xf32, #tpu.memory_space<vmem_shared>> -> memref<125x128xf32, #tpu.memory_space<vmem_shared>>
      tpu.wait_dma2 semaphore(%run_scoped3A_135 : memref<!tpu.dma_semaphore, #tpu.memory_space<semaphore_mem>>) src(%arg9 : memref<125x128xf32, #tpu.memory_space<vmem>>) dst(%dma_wait3A_142 : memref<125x128xf32, #tpu.memory_space<vmem_shared>>)
      tpu.yield
    }) : () -> ()
    %mul3A_20 = arith.constant 640 : i32
    %mul3A_21 = arith.muli %arg1, %mul3A_20 : i32
    %add3A_22 = arith.constant 500 : i32
    %add3A_23 = arith.addi %mul3A_21, %add3A_22 : i32
    "tpu.region"() ({
      %run_scoped3A_135 = tpu.sem_alloc : memref<!tpu.dma_semaphore, #tpu.memory_space<semaphore_mem>>
      %dma_start3A_136 = arith.constant 0 : i32
      %dma_start3A_137 = tpu.memref_slice %arg6[%add3A_23, %dma_start3A_136] : memref<10240x128xf32, #tpu.memory_space<vmem_shared>> -> memref<125x128xf32, #tpu.memory_space<vmem_shared>>
      %dma_start3A_138 = arith.constant 0 : i32
      %dma_start3A_139 = tpu.memref_slice %arg6[%add3A_23, %dma_start3A_138] : memref<10240x128xf32, #tpu.memory_space<vmem_shared>> -> memref<125x128xf32, #tpu.memory_space<vmem_shared>>
      tpu.enqueue_dma source(%arg9 : memref<125x128xf32, #tpu.memory_space<vmem>>) target(%dma_start3A_139 : memref<125x128xf32, #tpu.memory_space<vmem_shared>>) target_semaphore(%run_scoped3A_135 : memref<!tpu.dma_semaphore, #tpu.memory_space<semaphore_mem>>)
      %dma_wait3A = arith.constant 0 : i32
      %dma_wait3A_140 = tpu.memref_slice %arg6[%add3A_23, %dma_wait3A] : memref<10240x128xf32, #tpu.memory_space<vmem_shared>> -> memref<125x128xf32, #tpu.memory_space<vmem_shared>>
      %dma_wait3A_141 = arith.constant 0 : i32
      %dma_wait3A_142 = tpu.memref_slice %arg6[%add3A_23, %dma_wait3A_141] : memref<10240x128xf32, #tpu.memory_space<vmem_shared>> -> memref<125x128xf32, #tpu.memory_space<vmem_shared>>
      tpu.wait_dma2 semaphore(%run_scoped3A_135 : memref<!tpu.dma_semaphore, #tpu.memory_space<semaphore_mem>>) src(%arg9 : memref<125x128xf32, #tpu.memory_space<vmem>>) dst(%dma_wait3A_142 : memref<125x128xf32, #tpu.memory_space<vmem_shared>>)
      tpu.yield
    }) : () -> ()
    %mul3A_24 = arith.constant 640 : i32
    %mul3A_25 = arith.muli %arg1, %mul3A_24 : i32
    %add3A_26 = arith.constant 625 : i32
    %add3A_27 = arith.addi %mul3A_25, %add3A_26 : i32
    "tpu.region"() ({
      %run_scoped3A_135 = tpu.sem_alloc : memref<!tpu.dma_semaphore, #tpu.memory_space<semaphore_mem>>
      %dma_start3A_136 = arith.constant 0 : i32
      %dma_start3A_137 = arith.constant 0 : i32
      %dma_start3A_138 = tpu.memref_slice %arg9[%dma_start3A_136, %dma_start3A_137] : memref<125x128xf32, #tpu.memory_space<vmem>> -> memref<15x128xf32, #tpu.memory_space<vmem>>
      %dma_start3A_139 = arith.constant 0 : i32
      %dma_start3A_140 = tpu.memref_slice %arg6[%add3A_27, %dma_start3A_139] : memref<10240x128xf32, #tpu.memory_space<vmem_shared>> -> memref<15x128xf32, #tpu.memory_space<vmem_shared>>
      %dma_start3A_141 = arith.constant 0 : i32
      %dma_start3A_142 = tpu.memref_slice %arg6[%add3A_27, %dma_start3A_141] : memref<10240x128xf32, #tpu.memory_space<vmem_shared>> -> memref<15x128xf32, #tpu.memory_space<vmem_shared>>
      %dma_start3A_143 = arith.constant 0 : i32
      %dma_start3A_144 = arith.constant 0 : i32
      %dma_start3A_145 = tpu.memref_slice %arg9[%dma_start3A_143, %dma_start3A_144] : memref<125x128xf32, #tpu.memory_space<vmem>> -> memref<15x128xf32, #tpu.memory_space<vmem>>
      tpu.enqueue_dma source(%dma_start3A_145 : memref<15x128xf32, #tpu.memory_space<vmem>>) target(%dma_start3A_142 : memref<15x128xf32, #tpu.memory_space<vmem_shared>>) target_semaphore(%run_scoped3A_135 : memref<!tpu.dma_semaphore, #tpu.memory_space<semaphore_mem>>)
      %dma_wait3A = arith.constant 0 : i32
      %dma_wait3A_146 = arith.constant 0 : i32
      %dma_wait3A_147 = tpu.memref_slice %arg9[%dma_wait3A, %dma_wait3A_146] : memref<125x128xf32, #tpu.memory_space<vmem>> -> memref<15x128xf32, #tpu.memory_space<vmem>>
      %dma_wait3A_148 = arith.constant 0 : i32
      %dma_wait3A_149 = tpu.memref_slice %arg6[%add3A_27, %dma_wait3A_148] : memref<10240x128xf32, #tpu.memory_space<vmem_shared>> -> memref<15x128xf32, #tpu.memory_space<vmem_shared>>
      %dma_wait3A_150 = arith.constant 0 : i32
      %dma_wait3A_151 = tpu.memref_slice %arg6[%add3A_27, %dma_wait3A_150] : memref<10240x128xf32, #tpu.memory_space<vmem_shared>> -> memref<15x128xf32, #tpu.memory_space<vmem_shared>>
      %dma_wait3A_152 = arith.constant 0 : i32
      %dma_wait3A_153 = arith.constant 0 : i32
      %dma_wait3A_154 = tpu.memref_slice %arg9[%dma_wait3A_152, %dma_wait3A_153] : memref<125x128xf32, #tpu.memory_space<vmem>> -> memref<15x128xf32, #tpu.memory_space<vmem>>
      tpu.wait_dma2 semaphore(%run_scoped3A_135 : memref<!tpu.dma_semaphore, #tpu.memory_space<semaphore_mem>>) src(%dma_wait3A_154 : memref<15x128xf32, #tpu.memory_space<vmem>>) dst(%dma_wait3A_151 : memref<15x128xf32, #tpu.memory_space<vmem_shared>>)
      tpu.yield
    }) : () -> ()
    %scan3A_28 = arith.constant 0 : i32
    %scan3A_29 = arith.constant 0 : i32
    %scan3A_30 = arith.constant 640 : i32
    %scan3A_31 = arith.addi %scan3A_29, %scan3A_30 : i32
    %scan3A_32 = arith.constant 1 : i32
    scf.for %scan3A_135 = %scan3A_29 to %scan3A_31 step %scan3A_32  : i32 {
      %mul3A_136 = arith.constant 16 : i32
      %mul3A_137 = arith.muli %scan3A_135, %mul3A_136 : i32
      %swap3A = arith.index_cast %mul3A_137 : i32 to index
      %swap3A_138 = tpu.vector_load %arg13[%swap3A] {strides = array<i32>} : memref<10240xf32, #tpu.memory_space<vmem>>, vector<16xf32>,
      tpu.vector_store %arg13[%swap3A], %broadcast_in_dim3A_0 {strides = array<i32>} : memref<10240xf32, #tpu.memory_space<vmem>>, vector<16xf32>,
    }
    %scan3A_33 = arith.constant 640 : i32
    %barrier3A = arith.constant 0 : index
    tpu.barrier barrier_id(%barrier3A)
    %broadcast_in_dim3A_34 = arith.constant 1.000000e+00 : f32
    %broadcast_in_dim3A_35 = vector.broadcast %broadcast_in_dim3A_34 : f32 to vector<16xf32>
    %iota3A = tpu.iota {dimensions = array<i32: 0>} : vector<16xi32>
    %ge3A = arith.constant 3 : i32
    %ge3A_36 = vector.broadcast %ge3A : i32 to vector<16xi32>
    %ge3A_37 = arith.cmpi sge, %iota3A, %ge3A_36 : vector<16xi32>
    %mul3A_38 = arith.constant 16 : i32
    %mul3A_39 = arith.muli %arg0, %mul3A_38 : i32
    %add3A_40 = arith.addi %mul3A_39, %arg1 : i32
    %run_scoped3A = arith.constant 0 : i32
    "tpu.region"() ({
      %run_scoped3A_135 = tpu.sem_alloc : memref<!tpu.dma_semaphore, #tpu.memory_space<semaphore_mem>>
      %dma_start3A_136 = arith.constant 0 : i32
      %dma_start3A_137 = arith.constant 0 : i32
      %dma_start3A_138 = tpu.memref_slice %arg3[%run_scoped3A, %add3A_40, %dma_start3A_136, %dma_start3A_137] : memref<2x32x80x125xi32, #tpu.memory_space<hbm>> -> memref<1x1x16x125xi32, #tpu.memory_space<hbm>>
      %dma_start3A_139 = tpu.memref_squeeze %dma_start3A_138 : memref<1x1x16x125xi32, #tpu.memory_space<hbm>> -> memref<16x125xi32, #tpu.memory_space<hbm>>
      %dma_start3A_140 = arith.constant 0 : i32
      %dma_start3A_141 = arith.constant 0 : i32
      %dma_start3A_142 = tpu.memref_slice %arg3[%run_scoped3A, %add3A_40, %dma_start3A_140, %dma_start3A_141] : memref<2x32x80x125xi32, #tpu.memory_space<hbm>> -> memref<1x1x16x125xi32, #tpu.memory_space<hbm>>
      %dma_start3A_143 = tpu.memref_squeeze %dma_start3A_142 : memref<1x1x16x125xi32, #tpu.memory_space<hbm>> -> memref<16x125xi32, #tpu.memory_space<hbm>>
      tpu.enqueue_dma source(%dma_start3A_143 : memref<16x125xi32, #tpu.memory_space<hbm>>) target(%arg7 : memref<16x125xi32, #tpu.memory_space<vmem>>) target_semaphore(%run_scoped3A_135 : memref<!tpu.dma_semaphore, #tpu.memory_space<semaphore_mem>>)
      %dma_wait3A = arith.constant 0 : i32
      %dma_wait3A_144 = arith.constant 0 : i32
      %dma_wait3A_145 = tpu.memref_slice %arg3[%run_scoped3A, %add3A_40, %dma_wait3A, %dma_wait3A_144] : memref<2x32x80x125xi32, #tpu.memory_space<hbm>> -> memref<1x1x16x125xi32, #tpu.memory_space<hbm>>
      %dma_wait3A_146 = tpu.memref_squeeze %dma_wait3A_145 : memref<1x1x16x125xi32, #tpu.memory_space<hbm>> -> memref<16x125xi32, #tpu.memory_space<hbm>>
      %dma_wait3A_147 = arith.constant 0 : i32
      %dma_wait3A_148 = arith.constant 0 : i32
      %dma_wait3A_149 = tpu.memref_slice %arg3[%run_scoped3A, %add3A_40, %dma_wait3A_147, %dma_wait3A_148] : memref<2x32x80x125xi32, #tpu.memory_space<hbm>> -> memref<1x1x16x125xi32, #tpu.memory_space<hbm>>
      %dma_wait3A_150 = tpu.memref_squeeze %dma_wait3A_149 : memref<1x1x16x125xi32, #tpu.memory_space<hbm>> -> memref<16x125xi32, #tpu.memory_space<hbm>>
      tpu.wait_dma2 semaphore(%run_scoped3A_135 : memref<!tpu.dma_semaphore, #tpu.memory_space<semaphore_mem>>) src(%dma_wait3A_150 : memref<16x125xi32, #tpu.memory_space<hbm>>) dst(%arg7 : memref<16x125xi32, #tpu.memory_space<vmem>>)
      tpu.yield
    }) : () -> ()
    %run_scoped3A_41 = arith.constant 1 : i32
    "tpu.region"() ({
      %run_scoped3A_135 = tpu.sem_alloc : memref<!tpu.dma_semaphore, #tpu.memory_space<semaphore_mem>>
      %dma_start3A_136 = arith.constant 0 : i32
      %dma_start3A_137 = arith.constant 0 : i32
      %dma_start3A_138 = tpu.memref_slice %arg3[%run_scoped3A_41, %add3A_40, %dma_start3A_136, %dma_start3A_137] : memref<2x32x80x125xi32, #tpu.memory_space<hbm>> -> memref<1x1x16x125xi32, #tpu.memory_space<hbm>>
      %dma_start3A_139 = tpu.memref_squeeze %dma_start3A_138 : memref<1x1x16x125xi32, #tpu.memory_space<hbm>> -> memref<16x125xi32, #tpu.memory_space<hbm>>
      %dma_start3A_140 = arith.constant 0 : i32
      %dma_start3A_141 = arith.constant 0 : i32
      %dma_start3A_142 = tpu.memref_slice %arg3[%run_scoped3A_41, %add3A_40, %dma_start3A_140, %dma_start3A_141] : memref<2x32x80x125xi32, #tpu.memory_space<hbm>> -> memref<1x1x16x125xi32, #tpu.memory_space<hbm>>
      %dma_start3A_143 = tpu.memref_squeeze %dma_start3A_142 : memref<1x1x16x125xi32, #tpu.memory_space<hbm>> -> memref<16x125xi32, #tpu.memory_space<hbm>>
      tpu.enqueue_dma source(%dma_start3A_143 : memref<16x125xi32, #tpu.memory_space<hbm>>) target(%arg8 : memref<16x125xi32, #tpu.memory_space<vmem>>) target_semaphore(%run_scoped3A_135 : memref<!tpu.dma_semaphore, #tpu.memory_space<semaphore_mem>>)
      %dma_wait3A = arith.constant 0 : i32
      %dma_wait3A_144 = arith.constant 0 : i32
      %dma_wait3A_145 = tpu.memref_slice %arg3[%run_scoped3A_41, %add3A_40, %dma_wait3A, %dma_wait3A_144] : memref<2x32x80x125xi32, #tpu.memory_space<hbm>> -> memref<1x1x16x125xi32, #tpu.memory_space<hbm>>
      %dma_wait3A_146 = tpu.memref_squeeze %dma_wait3A_145 : memref<1x1x16x125xi32, #tpu.memory_space<hbm>> -> memref<16x125xi32, #tpu.memory_space<hbm>>
      %dma_wait3A_147 = arith.constant 0 : i32
      %dma_wait3A_148 = arith.constant 0 : i32
      %dma_wait3A_149 = tpu.memref_slice %arg3[%run_scoped3A_41, %add3A_40, %dma_wait3A_147, %dma_wait3A_148] : memref<2x32x80x125xi32, #tpu.memory_space<hbm>> -> memref<1x1x16x125xi32, #tpu.memory_space<hbm>>
      %dma_wait3A_150 = tpu.memref_squeeze %dma_wait3A_149 : memref<1x1x16x125xi32, #tpu.memory_space<hbm>> -> memref<16x125xi32, #tpu.memory_space<hbm>>
      tpu.wait_dma2 semaphore(%run_scoped3A_135 : memref<!tpu.dma_semaphore, #tpu.memory_space<semaphore_mem>>) src(%dma_wait3A_150 : memref<16x125xi32, #tpu.memory_space<hbm>>) dst(%arg8 : memref<16x125xi32, #tpu.memory_space<vmem>>)
      tpu.yield
    }) : () -> ()
    %dma_start3A = arith.constant 0 : i32
    %dma_start3A_42 = arith.constant 0 : i32
    %dma_start3A_43 = tpu.memref_slice %arg8[%dma_start3A, %dma_start3A_42] : memref<16x125xi32, #tpu.memory_space<vmem>> -> memref<1x125xi32, #tpu.memory_space<vmem>>
    %dma_start3A_44 = tpu.memref_squeeze %dma_start3A_43 : memref<1x125xi32, #tpu.memory_space<vmem>> -> memref<125xi32, #tpu.memory_space<vmem>>
    %dma_start3A_45 = arith.constant 0 : i32
    %dma_start3A_46 = arith.constant 0 : i32
    %dma_start3A_47 = tpu.memref_slice %arg2[%dma_start3A_45, %dma_start3A_46] : memref<10000x128xf32, #tpu.memory_space<hbm>> -> memref<10000x128xf32, #tpu.memory_space<hbm>>
    tpu.enqueue_indirect_dma source(%dma_start3A_47 : memref<10000x128xf32, #tpu.memory_space<hbm>>) target(%arg9 : memref<125x128xf32, #tpu.memory_space<vmem>>) offsets(%dma_start3A_44 : memref<125xi32, #tpu.memory_space<vmem>>) semaphore(%arg11 : memref<!tpu.dma_semaphore, #tpu.memory_space<semaphore_mem>>)
    %scan3A_48 = arith.constant 0 : i32
    %scan3A_49 = arith.constant 0 : i32
    %scan3A_50 = arith.constant 8 : i32
    %scan3A_51 = arith.addi %scan3A_49, %scan3A_50 : i32
    %scan3A_52 = arith.constant 1 : i32
    scf.for %scan3A_135 = %scan3A_49 to %scan3A_51 step %scan3A_52  : i32 {
      %mul3A_136 = arith.constant 2 : i32
      %mul3A_137 = arith.muli %mul3A_136, %scan3A_135 : i32
      %add3A_138 = arith.constant 1 : i32
      %add3A_139 = arith.addi %mul3A_137, %add3A_138 : i32
      %dma_start3A_140 = arith.constant 0 : i32
      %dma_start3A_141 = tpu.memref_slice %arg8[%add3A_139, %dma_start3A_140] : memref<16x125xi32, #tpu.memory_space<vmem>> -> memref<1x125xi32, #tpu.memory_space<vmem>>
      %dma_start3A_142 = tpu.memref_squeeze %dma_start3A_141 : memref<1x125xi32, #tpu.memory_space<vmem>> -> memref<125xi32, #tpu.memory_space<vmem>>
      %dma_start3A_143 = arith.constant 0 : i32
      %dma_start3A_144 = arith.constant 0 : i32
      %dma_start3A_145 = tpu.memref_slice %arg2[%dma_start3A_143, %dma_start3A_144] : memref<10000x128xf32, #tpu.memory_space<hbm>> -> memref<10000x128xf32, #tpu.memory_space<hbm>>
      tpu.enqueue_indirect_dma source(%dma_start3A_145 : memref<10000x128xf32, #tpu.memory_space<hbm>>) target(%arg10 : memref<125x128xf32, #tpu.memory_space<vmem>>) offsets(%dma_start3A_142 : memref<125xi32, #tpu.memory_space<vmem>>) semaphore(%arg12 : memref<!tpu.dma_semaphore, #tpu.memory_space<semaphore_mem>>)
      %dma_wait3A = arith.constant 0 : i32
      %dma_wait3A_146 = tpu.memref_slice %arg8[%mul3A_137, %dma_wait3A] : memref<16x125xi32, #tpu.memory_space<vmem>> -> memref<1x125xi32, #tpu.memory_space<vmem>>
      %dma_wait3A_147 = tpu.memref_squeeze %dma_wait3A_146 : memref<1x125xi32, #tpu.memory_space<vmem>> -> memref<125xi32, #tpu.memory_space<vmem>>
      %dma_wait3A_148 = arith.constant 0 : i32
      %dma_wait3A_149 = arith.constant 0 : i32
      %dma_wait3A_150 = tpu.memref_slice %arg2[%dma_wait3A_148, %dma_wait3A_149] : memref<10000x128xf32, #tpu.memory_space<hbm>> -> memref<10000x128xf32, #tpu.memory_space<hbm>>
      tpu.wait_indirect_dma semaphore(%arg11 : memref<!tpu.dma_semaphore, #tpu.memory_space<semaphore_mem>>) src(%dma_wait3A_150 : memref<10000x128xf32, #tpu.memory_space<hbm>>) dst(%arg9 : memref<125x128xf32, #tpu.memory_space<vmem>>)
      %get3A = arith.index_cast %mul3A_137 : i32 to index
      %get3A_151 = arith.constant 0 : index
      %get3A_152 = tpu.vector_load %arg7[%get3A, %get3A_151] {strides = array<i32>} : memref<16x125xi32, #tpu.memory_space<vmem>>, vector<16xi32>,
      tpu.vector_store_idx %arg13[%get3A_152], %broadcast_in_dim3A_35 {add = true} : memref<10240xf32, #tpu.memory_space<vmem>>[vector<16xi32>], vector<16xf32>,
      %get3A_153 = arith.index_cast %mul3A_137 : i32 to index
      %get3A_154 = arith.constant 16 : index
      %get3A_155 = tpu.vector_load %arg7[%get3A_153, %get3A_154] {strides = array<i32>} : memref<16x125xi32, #tpu.memory_space<vmem>>, vector<16xi32>,
      tpu.vector_store_idx %arg13[%get3A_155], %broadcast_in_dim3A_35 {add = true} : memref<10240xf32, #tpu.memory_space<vmem>>[vector<16xi32>], vector<16xf32>,
      %get3A_156 = arith.index_cast %mul3A_137 : i32 to index
      %get3A_157 = arith.constant 32 : index
      %get3A_158 = tpu.vector_load %arg7[%get3A_156, %get3A_157] {strides = array<i32>} : memref<16x125xi32, #tpu.memory_space<vmem>>, vector<16xi32>,
      tpu.vector_store_idx %arg13[%get3A_158], %broadcast_in_dim3A_35 {add = true} : memref<10240xf32, #tpu.memory_space<vmem>>[vector<16xi32>], vector<16xf32>,
      %get3A_159 = arith.index_cast %mul3A_137 : i32 to index
      %get3A_160 = arith.constant 48 : index
      %get3A_161 = tpu.vector_load %arg7[%get3A_159, %get3A_160] {strides = array<i32>} : memref<16x125xi32, #tpu.memory_space<vmem>>, vector<16xi32>,
      tpu.vector_store_idx %arg13[%get3A_161], %broadcast_in_dim3A_35 {add = true} : memref<10240xf32, #tpu.memory_space<vmem>>[vector<16xi32>], vector<16xf32>,
      %get3A_162 = arith.index_cast %mul3A_137 : i32 to index
      %get3A_163 = arith.constant 64 : index
      %get3A_164 = tpu.vector_load %arg7[%get3A_162, %get3A_163] {strides = array<i32>} : memref<16x125xi32, #tpu.memory_space<vmem>>, vector<16xi32>,
      tpu.vector_store_idx %arg13[%get3A_164], %broadcast_in_dim3A_35 {add = true} : memref<10240xf32, #tpu.memory_space<vmem>>[vector<16xi32>], vector<16xf32>,
      %get3A_165 = arith.index_cast %mul3A_137 : i32 to index
      %get3A_166 = arith.constant 80 : index
      %get3A_167 = tpu.vector_load %arg7[%get3A_165, %get3A_166] {strides = array<i32>} : memref<16x125xi32, #tpu.memory_space<vmem>>, vector<16xi32>,
      tpu.vector_store_idx %arg13[%get3A_167], %broadcast_in_dim3A_35 {add = true} : memref<10240xf32, #tpu.memory_space<vmem>>[vector<16xi32>], vector<16xf32>,
      %get3A_168 = arith.index_cast %mul3A_137 : i32 to index
      %get3A_169 = arith.constant 96 : index
      %get3A_170 = tpu.vector_load %arg7[%get3A_168, %get3A_169] {strides = array<i32>} : memref<16x125xi32, #tpu.memory_space<vmem>>, vector<16xi32>,
      tpu.vector_store_idx %arg13[%get3A_170], %broadcast_in_dim3A_35 {add = true} : memref<10240xf32, #tpu.memory_space<vmem>>[vector<16xi32>], vector<16xf32>,
      %get3A_171 = arith.index_cast %mul3A_137 : i32 to index
      %get3A_172 = arith.constant 109 : index
      %get3A_173 = tpu.vector_load %arg7[%get3A_171, %get3A_172] {strides = array<i32>} : memref<16x125xi32, #tpu.memory_space<vmem>>, vector<16xi32>,
      tpu.vector_store_idx %arg13[%get3A_173], %broadcast_in_dim3A_35 masked %ge3A_37 {add = true} : memref<10240xf32, #tpu.memory_space<vmem>>[vector<16xi32>], vector<16xf32>, vector<16xi1>
      "tpu.region"() ({
        %run_scoped3A_212 = tpu.sem_alloc : memref<!tpu.dma_semaphore, #tpu.memory_space<semaphore_mem>>
        %dma_start3A_213 = arith.constant 0 : i32
        %dma_start3A_214 = tpu.memref_slice %arg7[%mul3A_137, %dma_start3A_213] : memref<16x125xi32, #tpu.memory_space<vmem>> -> memref<1x125xi32, #tpu.memory_space<vmem>>
        %dma_start3A_215 = tpu.memref_squeeze %dma_start3A_214 : memref<1x125xi32, #tpu.memory_space<vmem>> -> memref<125xi32, #tpu.memory_space<vmem>>
        %dma_start3A_216 = arith.constant 0 : i32
        %dma_start3A_217 = arith.constant 0 : i32
        %dma_start3A_218 = tpu.memref_slice %arg6[%dma_start3A_216, %dma_start3A_217] : memref<10240x128xf32, #tpu.memory_space<vmem_shared>> -> memref<10240x128xf32, #tpu.memory_space<vmem_shared>>
        tpu.enqueue_indirect_dma source(%arg9 : memref<125x128xf32, #tpu.memory_space<vmem>>) target(%dma_start3A_218 : memref<10240x128xf32, #tpu.memory_space<vmem_shared>>) offsets(%dma_start3A_215 : memref<125xi32, #tpu.memory_space<vmem>>) semaphore(%run_scoped3A_212 : memref<!tpu.dma_semaphore, #tpu.memory_space<semaphore_mem>>) {add = true}
        %dma_wait3A_219 = arith.constant 0 : i32
        %dma_wait3A_220 = tpu.memref_slice %arg7[%mul3A_137, %dma_wait3A_219] : memref<16x125xi32, #tpu.memory_space<vmem>> -> memref<1x125xi32, #tpu.memory_space<vmem>>
        %dma_wait3A_221 = tpu.memref_squeeze %dma_wait3A_220 : memref<1x125xi32, #tpu.memory_space<vmem>> -> memref<125xi32, #tpu.memory_space<vmem>>
        %dma_wait3A_222 = arith.constant 0 : i32
        %dma_wait3A_223 = arith.constant 0 : i32
        %dma_wait3A_224 = tpu.memref_slice %arg6[%dma_wait3A_222, %dma_wait3A_223] : memref<10240x128xf32, #tpu.memory_space<vmem_shared>> -> memref<10240x128xf32, #tpu.memory_space<vmem_shared>>
        tpu.wait_indirect_dma semaphore(%run_scoped3A_212 : memref<!tpu.dma_semaphore, #tpu.memory_space<semaphore_mem>>) src(%arg9 : memref<125x128xf32, #tpu.memory_space<vmem>>) dst(%dma_wait3A_224 : memref<10240x128xf32, #tpu.memory_space<vmem_shared>>)
        tpu.yield
      }) : () -> ()
      %lt3A = arith.constant 7 : i32
      %lt3A_174 = arith.cmpi slt, %scan3A_135, %lt3A : i32
      %convert_element_type3A = arith.extui %lt3A_174 : i1 to i32
      %cond3A = arith.constant 0 : i32
      %cond3A_175 = arith.cmpi ne, %convert_element_type3A, %cond3A : i32
      scf.if %cond3A_175 {
        %add3A_212 = arith.constant 2 : i32
        %add3A_213 = arith.addi %mul3A_137, %add3A_212 : i32
        %dma_start3A_214 = arith.constant 0 : i32
        %dma_start3A_215 = tpu.memref_slice %arg8[%add3A_213, %dma_start3A_214] : memref<16x125xi32, #tpu.memory_space<vmem>> -> memref<1x125xi32, #tpu.memory_space<vmem>>
        %dma_start3A_216 = tpu.memref_squeeze %dma_start3A_215 : memref<1x125xi32, #tpu.memory_space<vmem>> -> memref<125xi32, #tpu.memory_space<vmem>>
        %dma_start3A_217 = arith.constant 0 : i32
        %dma_start3A_218 = arith.constant 0 : i32
        %dma_start3A_219 = tpu.memref_slice %arg2[%dma_start3A_217, %dma_start3A_218] : memref<10000x128xf32, #tpu.memory_space<hbm>> -> memref<10000x128xf32, #tpu.memory_space<hbm>>
        tpu.enqueue_indirect_dma source(%dma_start3A_219 : memref<10000x128xf32, #tpu.memory_space<hbm>>) target(%arg9 : memref<125x128xf32, #tpu.memory_space<vmem>>) offsets(%dma_start3A_216 : memref<125xi32, #tpu.memory_space<vmem>>) semaphore(%arg11 : memref<!tpu.dma_semaphore, #tpu.memory_space<semaphore_mem>>)
      } else {
      }
      %add3A_176 = arith.constant 1 : i32
      %add3A_177 = arith.addi %mul3A_137, %add3A_176 : i32
      %dma_wait3A_178 = arith.constant 0 : i32
      %dma_wait3A_179 = tpu.memref_slice %arg8[%add3A_177, %dma_wait3A_178] : memref<16x125xi32, #tpu.memory_space<vmem>> -> memref<1x125xi32, #tpu.memory_space<vmem>>
      %dma_wait3A_180 = tpu.memref_squeeze %dma_wait3A_179 : memref<1x125xi32, #tpu.memory_space<vmem>> -> memref<125xi32, #tpu.memory_space<vmem>>
      %dma_wait3A_181 = arith.constant 0 : i32
      %dma_wait3A_182 = arith.constant 0 : i32
      %dma_wait3A_183 = tpu.memref_slice %arg2[%dma_wait3A_181, %dma_wait3A_182] : memref<10000x128xf32, #tpu.memory_space<hbm>> -> memref<10000x128xf32, #tpu.memory_space<hbm>>
      tpu.wait_indirect_dma semaphore(%arg12 : memref<!tpu.dma_semaphore, #tpu.memory_space<semaphore_mem>>) src(%dma_wait3A_183 : memref<10000x128xf32, #tpu.memory_space<hbm>>) dst(%arg10 : memref<125x128xf32, #tpu.memory_space<vmem>>)
      %add3A_184 = arith.constant 1 : i32
      %add3A_185 = arith.addi %mul3A_137, %add3A_184 : i32
      %get3A_186 = arith.index_cast %add3A_185 : i32 to index
      %get3A_187 = arith.constant 0 : index
      %get3A_188 = tpu.vector_load %arg7[%get3A_186, %get3A_187] {strides = array<i32>} : memref<16x125xi32, #tpu.memory_space<vmem>>, vector<16xi32>,
      tpu.vector_store_idx %arg13[%get3A_188], %broadcast_in_dim3A_35 {add = true} : memref<10240xf32, #tpu.memory_space<vmem>>[vector<16xi32>], vector<16xf32>,
      %get3A_189 = arith.index_cast %add3A_185 : i32 to index
      %get3A_190 = arith.constant 16 : index
      %get3A_191 = tpu.vector_load %arg7[%get3A_189, %get3A_190] {strides = array<i32>} : memref<16x125xi32, #tpu.memory_space<vmem>>, vector<16xi32>,
      tpu.vector_store_idx %arg13[%get3A_191], %broadcast_in_dim3A_35 {add = true} : memref<10240xf32, #tpu.memory_space<vmem>>[vector<16xi32>], vector<16xf32>,
      %get3A_192 = arith.index_cast %add3A_185 : i32 to index
      %get3A_193 = arith.constant 32 : index
      %get3A_194 = tpu.vector_load %arg7[%get3A_192, %get3A_193] {strides = array<i32>} : memref<16x125xi32, #tpu.memory_space<vmem>>, vector<16xi32>,
      tpu.vector_store_idx %arg13[%get3A_194], %broadcast_in_dim3A_35 {add = true} : memref<10240xf32, #tpu.memory_space<vmem>>[vector<16xi32>], vector<16xf32>,
      %get3A_195 = arith.index_cast %add3A_185 : i32 to index
      %get3A_196 = arith.constant 48 : index
      %get3A_197 = tpu.vector_load %arg7[%get3A_195, %get3A_196] {strides = array<i32>} : memref<16x125xi32, #tpu.memory_space<vmem>>, vector<16xi32>,
      tpu.vector_store_idx %arg13[%get3A_197], %broadcast_in_dim3A_35 {add = true} : memref<10240xf32, #tpu.memory_space<vmem>>[vector<16xi32>], vector<16xf32>,
      %get3A_198 = arith.index_cast %add3A_185 : i32 to index
      %get3A_199 = arith.constant 64 : index
      %get3A_200 = tpu.vector_load %arg7[%get3A_198, %get3A_199] {strides = array<i32>} : memref<16x125xi32, #tpu.memory_space<vmem>>, vector<16xi32>,
      tpu.vector_store_idx %arg13[%get3A_200], %broadcast_in_dim3A_35 {add = true} : memref<10240xf32, #tpu.memory_space<vmem>>[vector<16xi32>], vector<16xf32>,
      %get3A_201 = arith.index_cast %add3A_185 : i32 to index
      %get3A_202 = arith.constant 80 : index
      %get3A_203 = tpu.vector_load %arg7[%get3A_201, %get3A_202] {strides = array<i32>} : memref<16x125xi32, #tpu.memory_space<vmem>>, vector<16xi32>,
      tpu.vector_store_idx %arg13[%get3A_203], %broadcast_in_dim3A_35 {add = true} : memref<10240xf32, #tpu.memory_space<vmem>>[vector<16xi32>], vector<16xf32>,
      %get3A_204 = arith.index_cast %add3A_185 : i32 to index
      %get3A_205 = arith.constant 96 : index
      %get3A_206 = tpu.vector_load %arg7[%get3A_204, %get3A_205] {strides = array<i32>} : memref<16x125xi32, #tpu.memory_space<vmem>>, vector<16xi32>,
      tpu.vector_store_idx %arg13[%get3A_206], %broadcast_in_dim3A_35 {add = true} : memref<10240xf32, #tpu.memory_space<vmem>>[vector<16xi32>], vector<16xf32>,
      %get3A_207 = arith.index_cast %add3A_185 : i32 to index
      %get3A_208 = arith.constant 109 : index
      %get3A_209 = tpu.vector_load %arg7[%get3A_207, %get3A_208] {strides = array<i32>} : memref<16x125xi32, #tpu.memory_space<vmem>>, vector<16xi32>,
      tpu.vector_store_idx %arg13[%get3A_209], %broadcast_in_dim3A_35 masked %ge3A_37 {add = true} : memref<10240xf32, #tpu.memory_space<vmem>>[vector<16xi32>], vector<16xf32>, vector<16xi1>
      %add3A_210 = arith.constant 1 : i32
      %add3A_211 = arith.addi %mul3A_137, %add3A_210 : i32
      "tpu.region"() ({
        %run_scoped3A_212 = tpu.sem_alloc : memref<!tpu.dma_semaphore, #tpu.memory_space<semaphore_mem>>
        %dma_start3A_213 = arith.constant 0 : i32
        %dma_start3A_214 = tpu.memref_slice %arg7[%add3A_211, %dma_start3A_213] : memref<16x125xi32, #tpu.memory_space<vmem>> -> memref<1x125xi32, #tpu.memory_space<vmem>>
        %dma_start3A_215 = tpu.memref_squeeze %dma_start3A_214 : memref<1x125xi32, #tpu.memory_space<vmem>> -> memref<125xi32, #tpu.memory_space<vmem>>
        %dma_start3A_216 = arith.constant 0 : i32
        %dma_start3A_217 = arith.constant 0 : i32
        %dma_start3A_218 = tpu.memref_slice %arg6[%dma_start3A_216, %dma_start3A_217] : memref<10240x128xf32, #tpu.memory_space<vmem_shared>> -> memref<10240x128xf32, #tpu.memory_space<vmem_shared>>
        tpu.enqueue_indirect_dma source(%arg10 : memref<125x128xf32, #tpu.memory_space<vmem>>) target(%dma_start3A_218 : memref<10240x128xf32, #tpu.memory_space<vmem_shared>>) offsets(%dma_start3A_215 : memref<125xi32, #tpu.memory_space<vmem>>) semaphore(%run_scoped3A_212 : memref<!tpu.dma_semaphore, #tpu.memory_space<semaphore_mem>>) {add = true}
        %dma_wait3A_219 = arith.constant 0 : i32
        %dma_wait3A_220 = tpu.memref_slice %arg7[%add3A_211, %dma_wait3A_219] : memref<16x125xi32, #tpu.memory_space<vmem>> -> memref<1x125xi32, #tpu.memory_space<vmem>>
        %dma_wait3A_221 = tpu.memref_squeeze %dma_wait3A_220 : memref<1x125xi32, #tpu.memory_space<vmem>> -> memref<125xi32, #tpu.memory_space<vmem>>
        %dma_wait3A_222 = arith.constant 0 : i32
        %dma_wait3A_223 = arith.constant 0 : i32
        %dma_wait3A_224 = tpu.memref_slice %arg6[%dma_wait3A_222, %dma_wait3A_223] : memref<10240x128xf32, #tpu.memory_space<vmem_shared>> -> memref<10240x128xf32, #tpu.memory_space<vmem_shared>>
        tpu.wait_indirect_dma semaphore(%run_scoped3A_212 : memref<!tpu.dma_semaphore, #tpu.memory_space<semaphore_mem>>) src(%arg10 : memref<125x128xf32, #tpu.memory_space<vmem>>) dst(%dma_wait3A_224 : memref<10240x128xf32, #tpu.memory_space<vmem_shared>>)
        tpu.yield
      }) : () -> ()
    }
    %scan3A_53 = arith.constant 8 : i32
    %mul3A_54 = arith.constant 16 : i32
    %mul3A_55 = arith.muli %arg0, %mul3A_54 : i32
    %add3A_56 = arith.addi %mul3A_55, %arg1 : i32
    %run_scoped3A_57 = arith.constant 0 : i32
    "tpu.region"() ({
      %run_scoped3A_135 = tpu.sem_alloc : memref<!tpu.dma_semaphore, #tpu.memory_space<semaphore_mem>>
      %dma_start3A_136 = arith.constant 16 : i32
      %dma_start3A_137 = arith.constant 0 : i32
      %dma_start3A_138 = tpu.memref_slice %arg3[%run_scoped3A_57, %add3A_56, %dma_start3A_136, %dma_start3A_137] : memref<2x32x80x125xi32, #tpu.memory_space<hbm>> -> memref<1x1x16x125xi32, #tpu.memory_space<hbm>>
      %dma_start3A_139 = tpu.memref_squeeze %dma_start3A_138 : memref<1x1x16x125xi32, #tpu.memory_space<hbm>> -> memref<16x125xi32, #tpu.memory_space<hbm>>
      %dma_start3A_140 = arith.constant 16 : i32
      %dma_start3A_141 = arith.constant 0 : i32
      %dma_start3A_142 = tpu.memref_slice %arg3[%run_scoped3A_57, %add3A_56, %dma_start3A_140, %dma_start3A_141] : memref<2x32x80x125xi32, #tpu.memory_space<hbm>> -> memref<1x1x16x125xi32, #tpu.memory_space<hbm>>
      %dma_start3A_143 = tpu.memref_squeeze %dma_start3A_142 : memref<1x1x16x125xi32, #tpu.memory_space<hbm>> -> memref<16x125xi32, #tpu.memory_space<hbm>>
      tpu.enqueue_dma source(%dma_start3A_143 : memref<16x125xi32, #tpu.memory_space<hbm>>) target(%arg7 : memref<16x125xi32, #tpu.memory_space<vmem>>) target_semaphore(%run_scoped3A_135 : memref<!tpu.dma_semaphore, #tpu.memory_space<semaphore_mem>>)
      %dma_wait3A = arith.constant 16 : i32
      %dma_wait3A_144 = arith.constant 0 : i32
      %dma_wait3A_145 = tpu.memref_slice %arg3[%run_scoped3A_57, %add3A_56, %dma_wait3A, %dma_wait3A_144] : memref<2x32x80x125xi32, #tpu.memory_space<hbm>> -> memref<1x1x16x125xi32, #tpu.memory_space<hbm>>
      %dma_wait3A_146 = tpu.memref_squeeze %dma_wait3A_145 : memref<1x1x16x125xi32, #tpu.memory_space<hbm>> -> memref<16x125xi32, #tpu.memory_space<hbm>>
      %dma_wait3A_147 = arith.constant 16 : i32
      %dma_wait3A_148 = arith.constant 0 : i32
      %dma_wait3A_149 = tpu.memref_slice %arg3[%run_scoped3A_57, %add3A_56, %dma_wait3A_147, %dma_wait3A_148] : memref<2x32x80x125xi32, #tpu.memory_space<hbm>> -> memref<1x1x16x125xi32, #tpu.memory_space<hbm>>
      %dma_wait3A_150 = tpu.memref_squeeze %dma_wait3A_149 : memref<1x1x16x125xi32, #tpu.memory_space<hbm>> -> memref<16x125xi32, #tpu.memory_space<hbm>>
      tpu.wait_dma2 semaphore(%run_scoped3A_135 : memref<!tpu.dma_semaphore, #tpu.memory_space<semaphore_mem>>) src(%dma_wait3A_150 : memref<16x125xi32, #tpu.memory_space<hbm>>) dst(%arg7 : memref<16x125xi32, #tpu.memory_space<vmem>>)
      tpu.yield
    }) : () -> ()
    %run_scoped3A_58 = arith.constant 1 : i32
    "tpu.region"() ({
      %run_scoped3A_135 = tpu.sem_alloc : memref<!tpu.dma_semaphore, #tpu.memory_space<semaphore_mem>>
      %dma_start3A_136 = arith.constant 16 : i32
      %dma_start3A_137 = arith.constant 0 : i32
      %dma_start3A_138 = tpu.memref_slice %arg3[%run_scoped3A_58, %add3A_56, %dma_start3A_136, %dma_start3A_137] : memref<2x32x80x125xi32, #tpu.memory_space<hbm>> -> memref<1x1x16x125xi32, #tpu.memory_space<hbm>>
      %dma_start3A_139 = tpu.memref_squeeze %dma_start3A_138 : memref<1x1x16x125xi32, #tpu.memory_space<hbm>> -> memref<16x125xi32, #tpu.memory_space<hbm>>
      %dma_start3A_140 = arith.constant 16 : i32
      %dma_start3A_141 = arith.constant 0 : i32
      %dma_start3A_142 = tpu.memref_slice %arg3[%run_scoped3A_58, %add3A_56, %dma_start3A_140, %dma_start3A_141] : memref<2x32x80x125xi32, #tpu.memory_space<hbm>> -> memref<1x1x16x125xi32, #tpu.memory_space<hbm>>
      %dma_start3A_143 = tpu.memref_squeeze %dma_start3A_142 : memref<1x1x16x125xi32, #tpu.memory_space<hbm>> -> memref<16x125xi32, #tpu.memory_space<hbm>>
      tpu.enqueue_dma source(%dma_start3A_143 : memref<16x125xi32, #tpu.memory_space<hbm>>) target(%arg8 : memref<16x125xi32, #tpu.memory_space<vmem>>) target_semaphore(%run_scoped3A_135 : memref<!tpu.dma_semaphore, #tpu.memory_space<semaphore_mem>>)
      %dma_wait3A = arith.constant 16 : i32
      %dma_wait3A_144 = arith.constant 0 : i32
      %dma_wait3A_145 = tpu.memref_slice %arg3[%run_scoped3A_58, %add3A_56, %dma_wait3A, %dma_wait3A_144] : memref<2x32x80x125xi32, #tpu.memory_space<hbm>> -> memref<1x1x16x125xi32, #tpu.memory_space<hbm>>
      %dma_wait3A_146 = tpu.memref_squeeze %dma_wait3A_145 : memref<1x1x16x125xi32, #tpu.memory_space<hbm>> -> memref<16x125xi32, #tpu.memory_space<hbm>>
      %dma_wait3A_147 = arith.constant 16 : i32
      %dma_wait3A_148 = arith.constant 0 : i32
      %dma_wait3A_149 = tpu.memref_slice %arg3[%run_scoped3A_58, %add3A_56, %dma_wait3A_147, %dma_wait3A_148] : memref<2x32x80x125xi32, #tpu.memory_space<hbm>> -> memref<1x1x16x125xi32, #tpu.memory_space<hbm>>
      %dma_wait3A_150 = tpu.memref_squeeze %dma_wait3A_149 : memref<1x1x16x125xi32, #tpu.memory_space<hbm>> -> memref<16x125xi32, #tpu.memory_space<hbm>>
      tpu.wait_dma2 semaphore(%run_scoped3A_135 : memref<!tpu.dma_semaphore, #tpu.memory_space<semaphore_mem>>) src(%dma_wait3A_150 : memref<16x125xi32, #tpu.memory_space<hbm>>) dst(%arg8 : memref<16x125xi32, #tpu.memory_space<vmem>>)
      tpu.yield
    }) : () -> ()
    %dma_start3A_59 = arith.constant 0 : i32
    %dma_start3A_60 = arith.constant 0 : i32
    %dma_start3A_61 = tpu.memref_slice %arg8[%dma_start3A_59, %dma_start3A_60] : memref<16x125xi32, #tpu.memory_space<vmem>> -> memref<1x125xi32, #tpu.memory_space<vmem>>
    %dma_start3A_62 = tpu.memref_squeeze %dma_start3A_61 : memref<1x125xi32, #tpu.memory_space<vmem>> -> memref<125xi32, #tpu.memory_space<vmem>>
    %dma_start3A_63 = arith.constant 0 : i32
    %dma_start3A_64 = arith.constant 0 : i32
    %dma_start3A_65 = tpu.memref_slice %arg2[%dma_start3A_63, %dma_start3A_64] : memref<10000x128xf32, #tpu.memory_space<hbm>> -> memref<10000x128xf32, #tpu.memory_space<hbm>>
    tpu.enqueue_indirect_dma source(%dma_start3A_65 : memref<10000x128xf32, #tpu.memory_space<hbm>>) target(%arg9 : memref<125x128xf32, #tpu.memory_space<vmem>>) offsets(%dma_start3A_62 : memref<125xi32, #tpu.memory_space<vmem>>) semaphore(%arg11 : memref<!tpu.dma_semaphore, #tpu.memory_space<semaphore_mem>>)
    %scan3A_66 = arith.constant 0 : i32
    %scan3A_67 = arith.constant 0 : i32
    %scan3A_68 = arith.constant 8 : i32
    %scan3A_69 = arith.addi %scan3A_67, %scan3A_68 : i32
    %scan3A_70 = arith.constant 1 : i32
    scf.for %scan3A_135 = %scan3A_67 to %scan3A_69 step %scan3A_70  : i32 {
      %mul3A_136 = arith.constant 2 : i32
      %mul3A_137 = arith.muli %mul3A_136, %scan3A_135 : i32
      %add3A_138 = arith.constant 1 : i32
      %add3A_139 = arith.addi %mul3A_137, %add3A_138 : i32
      %dma_start3A_140 = arith.constant 0 : i32
      %dma_start3A_141 = tpu.memref_slice %arg8[%add3A_139, %dma_start3A_140] : memref<16x125xi32, #tpu.memory_space<vmem>> -> memref<1x125xi32, #tpu.memory_space<vmem>>
      %dma_start3A_142 = tpu.memref_squeeze %dma_start3A_141 : memref<1x125xi32, #tpu.memory_space<vmem>> -> memref<125xi32, #tpu.memory_space<vmem>>
      %dma_start3A_143 = arith.constant 0 : i32
      %dma_start3A_144 = arith.constant 0 : i32
      %dma_start3A_145 = tpu.memref_slice %arg2[%dma_start3A_143, %dma_start3A_144] : memref<10000x128xf32, #tpu.memory_space<hbm>> -> memref<10000x128xf32, #tpu.memory_space<hbm>>
      tpu.enqueue_indirect_dma source(%dma_start3A_145 : memref<10000x128xf32, #tpu.memory_space<hbm>>) target(%arg10 : memref<125x128xf32, #tpu.memory_space<vmem>>) offsets(%dma_start3A_142 : memref<125xi32, #tpu.memory_space<vmem>>) semaphore(%arg12 : memref<!tpu.dma_semaphore, #tpu.memory_space<semaphore_mem>>)
      %dma_wait3A = arith.constant 0 : i32
      %dma_wait3A_146 = tpu.memref_slice %arg8[%mul3A_137, %dma_wait3A] : memref<16x125xi32, #tpu.memory_space<vmem>> -> memref<1x125xi32, #tpu.memory_space<vmem>>
      %dma_wait3A_147 = tpu.memref_squeeze %dma_wait3A_146 : memref<1x125xi32, #tpu.memory_space<vmem>> -> memref<125xi32, #tpu.memory_space<vmem>>
      %dma_wait3A_148 = arith.constant 0 : i32
      %dma_wait3A_149 = arith.constant 0 : i32
      %dma_wait3A_150 = tpu.memref_slice %arg2[%dma_wait3A_148, %dma_wait3A_149] : memref<10000x128xf32, #tpu.memory_space<hbm>> -> memref<10000x128xf32, #tpu.memory_space<hbm>>
      tpu.wait_indirect_dma semaphore(%arg11 : memref<!tpu.dma_semaphore, #tpu.memory_space<semaphore_mem>>) src(%dma_wait3A_150 : memref<10000x128xf32, #tpu.memory_space<hbm>>) dst(%arg9 : memref<125x128xf32, #tpu.memory_space<vmem>>)
      %get3A = arith.index_cast %mul3A_137 : i32 to index
      %get3A_151 = arith.constant 0 : index
      %get3A_152 = tpu.vector_load %arg7[%get3A, %get3A_151] {strides = array<i32>} : memref<16x125xi32, #tpu.memory_space<vmem>>, vector<16xi32>,
      tpu.vector_store_idx %arg13[%get3A_152], %broadcast_in_dim3A_35 {add = true} : memref<10240xf32, #tpu.memory_space<vmem>>[vector<16xi32>], vector<16xf32>,
      %get3A_153 = arith.index_cast %mul3A_137 : i32 to index
      %get3A_154 = arith.constant 16 : index
      %get3A_155 = tpu.vector_load %arg7[%get3A_153, %get3A_154] {strides = array<i32>} : memref<16x125xi32, #tpu.memory_space<vmem>>, vector<16xi32>,
      tpu.vector_store_idx %arg13[%get3A_155], %broadcast_in_dim3A_35 {add = true} : memref<10240xf32, #tpu.memory_space<vmem>>[vector<16xi32>], vector<16xf32>,
      %get3A_156 = arith.index_cast %mul3A_137 : i32 to index
      %get3A_157 = arith.constant 32 : index
      %get3A_158 = tpu.vector_load %arg7[%get3A_156, %get3A_157] {strides = array<i32>} : memref<16x125xi32, #tpu.memory_space<vmem>>, vector<16xi32>,
      tpu.vector_store_idx %arg13[%get3A_158], %broadcast_in_dim3A_35 {add = true} : memref<10240xf32, #tpu.memory_space<vmem>>[vector<16xi32>], vector<16xf32>,
      %get3A_159 = arith.index_cast %mul3A_137 : i32 to index
      %get3A_160 = arith.constant 48 : index
      %get3A_161 = tpu.vector_load %arg7[%get3A_159, %get3A_160] {strides = array<i32>} : memref<16x125xi32, #tpu.memory_space<vmem>>, vector<16xi32>,
      tpu.vector_store_idx %arg13[%get3A_161], %broadcast_in_dim3A_35 {add = true} : memref<10240xf32, #tpu.memory_space<vmem>>[vector<16xi32>], vector<16xf32>,
      %get3A_162 = arith.index_cast %mul3A_137 : i32 to index
      %get3A_163 = arith.constant 64 : index
      %get3A_164 = tpu.vector_load %arg7[%get3A_162, %get3A_163] {strides = array<i32>} : memref<16x125xi32, #tpu.memory_space<vmem>>, vector<16xi32>,
      tpu.vector_store_idx %arg13[%get3A_164], %broadcast_in_dim3A_35 {add = true} : memref<10240xf32, #tpu.memory_space<vmem>>[vector<16xi32>], vector<16xf32>,
      %get3A_165 = arith.index_cast %mul3A_137 : i32 to index
      %get3A_166 = arith.constant 80 : index
      %get3A_167 = tpu.vector_load %arg7[%get3A_165, %get3A_166] {strides = array<i32>} : memref<16x125xi32, #tpu.memory_space<vmem>>, vector<16xi32>,
      tpu.vector_store_idx %arg13[%get3A_167], %broadcast_in_dim3A_35 {add = true} : memref<10240xf32, #tpu.memory_space<vmem>>[vector<16xi32>], vector<16xf32>,
      %get3A_168 = arith.index_cast %mul3A_137 : i32 to index
      %get3A_169 = arith.constant 96 : index
      %get3A_170 = tpu.vector_load %arg7[%get3A_168, %get3A_169] {strides = array<i32>} : memref<16x125xi32, #tpu.memory_space<vmem>>, vector<16xi32>,
      tpu.vector_store_idx %arg13[%get3A_170], %broadcast_in_dim3A_35 {add = true} : memref<10240xf32, #tpu.memory_space<vmem>>[vector<16xi32>], vector<16xf32>,
      %get3A_171 = arith.index_cast %mul3A_137 : i32 to index
      %get3A_172 = arith.constant 109 : index
      %get3A_173 = tpu.vector_load %arg7[%get3A_171, %get3A_172] {strides = array<i32>} : memref<16x125xi32, #tpu.memory_space<vmem>>, vector<16xi32>,
      tpu.vector_store_idx %arg13[%get3A_173], %broadcast_in_dim3A_35 masked %ge3A_37 {add = true} : memref<10240xf32, #tpu.memory_space<vmem>>[vector<16xi32>], vector<16xf32>, vector<16xi1>
      "tpu.region"() ({
        %run_scoped3A_212 = tpu.sem_alloc : memref<!tpu.dma_semaphore, #tpu.memory_space<semaphore_mem>>
        %dma_start3A_213 = arith.constant 0 : i32
        %dma_start3A_214 = tpu.memref_slice %arg7[%mul3A_137, %dma_start3A_213] : memref<16x125xi32, #tpu.memory_space<vmem>> -> memref<1x125xi32, #tpu.memory_space<vmem>>
        %dma_start3A_215 = tpu.memref_squeeze %dma_start3A_214 : memref<1x125xi32, #tpu.memory_space<vmem>> -> memref<125xi32, #tpu.memory_space<vmem>>
        %dma_start3A_216 = arith.constant 0 : i32
        %dma_start3A_217 = arith.constant 0 : i32
        %dma_start3A_218 = tpu.memref_slice %arg6[%dma_start3A_216, %dma_start3A_217] : memref<10240x128xf32, #tpu.memory_space<vmem_shared>> -> memref<10240x128xf32, #tpu.memory_space<vmem_shared>>
        tpu.enqueue_indirect_dma source(%arg9 : memref<125x128xf32, #tpu.memory_space<vmem>>) target(%dma_start3A_218 : memref<10240x128xf32, #tpu.memory_space<vmem_shared>>) offsets(%dma_start3A_215 : memref<125xi32, #tpu.memory_space<vmem>>) semaphore(%run_scoped3A_212 : memref<!tpu.dma_semaphore, #tpu.memory_space<semaphore_mem>>) {add = true}
        %dma_wait3A_219 = arith.constant 0 : i32
        %dma_wait3A_220 = tpu.memref_slice %arg7[%mul3A_137, %dma_wait3A_219] : memref<16x125xi32, #tpu.memory_space<vmem>> -> memref<1x125xi32, #tpu.memory_space<vmem>>
        %dma_wait3A_221 = tpu.memref_squeeze %dma_wait3A_220 : memref<1x125xi32, #tpu.memory_space<vmem>> -> memref<125xi32, #tpu.memory_space<vmem>>
        %dma_wait3A_222 = arith.constant 0 : i32
        %dma_wait3A_223 = arith.constant 0 : i32
        %dma_wait3A_224 = tpu.memref_slice %arg6[%dma_wait3A_222, %dma_wait3A_223] : memref<10240x128xf32, #tpu.memory_space<vmem_shared>> -> memref<10240x128xf32, #tpu.memory_space<vmem_shared>>
        tpu.wait_indirect_dma semaphore(%run_scoped3A_212 : memref<!tpu.dma_semaphore, #tpu.memory_space<semaphore_mem>>) src(%arg9 : memref<125x128xf32, #tpu.memory_space<vmem>>) dst(%dma_wait3A_224 : memref<10240x128xf32, #tpu.memory_space<vmem_shared>>)
        tpu.yield
      }) : () -> ()
      %lt3A = arith.constant 7 : i32
      %lt3A_174 = arith.cmpi slt, %scan3A_135, %lt3A : i32
      %convert_element_type3A = arith.extui %lt3A_174 : i1 to i32
      %cond3A = arith.constant 0 : i32
      %cond3A_175 = arith.cmpi ne, %convert_element_type3A, %cond3A : i32
      scf.if %cond3A_175 {
        %add3A_212 = arith.constant 2 : i32
        %add3A_213 = arith.addi %mul3A_137, %add3A_212 : i32
        %dma_start3A_214 = arith.constant 0 : i32
        %dma_start3A_215 = tpu.memref_slice %arg8[%add3A_213, %dma_start3A_214] : memref<16x125xi32, #tpu.memory_space<vmem>> -> memref<1x125xi32, #tpu.memory_space<vmem>>
        %dma_start3A_216 = tpu.memref_squeeze %dma_start3A_215 : memref<1x125xi32, #tpu.memory_space<vmem>> -> memref<125xi32, #tpu.memory_space<vmem>>
        %dma_start3A_217 = arith.constant 0 : i32
        %dma_start3A_218 = arith.constant 0 : i32
        %dma_start3A_219 = tpu.memref_slice %arg2[%dma_start3A_217, %dma_start3A_218] : memref<10000x128xf32, #tpu.memory_space<hbm>> -> memref<10000x128xf32, #tpu.memory_space<hbm>>
        tpu.enqueue_indirect_dma source(%dma_start3A_219 : memref<10000x128xf32, #tpu.memory_space<hbm>>) target(%arg9 : memref<125x128xf32, #tpu.memory_space<vmem>>) offsets(%dma_start3A_216 : memref<125xi32, #tpu.memory_space<vmem>>) semaphore(%arg11 : memref<!tpu.dma_semaphore, #tpu.memory_space<semaphore_mem>>)
      } else {
      }
      %add3A_176 = arith.constant 1 : i32
      %add3A_177 = arith.addi %mul3A_137, %add3A_176 : i32
      %dma_wait3A_178 = arith.constant 0 : i32
      %dma_wait3A_179 = tpu.memref_slice %arg8[%add3A_177, %dma_wait3A_178] : memref<16x125xi32, #tpu.memory_space<vmem>> -> memref<1x125xi32, #tpu.memory_space<vmem>>
      %dma_wait3A_180 = tpu.memref_squeeze %dma_wait3A_179 : memref<1x125xi32, #tpu.memory_space<vmem>> -> memref<125xi32, #tpu.memory_space<vmem>>
      %dma_wait3A_181 = arith.constant 0 : i32
      %dma_wait3A_182 = arith.constant 0 : i32
      %dma_wait3A_183 = tpu.memref_slice %arg2[%dma_wait3A_181, %dma_wait3A_182] : memref<10000x128xf32, #tpu.memory_space<hbm>> -> memref<10000x128xf32, #tpu.memory_space<hbm>>
      tpu.wait_indirect_dma semaphore(%arg12 : memref<!tpu.dma_semaphore, #tpu.memory_space<semaphore_mem>>) src(%dma_wait3A_183 : memref<10000x128xf32, #tpu.memory_space<hbm>>) dst(%arg10 : memref<125x128xf32, #tpu.memory_space<vmem>>)
      %add3A_184 = arith.constant 1 : i32
      %add3A_185 = arith.addi %mul3A_137, %add3A_184 : i32
      %get3A_186 = arith.index_cast %add3A_185 : i32 to index
      %get3A_187 = arith.constant 0 : index
      %get3A_188 = tpu.vector_load %arg7[%get3A_186, %get3A_187] {strides = array<i32>} : memref<16x125xi32, #tpu.memory_space<vmem>>, vector<16xi32>,
      tpu.vector_store_idx %arg13[%get3A_188], %broadcast_in_dim3A_35 {add = true} : memref<10240xf32, #tpu.memory_space<vmem>>[vector<16xi32>], vector<16xf32>,
      %get3A_189 = arith.index_cast %add3A_185 : i32 to index
      %get3A_190 = arith.constant 16 : index
      %get3A_191 = tpu.vector_load %arg7[%get3A_189, %get3A_190] {strides = array<i32>} : memref<16x125xi32, #tpu.memory_space<vmem>>, vector<16xi32>,
      tpu.vector_store_idx %arg13[%get3A_191], %broadcast_in_dim3A_35 {add = true} : memref<10240xf32, #tpu.memory_space<vmem>>[vector<16xi32>], vector<16xf32>,
      %get3A_192 = arith.index_cast %add3A_185 : i32 to index
      %get3A_193 = arith.constant 32 : index
      %get3A_194 = tpu.vector_load %arg7[%get3A_192, %get3A_193] {strides = array<i32>} : memref<16x125xi32, #tpu.memory_space<vmem>>, vector<16xi32>,
      tpu.vector_store_idx %arg13[%get3A_194], %broadcast_in_dim3A_35 {add = true} : memref<10240xf32, #tpu.memory_space<vmem>>[vector<16xi32>], vector<16xf32>,
      %get3A_195 = arith.index_cast %add3A_185 : i32 to index
      %get3A_196 = arith.constant 48 : index
      %get3A_197 = tpu.vector_load %arg7[%get3A_195, %get3A_196] {strides = array<i32>} : memref<16x125xi32, #tpu.memory_space<vmem>>, vector<16xi32>,
      tpu.vector_store_idx %arg13[%get3A_197], %broadcast_in_dim3A_35 {add = true} : memref<10240xf32, #tpu.memory_space<vmem>>[vector<16xi32>], vector<16xf32>,
      %get3A_198 = arith.index_cast %add3A_185 : i32 to index
      %get3A_199 = arith.constant 64 : index
      %get3A_200 = tpu.vector_load %arg7[%get3A_198, %get3A_199] {strides = array<i32>} : memref<16x125xi32, #tpu.memory_space<vmem>>, vector<16xi32>,
      tpu.vector_store_idx %arg13[%get3A_200], %broadcast_in_dim3A_35 {add = true} : memref<10240xf32, #tpu.memory_space<vmem>>[vector<16xi32>], vector<16xf32>,
      %get3A_201 = arith.index_cast %add3A_185 : i32 to index
      %get3A_202 = arith.constant 80 : index
      %get3A_203 = tpu.vector_load %arg7[%get3A_201, %get3A_202] {strides = array<i32>} : memref<16x125xi32, #tpu.memory_space<vmem>>, vector<16xi32>,
      tpu.vector_store_idx %arg13[%get3A_203], %broadcast_in_dim3A_35 {add = true} : memref<10240xf32, #tpu.memory_space<vmem>>[vector<16xi32>], vector<16xf32>,
      %get3A_204 = arith.index_cast %add3A_185 : i32 to index
      %get3A_205 = arith.constant 96 : index
      %get3A_206 = tpu.vector_load %arg7[%get3A_204, %get3A_205] {strides = array<i32>} : memref<16x125xi32, #tpu.memory_space<vmem>>, vector<16xi32>,
      tpu.vector_store_idx %arg13[%get3A_206], %broadcast_in_dim3A_35 {add = true} : memref<10240xf32, #tpu.memory_space<vmem>>[vector<16xi32>], vector<16xf32>,
      %get3A_207 = arith.index_cast %add3A_185 : i32 to index
      %get3A_208 = arith.constant 109 : index
      %get3A_209 = tpu.vector_load %arg7[%get3A_207, %get3A_208] {strides = array<i32>} : memref<16x125xi32, #tpu.memory_space<vmem>>, vector<16xi32>,
      tpu.vector_store_idx %arg13[%get3A_209], %broadcast_in_dim3A_35 masked %ge3A_37 {add = true} : memref<10240xf32, #tpu.memory_space<vmem>>[vector<16xi32>], vector<16xf32>, vector<16xi1>
      %add3A_210 = arith.constant 1 : i32
      %add3A_211 = arith.addi %mul3A_137, %add3A_210 : i32
      "tpu.region"() ({
        %run_scoped3A_212 = tpu.sem_alloc : memref<!tpu.dma_semaphore, #tpu.memory_space<semaphore_mem>>
        %dma_start3A_213 = arith.constant 0 : i32
        %dma_start3A_214 = tpu.memref_slice %arg7[%add3A_211, %dma_start3A_213] : memref<16x125xi32, #tpu.memory_space<vmem>> -> memref<1x125xi32, #tpu.memory_space<vmem>>
        %dma_start3A_215 = tpu.memref_squeeze %dma_start3A_214 : memref<1x125xi32, #tpu.memory_space<vmem>> -> memref<125xi32, #tpu.memory_space<vmem>>
        %dma_start3A_216 = arith.constant 0 : i32
        %dma_start3A_217 = arith.constant 0 : i32
        %dma_start3A_218 = tpu.memref_slice %arg6[%dma_start3A_216, %dma_start3A_217] : memref<10240x128xf32, #tpu.memory_space<vmem_shared>> -> memref<10240x128xf32, #tpu.memory_space<vmem_shared>>
        tpu.enqueue_indirect_dma source(%arg10 : memref<125x128xf32, #tpu.memory_space<vmem>>) target(%dma_start3A_218 : memref<10240x128xf32, #tpu.memory_space<vmem_shared>>) offsets(%dma_start3A_215 : memref<125xi32, #tpu.memory_space<vmem>>) semaphore(%run_scoped3A_212 : memref<!tpu.dma_semaphore, #tpu.memory_space<semaphore_mem>>) {add = true}
        %dma_wait3A_219 = arith.constant 0 : i32
        %dma_wait3A_220 = tpu.memref_slice %arg7[%add3A_211, %dma_wait3A_219] : memref<16x125xi32, #tpu.memory_space<vmem>> -> memref<1x125xi32, #tpu.memory_space<vmem>>
        %dma_wait3A_221 = tpu.memref_squeeze %dma_wait3A_220 : memref<1x125xi32, #tpu.memory_space<vmem>> -> memref<125xi32, #tpu.memory_space<vmem>>
        %dma_wait3A_222 = arith.constant 0 : i32
        %dma_wait3A_223 = arith.constant 0 : i32
        %dma_wait3A_224 = tpu.memref_slice %arg6[%dma_wait3A_222, %dma_wait3A_223] : memref<10240x128xf32, #tpu.memory_space<vmem_shared>> -> memref<10240x128xf32, #tpu.memory_space<vmem_shared>>
        tpu.wait_indirect_dma semaphore(%run_scoped3A_212 : memref<!tpu.dma_semaphore, #tpu.memory_space<semaphore_mem>>) src(%arg10 : memref<125x128xf32, #tpu.memory_space<vmem>>) dst(%dma_wait3A_224 : memref<10240x128xf32, #tpu.memory_space<vmem_shared>>)
        tpu.yield
      }) : () -> ()
    }
    %scan3A_71 = arith.constant 8 : i32
    %mul3A_72 = arith.constant 16 : i32
    %mul3A_73 = arith.muli %arg0, %mul3A_72 : i32
    %add3A_74 = arith.addi %mul3A_73, %arg1 : i32
    %run_scoped3A_75 = arith.constant 0 : i32
    "tpu.region"() ({
      %run_scoped3A_135 = tpu.sem_alloc : memref<!tpu.dma_semaphore, #tpu.memory_space<semaphore_mem>>
      %dma_start3A_136 = arith.constant 32 : i32
      %dma_start3A_137 = arith.constant 0 : i32
      %dma_start3A_138 = tpu.memref_slice %arg3[%run_scoped3A_75, %add3A_74, %dma_start3A_136, %dma_start3A_137] : memref<2x32x80x125xi32, #tpu.memory_space<hbm>> -> memref<1x1x16x125xi32, #tpu.memory_space<hbm>>
      %dma_start3A_139 = tpu.memref_squeeze %dma_start3A_138 : memref<1x1x16x125xi32, #tpu.memory_space<hbm>> -> memref<16x125xi32, #tpu.memory_space<hbm>>
      %dma_start3A_140 = arith.constant 32 : i32
      %dma_start3A_141 = arith.constant 0 : i32
      %dma_start3A_142 = tpu.memref_slice %arg3[%run_scoped3A_75, %add3A_74, %dma_start3A_140, %dma_start3A_141] : memref<2x32x80x125xi32, #tpu.memory_space<hbm>> -> memref<1x1x16x125xi32, #tpu.memory_space<hbm>>
      %dma_start3A_143 = tpu.memref_squeeze %dma_start3A_142 : memref<1x1x16x125xi32, #tpu.memory_space<hbm>> -> memref<16x125xi32, #tpu.memory_space<hbm>>
      tpu.enqueue_dma source(%dma_start3A_143 : memref<16x125xi32, #tpu.memory_space<hbm>>) target(%arg7 : memref<16x125xi32, #tpu.memory_space<vmem>>) target_semaphore(%run_scoped3A_135 : memref<!tpu.dma_semaphore, #tpu.memory_space<semaphore_mem>>)
      %dma_wait3A = arith.constant 32 : i32
      %dma_wait3A_144 = arith.constant 0 : i32
      %dma_wait3A_145 = tpu.memref_slice %arg3[%run_scoped3A_75, %add3A_74, %dma_wait3A, %dma_wait3A_144] : memref<2x32x80x125xi32, #tpu.memory_space<hbm>> -> memref<1x1x16x125xi32, #tpu.memory_space<hbm>>
      %dma_wait3A_146 = tpu.memref_squeeze %dma_wait3A_145 : memref<1x1x16x125xi32, #tpu.memory_space<hbm>> -> memref<16x125xi32, #tpu.memory_space<hbm>>
      %dma_wait3A_147 = arith.constant 32 : i32
      %dma_wait3A_148 = arith.constant 0 : i32
      %dma_wait3A_149 = tpu.memref_slice %arg3[%run_scoped3A_75, %add3A_74, %dma_wait3A_147, %dma_wait3A_148] : memref<2x32x80x125xi32, #tpu.memory_space<hbm>> -> memref<1x1x16x125xi32, #tpu.memory_space<hbm>>
      %dma_wait3A_150 = tpu.memref_squeeze %dma_wait3A_149 : memref<1x1x16x125xi32, #tpu.memory_space<hbm>> -> memref<16x125xi32, #tpu.memory_space<hbm>>
      tpu.wait_dma2 semaphore(%run_scoped3A_135 : memref<!tpu.dma_semaphore, #tpu.memory_space<semaphore_mem>>) src(%dma_wait3A_150 : memref<16x125xi32, #tpu.memory_space<hbm>>) dst(%arg7 : memref<16x125xi32, #tpu.memory_space<vmem>>)
      tpu.yield
    }) : () -> ()
    %run_scoped3A_76 = arith.constant 1 : i32
    "tpu.region"() ({
      %run_scoped3A_135 = tpu.sem_alloc : memref<!tpu.dma_semaphore, #tpu.memory_space<semaphore_mem>>
      %dma_start3A_136 = arith.constant 32 : i32
      %dma_start3A_137 = arith.constant 0 : i32
      %dma_start3A_138 = tpu.memref_slice %arg3[%run_scoped3A_76, %add3A_74, %dma_start3A_136, %dma_start3A_137] : memref<2x32x80x125xi32, #tpu.memory_space<hbm>> -> memref<1x1x16x125xi32, #tpu.memory_space<hbm>>
      %dma_start3A_139 = tpu.memref_squeeze %dma_start3A_138 : memref<1x1x16x125xi32, #tpu.memory_space<hbm>> -> memref<16x125xi32, #tpu.memory_space<hbm>>
      %dma_start3A_140 = arith.constant 32 : i32
      %dma_start3A_141 = arith.constant 0 : i32
      %dma_start3A_142 = tpu.memref_slice %arg3[%run_scoped3A_76, %add3A_74, %dma_start3A_140, %dma_start3A_141] : memref<2x32x80x125xi32, #tpu.memory_space<hbm>> -> memref<1x1x16x125xi32, #tpu.memory_space<hbm>>
      %dma_start3A_143 = tpu.memref_squeeze %dma_start3A_142 : memref<1x1x16x125xi32, #tpu.memory_space<hbm>> -> memref<16x125xi32, #tpu.memory_space<hbm>>
      tpu.enqueue_dma source(%dma_start3A_143 : memref<16x125xi32, #tpu.memory_space<hbm>>) target(%arg8 : memref<16x125xi32, #tpu.memory_space<vmem>>) target_semaphore(%run_scoped3A_135 : memref<!tpu.dma_semaphore, #tpu.memory_space<semaphore_mem>>)
      %dma_wait3A = arith.constant 32 : i32
      %dma_wait3A_144 = arith.constant 0 : i32
      %dma_wait3A_145 = tpu.memref_slice %arg3[%run_scoped3A_76, %add3A_74, %dma_wait3A, %dma_wait3A_144] : memref<2x32x80x125xi32, #tpu.memory_space<hbm>> -> memref<1x1x16x125xi32, #tpu.memory_space<hbm>>
      %dma_wait3A_146 = tpu.memref_squeeze %dma_wait3A_145 : memref<1x1x16x125xi32, #tpu.memory_space<hbm>> -> memref<16x125xi32, #tpu.memory_space<hbm>>
      %dma_wait3A_147 = arith.constant 32 : i32
      %dma_wait3A_148 = arith.constant 0 : i32
      %dma_wait3A_149 = tpu.memref_slice %arg3[%run_scoped3A_76, %add3A_74, %dma_wait3A_147, %dma_wait3A_148] : memref<2x32x80x125xi32, #tpu.memory_space<hbm>> -> memref<1x1x16x125xi32, #tpu.memory_space<hbm>>
      %dma_wait3A_150 = tpu.memref_squeeze %dma_wait3A_149 : memref<1x1x16x125xi32, #tpu.memory_space<hbm>> -> memref<16x125xi32, #tpu.memory_space<hbm>>
      tpu.wait_dma2 semaphore(%run_scoped3A_135 : memref<!tpu.dma_semaphore, #tpu.memory_space<semaphore_mem>>) src(%dma_wait3A_150 : memref<16x125xi32, #tpu.memory_space<hbm>>) dst(%arg8 : memref<16x125xi32, #tpu.memory_space<vmem>>)
      tpu.yield
    }) : () -> ()
    %dma_start3A_77 = arith.constant 0 : i32
    %dma_start3A_78 = arith.constant 0 : i32
    %dma_start3A_79 = tpu.memref_slice %arg8[%dma_start3A_77, %dma_start3A_78] : memref<16x125xi32, #tpu.memory_space<vmem>> -> memref<1x125xi32, #tpu.memory_space<vmem>>
    %dma_start3A_80 = tpu.memref_squeeze %dma_start3A_79 : memref<1x125xi32, #tpu.memory_space<vmem>> -> memref<125xi32, #tpu.memory_space<vmem>>
    %dma_start3A_81 = arith.constant 0 : i32
    %dma_start3A_82 = arith.constant 0 : i32
    %dma_start3A_83 = tpu.memref_slice %arg2[%dma_start3A_81, %dma_start3A_82] : memref<10000x128xf32, #tpu.memory_space<hbm>> -> memref<10000x128xf32, #tpu.memory_space<hbm>>
    tpu.enqueue_indirect_dma source(%dma_start3A_83 : memref<10000x128xf32, #tpu.memory_space<hbm>>) target(%arg9 : memref<125x128xf32, #tpu.memory_space<vmem>>) offsets(%dma_start3A_80 : memref<125xi32, #tpu.memory_space<vmem>>) semaphore(%arg11 : memref<!tpu.dma_semaphore, #tpu.memory_space<semaphore_mem>>)
    %scan3A_84 = arith.constant 0 : i32
    %scan3A_85 = arith.constant 0 : i32
    %scan3A_86 = arith.constant 8 : i32
    %scan3A_87 = arith.addi %scan3A_85, %scan3A_86 : i32
    %scan3A_88 = arith.constant 1 : i32
    scf.for %scan3A_135 = %scan3A_85 to %scan3A_87 step %scan3A_88  : i32 {
      %mul3A_136 = arith.constant 2 : i32
      %mul3A_137 = arith.muli %mul3A_136, %scan3A_135 : i32
      %add3A_138 = arith.constant 1 : i32
      %add3A_139 = arith.addi %mul3A_137, %add3A_138 : i32
      %dma_start3A_140 = arith.constant 0 : i32
      %dma_start3A_141 = tpu.memref_slice %arg8[%add3A_139, %dma_start3A_140] : memref<16x125xi32, #tpu.memory_space<vmem>> -> memref<1x125xi32, #tpu.memory_space<vmem>>
      %dma_start3A_142 = tpu.memref_squeeze %dma_start3A_141 : memref<1x125xi32, #tpu.memory_space<vmem>> -> memref<125xi32, #tpu.memory_space<vmem>>
      %dma_start3A_143 = arith.constant 0 : i32
      %dma_start3A_144 = arith.constant 0 : i32
      %dma_start3A_145 = tpu.memref_slice %arg2[%dma_start3A_143, %dma_start3A_144] : memref<10000x128xf32, #tpu.memory_space<hbm>> -> memref<10000x128xf32, #tpu.memory_space<hbm>>
      tpu.enqueue_indirect_dma source(%dma_start3A_145 : memref<10000x128xf32, #tpu.memory_space<hbm>>) target(%arg10 : memref<125x128xf32, #tpu.memory_space<vmem>>) offsets(%dma_start3A_142 : memref<125xi32, #tpu.memory_space<vmem>>) semaphore(%arg12 : memref<!tpu.dma_semaphore, #tpu.memory_space<semaphore_mem>>)
      %dma_wait3A = arith.constant 0 : i32
      %dma_wait3A_146 = tpu.memref_slice %arg8[%mul3A_137, %dma_wait3A] : memref<16x125xi32, #tpu.memory_space<vmem>> -> memref<1x125xi32, #tpu.memory_space<vmem>>
      %dma_wait3A_147 = tpu.memref_squeeze %dma_wait3A_146 : memref<1x125xi32, #tpu.memory_space<vmem>> -> memref<125xi32, #tpu.memory_space<vmem>>
      %dma_wait3A_148 = arith.constant 0 : i32
      %dma_wait3A_149 = arith.constant 0 : i32
      %dma_wait3A_150 = tpu.memref_slice %arg2[%dma_wait3A_148, %dma_wait3A_149] : memref<10000x128xf32, #tpu.memory_space<hbm>> -> memref<10000x128xf32, #tpu.memory_space<hbm>>
      tpu.wait_indirect_dma semaphore(%arg11 : memref<!tpu.dma_semaphore, #tpu.memory_space<semaphore_mem>>) src(%dma_wait3A_150 : memref<10000x128xf32, #tpu.memory_space<hbm>>) dst(%arg9 : memref<125x128xf32, #tpu.memory_space<vmem>>)
      %get3A = arith.index_cast %mul3A_137 : i32 to index
      %get3A_151 = arith.constant 0 : index
      %get3A_152 = tpu.vector_load %arg7[%get3A, %get3A_151] {strides = array<i32>} : memref<16x125xi32, #tpu.memory_space<vmem>>, vector<16xi32>,
      tpu.vector_store_idx %arg13[%get3A_152], %broadcast_in_dim3A_35 {add = true} : memref<10240xf32, #tpu.memory_space<vmem>>[vector<16xi32>], vector<16xf32>,
      %get3A_153 = arith.index_cast %mul3A_137 : i32 to index
      %get3A_154 = arith.constant 16 : index
      %get3A_155 = tpu.vector_load %arg7[%get3A_153, %get3A_154] {strides = array<i32>} : memref<16x125xi32, #tpu.memory_space<vmem>>, vector<16xi32>,
      tpu.vector_store_idx %arg13[%get3A_155], %broadcast_in_dim3A_35 {add = true} : memref<10240xf32, #tpu.memory_space<vmem>>[vector<16xi32>], vector<16xf32>,
      %get3A_156 = arith.index_cast %mul3A_137 : i32 to index
      %get3A_157 = arith.constant 32 : index
      %get3A_158 = tpu.vector_load %arg7[%get3A_156, %get3A_157] {strides = array<i32>} : memref<16x125xi32, #tpu.memory_space<vmem>>, vector<16xi32>,
      tpu.vector_store_idx %arg13[%get3A_158], %broadcast_in_dim3A_35 {add = true} : memref<10240xf32, #tpu.memory_space<vmem>>[vector<16xi32>], vector<16xf32>,
      %get3A_159 = arith.index_cast %mul3A_137 : i32 to index
      %get3A_160 = arith.constant 48 : index
      %get3A_161 = tpu.vector_load %arg7[%get3A_159, %get3A_160] {strides = array<i32>} : memref<16x125xi32, #tpu.memory_space<vmem>>, vector<16xi32>,
      tpu.vector_store_idx %arg13[%get3A_161], %broadcast_in_dim3A_35 {add = true} : memref<10240xf32, #tpu.memory_space<vmem>>[vector<16xi32>], vector<16xf32>,
      %get3A_162 = arith.index_cast %mul3A_137 : i32 to index
      %get3A_163 = arith.constant 64 : index
      %get3A_164 = tpu.vector_load %arg7[%get3A_162, %get3A_163] {strides = array<i32>} : memref<16x125xi32, #tpu.memory_space<vmem>>, vector<16xi32>,
      tpu.vector_store_idx %arg13[%get3A_164], %broadcast_in_dim3A_35 {add = true} : memref<10240xf32, #tpu.memory_space<vmem>>[vector<16xi32>], vector<16xf32>,
      %get3A_165 = arith.index_cast %mul3A_137 : i32 to index
      %get3A_166 = arith.constant 80 : index
      %get3A_167 = tpu.vector_load %arg7[%get3A_165, %get3A_166] {strides = array<i32>} : memref<16x125xi32, #tpu.memory_space<vmem>>, vector<16xi32>,
      tpu.vector_store_idx %arg13[%get3A_167], %broadcast_in_dim3A_35 {add = true} : memref<10240xf32, #tpu.memory_space<vmem>>[vector<16xi32>], vector<16xf32>,
      %get3A_168 = arith.index_cast %mul3A_137 : i32 to index
      %get3A_169 = arith.constant 96 : index
      %get3A_170 = tpu.vector_load %arg7[%get3A_168, %get3A_169] {strides = array<i32>} : memref<16x125xi32, #tpu.memory_space<vmem>>, vector<16xi32>,
      tpu.vector_store_idx %arg13[%get3A_170], %broadcast_in_dim3A_35 {add = true} : memref<10240xf32, #tpu.memory_space<vmem>>[vector<16xi32>], vector<16xf32>,
      %get3A_171 = arith.index_cast %mul3A_137 : i32 to index
      %get3A_172 = arith.constant 109 : index
      %get3A_173 = tpu.vector_load %arg7[%get3A_171, %get3A_172] {strides = array<i32>} : memref<16x125xi32, #tpu.memory_space<vmem>>, vector<16xi32>,
      tpu.vector_store_idx %arg13[%get3A_173], %broadcast_in_dim3A_35 masked %ge3A_37 {add = true} : memref<10240xf32, #tpu.memory_space<vmem>>[vector<16xi32>], vector<16xf32>, vector<16xi1>
      "tpu.region"() ({
        %run_scoped3A_212 = tpu.sem_alloc : memref<!tpu.dma_semaphore, #tpu.memory_space<semaphore_mem>>
        %dma_start3A_213 = arith.constant 0 : i32
        %dma_start3A_214 = tpu.memref_slice %arg7[%mul3A_137, %dma_start3A_213] : memref<16x125xi32, #tpu.memory_space<vmem>> -> memref<1x125xi32, #tpu.memory_space<vmem>>
        %dma_start3A_215 = tpu.memref_squeeze %dma_start3A_214 : memref<1x125xi32, #tpu.memory_space<vmem>> -> memref<125xi32, #tpu.memory_space<vmem>>
        %dma_start3A_216 = arith.constant 0 : i32
        %dma_start3A_217 = arith.constant 0 : i32
        %dma_start3A_218 = tpu.memref_slice %arg6[%dma_start3A_216, %dma_start3A_217] : memref<10240x128xf32, #tpu.memory_space<vmem_shared>> -> memref<10240x128xf32, #tpu.memory_space<vmem_shared>>
        tpu.enqueue_indirect_dma source(%arg9 : memref<125x128xf32, #tpu.memory_space<vmem>>) target(%dma_start3A_218 : memref<10240x128xf32, #tpu.memory_space<vmem_shared>>) offsets(%dma_start3A_215 : memref<125xi32, #tpu.memory_space<vmem>>) semaphore(%run_scoped3A_212 : memref<!tpu.dma_semaphore, #tpu.memory_space<semaphore_mem>>) {add = true}
        %dma_wait3A_219 = arith.constant 0 : i32
        %dma_wait3A_220 = tpu.memref_slice %arg7[%mul3A_137, %dma_wait3A_219] : memref<16x125xi32, #tpu.memory_space<vmem>> -> memref<1x125xi32, #tpu.memory_space<vmem>>
        %dma_wait3A_221 = tpu.memref_squeeze %dma_wait3A_220 : memref<1x125xi32, #tpu.memory_space<vmem>> -> memref<125xi32, #tpu.memory_space<vmem>>
        %dma_wait3A_222 = arith.constant 0 : i32
        %dma_wait3A_223 = arith.constant 0 : i32
        %dma_wait3A_224 = tpu.memref_slice %arg6[%dma_wait3A_222, %dma_wait3A_223] : memref<10240x128xf32, #tpu.memory_space<vmem_shared>> -> memref<10240x128xf32, #tpu.memory_space<vmem_shared>>
        tpu.wait_indirect_dma semaphore(%run_scoped3A_212 : memref<!tpu.dma_semaphore, #tpu.memory_space<semaphore_mem>>) src(%arg9 : memref<125x128xf32, #tpu.memory_space<vmem>>) dst(%dma_wait3A_224 : memref<10240x128xf32, #tpu.memory_space<vmem_shared>>)
        tpu.yield
      }) : () -> ()
      %lt3A = arith.constant 7 : i32
      %lt3A_174 = arith.cmpi slt, %scan3A_135, %lt3A : i32
      %convert_element_type3A = arith.extui %lt3A_174 : i1 to i32
      %cond3A = arith.constant 0 : i32
      %cond3A_175 = arith.cmpi ne, %convert_element_type3A, %cond3A : i32
      scf.if %cond3A_175 {
        %add3A_212 = arith.constant 2 : i32
        %add3A_213 = arith.addi %mul3A_137, %add3A_212 : i32
        %dma_start3A_214 = arith.constant 0 : i32
        %dma_start3A_215 = tpu.memref_slice %arg8[%add3A_213, %dma_start3A_214] : memref<16x125xi32, #tpu.memory_space<vmem>> -> memref<1x125xi32, #tpu.memory_space<vmem>>
        %dma_start3A_216 = tpu.memref_squeeze %dma_start3A_215 : memref<1x125xi32, #tpu.memory_space<vmem>> -> memref<125xi32, #tpu.memory_space<vmem>>
        %dma_start3A_217 = arith.constant 0 : i32
        %dma_start3A_218 = arith.constant 0 : i32
        %dma_start3A_219 = tpu.memref_slice %arg2[%dma_start3A_217, %dma_start3A_218] : memref<10000x128xf32, #tpu.memory_space<hbm>> -> memref<10000x128xf32, #tpu.memory_space<hbm>>
        tpu.enqueue_indirect_dma source(%dma_start3A_219 : memref<10000x128xf32, #tpu.memory_space<hbm>>) target(%arg9 : memref<125x128xf32, #tpu.memory_space<vmem>>) offsets(%dma_start3A_216 : memref<125xi32, #tpu.memory_space<vmem>>) semaphore(%arg11 : memref<!tpu.dma_semaphore, #tpu.memory_space<semaphore_mem>>)
      } else {
      }
      %add3A_176 = arith.constant 1 : i32
      %add3A_177 = arith.addi %mul3A_137, %add3A_176 : i32
      %dma_wait3A_178 = arith.constant 0 : i32
      %dma_wait3A_179 = tpu.memref_slice %arg8[%add3A_177, %dma_wait3A_178] : memref<16x125xi32, #tpu.memory_space<vmem>> -> memref<1x125xi32, #tpu.memory_space<vmem>>
      %dma_wait3A_180 = tpu.memref_squeeze %dma_wait3A_179 : memref<1x125xi32, #tpu.memory_space<vmem>> -> memref<125xi32, #tpu.memory_space<vmem>>
      %dma_wait3A_181 = arith.constant 0 : i32
      %dma_wait3A_182 = arith.constant 0 : i32
      %dma_wait3A_183 = tpu.memref_slice %arg2[%dma_wait3A_181, %dma_wait3A_182] : memref<10000x128xf32, #tpu.memory_space<hbm>> -> memref<10000x128xf32, #tpu.memory_space<hbm>>
      tpu.wait_indirect_dma semaphore(%arg12 : memref<!tpu.dma_semaphore, #tpu.memory_space<semaphore_mem>>) src(%dma_wait3A_183 : memref<10000x128xf32, #tpu.memory_space<hbm>>) dst(%arg10 : memref<125x128xf32, #tpu.memory_space<vmem>>)
      %add3A_184 = arith.constant 1 : i32
      %add3A_185 = arith.addi %mul3A_137, %add3A_184 : i32
      %get3A_186 = arith.index_cast %add3A_185 : i32 to index
      %get3A_187 = arith.constant 0 : index
      %get3A_188 = tpu.vector_load %arg7[%get3A_186, %get3A_187] {strides = array<i32>} : memref<16x125xi32, #tpu.memory_space<vmem>>, vector<16xi32>,
      tpu.vector_store_idx %arg13[%get3A_188], %broadcast_in_dim3A_35 {add = true} : memref<10240xf32, #tpu.memory_space<vmem>>[vector<16xi32>], vector<16xf32>,
      %get3A_189 = arith.index_cast %add3A_185 : i32 to index
      %get3A_190 = arith.constant 16 : index
      %get3A_191 = tpu.vector_load %arg7[%get3A_189, %get3A_190] {strides = array<i32>} : memref<16x125xi32, #tpu.memory_space<vmem>>, vector<16xi32>,
      tpu.vector_store_idx %arg13[%get3A_191], %broadcast_in_dim3A_35 {add = true} : memref<10240xf32, #tpu.memory_space<vmem>>[vector<16xi32>], vector<16xf32>,
      %get3A_192 = arith.index_cast %add3A_185 : i32 to index
      %get3A_193 = arith.constant 32 : index
      %get3A_194 = tpu.vector_load %arg7[%get3A_192, %get3A_193] {strides = array<i32>} : memref<16x125xi32, #tpu.memory_space<vmem>>, vector<16xi32>,
      tpu.vector_store_idx %arg13[%get3A_194], %broadcast_in_dim3A_35 {add = true} : memref<10240xf32, #tpu.memory_space<vmem>>[vector<16xi32>], vector<16xf32>,
      %get3A_195 = arith.index_cast %add3A_185 : i32 to index
      %get3A_196 = arith.constant 48 : index
      %get3A_197 = tpu.vector_load %arg7[%get3A_195, %get3A_196] {strides = array<i32>} : memref<16x125xi32, #tpu.memory_space<vmem>>, vector<16xi32>,
      tpu.vector_store_idx %arg13[%get3A_197], %broadcast_in_dim3A_35 {add = true} : memref<10240xf32, #tpu.memory_space<vmem>>[vector<16xi32>], vector<16xf32>,
      %get3A_198 = arith.index_cast %add3A_185 : i32 to index
      %get3A_199 = arith.constant 64 : index
      %get3A_200 = tpu.vector_load %arg7[%get3A_198, %get3A_199] {strides = array<i32>} : memref<16x125xi32, #tpu.memory_space<vmem>>, vector<16xi32>,
      tpu.vector_store_idx %arg13[%get3A_200], %broadcast_in_dim3A_35 {add = true} : memref<10240xf32, #tpu.memory_space<vmem>>[vector<16xi32>], vector<16xf32>,
      %get3A_201 = arith.index_cast %add3A_185 : i32 to index
      %get3A_202 = arith.constant 80 : index
      %get3A_203 = tpu.vector_load %arg7[%get3A_201, %get3A_202] {strides = array<i32>} : memref<16x125xi32, #tpu.memory_space<vmem>>, vector<16xi32>,
      tpu.vector_store_idx %arg13[%get3A_203], %broadcast_in_dim3A_35 {add = true} : memref<10240xf32, #tpu.memory_space<vmem>>[vector<16xi32>], vector<16xf32>,
      %get3A_204 = arith.index_cast %add3A_185 : i32 to index
      %get3A_205 = arith.constant 96 : index
      %get3A_206 = tpu.vector_load %arg7[%get3A_204, %get3A_205] {strides = array<i32>} : memref<16x125xi32, #tpu.memory_space<vmem>>, vector<16xi32>,
      tpu.vector_store_idx %arg13[%get3A_206], %broadcast_in_dim3A_35 {add = true} : memref<10240xf32, #tpu.memory_space<vmem>>[vector<16xi32>], vector<16xf32>,
      %get3A_207 = arith.index_cast %add3A_185 : i32 to index
      %get3A_208 = arith.constant 109 : index
      %get3A_209 = tpu.vector_load %arg7[%get3A_207, %get3A_208] {strides = array<i32>} : memref<16x125xi32, #tpu.memory_space<vmem>>, vector<16xi32>,
      tpu.vector_store_idx %arg13[%get3A_209], %broadcast_in_dim3A_35 masked %ge3A_37 {add = true} : memref<10240xf32, #tpu.memory_space<vmem>>[vector<16xi32>], vector<16xf32>, vector<16xi1>
      %add3A_210 = arith.constant 1 : i32
      %add3A_211 = arith.addi %mul3A_137, %add3A_210 : i32
      "tpu.region"() ({
        %run_scoped3A_212 = tpu.sem_alloc : memref<!tpu.dma_semaphore, #tpu.memory_space<semaphore_mem>>
        %dma_start3A_213 = arith.constant 0 : i32
        %dma_start3A_214 = tpu.memref_slice %arg7[%add3A_211, %dma_start3A_213] : memref<16x125xi32, #tpu.memory_space<vmem>> -> memref<1x125xi32, #tpu.memory_space<vmem>>
        %dma_start3A_215 = tpu.memref_squeeze %dma_start3A_214 : memref<1x125xi32, #tpu.memory_space<vmem>> -> memref<125xi32, #tpu.memory_space<vmem>>
        %dma_start3A_216 = arith.constant 0 : i32
        %dma_start3A_217 = arith.constant 0 : i32
        %dma_start3A_218 = tpu.memref_slice %arg6[%dma_start3A_216, %dma_start3A_217] : memref<10240x128xf32, #tpu.memory_space<vmem_shared>> -> memref<10240x128xf32, #tpu.memory_space<vmem_shared>>
        tpu.enqueue_indirect_dma source(%arg10 : memref<125x128xf32, #tpu.memory_space<vmem>>) target(%dma_start3A_218 : memref<10240x128xf32, #tpu.memory_space<vmem_shared>>) offsets(%dma_start3A_215 : memref<125xi32, #tpu.memory_space<vmem>>) semaphore(%run_scoped3A_212 : memref<!tpu.dma_semaphore, #tpu.memory_space<semaphore_mem>>) {add = true}
        %dma_wait3A_219 = arith.constant 0 : i32
        %dma_wait3A_220 = tpu.memref_slice %arg7[%add3A_211, %dma_wait3A_219] : memref<16x125xi32, #tpu.memory_space<vmem>> -> memref<1x125xi32, #tpu.memory_space<vmem>>
        %dma_wait3A_221 = tpu.memref_squeeze %dma_wait3A_220 : memref<1x125xi32, #tpu.memory_space<vmem>> -> memref<125xi32, #tpu.memory_space<vmem>>
        %dma_wait3A_222 = arith.constant 0 : i32
        %dma_wait3A_223 = arith.constant 0 : i32
        %dma_wait3A_224 = tpu.memref_slice %arg6[%dma_wait3A_222, %dma_wait3A_223] : memref<10240x128xf32, #tpu.memory_space<vmem_shared>> -> memref<10240x128xf32, #tpu.memory_space<vmem_shared>>
        tpu.wait_indirect_dma semaphore(%run_scoped3A_212 : memref<!tpu.dma_semaphore, #tpu.memory_space<semaphore_mem>>) src(%arg10 : memref<125x128xf32, #tpu.memory_space<vmem>>) dst(%dma_wait3A_224 : memref<10240x128xf32, #tpu.memory_space<vmem_shared>>)
        tpu.yield
      }) : () -> ()
    }
    %scan3A_89 = arith.constant 8 : i32
    %mul3A_90 = arith.constant 16 : i32
    %mul3A_91 = arith.muli %arg0, %mul3A_90 : i32
    %add3A_92 = arith.addi %mul3A_91, %arg1 : i32
    %run_scoped3A_93 = arith.constant 0 : i32
    "tpu.region"() ({
      %run_scoped3A_135 = tpu.sem_alloc : memref<!tpu.dma_semaphore, #tpu.memory_space<semaphore_mem>>
      %dma_start3A_136 = arith.constant 48 : i32
      %dma_start3A_137 = arith.constant 0 : i32
      %dma_start3A_138 = tpu.memref_slice %arg3[%run_scoped3A_93, %add3A_92, %dma_start3A_136, %dma_start3A_137] : memref<2x32x80x125xi32, #tpu.memory_space<hbm>> -> memref<1x1x16x125xi32, #tpu.memory_space<hbm>>
      %dma_start3A_139 = tpu.memref_squeeze %dma_start3A_138 : memref<1x1x16x125xi32, #tpu.memory_space<hbm>> -> memref<16x125xi32, #tpu.memory_space<hbm>>
      %dma_start3A_140 = arith.constant 48 : i32
      %dma_start3A_141 = arith.constant 0 : i32
      %dma_start3A_142 = tpu.memref_slice %arg3[%run_scoped3A_93, %add3A_92, %dma_start3A_140, %dma_start3A_141] : memref<2x32x80x125xi32, #tpu.memory_space<hbm>> -> memref<1x1x16x125xi32, #tpu.memory_space<hbm>>
      %dma_start3A_143 = tpu.memref_squeeze %dma_start3A_142 : memref<1x1x16x125xi32, #tpu.memory_space<hbm>> -> memref<16x125xi32, #tpu.memory_space<hbm>>
      tpu.enqueue_dma source(%dma_start3A_143 : memref<16x125xi32, #tpu.memory_space<hbm>>) target(%arg7 : memref<16x125xi32, #tpu.memory_space<vmem>>) target_semaphore(%run_scoped3A_135 : memref<!tpu.dma_semaphore, #tpu.memory_space<semaphore_mem>>)
      %dma_wait3A = arith.constant 48 : i32
      %dma_wait3A_144 = arith.constant 0 : i32
      %dma_wait3A_145 = tpu.memref_slice %arg3[%run_scoped3A_93, %add3A_92, %dma_wait3A, %dma_wait3A_144] : memref<2x32x80x125xi32, #tpu.memory_space<hbm>> -> memref<1x1x16x125xi32, #tpu.memory_space<hbm>>
      %dma_wait3A_146 = tpu.memref_squeeze %dma_wait3A_145 : memref<1x1x16x125xi32, #tpu.memory_space<hbm>> -> memref<16x125xi32, #tpu.memory_space<hbm>>
      %dma_wait3A_147 = arith.constant 48 : i32
      %dma_wait3A_148 = arith.constant 0 : i32
      %dma_wait3A_149 = tpu.memref_slice %arg3[%run_scoped3A_93, %add3A_92, %dma_wait3A_147, %dma_wait3A_148] : memref<2x32x80x125xi32, #tpu.memory_space<hbm>> -> memref<1x1x16x125xi32, #tpu.memory_space<hbm>>
      %dma_wait3A_150 = tpu.memref_squeeze %dma_wait3A_149 : memref<1x1x16x125xi32, #tpu.memory_space<hbm>> -> memref<16x125xi32, #tpu.memory_space<hbm>>
      tpu.wait_dma2 semaphore(%run_scoped3A_135 : memref<!tpu.dma_semaphore, #tpu.memory_space<semaphore_mem>>) src(%dma_wait3A_150 : memref<16x125xi32, #tpu.memory_space<hbm>>) dst(%arg7 : memref<16x125xi32, #tpu.memory_space<vmem>>)
      tpu.yield
    }) : () -> ()
    %run_scoped3A_94 = arith.constant 1 : i32
    "tpu.region"() ({
      %run_scoped3A_135 = tpu.sem_alloc : memref<!tpu.dma_semaphore, #tpu.memory_space<semaphore_mem>>
      %dma_start3A_136 = arith.constant 48 : i32
      %dma_start3A_137 = arith.constant 0 : i32
      %dma_start3A_138 = tpu.memref_slice %arg3[%run_scoped3A_94, %add3A_92, %dma_start3A_136, %dma_start3A_137] : memref<2x32x80x125xi32, #tpu.memory_space<hbm>> -> memref<1x1x16x125xi32, #tpu.memory_space<hbm>>
      %dma_start3A_139 = tpu.memref_squeeze %dma_start3A_138 : memref<1x1x16x125xi32, #tpu.memory_space<hbm>> -> memref<16x125xi32, #tpu.memory_space<hbm>>
      %dma_start3A_140 = arith.constant 48 : i32
      %dma_start3A_141 = arith.constant 0 : i32
      %dma_start3A_142 = tpu.memref_slice %arg3[%run_scoped3A_94, %add3A_92, %dma_start3A_140, %dma_start3A_141] : memref<2x32x80x125xi32, #tpu.memory_space<hbm>> -> memref<1x1x16x125xi32, #tpu.memory_space<hbm>>
      %dma_start3A_143 = tpu.memref_squeeze %dma_start3A_142 : memref<1x1x16x125xi32, #tpu.memory_space<hbm>> -> memref<16x125xi32, #tpu.memory_space<hbm>>
      tpu.enqueue_dma source(%dma_start3A_143 : memref<16x125xi32, #tpu.memory_space<hbm>>) target(%arg8 : memref<16x125xi32, #tpu.memory_space<vmem>>) target_semaphore(%run_scoped3A_135 : memref<!tpu.dma_semaphore, #tpu.memory_space<semaphore_mem>>)
      %dma_wait3A = arith.constant 48 : i32
      %dma_wait3A_144 = arith.constant 0 : i32
      %dma_wait3A_145 = tpu.memref_slice %arg3[%run_scoped3A_94, %add3A_92, %dma_wait3A, %dma_wait3A_144] : memref<2x32x80x125xi32, #tpu.memory_space<hbm>> -> memref<1x1x16x125xi32, #tpu.memory_space<hbm>>
      %dma_wait3A_146 = tpu.memref_squeeze %dma_wait3A_145 : memref<1x1x16x125xi32, #tpu.memory_space<hbm>> -> memref<16x125xi32, #tpu.memory_space<hbm>>
      %dma_wait3A_147 = arith.constant 48 : i32
      %dma_wait3A_148 = arith.constant 0 : i32
      %dma_wait3A_149 = tpu.memref_slice %arg3[%run_scoped3A_94, %add3A_92, %dma_wait3A_147, %dma_wait3A_148] : memref<2x32x80x125xi32, #tpu.memory_space<hbm>> -> memref<1x1x16x125xi32, #tpu.memory_space<hbm>>
      %dma_wait3A_150 = tpu.memref_squeeze %dma_wait3A_149 : memref<1x1x16x125xi32, #tpu.memory_space<hbm>> -> memref<16x125xi32, #tpu.memory_space<hbm>>
      tpu.wait_dma2 semaphore(%run_scoped3A_135 : memref<!tpu.dma_semaphore, #tpu.memory_space<semaphore_mem>>) src(%dma_wait3A_150 : memref<16x125xi32, #tpu.memory_space<hbm>>) dst(%arg8 : memref<16x125xi32, #tpu.memory_space<vmem>>)
      tpu.yield
    }) : () -> ()
    %dma_start3A_95 = arith.constant 0 : i32
    %dma_start3A_96 = arith.constant 0 : i32
    %dma_start3A_97 = tpu.memref_slice %arg8[%dma_start3A_95, %dma_start3A_96] : memref<16x125xi32, #tpu.memory_space<vmem>> -> memref<1x125xi32, #tpu.memory_space<vmem>>
    %dma_start3A_98 = tpu.memref_squeeze %dma_start3A_97 : memref<1x125xi32, #tpu.memory_space<vmem>> -> memref<125xi32, #tpu.memory_space<vmem>>
    %dma_start3A_99 = arith.constant 0 : i32
    %dma_start3A_100 = arith.constant 0 : i32
    %dma_start3A_101 = tpu.memref_slice %arg2[%dma_start3A_99, %dma_start3A_100] : memref<10000x128xf32, #tpu.memory_space<hbm>> -> memref<10000x128xf32, #tpu.memory_space<hbm>>
    tpu.enqueue_indirect_dma source(%dma_start3A_101 : memref<10000x128xf32, #tpu.memory_space<hbm>>) target(%arg9 : memref<125x128xf32, #tpu.memory_space<vmem>>) offsets(%dma_start3A_98 : memref<125xi32, #tpu.memory_space<vmem>>) semaphore(%arg11 : memref<!tpu.dma_semaphore, #tpu.memory_space<semaphore_mem>>)
    %scan3A_102 = arith.constant 0 : i32
    %scan3A_103 = arith.constant 0 : i32
    %scan3A_104 = arith.constant 8 : i32
    %scan3A_105 = arith.addi %scan3A_103, %scan3A_104 : i32
    %scan3A_106 = arith.constant 1 : i32
    scf.for %scan3A_135 = %scan3A_103 to %scan3A_105 step %scan3A_106  : i32 {
      %mul3A_136 = arith.constant 2 : i32
      %mul3A_137 = arith.muli %mul3A_136, %scan3A_135 : i32
      %add3A_138 = arith.constant 1 : i32
      %add3A_139 = arith.addi %mul3A_137, %add3A_138 : i32
      %dma_start3A_140 = arith.constant 0 : i32
      %dma_start3A_141 = tpu.memref_slice %arg8[%add3A_139, %dma_start3A_140] : memref<16x125xi32, #tpu.memory_space<vmem>> -> memref<1x125xi32, #tpu.memory_space<vmem>>
      %dma_start3A_142 = tpu.memref_squeeze %dma_start3A_141 : memref<1x125xi32, #tpu.memory_space<vmem>> -> memref<125xi32, #tpu.memory_space<vmem>>
      %dma_start3A_143 = arith.constant 0 : i32
      %dma_start3A_144 = arith.constant 0 : i32
      %dma_start3A_145 = tpu.memref_slice %arg2[%dma_start3A_143, %dma_start3A_144] : memref<10000x128xf32, #tpu.memory_space<hbm>> -> memref<10000x128xf32, #tpu.memory_space<hbm>>
      tpu.enqueue_indirect_dma source(%dma_start3A_145 : memref<10000x128xf32, #tpu.memory_space<hbm>>) target(%arg10 : memref<125x128xf32, #tpu.memory_space<vmem>>) offsets(%dma_start3A_142 : memref<125xi32, #tpu.memory_space<vmem>>) semaphore(%arg12 : memref<!tpu.dma_semaphore, #tpu.memory_space<semaphore_mem>>)
      %dma_wait3A = arith.constant 0 : i32
      %dma_wait3A_146 = tpu.memref_slice %arg8[%mul3A_137, %dma_wait3A] : memref<16x125xi32, #tpu.memory_space<vmem>> -> memref<1x125xi32, #tpu.memory_space<vmem>>
      %dma_wait3A_147 = tpu.memref_squeeze %dma_wait3A_146 : memref<1x125xi32, #tpu.memory_space<vmem>> -> memref<125xi32, #tpu.memory_space<vmem>>
      %dma_wait3A_148 = arith.constant 0 : i32
      %dma_wait3A_149 = arith.constant 0 : i32
      %dma_wait3A_150 = tpu.memref_slice %arg2[%dma_wait3A_148, %dma_wait3A_149] : memref<10000x128xf32, #tpu.memory_space<hbm>> -> memref<10000x128xf32, #tpu.memory_space<hbm>>
      tpu.wait_indirect_dma semaphore(%arg11 : memref<!tpu.dma_semaphore, #tpu.memory_space<semaphore_mem>>) src(%dma_wait3A_150 : memref<10000x128xf32, #tpu.memory_space<hbm>>) dst(%arg9 : memref<125x128xf32, #tpu.memory_space<vmem>>)
      %get3A = arith.index_cast %mul3A_137 : i32 to index
      %get3A_151 = arith.constant 0 : index
      %get3A_152 = tpu.vector_load %arg7[%get3A, %get3A_151] {strides = array<i32>} : memref<16x125xi32, #tpu.memory_space<vmem>>, vector<16xi32>,
      tpu.vector_store_idx %arg13[%get3A_152], %broadcast_in_dim3A_35 {add = true} : memref<10240xf32, #tpu.memory_space<vmem>>[vector<16xi32>], vector<16xf32>,
      %get3A_153 = arith.index_cast %mul3A_137 : i32 to index
      %get3A_154 = arith.constant 16 : index
      %get3A_155 = tpu.vector_load %arg7[%get3A_153, %get3A_154] {strides = array<i32>} : memref<16x125xi32, #tpu.memory_space<vmem>>, vector<16xi32>,
      tpu.vector_store_idx %arg13[%get3A_155], %broadcast_in_dim3A_35 {add = true} : memref<10240xf32, #tpu.memory_space<vmem>>[vector<16xi32>], vector<16xf32>,
      %get3A_156 = arith.index_cast %mul3A_137 : i32 to index
      %get3A_157 = arith.constant 32 : index
      %get3A_158 = tpu.vector_load %arg7[%get3A_156, %get3A_157] {strides = array<i32>} : memref<16x125xi32, #tpu.memory_space<vmem>>, vector<16xi32>,
      tpu.vector_store_idx %arg13[%get3A_158], %broadcast_in_dim3A_35 {add = true} : memref<10240xf32, #tpu.memory_space<vmem>>[vector<16xi32>], vector<16xf32>,
      %get3A_159 = arith.index_cast %mul3A_137 : i32 to index
      %get3A_160 = arith.constant 48 : index
      %get3A_161 = tpu.vector_load %arg7[%get3A_159, %get3A_160] {strides = array<i32>} : memref<16x125xi32, #tpu.memory_space<vmem>>, vector<16xi32>,
      tpu.vector_store_idx %arg13[%get3A_161], %broadcast_in_dim3A_35 {add = true} : memref<10240xf32, #tpu.memory_space<vmem>>[vector<16xi32>], vector<16xf32>,
      %get3A_162 = arith.index_cast %mul3A_137 : i32 to index
      %get3A_163 = arith.constant 64 : index
      %get3A_164 = tpu.vector_load %arg7[%get3A_162, %get3A_163] {strides = array<i32>} : memref<16x125xi32, #tpu.memory_space<vmem>>, vector<16xi32>,
      tpu.vector_store_idx %arg13[%get3A_164], %broadcast_in_dim3A_35 {add = true} : memref<10240xf32, #tpu.memory_space<vmem>>[vector<16xi32>], vector<16xf32>,
      %get3A_165 = arith.index_cast %mul3A_137 : i32 to index
      %get3A_166 = arith.constant 80 : index
      %get3A_167 = tpu.vector_load %arg7[%get3A_165, %get3A_166] {strides = array<i32>} : memref<16x125xi32, #tpu.memory_space<vmem>>, vector<16xi32>,
      tpu.vector_store_idx %arg13[%get3A_167], %broadcast_in_dim3A_35 {add = true} : memref<10240xf32, #tpu.memory_space<vmem>>[vector<16xi32>], vector<16xf32>,
      %get3A_168 = arith.index_cast %mul3A_137 : i32 to index
      %get3A_169 = arith.constant 96 : index
      %get3A_170 = tpu.vector_load %arg7[%get3A_168, %get3A_169] {strides = array<i32>} : memref<16x125xi32, #tpu.memory_space<vmem>>, vector<16xi32>,
      tpu.vector_store_idx %arg13[%get3A_170], %broadcast_in_dim3A_35 {add = true} : memref<10240xf32, #tpu.memory_space<vmem>>[vector<16xi32>], vector<16xf32>,
      %get3A_171 = arith.index_cast %mul3A_137 : i32 to index
      %get3A_172 = arith.constant 109 : index
      %get3A_173 = tpu.vector_load %arg7[%get3A_171, %get3A_172] {strides = array<i32>} : memref<16x125xi32, #tpu.memory_space<vmem>>, vector<16xi32>,
      tpu.vector_store_idx %arg13[%get3A_173], %broadcast_in_dim3A_35 masked %ge3A_37 {add = true} : memref<10240xf32, #tpu.memory_space<vmem>>[vector<16xi32>], vector<16xf32>, vector<16xi1>
      "tpu.region"() ({
        %run_scoped3A_212 = tpu.sem_alloc : memref<!tpu.dma_semaphore, #tpu.memory_space<semaphore_mem>>
        %dma_start3A_213 = arith.constant 0 : i32
        %dma_start3A_214 = tpu.memref_slice %arg7[%mul3A_137, %dma_start3A_213] : memref<16x125xi32, #tpu.memory_space<vmem>> -> memref<1x125xi32, #tpu.memory_space<vmem>>
        %dma_start3A_215 = tpu.memref_squeeze %dma_start3A_214 : memref<1x125xi32, #tpu.memory_space<vmem>> -> memref<125xi32, #tpu.memory_space<vmem>>
        %dma_start3A_216 = arith.constant 0 : i32
        %dma_start3A_217 = arith.constant 0 : i32
        %dma_start3A_218 = tpu.memref_slice %arg6[%dma_start3A_216, %dma_start3A_217] : memref<10240x128xf32, #tpu.memory_space<vmem_shared>> -> memref<10240x128xf32, #tpu.memory_space<vmem_shared>>
        tpu.enqueue_indirect_dma source(%arg9 : memref<125x128xf32, #tpu.memory_space<vmem>>) target(%dma_start3A_218 : memref<10240x128xf32, #tpu.memory_space<vmem_shared>>) offsets(%dma_start3A_215 : memref<125xi32, #tpu.memory_space<vmem>>) semaphore(%run_scoped3A_212 : memref<!tpu.dma_semaphore, #tpu.memory_space<semaphore_mem>>) {add = true}
        %dma_wait3A_219 = arith.constant 0 : i32
        %dma_wait3A_220 = tpu.memref_slice %arg7[%mul3A_137, %dma_wait3A_219] : memref<16x125xi32, #tpu.memory_space<vmem>> -> memref<1x125xi32, #tpu.memory_space<vmem>>
        %dma_wait3A_221 = tpu.memref_squeeze %dma_wait3A_220 : memref<1x125xi32, #tpu.memory_space<vmem>> -> memref<125xi32, #tpu.memory_space<vmem>>
        %dma_wait3A_222 = arith.constant 0 : i32
        %dma_wait3A_223 = arith.constant 0 : i32
        %dma_wait3A_224 = tpu.memref_slice %arg6[%dma_wait3A_222, %dma_wait3A_223] : memref<10240x128xf32, #tpu.memory_space<vmem_shared>> -> memref<10240x128xf32, #tpu.memory_space<vmem_shared>>
        tpu.wait_indirect_dma semaphore(%run_scoped3A_212 : memref<!tpu.dma_semaphore, #tpu.memory_space<semaphore_mem>>) src(%arg9 : memref<125x128xf32, #tpu.memory_space<vmem>>) dst(%dma_wait3A_224 : memref<10240x128xf32, #tpu.memory_space<vmem_shared>>)
        tpu.yield
      }) : () -> ()
      %lt3A = arith.constant 7 : i32
      %lt3A_174 = arith.cmpi slt, %scan3A_135, %lt3A : i32
      %convert_element_type3A = arith.extui %lt3A_174 : i1 to i32
      %cond3A = arith.constant 0 : i32
      %cond3A_175 = arith.cmpi ne, %convert_element_type3A, %cond3A : i32
      scf.if %cond3A_175 {
        %add3A_212 = arith.constant 2 : i32
        %add3A_213 = arith.addi %mul3A_137, %add3A_212 : i32
        %dma_start3A_214 = arith.constant 0 : i32
        %dma_start3A_215 = tpu.memref_slice %arg8[%add3A_213, %dma_start3A_214] : memref<16x125xi32, #tpu.memory_space<vmem>> -> memref<1x125xi32, #tpu.memory_space<vmem>>
        %dma_start3A_216 = tpu.memref_squeeze %dma_start3A_215 : memref<1x125xi32, #tpu.memory_space<vmem>> -> memref<125xi32, #tpu.memory_space<vmem>>
        %dma_start3A_217 = arith.constant 0 : i32
        %dma_start3A_218 = arith.constant 0 : i32
        %dma_start3A_219 = tpu.memref_slice %arg2[%dma_start3A_217, %dma_start3A_218] : memref<10000x128xf32, #tpu.memory_space<hbm>> -> memref<10000x128xf32, #tpu.memory_space<hbm>>
        tpu.enqueue_indirect_dma source(%dma_start3A_219 : memref<10000x128xf32, #tpu.memory_space<hbm>>) target(%arg9 : memref<125x128xf32, #tpu.memory_space<vmem>>) offsets(%dma_start3A_216 : memref<125xi32, #tpu.memory_space<vmem>>) semaphore(%arg11 : memref<!tpu.dma_semaphore, #tpu.memory_space<semaphore_mem>>)
      } else {
      }
      %add3A_176 = arith.constant 1 : i32
      %add3A_177 = arith.addi %mul3A_137, %add3A_176 : i32
      %dma_wait3A_178 = arith.constant 0 : i32
      %dma_wait3A_179 = tpu.memref_slice %arg8[%add3A_177, %dma_wait3A_178] : memref<16x125xi32, #tpu.memory_space<vmem>> -> memref<1x125xi32, #tpu.memory_space<vmem>>
      %dma_wait3A_180 = tpu.memref_squeeze %dma_wait3A_179 : memref<1x125xi32, #tpu.memory_space<vmem>> -> memref<125xi32, #tpu.memory_space<vmem>>
      %dma_wait3A_181 = arith.constant 0 : i32
      %dma_wait3A_182 = arith.constant 0 : i32
      %dma_wait3A_183 = tpu.memref_slice %arg2[%dma_wait3A_181, %dma_wait3A_182] : memref<10000x128xf32, #tpu.memory_space<hbm>> -> memref<10000x128xf32, #tpu.memory_space<hbm>>
      tpu.wait_indirect_dma semaphore(%arg12 : memref<!tpu.dma_semaphore, #tpu.memory_space<semaphore_mem>>) src(%dma_wait3A_183 : memref<10000x128xf32, #tpu.memory_space<hbm>>) dst(%arg10 : memref<125x128xf32, #tpu.memory_space<vmem>>)
      %add3A_184 = arith.constant 1 : i32
      %add3A_185 = arith.addi %mul3A_137, %add3A_184 : i32
      %get3A_186 = arith.index_cast %add3A_185 : i32 to index
      %get3A_187 = arith.constant 0 : index
      %get3A_188 = tpu.vector_load %arg7[%get3A_186, %get3A_187] {strides = array<i32>} : memref<16x125xi32, #tpu.memory_space<vmem>>, vector<16xi32>,
      tpu.vector_store_idx %arg13[%get3A_188], %broadcast_in_dim3A_35 {add = true} : memref<10240xf32, #tpu.memory_space<vmem>>[vector<16xi32>], vector<16xf32>,
      %get3A_189 = arith.index_cast %add3A_185 : i32 to index
      %get3A_190 = arith.constant 16 : index
      %get3A_191 = tpu.vector_load %arg7[%get3A_189, %get3A_190] {strides = array<i32>} : memref<16x125xi32, #tpu.memory_space<vmem>>, vector<16xi32>,
      tpu.vector_store_idx %arg13[%get3A_191], %broadcast_in_dim3A_35 {add = true} : memref<10240xf32, #tpu.memory_space<vmem>>[vector<16xi32>], vector<16xf32>,
      %get3A_192 = arith.index_cast %add3A_185 : i32 to index
      %get3A_193 = arith.constant 32 : index
      %get3A_194 = tpu.vector_load %arg7[%get3A_192, %get3A_193] {strides = array<i32>} : memref<16x125xi32, #tpu.memory_space<vmem>>, vector<16xi32>,
      tpu.vector_store_idx %arg13[%get3A_194], %broadcast_in_dim3A_35 {add = true} : memref<10240xf32, #tpu.memory_space<vmem>>[vector<16xi32>], vector<16xf32>,
      %get3A_195 = arith.index_cast %add3A_185 : i32 to index
      %get3A_196 = arith.constant 48 : index
      %get3A_197 = tpu.vector_load %arg7[%get3A_195, %get3A_196] {strides = array<i32>} : memref<16x125xi32, #tpu.memory_space<vmem>>, vector<16xi32>,
      tpu.vector_store_idx %arg13[%get3A_197], %broadcast_in_dim3A_35 {add = true} : memref<10240xf32, #tpu.memory_space<vmem>>[vector<16xi32>], vector<16xf32>,
      %get3A_198 = arith.index_cast %add3A_185 : i32 to index
      %get3A_199 = arith.constant 64 : index
      %get3A_200 = tpu.vector_load %arg7[%get3A_198, %get3A_199] {strides = array<i32>} : memref<16x125xi32, #tpu.memory_space<vmem>>, vector<16xi32>,
      tpu.vector_store_idx %arg13[%get3A_200], %broadcast_in_dim3A_35 {add = true} : memref<10240xf32, #tpu.memory_space<vmem>>[vector<16xi32>], vector<16xf32>,
      %get3A_201 = arith.index_cast %add3A_185 : i32 to index
      %get3A_202 = arith.constant 80 : index
      %get3A_203 = tpu.vector_load %arg7[%get3A_201, %get3A_202] {strides = array<i32>} : memref<16x125xi32, #tpu.memory_space<vmem>>, vector<16xi32>,
      tpu.vector_store_idx %arg13[%get3A_203], %broadcast_in_dim3A_35 {add = true} : memref<10240xf32, #tpu.memory_space<vmem>>[vector<16xi32>], vector<16xf32>,
      %get3A_204 = arith.index_cast %add3A_185 : i32 to index
      %get3A_205 = arith.constant 96 : index
      %get3A_206 = tpu.vector_load %arg7[%get3A_204, %get3A_205] {strides = array<i32>} : memref<16x125xi32, #tpu.memory_space<vmem>>, vector<16xi32>,
      tpu.vector_store_idx %arg13[%get3A_206], %broadcast_in_dim3A_35 {add = true} : memref<10240xf32, #tpu.memory_space<vmem>>[vector<16xi32>], vector<16xf32>,
      %get3A_207 = arith.index_cast %add3A_185 : i32 to index
      %get3A_208 = arith.constant 109 : index
      %get3A_209 = tpu.vector_load %arg7[%get3A_207, %get3A_208] {strides = array<i32>} : memref<16x125xi32, #tpu.memory_space<vmem>>, vector<16xi32>,
      tpu.vector_store_idx %arg13[%get3A_209], %broadcast_in_dim3A_35 masked %ge3A_37 {add = true} : memref<10240xf32, #tpu.memory_space<vmem>>[vector<16xi32>], vector<16xf32>, vector<16xi1>
      %add3A_210 = arith.constant 1 : i32
      %add3A_211 = arith.addi %mul3A_137, %add3A_210 : i32
      "tpu.region"() ({
        %run_scoped3A_212 = tpu.sem_alloc : memref<!tpu.dma_semaphore, #tpu.memory_space<semaphore_mem>>
        %dma_start3A_213 = arith.constant 0 : i32
        %dma_start3A_214 = tpu.memref_slice %arg7[%add3A_211, %dma_start3A_213] : memref<16x125xi32, #tpu.memory_space<vmem>> -> memref<1x125xi32, #tpu.memory_space<vmem>>
        %dma_start3A_215 = tpu.memref_squeeze %dma_start3A_214 : memref<1x125xi32, #tpu.memory_space<vmem>> -> memref<125xi32, #tpu.memory_space<vmem>>
        %dma_start3A_216 = arith.constant 0 : i32
        %dma_start3A_217 = arith.constant 0 : i32
        %dma_start3A_218 = tpu.memref_slice %arg6[%dma_start3A_216, %dma_start3A_217] : memref<10240x128xf32, #tpu.memory_space<vmem_shared>> -> memref<10240x128xf32, #tpu.memory_space<vmem_shared>>
        tpu.enqueue_indirect_dma source(%arg10 : memref<125x128xf32, #tpu.memory_space<vmem>>) target(%dma_start3A_218 : memref<10240x128xf32, #tpu.memory_space<vmem_shared>>) offsets(%dma_start3A_215 : memref<125xi32, #tpu.memory_space<vmem>>) semaphore(%run_scoped3A_212 : memref<!tpu.dma_semaphore, #tpu.memory_space<semaphore_mem>>) {add = true}
        %dma_wait3A_219 = arith.constant 0 : i32
        %dma_wait3A_220 = tpu.memref_slice %arg7[%add3A_211, %dma_wait3A_219] : memref<16x125xi32, #tpu.memory_space<vmem>> -> memref<1x125xi32, #tpu.memory_space<vmem>>
        %dma_wait3A_221 = tpu.memref_squeeze %dma_wait3A_220 : memref<1x125xi32, #tpu.memory_space<vmem>> -> memref<125xi32, #tpu.memory_space<vmem>>
        %dma_wait3A_222 = arith.constant 0 : i32
        %dma_wait3A_223 = arith.constant 0 : i32
        %dma_wait3A_224 = tpu.memref_slice %arg6[%dma_wait3A_222, %dma_wait3A_223] : memref<10240x128xf32, #tpu.memory_space<vmem_shared>> -> memref<10240x128xf32, #tpu.memory_space<vmem_shared>>
        tpu.wait_indirect_dma semaphore(%run_scoped3A_212 : memref<!tpu.dma_semaphore, #tpu.memory_space<semaphore_mem>>) src(%arg10 : memref<125x128xf32, #tpu.memory_space<vmem>>) dst(%dma_wait3A_224 : memref<10240x128xf32, #tpu.memory_space<vmem_shared>>)
        tpu.yield
      }) : () -> ()
    }
    %scan3A_107 = arith.constant 8 : i32
    %mul3A_108 = arith.constant 16 : i32
    %mul3A_109 = arith.muli %arg0, %mul3A_108 : i32
    %add3A_110 = arith.addi %mul3A_109, %arg1 : i32
    %run_scoped3A_111 = arith.constant 0 : i32
    "tpu.region"() ({
      %run_scoped3A_135 = tpu.sem_alloc : memref<!tpu.dma_semaphore, #tpu.memory_space<semaphore_mem>>
      %dma_start3A_136 = arith.constant 64 : i32
      %dma_start3A_137 = arith.constant 0 : i32
      %dma_start3A_138 = tpu.memref_slice %arg3[%run_scoped3A_111, %add3A_110, %dma_start3A_136, %dma_start3A_137] : memref<2x32x80x125xi32, #tpu.memory_space<hbm>> -> memref<1x1x16x125xi32, #tpu.memory_space<hbm>>
      %dma_start3A_139 = tpu.memref_squeeze %dma_start3A_138 : memref<1x1x16x125xi32, #tpu.memory_space<hbm>> -> memref<16x125xi32, #tpu.memory_space<hbm>>
      %dma_start3A_140 = arith.constant 64 : i32
      %dma_start3A_141 = arith.constant 0 : i32
      %dma_start3A_142 = tpu.memref_slice %arg3[%run_scoped3A_111, %add3A_110, %dma_start3A_140, %dma_start3A_141] : memref<2x32x80x125xi32, #tpu.memory_space<hbm>> -> memref<1x1x16x125xi32, #tpu.memory_space<hbm>>
      %dma_start3A_143 = tpu.memref_squeeze %dma_start3A_142 : memref<1x1x16x125xi32, #tpu.memory_space<hbm>> -> memref<16x125xi32, #tpu.memory_space<hbm>>
      tpu.enqueue_dma source(%dma_start3A_143 : memref<16x125xi32, #tpu.memory_space<hbm>>) target(%arg7 : memref<16x125xi32, #tpu.memory_space<vmem>>) target_semaphore(%run_scoped3A_135 : memref<!tpu.dma_semaphore, #tpu.memory_space<semaphore_mem>>)
      %dma_wait3A = arith.constant 64 : i32
      %dma_wait3A_144 = arith.constant 0 : i32
      %dma_wait3A_145 = tpu.memref_slice %arg3[%run_scoped3A_111, %add3A_110, %dma_wait3A, %dma_wait3A_144] : memref<2x32x80x125xi32, #tpu.memory_space<hbm>> -> memref<1x1x16x125xi32, #tpu.memory_space<hbm>>
      %dma_wait3A_146 = tpu.memref_squeeze %dma_wait3A_145 : memref<1x1x16x125xi32, #tpu.memory_space<hbm>> -> memref<16x125xi32, #tpu.memory_space<hbm>>
      %dma_wait3A_147 = arith.constant 64 : i32
      %dma_wait3A_148 = arith.constant 0 : i32
      %dma_wait3A_149 = tpu.memref_slice %arg3[%run_scoped3A_111, %add3A_110, %dma_wait3A_147, %dma_wait3A_148] : memref<2x32x80x125xi32, #tpu.memory_space<hbm>> -> memref<1x1x16x125xi32, #tpu.memory_space<hbm>>
      %dma_wait3A_150 = tpu.memref_squeeze %dma_wait3A_149 : memref<1x1x16x125xi32, #tpu.memory_space<hbm>> -> memref<16x125xi32, #tpu.memory_space<hbm>>
      tpu.wait_dma2 semaphore(%run_scoped3A_135 : memref<!tpu.dma_semaphore, #tpu.memory_space<semaphore_mem>>) src(%dma_wait3A_150 : memref<16x125xi32, #tpu.memory_space<hbm>>) dst(%arg7 : memref<16x125xi32, #tpu.memory_space<vmem>>)
      tpu.yield
    }) : () -> ()
    %run_scoped3A_112 = arith.constant 1 : i32
    "tpu.region"() ({
      %run_scoped3A_135 = tpu.sem_alloc : memref<!tpu.dma_semaphore, #tpu.memory_space<semaphore_mem>>
      %dma_start3A_136 = arith.constant 64 : i32
      %dma_start3A_137 = arith.constant 0 : i32
      %dma_start3A_138 = tpu.memref_slice %arg3[%run_scoped3A_112, %add3A_110, %dma_start3A_136, %dma_start3A_137] : memref<2x32x80x125xi32, #tpu.memory_space<hbm>> -> memref<1x1x16x125xi32, #tpu.memory_space<hbm>>
      %dma_start3A_139 = tpu.memref_squeeze %dma_start3A_138 : memref<1x1x16x125xi32, #tpu.memory_space<hbm>> -> memref<16x125xi32, #tpu.memory_space<hbm>>
      %dma_start3A_140 = arith.constant 64 : i32
      %dma_start3A_141 = arith.constant 0 : i32
      %dma_start3A_142 = tpu.memref_slice %arg3[%run_scoped3A_112, %add3A_110, %dma_start3A_140, %dma_start3A_141] : memref<2x32x80x125xi32, #tpu.memory_space<hbm>> -> memref<1x1x16x125xi32, #tpu.memory_space<hbm>>
      %dma_start3A_143 = tpu.memref_squeeze %dma_start3A_142 : memref<1x1x16x125xi32, #tpu.memory_space<hbm>> -> memref<16x125xi32, #tpu.memory_space<hbm>>
      tpu.enqueue_dma source(%dma_start3A_143 : memref<16x125xi32, #tpu.memory_space<hbm>>) target(%arg8 : memref<16x125xi32, #tpu.memory_space<vmem>>) target_semaphore(%run_scoped3A_135 : memref<!tpu.dma_semaphore, #tpu.memory_space<semaphore_mem>>)
      %dma_wait3A = arith.constant 64 : i32
      %dma_wait3A_144 = arith.constant 0 : i32
      %dma_wait3A_145 = tpu.memref_slice %arg3[%run_scoped3A_112, %add3A_110, %dma_wait3A, %dma_wait3A_144] : memref<2x32x80x125xi32, #tpu.memory_space<hbm>> -> memref<1x1x16x125xi32, #tpu.memory_space<hbm>>
      %dma_wait3A_146 = tpu.memref_squeeze %dma_wait3A_145 : memref<1x1x16x125xi32, #tpu.memory_space<hbm>> -> memref<16x125xi32, #tpu.memory_space<hbm>>
      %dma_wait3A_147 = arith.constant 64 : i32
      %dma_wait3A_148 = arith.constant 0 : i32
      %dma_wait3A_149 = tpu.memref_slice %arg3[%run_scoped3A_112, %add3A_110, %dma_wait3A_147, %dma_wait3A_148] : memref<2x32x80x125xi32, #tpu.memory_space<hbm>> -> memref<1x1x16x125xi32, #tpu.memory_space<hbm>>
      %dma_wait3A_150 = tpu.memref_squeeze %dma_wait3A_149 : memref<1x1x16x125xi32, #tpu.memory_space<hbm>> -> memref<16x125xi32, #tpu.memory_space<hbm>>
      tpu.wait_dma2 semaphore(%run_scoped3A_135 : memref<!tpu.dma_semaphore, #tpu.memory_space<semaphore_mem>>) src(%dma_wait3A_150 : memref<16x125xi32, #tpu.memory_space<hbm>>) dst(%arg8 : memref<16x125xi32, #tpu.memory_space<vmem>>)
      tpu.yield
    }) : () -> ()
    %dma_start3A_113 = arith.constant 0 : i32
    %dma_start3A_114 = arith.constant 0 : i32
    %dma_start3A_115 = tpu.memref_slice %arg8[%dma_start3A_113, %dma_start3A_114] : memref<16x125xi32, #tpu.memory_space<vmem>> -> memref<1x125xi32, #tpu.memory_space<vmem>>
    %dma_start3A_116 = tpu.memref_squeeze %dma_start3A_115 : memref<1x125xi32, #tpu.memory_space<vmem>> -> memref<125xi32, #tpu.memory_space<vmem>>
    %dma_start3A_117 = arith.constant 0 : i32
    %dma_start3A_118 = arith.constant 0 : i32
    %dma_start3A_119 = tpu.memref_slice %arg2[%dma_start3A_117, %dma_start3A_118] : memref<10000x128xf32, #tpu.memory_space<hbm>> -> memref<10000x128xf32, #tpu.memory_space<hbm>>
    tpu.enqueue_indirect_dma source(%dma_start3A_119 : memref<10000x128xf32, #tpu.memory_space<hbm>>) target(%arg9 : memref<125x128xf32, #tpu.memory_space<vmem>>) offsets(%dma_start3A_116 : memref<125xi32, #tpu.memory_space<vmem>>) semaphore(%arg11 : memref<!tpu.dma_semaphore, #tpu.memory_space<semaphore_mem>>)
    %scan3A_120 = arith.constant 0 : i32
    %scan3A_121 = arith.constant 0 : i32
    %scan3A_122 = arith.constant 8 : i32
    %scan3A_123 = arith.addi %scan3A_121, %scan3A_122 : i32
    %scan3A_124 = arith.constant 1 : i32
    scf.for %scan3A_135 = %scan3A_121 to %scan3A_123 step %scan3A_124  : i32 {
      %mul3A_136 = arith.constant 2 : i32
      %mul3A_137 = arith.muli %mul3A_136, %scan3A_135 : i32
      %add3A_138 = arith.constant 1 : i32
      %add3A_139 = arith.addi %mul3A_137, %add3A_138 : i32
      %dma_start3A_140 = arith.constant 0 : i32
      %dma_start3A_141 = tpu.memref_slice %arg8[%add3A_139, %dma_start3A_140] : memref<16x125xi32, #tpu.memory_space<vmem>> -> memref<1x125xi32, #tpu.memory_space<vmem>>
      %dma_start3A_142 = tpu.memref_squeeze %dma_start3A_141 : memref<1x125xi32, #tpu.memory_space<vmem>> -> memref<125xi32, #tpu.memory_space<vmem>>
      %dma_start3A_143 = arith.constant 0 : i32
      %dma_start3A_144 = arith.constant 0 : i32
      %dma_start3A_145 = tpu.memref_slice %arg2[%dma_start3A_143, %dma_start3A_144] : memref<10000x128xf32, #tpu.memory_space<hbm>> -> memref<10000x128xf32, #tpu.memory_space<hbm>>
      tpu.enqueue_indirect_dma source(%dma_start3A_145 : memref<10000x128xf32, #tpu.memory_space<hbm>>) target(%arg10 : memref<125x128xf32, #tpu.memory_space<vmem>>) offsets(%dma_start3A_142 : memref<125xi32, #tpu.memory_space<vmem>>) semaphore(%arg12 : memref<!tpu.dma_semaphore, #tpu.memory_space<semaphore_mem>>)
      %dma_wait3A = arith.constant 0 : i32
      %dma_wait3A_146 = tpu.memref_slice %arg8[%mul3A_137, %dma_wait3A] : memref<16x125xi32, #tpu.memory_space<vmem>> -> memref<1x125xi32, #tpu.memory_space<vmem>>
      %dma_wait3A_147 = tpu.memref_squeeze %dma_wait3A_146 : memref<1x125xi32, #tpu.memory_space<vmem>> -> memref<125xi32, #tpu.memory_space<vmem>>
      %dma_wait3A_148 = arith.constant 0 : i32
      %dma_wait3A_149 = arith.constant 0 : i32
      %dma_wait3A_150 = tpu.memref_slice %arg2[%dma_wait3A_148, %dma_wait3A_149] : memref<10000x128xf32, #tpu.memory_space<hbm>> -> memref<10000x128xf32, #tpu.memory_space<hbm>>
      tpu.wait_indirect_dma semaphore(%arg11 : memref<!tpu.dma_semaphore, #tpu.memory_space<semaphore_mem>>) src(%dma_wait3A_150 : memref<10000x128xf32, #tpu.memory_space<hbm>>) dst(%arg9 : memref<125x128xf32, #tpu.memory_space<vmem>>)
      %get3A = arith.index_cast %mul3A_137 : i32 to index
      %get3A_151 = arith.constant 0 : index
      %get3A_152 = tpu.vector_load %arg7[%get3A, %get3A_151] {strides = array<i32>} : memref<16x125xi32, #tpu.memory_space<vmem>>, vector<16xi32>,
      tpu.vector_store_idx %arg13[%get3A_152], %broadcast_in_dim3A_35 {add = true} : memref<10240xf32, #tpu.memory_space<vmem>>[vector<16xi32>], vector<16xf32>,
      %get3A_153 = arith.index_cast %mul3A_137 : i32 to index
      %get3A_154 = arith.constant 16 : index
      %get3A_155 = tpu.vector_load %arg7[%get3A_153, %get3A_154] {strides = array<i32>} : memref<16x125xi32, #tpu.memory_space<vmem>>, vector<16xi32>,
      tpu.vector_store_idx %arg13[%get3A_155], %broadcast_in_dim3A_35 {add = true} : memref<10240xf32, #tpu.memory_space<vmem>>[vector<16xi32>], vector<16xf32>,
      %get3A_156 = arith.index_cast %mul3A_137 : i32 to index
      %get3A_157 = arith.constant 32 : index
      %get3A_158 = tpu.vector_load %arg7[%get3A_156, %get3A_157] {strides = array<i32>} : memref<16x125xi32, #tpu.memory_space<vmem>>, vector<16xi32>,
      tpu.vector_store_idx %arg13[%get3A_158], %broadcast_in_dim3A_35 {add = true} : memref<10240xf32, #tpu.memory_space<vmem>>[vector<16xi32>], vector<16xf32>,
      %get3A_159 = arith.index_cast %mul3A_137 : i32 to index
      %get3A_160 = arith.constant 48 : index
      %get3A_161 = tpu.vector_load %arg7[%get3A_159, %get3A_160] {strides = array<i32>} : memref<16x125xi32, #tpu.memory_space<vmem>>, vector<16xi32>,
      tpu.vector_store_idx %arg13[%get3A_161], %broadcast_in_dim3A_35 {add = true} : memref<10240xf32, #tpu.memory_space<vmem>>[vector<16xi32>], vector<16xf32>,
      %get3A_162 = arith.index_cast %mul3A_137 : i32 to index
      %get3A_163 = arith.constant 64 : index
      %get3A_164 = tpu.vector_load %arg7[%get3A_162, %get3A_163] {strides = array<i32>} : memref<16x125xi32, #tpu.memory_space<vmem>>, vector<16xi32>,
      tpu.vector_store_idx %arg13[%get3A_164], %broadcast_in_dim3A_35 {add = true} : memref<10240xf32, #tpu.memory_space<vmem>>[vector<16xi32>], vector<16xf32>,
      %get3A_165 = arith.index_cast %mul3A_137 : i32 to index
      %get3A_166 = arith.constant 80 : index
      %get3A_167 = tpu.vector_load %arg7[%get3A_165, %get3A_166] {strides = array<i32>} : memref<16x125xi32, #tpu.memory_space<vmem>>, vector<16xi32>,
      tpu.vector_store_idx %arg13[%get3A_167], %broadcast_in_dim3A_35 {add = true} : memref<10240xf32, #tpu.memory_space<vmem>>[vector<16xi32>], vector<16xf32>,
      %get3A_168 = arith.index_cast %mul3A_137 : i32 to index
      %get3A_169 = arith.constant 96 : index
      %get3A_170 = tpu.vector_load %arg7[%get3A_168, %get3A_169] {strides = array<i32>} : memref<16x125xi32, #tpu.memory_space<vmem>>, vector<16xi32>,
      tpu.vector_store_idx %arg13[%get3A_170], %broadcast_in_dim3A_35 {add = true} : memref<10240xf32, #tpu.memory_space<vmem>>[vector<16xi32>], vector<16xf32>,
      %get3A_171 = arith.index_cast %mul3A_137 : i32 to index
      %get3A_172 = arith.constant 109 : index
      %get3A_173 = tpu.vector_load %arg7[%get3A_171, %get3A_172] {strides = array<i32>} : memref<16x125xi32, #tpu.memory_space<vmem>>, vector<16xi32>,
      tpu.vector_store_idx %arg13[%get3A_173], %broadcast_in_dim3A_35 masked %ge3A_37 {add = true} : memref<10240xf32, #tpu.memory_space<vmem>>[vector<16xi32>], vector<16xf32>, vector<16xi1>
      "tpu.region"() ({
        %run_scoped3A_212 = tpu.sem_alloc : memref<!tpu.dma_semaphore, #tpu.memory_space<semaphore_mem>>
        %dma_start3A_213 = arith.constant 0 : i32
        %dma_start3A_214 = tpu.memref_slice %arg7[%mul3A_137, %dma_start3A_213] : memref<16x125xi32, #tpu.memory_space<vmem>> -> memref<1x125xi32, #tpu.memory_space<vmem>>
        %dma_start3A_215 = tpu.memref_squeeze %dma_start3A_214 : memref<1x125xi32, #tpu.memory_space<vmem>> -> memref<125xi32, #tpu.memory_space<vmem>>
        %dma_start3A_216 = arith.constant 0 : i32
        %dma_start3A_217 = arith.constant 0 : i32
        %dma_start3A_218 = tpu.memref_slice %arg6[%dma_start3A_216, %dma_start3A_217] : memref<10240x128xf32, #tpu.memory_space<vmem_shared>> -> memref<10240x128xf32, #tpu.memory_space<vmem_shared>>
        tpu.enqueue_indirect_dma source(%arg9 : memref<125x128xf32, #tpu.memory_space<vmem>>) target(%dma_start3A_218 : memref<10240x128xf32, #tpu.memory_space<vmem_shared>>) offsets(%dma_start3A_215 : memref<125xi32, #tpu.memory_space<vmem>>) semaphore(%run_scoped3A_212 : memref<!tpu.dma_semaphore, #tpu.memory_space<semaphore_mem>>) {add = true}
        %dma_wait3A_219 = arith.constant 0 : i32
        %dma_wait3A_220 = tpu.memref_slice %arg7[%mul3A_137, %dma_wait3A_219] : memref<16x125xi32, #tpu.memory_space<vmem>> -> memref<1x125xi32, #tpu.memory_space<vmem>>
        %dma_wait3A_221 = tpu.memref_squeeze %dma_wait3A_220 : memref<1x125xi32, #tpu.memory_space<vmem>> -> memref<125xi32, #tpu.memory_space<vmem>>
        %dma_wait3A_222 = arith.constant 0 : i32
        %dma_wait3A_223 = arith.constant 0 : i32
        %dma_wait3A_224 = tpu.memref_slice %arg6[%dma_wait3A_222, %dma_wait3A_223] : memref<10240x128xf32, #tpu.memory_space<vmem_shared>> -> memref<10240x128xf32, #tpu.memory_space<vmem_shared>>
        tpu.wait_indirect_dma semaphore(%run_scoped3A_212 : memref<!tpu.dma_semaphore, #tpu.memory_space<semaphore_mem>>) src(%arg9 : memref<125x128xf32, #tpu.memory_space<vmem>>) dst(%dma_wait3A_224 : memref<10240x128xf32, #tpu.memory_space<vmem_shared>>)
        tpu.yield
      }) : () -> ()
      %lt3A = arith.constant 7 : i32
      %lt3A_174 = arith.cmpi slt, %scan3A_135, %lt3A : i32
      %convert_element_type3A = arith.extui %lt3A_174 : i1 to i32
      %cond3A = arith.constant 0 : i32
      %cond3A_175 = arith.cmpi ne, %convert_element_type3A, %cond3A : i32
      scf.if %cond3A_175 {
        %add3A_212 = arith.constant 2 : i32
        %add3A_213 = arith.addi %mul3A_137, %add3A_212 : i32
        %dma_start3A_214 = arith.constant 0 : i32
        %dma_start3A_215 = tpu.memref_slice %arg8[%add3A_213, %dma_start3A_214] : memref<16x125xi32, #tpu.memory_space<vmem>> -> memref<1x125xi32, #tpu.memory_space<vmem>>
        %dma_start3A_216 = tpu.memref_squeeze %dma_start3A_215 : memref<1x125xi32, #tpu.memory_space<vmem>> -> memref<125xi32, #tpu.memory_space<vmem>>
        %dma_start3A_217 = arith.constant 0 : i32
        %dma_start3A_218 = arith.constant 0 : i32
        %dma_start3A_219 = tpu.memref_slice %arg2[%dma_start3A_217, %dma_start3A_218] : memref<10000x128xf32, #tpu.memory_space<hbm>> -> memref<10000x128xf32, #tpu.memory_space<hbm>>
        tpu.enqueue_indirect_dma source(%dma_start3A_219 : memref<10000x128xf32, #tpu.memory_space<hbm>>) target(%arg9 : memref<125x128xf32, #tpu.memory_space<vmem>>) offsets(%dma_start3A_216 : memref<125xi32, #tpu.memory_space<vmem>>) semaphore(%arg11 : memref<!tpu.dma_semaphore, #tpu.memory_space<semaphore_mem>>)
      } else {
      }
      %add3A_176 = arith.constant 1 : i32
      %add3A_177 = arith.addi %mul3A_137, %add3A_176 : i32
      %dma_wait3A_178 = arith.constant 0 : i32
      %dma_wait3A_179 = tpu.memref_slice %arg8[%add3A_177, %dma_wait3A_178] : memref<16x125xi32, #tpu.memory_space<vmem>> -> memref<1x125xi32, #tpu.memory_space<vmem>>
      %dma_wait3A_180 = tpu.memref_squeeze %dma_wait3A_179 : memref<1x125xi32, #tpu.memory_space<vmem>> -> memref<125xi32, #tpu.memory_space<vmem>>
      %dma_wait3A_181 = arith.constant 0 : i32
      %dma_wait3A_182 = arith.constant 0 : i32
      %dma_wait3A_183 = tpu.memref_slice %arg2[%dma_wait3A_181, %dma_wait3A_182] : memref<10000x128xf32, #tpu.memory_space<hbm>> -> memref<10000x128xf32, #tpu.memory_space<hbm>>
      tpu.wait_indirect_dma semaphore(%arg12 : memref<!tpu.dma_semaphore, #tpu.memory_space<semaphore_mem>>) src(%dma_wait3A_183 : memref<10000x128xf32, #tpu.memory_space<hbm>>) dst(%arg10 : memref<125x128xf32, #tpu.memory_space<vmem>>)
      %add3A_184 = arith.constant 1 : i32
      %add3A_185 = arith.addi %mul3A_137, %add3A_184 : i32
      %get3A_186 = arith.index_cast %add3A_185 : i32 to index
      %get3A_187 = arith.constant 0 : index
      %get3A_188 = tpu.vector_load %arg7[%get3A_186, %get3A_187] {strides = array<i32>} : memref<16x125xi32, #tpu.memory_space<vmem>>, vector<16xi32>,
      tpu.vector_store_idx %arg13[%get3A_188], %broadcast_in_dim3A_35 {add = true} : memref<10240xf32, #tpu.memory_space<vmem>>[vector<16xi32>], vector<16xf32>,
      %get3A_189 = arith.index_cast %add3A_185 : i32 to index
      %get3A_190 = arith.constant 16 : index
      %get3A_191 = tpu.vector_load %arg7[%get3A_189, %get3A_190] {strides = array<i32>} : memref<16x125xi32, #tpu.memory_space<vmem>>, vector<16xi32>,
      tpu.vector_store_idx %arg13[%get3A_191], %broadcast_in_dim3A_35 {add = true} : memref<10240xf32, #tpu.memory_space<vmem>>[vector<16xi32>], vector<16xf32>,
      %get3A_192 = arith.index_cast %add3A_185 : i32 to index
      %get3A_193 = arith.constant 32 : index
      %get3A_194 = tpu.vector_load %arg7[%get3A_192, %get3A_193] {strides = array<i32>} : memref<16x125xi32, #tpu.memory_space<vmem>>, vector<16xi32>,
      tpu.vector_store_idx %arg13[%get3A_194], %broadcast_in_dim3A_35 {add = true} : memref<10240xf32, #tpu.memory_space<vmem>>[vector<16xi32>], vector<16xf32>,
      %get3A_195 = arith.index_cast %add3A_185 : i32 to index
      %get3A_196 = arith.constant 48 : index
      %get3A_197 = tpu.vector_load %arg7[%get3A_195, %get3A_196] {strides = array<i32>} : memref<16x125xi32, #tpu.memory_space<vmem>>, vector<16xi32>,
      tpu.vector_store_idx %arg13[%get3A_197], %broadcast_in_dim3A_35 {add = true} : memref<10240xf32, #tpu.memory_space<vmem>>[vector<16xi32>], vector<16xf32>,
      %get3A_198 = arith.index_cast %add3A_185 : i32 to index
      %get3A_199 = arith.constant 64 : index
      %get3A_200 = tpu.vector_load %arg7[%get3A_198, %get3A_199] {strides = array<i32>} : memref<16x125xi32, #tpu.memory_space<vmem>>, vector<16xi32>,
      tpu.vector_store_idx %arg13[%get3A_200], %broadcast_in_dim3A_35 {add = true} : memref<10240xf32, #tpu.memory_space<vmem>>[vector<16xi32>], vector<16xf32>,
      %get3A_201 = arith.index_cast %add3A_185 : i32 to index
      %get3A_202 = arith.constant 80 : index
      %get3A_203 = tpu.vector_load %arg7[%get3A_201, %get3A_202] {strides = array<i32>} : memref<16x125xi32, #tpu.memory_space<vmem>>, vector<16xi32>,
      tpu.vector_store_idx %arg13[%get3A_203], %broadcast_in_dim3A_35 {add = true} : memref<10240xf32, #tpu.memory_space<vmem>>[vector<16xi32>], vector<16xf32>,
      %get3A_204 = arith.index_cast %add3A_185 : i32 to index
      %get3A_205 = arith.constant 96 : index
      %get3A_206 = tpu.vector_load %arg7[%get3A_204, %get3A_205] {strides = array<i32>} : memref<16x125xi32, #tpu.memory_space<vmem>>, vector<16xi32>,
      tpu.vector_store_idx %arg13[%get3A_206], %broadcast_in_dim3A_35 {add = true} : memref<10240xf32, #tpu.memory_space<vmem>>[vector<16xi32>], vector<16xf32>,
      %get3A_207 = arith.index_cast %add3A_185 : i32 to index
      %get3A_208 = arith.constant 109 : index
      %get3A_209 = tpu.vector_load %arg7[%get3A_207, %get3A_208] {strides = array<i32>} : memref<16x125xi32, #tpu.memory_space<vmem>>, vector<16xi32>,
      tpu.vector_store_idx %arg13[%get3A_209], %broadcast_in_dim3A_35 masked %ge3A_37 {add = true} : memref<10240xf32, #tpu.memory_space<vmem>>[vector<16xi32>], vector<16xf32>, vector<16xi1>
      %add3A_210 = arith.constant 1 : i32
      %add3A_211 = arith.addi %mul3A_137, %add3A_210 : i32
      "tpu.region"() ({
        %run_scoped3A_212 = tpu.sem_alloc : memref<!tpu.dma_semaphore, #tpu.memory_space<semaphore_mem>>
        %dma_start3A_213 = arith.constant 0 : i32
        %dma_start3A_214 = tpu.memref_slice %arg7[%add3A_211, %dma_start3A_213] : memref<16x125xi32, #tpu.memory_space<vmem>> -> memref<1x125xi32, #tpu.memory_space<vmem>>
        %dma_start3A_215 = tpu.memref_squeeze %dma_start3A_214 : memref<1x125xi32, #tpu.memory_space<vmem>> -> memref<125xi32, #tpu.memory_space<vmem>>
        %dma_start3A_216 = arith.constant 0 : i32
        %dma_start3A_217 = arith.constant 0 : i32
        %dma_start3A_218 = tpu.memref_slice %arg6[%dma_start3A_216, %dma_start3A_217] : memref<10240x128xf32, #tpu.memory_space<vmem_shared>> -> memref<10240x128xf32, #tpu.memory_space<vmem_shared>>
        tpu.enqueue_indirect_dma source(%arg10 : memref<125x128xf32, #tpu.memory_space<vmem>>) target(%dma_start3A_218 : memref<10240x128xf32, #tpu.memory_space<vmem_shared>>) offsets(%dma_start3A_215 : memref<125xi32, #tpu.memory_space<vmem>>) semaphore(%run_scoped3A_212 : memref<!tpu.dma_semaphore, #tpu.memory_space<semaphore_mem>>) {add = true}
        %dma_wait3A_219 = arith.constant 0 : i32
        %dma_wait3A_220 = tpu.memref_slice %arg7[%add3A_211, %dma_wait3A_219] : memref<16x125xi32, #tpu.memory_space<vmem>> -> memref<1x125xi32, #tpu.memory_space<vmem>>
        %dma_wait3A_221 = tpu.memref_squeeze %dma_wait3A_220 : memref<1x125xi32, #tpu.memory_space<vmem>> -> memref<125xi32, #tpu.memory_space<vmem>>
        %dma_wait3A_222 = arith.constant 0 : i32
        %dma_wait3A_223 = arith.constant 0 : i32
        %dma_wait3A_224 = tpu.memref_slice %arg6[%dma_wait3A_222, %dma_wait3A_223] : memref<10240x128xf32, #tpu.memory_space<vmem_shared>> -> memref<10240x128xf32, #tpu.memory_space<vmem_shared>>
        tpu.wait_indirect_dma semaphore(%run_scoped3A_212 : memref<!tpu.dma_semaphore, #tpu.memory_space<semaphore_mem>>) src(%arg10 : memref<125x128xf32, #tpu.memory_space<vmem>>) dst(%dma_wait3A_224 : memref<10240x128xf32, #tpu.memory_space<vmem_shared>>)
        tpu.yield
      }) : () -> ()
    }
    %scan3A_125 = arith.constant 8 : i32
    %mul3A_126 = arith.constant 16 : i32
    %mul3A_127 = arith.muli %arg0, %mul3A_126 : i32
    %add3A_128 = arith.addi %mul3A_127, %arg1 : i32
    %run_scoped3A_129 = arith.constant 0 : i32
    "tpu.region"() ({
      %run_scoped3A_135 = tpu.sem_alloc : memref<!tpu.dma_semaphore, #tpu.memory_space<semaphore_mem>>
      %dma_start3A_136 = arith.constant 0 : i32
      %dma_start3A_137 = tpu.memref_slice %arg5[%add3A_128, %run_scoped3A_129, %dma_start3A_136] : memref<32x1x10240xf32, #tpu.memory_space<hbm>> -> memref<1x1x10240xf32, #tpu.memory_space<hbm>>
      %dma_start3A_138 = tpu.memref_squeeze %dma_start3A_137 : memref<1x1x10240xf32, #tpu.memory_space<hbm>> -> memref<10240xf32, #tpu.memory_space<hbm>>
      %dma_start3A_139 = arith.constant 0 : i32
      %dma_start3A_140 = tpu.memref_slice %arg5[%add3A_128, %run_scoped3A_129, %dma_start3A_139] : memref<32x1x10240xf32, #tpu.memory_space<hbm>> -> memref<1x1x10240xf32, #tpu.memory_space<hbm>>
      %dma_start3A_141 = tpu.memref_squeeze %dma_start3A_140 : memref<1x1x10240xf32, #tpu.memory_space<hbm>> -> memref<10240xf32, #tpu.memory_space<hbm>>
      tpu.enqueue_dma source(%arg13 : memref<10240xf32, #tpu.memory_space<vmem>>) target(%dma_start3A_141 : memref<10240xf32, #tpu.memory_space<hbm>>) target_semaphore(%run_scoped3A_135 : memref<!tpu.dma_semaphore, #tpu.memory_space<semaphore_mem>>)
      %dma_wait3A = arith.constant 0 : i32
      %dma_wait3A_142 = tpu.memref_slice %arg5[%add3A_128, %run_scoped3A_129, %dma_wait3A] : memref<32x1x10240xf32, #tpu.memory_space<hbm>> -> memref<1x1x10240xf32, #tpu.memory_space<hbm>>
      %dma_wait3A_143 = tpu.memref_squeeze %dma_wait3A_142 : memref<1x1x10240xf32, #tpu.memory_space<hbm>> -> memref<10240xf32, #tpu.memory_space<hbm>>
      %dma_wait3A_144 = arith.constant 0 : i32
      %dma_wait3A_145 = tpu.memref_slice %arg5[%add3A_128, %run_scoped3A_129, %dma_wait3A_144] : memref<32x1x10240xf32, #tpu.memory_space<hbm>> -> memref<1x1x10240xf32, #tpu.memory_space<hbm>>
      %dma_wait3A_146 = tpu.memref_squeeze %dma_wait3A_145 : memref<1x1x10240xf32, #tpu.memory_space<hbm>> -> memref<10240xf32, #tpu.memory_space<hbm>>
      tpu.wait_dma2 semaphore(%run_scoped3A_135 : memref<!tpu.dma_semaphore, #tpu.memory_space<semaphore_mem>>) src(%arg13 : memref<10240xf32, #tpu.memory_space<vmem>>) dst(%dma_wait3A_146 : memref<10240xf32, #tpu.memory_space<hbm>>)
      tpu.yield
    }) : () -> ()
    %barrier3A_130 = arith.constant 0 : index
    tpu.barrier barrier_id(%barrier3A_130)
    %mul3A_131 = arith.constant 640 : i32
    %mul3A_132 = arith.muli %arg1, %mul3A_131 : i32
    %mul3A_133 = arith.constant 640 : i32
    %mul3A_134 = arith.muli %arg1, %mul3A_133 : i32
    "tpu.region"() ({
      %run_scoped3A_135 = tpu.sem_alloc : memref<!tpu.dma_semaphore, #tpu.memory_space<semaphore_mem>>
      %dma_start3A_136 = arith.constant 0 : i32
      %dma_start3A_137 = tpu.memref_slice %arg4[%arg0, %mul3A_134, %dma_start3A_136] : memref<2x10240x128xf32, #tpu.memory_space<hbm>> -> memref<1x640x128xf32, #tpu.memory_space<hbm>>
      %dma_start3A_138 = tpu.memref_squeeze %dma_start3A_137 : memref<1x640x128xf32, #tpu.memory_space<hbm>> -> memref<640x128xf32, #tpu.memory_space<hbm>>
      %dma_start3A_139 = arith.constant 0 : i32
      %dma_start3A_140 = tpu.memref_slice %arg6[%mul3A_132, %dma_start3A_139] : memref<10240x128xf32, #tpu.memory_space<vmem_shared>> -> memref<640x128xf32, #tpu.memory_space<vmem_shared>>
      tpu.enqueue_dma source(%dma_start3A_140 : memref<640x128xf32, #tpu.memory_space<vmem_shared>>) target(%dma_start3A_138 : memref<640x128xf32, #tpu.memory_space<hbm>>) target_semaphore(%run_scoped3A_135 : memref<!tpu.dma_semaphore, #tpu.memory_space<semaphore_mem>>)
      %dma_wait3A = arith.constant 0 : i32
      %dma_wait3A_141 = tpu.memref_slice %arg4[%arg0, %mul3A_134, %dma_wait3A] : memref<2x10240x128xf32, #tpu.memory_space<hbm>> -> memref<1x640x128xf32, #tpu.memory_space<hbm>>
      %dma_wait3A_142 = tpu.memref_squeeze %dma_wait3A_141 : memref<1x640x128xf32, #tpu.memory_space<hbm>> -> memref<640x128xf32, #tpu.memory_space<hbm>>
      %dma_wait3A_143 = arith.constant 0 : i32
      %dma_wait3A_144 = tpu.memref_slice %arg6[%mul3A_132, %dma_wait3A_143] : memref<10240x128xf32, #tpu.memory_space<vmem_shared>> -> memref<640x128xf32, #tpu.memory_space<vmem_shared>>
      tpu.wait_dma2 semaphore(%run_scoped3A_135 : memref<!tpu.dma_semaphore, #tpu.memory_space<semaphore_mem>>) src(%dma_wait3A_144 : memref<640x128xf32, #tpu.memory_space<vmem_shared>>) dst(%dma_wait3A_142 : memref<640x128xf32, #tpu.memory_space<hbm>>)
      tpu.yield
    }) : () -> ()
    return
  }
}

module attributes {stable_mosaic.version = 14 : i64} {
  func.func @body(%arg0: i32, %arg1: memref<2x5120x128xf32, #tpu.memory_space<vmem>>, %arg2: memref<32x1x5120xf32, #tpu.memory_space<vmem>>, %arg3: memref<5120x256xbf16, #tpu.memory_space<vmem>>, %arg4: memref<128x256xf32, #tpu.memory_space<vmem>>, %arg5: memref<1x512xf32, #tpu.memory_space<vmem>>, %arg6: memref<2x256x256xf32, #tpu.memory_space<vmem>>, %arg7: memref<2x5120x128xf32, #tpu.memory_space<vmem>>, %arg8: memref<5120x256xbf16, #tpu.memory_space<vmem>>) attributes {dimension_semantics = [#tpu.dimension_semantics<arbitrary>], iteration_bounds = array<i64: 2>, scalar_prefetch = 0 : i64, scratch_operands = 0 : i64, tpu.core_type = #tpu.core_type<tc>, window_params = [{transform_indices = @transform_0, window_bounds = array<i64: 2, 5120, 128>}, {transform_indices = @transform_1, window_bounds = array<i64: 32, 1, 5120>}, {transform_indices = @transform_2, window_bounds = array<i64: 5120, 256>}, {pipeline_mode = #tpu.pipeline_mode<synchronous>, transform_indices = @transform_3, window_bounds = array<i64: 128, 256>}, {pipeline_mode = #tpu.pipeline_mode<synchronous>, transform_indices = @transform_4, window_bounds = array<i64: 1, 512>}, {pipeline_mode = #tpu.pipeline_mode<synchronous>, transform_indices = @transform_5, window_bounds = array<i64: 2, 256, 256>}, {transform_indices = @transform_6, window_bounds = array<i64: 2, 5120, 128>}, {transform_indices = @transform_7, window_bounds = array<i64: 5120, 256>}]} {
    %get3A = arith.constant 0 : index
    %get3A_0 = arith.constant 0 : index
    %get3A_1 = arith.constant 0 : index
    %get3A_2 = vector.load %arg2[%get3A, %get3A_0, %get3A_1] : memref<32x1x5120xf32, #tpu.memory_space<vmem>>, vector<32x1x5120xf32>
    %reshape3A = vector.shape_cast %get3A_2 : vector<32x1x5120xf32> to vector<32x5120xf32>
    %reduce_sum3A = arith.constant dense<0.000000e+00> : vector<5120xf32>
    %reduce_sum3A_3 = vector.multi_reduction <add>, %reshape3A, %reduce_sum3A [0] : vector<32x5120xf32> to vector<5120xf32>
    %max3A = arith.constant 1.000000e+00 : f32
    %max3A_4 = vector.broadcast %max3A : f32 to vector<5120xf32>
    %max3A_5 = arith.maximumf %reduce_sum3A_3, %max3A_4 : vector<5120xf32>
    %get3A_6 = arith.constant 0 : index
    %get3A_7 = arith.constant 0 : index
    %get3A_8 = arith.constant 0 : index
    %get3A_9 = vector.load %arg1[%get3A_6, %get3A_7, %get3A_8] : memref<2x5120x128xf32, #tpu.memory_space<vmem>>, vector<1x5120x128xf32>
    %get3A_10 = vector.shape_cast %get3A_9 : vector<1x5120x128xf32> to vector<5120x128xf32>
    %get3A_11 = arith.constant 1 : index
    %get3A_12 = arith.constant 0 : index
    %get3A_13 = arith.constant 0 : index
    %get3A_14 = vector.load %arg1[%get3A_11, %get3A_12, %get3A_13] : memref<2x5120x128xf32, #tpu.memory_space<vmem>>, vector<1x5120x128xf32>
    %get3A_15 = vector.shape_cast %get3A_14 : vector<1x5120x128xf32> to vector<5120x128xf32>
    %add3A = arith.addf %get3A_10, %get3A_15 : vector<5120x128xf32>
    %broadcast_in_dim3A = vector.shape_cast %max3A_5 : vector<5120xf32> to vector<5120x1xf32>
    %div3A = vector.broadcast %broadcast_in_dim3A : vector<5120x1xf32> to vector<5120x128xf32>
    %div3A_16 = arith.divf %add3A, %div3A : vector<5120x128xf32>
    %get3A_17 = arith.constant 0 : index
    %get3A_18 = arith.constant 0 : index
    %get3A_19 = vector.load %arg4[%get3A_17, %get3A_18] : memref<128x256xf32, #tpu.memory_space<vmem>>, vector<128x256xf32>
    %dot_general3A = arith.constant dense<0.000000e+00> : vector<5120x256xf32>
    %dot_general3A_20 = tpu.matmul %div3A_16, %get3A_19, %dot_general3A {dimension_numbers = #tpu.dot_dimension_numbers<[1], [0], [0], [1], [0, 0, 1, 1], [], []>, transpose_lhs_hint = false} : vector<5120x128xf32>, vector<128x256xf32>, vector<5120x256xf32> -> vector<5120x256xf32>
    %get3A_21 = arith.constant 0 : index
    %get3A_22 = arith.constant 256 : index
    %get3A_23 = vector.load %arg5[%get3A_21, %get3A_22] : memref<1x512xf32, #tpu.memory_space<vmem>>, vector<1x256xf32>
    %get3A_24 = vector.shape_cast %get3A_23 : vector<1x256xf32> to vector<256xf32>
    %broadcast_in_dim3A_25 = vector.shape_cast %get3A_24 : vector<256xf32> to vector<1x256xf32>
    %add3A_26 = vector.broadcast %broadcast_in_dim3A_25 : vector<1x256xf32> to vector<5120x256xf32>
    %add3A_27 = arith.addf %dot_general3A_20, %add3A_26 : vector<5120x256xf32>
    %max3A_28 = arith.constant 0.000000e+00 : f32
    %max3A_29 = vector.broadcast %max3A_28 : f32 to vector<5120x256xf32>
    %max3A_30 = arith.maximumf %add3A_27, %max3A_29 : vector<5120x256xf32>
    %convert_element_type3A = arith.truncf %max3A_30 : vector<5120x256xf32> to vector<5120x256xbf16>
    %swap3A = arith.constant 0 : index
    %swap3A_31 = arith.constant 0 : index
    %swap3A_32 = vector.load %arg8[%swap3A, %swap3A_31] : memref<5120x256xbf16, #tpu.memory_space<vmem>>, vector<5120x256xbf16>
    tpu.vector_store %arg8[%swap3A, %swap3A_31], %convert_element_type3A {strides = array<i32>} : memref<5120x256xbf16, #tpu.memory_space<vmem>>, vector<5120x256xbf16>,
    %get3A_33 = arith.constant 0 : index
    %get3A_34 = arith.constant 0 : index
    %get3A_35 = vector.load %arg3[%get3A_33, %get3A_34] : memref<5120x256xbf16, #tpu.memory_space<vmem>>, vector<5120x256xbf16>
    %convert_element_type3A_36 = arith.extf %get3A_35 : vector<5120x256xbf16> to vector<5120x256xf32>
    %get3A_37 = arith.constant 1 : index
    %get3A_38 = arith.constant 0 : index
    %get3A_39 = arith.constant 0 : index
    %get3A_40 = vector.load %arg6[%get3A_37, %get3A_38, %get3A_39] : memref<2x256x256xf32, #tpu.memory_space<vmem>>, vector<1x256x256xf32>
    %get3A_41 = vector.shape_cast %get3A_40 : vector<1x256x256xf32> to vector<256x256xf32>
    %dot_general3A_42 = arith.constant dense<0.000000e+00> : vector<5120x256xf32>
    %dot_general3A_43 = tpu.matmul %max3A_30, %get3A_41, %dot_general3A_42 {dimension_numbers = #tpu.dot_dimension_numbers<[1], [0], [0], [1], [0, 0, 1, 1], [], []>, transpose_lhs_hint = false} : vector<5120x256xf32>, vector<256x256xf32>, vector<5120x256xf32> -> vector<5120x256xf32>
    %add3A_44 = arith.addf %convert_element_type3A_36, %dot_general3A_43 : vector<5120x256xf32>
    %slice3A = vector.extract_strided_slice %add3A_44 {offsets = [0, 0], sizes = [5120, 128], strides = [1, 1]} : vector<5120x256xf32> to vector<5120x128xf32>
    %swap3A_45 = arith.constant 0 : index
    %swap3A_46 = arith.constant 0 : index
    %swap3A_47 = arith.constant 0 : index
    %swap3A_48 = vector.load %arg7[%swap3A_45, %swap3A_46, %swap3A_47] : memref<2x5120x128xf32, #tpu.memory_space<vmem>>, vector<1x5120x128xf32>
    %swap3A_49 = vector.shape_cast %swap3A_48 : vector<1x5120x128xf32> to vector<5120x128xf32>
    %swap3A_50 = vector.shape_cast %slice3A : vector<5120x128xf32> to vector<1x5120x128xf32>
    tpu.vector_store %arg7[%swap3A_45, %swap3A_46, %swap3A_47], %swap3A_50 {strides = array<i32>} : memref<2x5120x128xf32, #tpu.memory_space<vmem>>, vector<1x5120x128xf32>,
    %slice3A_51 = vector.extract_strided_slice %add3A_44 {offsets = [0, 128], sizes = [5120, 128], strides = [1, 1]} : vector<5120x256xf32> to vector<5120x128xf32>
    %swap3A_52 = arith.constant 1 : index
    %swap3A_53 = arith.constant 0 : index
    %swap3A_54 = arith.constant 0 : index
    %swap3A_55 = vector.load %arg7[%swap3A_52, %swap3A_53, %swap3A_54] : memref<2x5120x128xf32, #tpu.memory_space<vmem>>, vector<1x5120x128xf32>
    %swap3A_56 = vector.shape_cast %swap3A_55 : vector<1x5120x128xf32> to vector<5120x128xf32>
    %swap3A_57 = vector.shape_cast %slice3A_51 : vector<5120x128xf32> to vector<1x5120x128xf32>
    tpu.vector_store %arg7[%swap3A_52, %swap3A_53, %swap3A_54], %swap3A_57 {strides = array<i32>} : memref<2x5120x128xf32, #tpu.memory_space<vmem>>, vector<1x5120x128xf32>,
    return
  }
  func.func @transform_0(%arg0: i32) -> (i32, i32, i32) {
    %c0_i32 = arith.constant 0 : i32
    %c0_i32_0 = arith.constant 0 : i32
    %c0_i32_1 = arith.constant 0 : i32
    return %c0_i32, %arg0, %c0_i32_0 : i32, i32, i32
  }
  func.func @transform_1(%arg0: i32) -> (i32, i32, i32) {
    %c0_i32 = arith.constant 0 : i32
    %c0_i32_0 = arith.constant 0 : i32
    %c0_i32_1 = arith.constant 0 : i32
    return %c0_i32, %c0_i32_0, %arg0 : i32, i32, i32
  }
  func.func @transform_2(%arg0: i32) -> (i32, i32) {
    %c0_i32 = arith.constant 0 : i32
    %c0_i32_0 = arith.constant 0 : i32
    return %arg0, %c0_i32 : i32, i32
  }
  func.func @transform_3(%arg0: i32) -> (i32, i32) {
    %c0_i32 = arith.constant 0 : i32
    %c0_i32_0 = arith.constant 0 : i32
    %c0_i32_1 = arith.constant 0 : i32
    return %c0_i32, %c0_i32_0 : i32, i32
  }
  func.func @transform_4(%arg0: i32) -> (i32, i32) {
    %c0_i32 = arith.constant 0 : i32
    %c0_i32_0 = arith.constant 0 : i32
    %c0_i32_1 = arith.constant 0 : i32
    return %c0_i32, %c0_i32_0 : i32, i32
  }
  func.func @transform_5(%arg0: i32) -> (i32, i32, i32) {
    %c0_i32 = arith.constant 0 : i32
    %c0_i32_0 = arith.constant 0 : i32
    %c0_i32_1 = arith.constant 0 : i32
    %c0_i32_2 = arith.constant 0 : i32
    return %c0_i32, %c0_i32_0, %c0_i32_1 : i32, i32, i32
  }
  func.func @transform_6(%arg0: i32) -> (i32, i32, i32) {
    %c0_i32 = arith.constant 0 : i32
    %c0_i32_0 = arith.constant 0 : i32
    %c0_i32_1 = arith.constant 0 : i32
    return %c0_i32, %arg0, %c0_i32_0 : i32, i32, i32
  }
  func.func @transform_7(%arg0: i32) -> (i32, i32) {
    %c0_i32 = arith.constant 0 : i32
    %c0_i32_0 = arith.constant 0 : i32
    return %arg0, %c0_i32 : i32, i32
  }
}

module attributes {stable_mosaic.version = 14 : i64} {
  func.func @body(%arg0: i32, %arg1: memref<5120x256xbf16, #tpu.memory_space<vmem>>, %arg2: memref<5120x256xbf16, #tpu.memory_space<vmem>>, %arg3: memref<2x256x256xf32, #tpu.memory_space<vmem>>, %arg4: memref<1x512xf32, #tpu.memory_space<vmem>>, %arg5: memref<2x256x256xf32, #tpu.memory_space<vmem>>, %arg6: memref<5120x256xbf16, #tpu.memory_space<vmem>>) attributes {dimension_semantics = [#tpu.dimension_semantics<arbitrary>], iteration_bounds = array<i64: 2>, scalar_prefetch = 0 : i64, scratch_operands = 0 : i64, tpu.core_type = #tpu.core_type<tc>, window_params = [{transform_indices = @transform_0, window_bounds = array<i64: 5120, 256>}, {transform_indices = @transform_1, window_bounds = array<i64: 5120, 256>}, {pipeline_mode = #tpu.pipeline_mode<synchronous>, transform_indices = @transform_2, window_bounds = array<i64: 2, 256, 256>}, {pipeline_mode = #tpu.pipeline_mode<synchronous>, transform_indices = @transform_3, window_bounds = array<i64: 1, 512>}, {pipeline_mode = #tpu.pipeline_mode<synchronous>, transform_indices = @transform_4, window_bounds = array<i64: 2, 256, 256>}, {transform_indices = @transform_5, window_bounds = array<i64: 5120, 256>}]} {
    %get3A = arith.constant 0 : index
    %get3A_0 = arith.constant 0 : index
    %get3A_1 = vector.load %arg1[%get3A, %get3A_0] : memref<5120x256xbf16, #tpu.memory_space<vmem>>, vector<5120x256xbf16>
    %convert_element_type3A = arith.extf %get3A_1 : vector<5120x256xbf16> to vector<5120x256xf32>
    %get3A_2 = arith.constant 0 : index
    %get3A_3 = arith.constant 0 : index
    %get3A_4 = vector.load %arg2[%get3A_2, %get3A_3] : memref<5120x256xbf16, #tpu.memory_space<vmem>>, vector<5120x256xbf16>
    %convert_element_type3A_5 = arith.extf %get3A_4 : vector<5120x256xbf16> to vector<5120x256xf32>
    %get3A_6 = arith.constant 1 : index
    %get3A_7 = arith.constant 0 : index
    %get3A_8 = arith.constant 0 : index
    %get3A_9 = vector.load %arg3[%get3A_6, %get3A_7, %get3A_8] : memref<2x256x256xf32, #tpu.memory_space<vmem>>, vector<1x256x256xf32>
    %get3A_10 = vector.shape_cast %get3A_9 : vector<1x256x256xf32> to vector<256x256xf32>
    %dot_general3A = arith.constant dense<0.000000e+00> : vector<5120x256xf32>
    %dot_general3A_11 = tpu.matmul %convert_element_type3A_5, %get3A_10, %dot_general3A {dimension_numbers = #tpu.dot_dimension_numbers<[1], [0], [0], [1], [0, 0, 1, 1], [], []>, transpose_lhs_hint = false} : vector<5120x256xf32>, vector<256x256xf32>, vector<5120x256xf32> -> vector<5120x256xf32>
    %add3A = arith.addf %convert_element_type3A, %dot_general3A_11 : vector<5120x256xf32>
    %get3A_12 = arith.constant 0 : index
    %get3A_13 = arith.constant 0 : index
    %get3A_14 = vector.load %arg4[%get3A_12, %get3A_13] : memref<1x512xf32, #tpu.memory_space<vmem>>, vector<1x256xf32>
    %get3A_15 = vector.shape_cast %get3A_14 : vector<1x256xf32> to vector<256xf32>
    %broadcast_in_dim3A = vector.shape_cast %get3A_15 : vector<256xf32> to vector<1x256xf32>
    %add3A_16 = vector.broadcast %broadcast_in_dim3A : vector<1x256xf32> to vector<5120x256xf32>
    %add3A_17 = arith.addf %add3A, %add3A_16 : vector<5120x256xf32>
    %max3A = arith.constant 0.000000e+00 : f32
    %max3A_18 = vector.broadcast %max3A : f32 to vector<5120x256xf32>
    %max3A_19 = arith.maximumf %add3A_17, %max3A_18 : vector<5120x256xf32>
    %get3A_20 = arith.constant 0 : index
    %get3A_21 = arith.constant 0 : index
    %get3A_22 = arith.constant 0 : index
    %get3A_23 = vector.load %arg5[%get3A_20, %get3A_21, %get3A_22] : memref<2x256x256xf32, #tpu.memory_space<vmem>>, vector<1x256x256xf32>
    %get3A_24 = vector.shape_cast %get3A_23 : vector<1x256x256xf32> to vector<256x256xf32>
    %dot_general3A_25 = arith.constant dense<0.000000e+00> : vector<5120x256xf32>
    %dot_general3A_26 = tpu.matmul %max3A_19, %get3A_24, %dot_general3A_25 {dimension_numbers = #tpu.dot_dimension_numbers<[1], [0], [0], [1], [0, 0, 1, 1], [], []>, transpose_lhs_hint = false} : vector<5120x256xf32>, vector<256x256xf32>, vector<5120x256xf32> -> vector<5120x256xf32>
    %convert_element_type3A_27 = arith.truncf %dot_general3A_26 : vector<5120x256xf32> to vector<5120x256xbf16>
    %swap3A = arith.constant 0 : index
    %swap3A_28 = arith.constant 0 : index
    %swap3A_29 = vector.load %arg6[%swap3A, %swap3A_28] : memref<5120x256xbf16, #tpu.memory_space<vmem>>, vector<5120x256xbf16>
    tpu.vector_store %arg6[%swap3A, %swap3A_28], %convert_element_type3A_27 {strides = array<i32>} : memref<5120x256xbf16, #tpu.memory_space<vmem>>, vector<5120x256xbf16>,
    return
  }
  func.func @transform_0(%arg0: i32) -> (i32, i32) {
    %c0_i32 = arith.constant 0 : i32
    %c0_i32_0 = arith.constant 0 : i32
    return %arg0, %c0_i32 : i32, i32
  }
  func.func @transform_1(%arg0: i32) -> (i32, i32) {
    %c0_i32 = arith.constant 0 : i32
    %c0_i32_0 = arith.constant 0 : i32
    return %arg0, %c0_i32 : i32, i32
  }
  func.func @transform_2(%arg0: i32) -> (i32, i32, i32) {
    %c0_i32 = arith.constant 0 : i32
    %c0_i32_0 = arith.constant 0 : i32
    %c0_i32_1 = arith.constant 0 : i32
    %c0_i32_2 = arith.constant 0 : i32
    return %c0_i32, %c0_i32_0, %c0_i32_1 : i32, i32, i32
  }
  func.func @transform_3(%arg0: i32) -> (i32, i32) {
    %c0_i32 = arith.constant 0 : i32
    %c0_i32_0 = arith.constant 0 : i32
    %c0_i32_1 = arith.constant 0 : i32
    return %c0_i32, %c0_i32_0 : i32, i32
  }
  func.func @transform_4(%arg0: i32) -> (i32, i32, i32) {
    %c0_i32 = arith.constant 0 : i32
    %c0_i32_0 = arith.constant 0 : i32
    %c0_i32_1 = arith.constant 0 : i32
    %c0_i32_2 = arith.constant 0 : i32
    return %c0_i32, %c0_i32_0, %c0_i32_1 : i32, i32, i32
  }
  func.func @transform_5(%arg0: i32) -> (i32, i32) {
    %c0_i32 = arith.constant 0 : i32
    %c0_i32_0 = arith.constant 0 : i32
    return %arg0, %c0_i32 : i32, i32
  }
}

module attributes {stable_mosaic.version = 14 : i64} {
  func.func @body(%arg0: i32, %arg1: memref<5120x128xf32, #tpu.memory_space<vmem>>, %arg2: memref<128x256xf32, #tpu.memory_space<vmem>>, %arg3: memref<1x512xf32, #tpu.memory_space<vmem>>, %arg4: memref<2x256x256xf32, #tpu.memory_space<vmem>>, %arg5: memref<2x256x256xf32, #tpu.memory_space<vmem>>, %arg6: memref<5120x256xbf16, #tpu.memory_space<vmem>>, %arg7: memref<5120x256xbf16, #tpu.memory_space<vmem>>) attributes {dimension_semantics = [#tpu.dimension_semantics<arbitrary>], iteration_bounds = array<i64: 2>, scalar_prefetch = 0 : i64, scratch_operands = 0 : i64, tpu.core_type = #tpu.core_type<tc>, window_params = [{transform_indices = @transform_0, window_bounds = array<i64: 5120, 128>}, {pipeline_mode = #tpu.pipeline_mode<synchronous>, transform_indices = @transform_1, window_bounds = array<i64: 128, 256>}, {pipeline_mode = #tpu.pipeline_mode<synchronous>, transform_indices = @transform_2, window_bounds = array<i64: 1, 512>}, {pipeline_mode = #tpu.pipeline_mode<synchronous>, transform_indices = @transform_3, window_bounds = array<i64: 2, 256, 256>}, {pipeline_mode = #tpu.pipeline_mode<synchronous>, transform_indices = @transform_4, window_bounds = array<i64: 2, 256, 256>}, {transform_indices = @transform_5, window_bounds = array<i64: 5120, 256>}, {transform_indices = @transform_6, window_bounds = array<i64: 5120, 256>}]} {
    %get3A = arith.constant 0 : index
    %get3A_0 = arith.constant 0 : index
    %get3A_1 = vector.load %arg1[%get3A, %get3A_0] : memref<5120x128xf32, #tpu.memory_space<vmem>>, vector<5120x128xf32>
    %get3A_2 = arith.constant 0 : index
    %get3A_3 = arith.constant 0 : index
    %get3A_4 = vector.load %arg2[%get3A_2, %get3A_3] : memref<128x256xf32, #tpu.memory_space<vmem>>, vector<128x256xf32>
    %dot_general3A = arith.constant dense<0.000000e+00> : vector<5120x256xf32>
    %dot_general3A_5 = tpu.matmul %get3A_1, %get3A_4, %dot_general3A {dimension_numbers = #tpu.dot_dimension_numbers<[1], [0], [0], [1], [0, 0, 1, 1], [], []>, transpose_lhs_hint = false} : vector<5120x128xf32>, vector<128x256xf32>, vector<5120x256xf32> -> vector<5120x256xf32>
    %get3A_6 = arith.constant 0 : index
    %get3A_7 = arith.constant 0 : index
    %get3A_8 = vector.load %arg3[%get3A_6, %get3A_7] : memref<1x512xf32, #tpu.memory_space<vmem>>, vector<1x256xf32>
    %get3A_9 = vector.shape_cast %get3A_8 : vector<1x256xf32> to vector<256xf32>
    %broadcast_in_dim3A = vector.shape_cast %get3A_9 : vector<256xf32> to vector<1x256xf32>
    %add3A = vector.broadcast %broadcast_in_dim3A : vector<1x256xf32> to vector<5120x256xf32>
    %add3A_10 = arith.addf %dot_general3A_5, %add3A : vector<5120x256xf32>
    %max3A = arith.constant 0.000000e+00 : f32
    %max3A_11 = vector.broadcast %max3A : f32 to vector<5120x256xf32>
    %max3A_12 = arith.maximumf %add3A_10, %max3A_11 : vector<5120x256xf32>
    %get3A_13 = arith.constant 0 : index
    %get3A_14 = arith.constant 0 : index
    %get3A_15 = arith.constant 0 : index
    %get3A_16 = vector.load %arg4[%get3A_13, %get3A_14, %get3A_15] : memref<2x256x256xf32, #tpu.memory_space<vmem>>, vector<1x256x256xf32>
    %get3A_17 = vector.shape_cast %get3A_16 : vector<1x256x256xf32> to vector<256x256xf32>
    %dot_general3A_18 = arith.constant dense<0.000000e+00> : vector<5120x256xf32>
    %dot_general3A_19 = tpu.matmul %max3A_12, %get3A_17, %dot_general3A_18 {dimension_numbers = #tpu.dot_dimension_numbers<[1], [0], [0], [1], [0, 0, 1, 1], [], []>, transpose_lhs_hint = false} : vector<5120x256xf32>, vector<256x256xf32>, vector<5120x256xf32> -> vector<5120x256xf32>
    %convert_element_type3A = arith.truncf %dot_general3A_19 : vector<5120x256xf32> to vector<5120x256xbf16>
    %swap3A = arith.constant 0 : index
    %swap3A_20 = arith.constant 0 : index
    %swap3A_21 = vector.load %arg6[%swap3A, %swap3A_20] : memref<5120x256xbf16, #tpu.memory_space<vmem>>, vector<5120x256xbf16>
    tpu.vector_store %arg6[%swap3A, %swap3A_20], %convert_element_type3A {strides = array<i32>} : memref<5120x256xbf16, #tpu.memory_space<vmem>>, vector<5120x256xbf16>,
    %get3A_22 = arith.constant 0 : index
    %get3A_23 = arith.constant 0 : index
    %get3A_24 = arith.constant 0 : index
    %get3A_25 = vector.load %arg5[%get3A_22, %get3A_23, %get3A_24] : memref<2x256x256xf32, #tpu.memory_space<vmem>>, vector<1x256x256xf32>
    %get3A_26 = vector.shape_cast %get3A_25 : vector<1x256x256xf32> to vector<256x256xf32>
    %dot_general3A_27 = arith.constant dense<0.000000e+00> : vector<5120x256xf32>
    %dot_general3A_28 = tpu.matmul %max3A_12, %get3A_26, %dot_general3A_27 {dimension_numbers = #tpu.dot_dimension_numbers<[1], [0], [0], [1], [0, 0, 1, 1], [], []>, transpose_lhs_hint = false} : vector<5120x256xf32>, vector<256x256xf32>, vector<5120x256xf32> -> vector<5120x256xf32>
    %convert_element_type3A_29 = arith.truncf %dot_general3A_28 : vector<5120x256xf32> to vector<5120x256xbf16>
    %swap3A_30 = arith.constant 0 : index
    %swap3A_31 = arith.constant 0 : index
    %swap3A_32 = vector.load %arg7[%swap3A_30, %swap3A_31] : memref<5120x256xbf16, #tpu.memory_space<vmem>>, vector<5120x256xbf16>
    tpu.vector_store %arg7[%swap3A_30, %swap3A_31], %convert_element_type3A_29 {strides = array<i32>} : memref<5120x256xbf16, #tpu.memory_space<vmem>>, vector<5120x256xbf16>,
    return
  }
  func.func @transform_0(%arg0: i32) -> (i32, i32) {
    %c0_i32 = arith.constant 0 : i32
    %c0_i32_0 = arith.constant 0 : i32
    return %arg0, %c0_i32 : i32, i32
  }
  func.func @transform_1(%arg0: i32) -> (i32, i32) {
    %c0_i32 = arith.constant 0 : i32
    %c0_i32_0 = arith.constant 0 : i32
    %c0_i32_1 = arith.constant 0 : i32
    return %c0_i32, %c0_i32_0 : i32, i32
  }
  func.func @transform_2(%arg0: i32) -> (i32, i32) {
    %c0_i32 = arith.constant 0 : i32
    %c0_i32_0 = arith.constant 0 : i32
    %c0_i32_1 = arith.constant 0 : i32
    return %c0_i32, %c0_i32_0 : i32, i32
  }
  func.func @transform_3(%arg0: i32) -> (i32, i32, i32) {
    %c0_i32 = arith.constant 0 : i32
    %c0_i32_0 = arith.constant 0 : i32
    %c0_i32_1 = arith.constant 0 : i32
    %c0_i32_2 = arith.constant 0 : i32
    return %c0_i32, %c0_i32_0, %c0_i32_1 : i32, i32, i32
  }
  func.func @transform_4(%arg0: i32) -> (i32, i32, i32) {
    %c0_i32 = arith.constant 0 : i32
    %c0_i32_0 = arith.constant 0 : i32
    %c0_i32_1 = arith.constant 0 : i32
    %c0_i32_2 = arith.constant 0 : i32
    return %c0_i32, %c0_i32_0, %c0_i32_1 : i32, i32, i32
  }
  func.func @transform_5(%arg0: i32) -> (i32, i32) {
    %c0_i32 = arith.constant 0 : i32
    %c0_i32_0 = arith.constant 0 : i32
    return %arg0, %c0_i32 : i32, i32
  }
  func.func @transform_6(%arg0: i32) -> (i32, i32) {
    %c0_i32 = arith.constant 0 : i32
    %c0_i32_0 = arith.constant 0 : i32
    return %arg0, %c0_i32 : i32, i32
  }
}

module attributes {stable_mosaic.version = 14 : i64} {
  func.func @body(%arg0: i32, %arg1: memref<2x5120x128xf32, #tpu.memory_space<vmem>>, %arg2: memref<32x1x5120xf32, #tpu.memory_space<vmem>>, %arg3: memref<5120x256xbf16, #tpu.memory_space<vmem>>, %arg4: memref<1x512xf32, #tpu.memory_space<vmem>>, %arg5: memref<2x256x256xf32, #tpu.memory_space<vmem>>, %arg6: memref<1x256xf32, #tpu.memory_space<vmem>>, %arg7: memref<256x6xf32, #tpu.memory_space<vmem>>, %arg8: memref<1x6xf32, #tpu.memory_space<vmem>>, %arg9: memref<5120x6xf32, #tpu.memory_space<vmem>>) attributes {dimension_semantics = [#tpu.dimension_semantics<arbitrary>], iteration_bounds = array<i64: 2>, scalar_prefetch = 0 : i64, scratch_operands = 0 : i64, tpu.core_type = #tpu.core_type<tc>, window_params = [{transform_indices = @transform_0, window_bounds = array<i64: 2, 5120, 128>}, {transform_indices = @transform_1, window_bounds = array<i64: 32, 1, 5120>}, {transform_indices = @transform_2, window_bounds = array<i64: 5120, 256>}, {pipeline_mode = #tpu.pipeline_mode<synchronous>, transform_indices = @transform_3, window_bounds = array<i64: 1, 512>}, {pipeline_mode = #tpu.pipeline_mode<synchronous>, transform_indices = @transform_4, window_bounds = array<i64: 2, 256, 256>}, {pipeline_mode = #tpu.pipeline_mode<synchronous>, transform_indices = @transform_5, window_bounds = array<i64: 1, 256>}, {pipeline_mode = #tpu.pipeline_mode<synchronous>, transform_indices = @transform_6, window_bounds = array<i64: 256, 6>}, {pipeline_mode = #tpu.pipeline_mode<synchronous>, transform_indices = @transform_7, window_bounds = array<i64: 1, 6>}, {transform_indices = @transform_8, window_bounds = array<i64: 5120, 6>}]} {
    %get3A = arith.constant 0 : index
    %get3A_0 = arith.constant 0 : index
    %get3A_1 = arith.constant 0 : index
    %get3A_2 = vector.load %arg2[%get3A, %get3A_0, %get3A_1] : memref<32x1x5120xf32, #tpu.memory_space<vmem>>, vector<32x1x5120xf32>
    %reshape3A = vector.shape_cast %get3A_2 : vector<32x1x5120xf32> to vector<32x5120xf32>
    %reduce_sum3A = arith.constant dense<0.000000e+00> : vector<5120xf32>
    %reduce_sum3A_3 = vector.multi_reduction <add>, %reshape3A, %reduce_sum3A [0] : vector<32x5120xf32> to vector<5120xf32>
    %max3A = arith.constant 1.000000e+00 : f32
    %max3A_4 = vector.broadcast %max3A : f32 to vector<5120xf32>
    %max3A_5 = arith.maximumf %reduce_sum3A_3, %max3A_4 : vector<5120xf32>
    %get3A_6 = arith.constant 0 : index
    %get3A_7 = arith.constant 0 : index
    %get3A_8 = arith.constant 0 : index
    %get3A_9 = vector.load %arg1[%get3A_6, %get3A_7, %get3A_8] : memref<2x5120x128xf32, #tpu.memory_space<vmem>>, vector<1x5120x128xf32>
    %get3A_10 = vector.shape_cast %get3A_9 : vector<1x5120x128xf32> to vector<5120x128xf32>
    %get3A_11 = arith.constant 1 : index
    %get3A_12 = arith.constant 0 : index
    %get3A_13 = arith.constant 0 : index
    %get3A_14 = vector.load %arg1[%get3A_11, %get3A_12, %get3A_13] : memref<2x5120x128xf32, #tpu.memory_space<vmem>>, vector<1x5120x128xf32>
    %get3A_15 = vector.shape_cast %get3A_14 : vector<1x5120x128xf32> to vector<5120x128xf32>
    %concatenate3A = tpu.concatenate %get3A_10, %get3A_15 in 1 : vector<5120x128xf32>, vector<5120x128xf32> -> vector<5120x256xf32>
    %broadcast_in_dim3A = vector.shape_cast %max3A_5 : vector<5120xf32> to vector<5120x1xf32>
    %div3A = vector.broadcast %broadcast_in_dim3A : vector<5120x1xf32> to vector<5120x256xf32>
    %div3A_16 = arith.divf %concatenate3A, %div3A : vector<5120x256xf32>
    %get3A_17 = arith.constant 0 : index
    %get3A_18 = arith.constant 256 : index
    %get3A_19 = vector.load %arg4[%get3A_17, %get3A_18] : memref<1x512xf32, #tpu.memory_space<vmem>>, vector<1x256xf32>
    %get3A_20 = vector.shape_cast %get3A_19 : vector<1x256xf32> to vector<256xf32>
    %broadcast_in_dim3A_21 = vector.shape_cast %get3A_20 : vector<256xf32> to vector<1x256xf32>
    %add3A = vector.broadcast %broadcast_in_dim3A_21 : vector<1x256xf32> to vector<5120x256xf32>
    %add3A_22 = arith.addf %div3A_16, %add3A : vector<5120x256xf32>
    %max3A_23 = arith.constant 0.000000e+00 : f32
    %max3A_24 = vector.broadcast %max3A_23 : f32 to vector<5120x256xf32>
    %max3A_25 = arith.maximumf %add3A_22, %max3A_24 : vector<5120x256xf32>
    %get3A_26 = arith.constant 0 : index
    %get3A_27 = arith.constant 0 : index
    %get3A_28 = vector.load %arg3[%get3A_26, %get3A_27] : memref<5120x256xbf16, #tpu.memory_space<vmem>>, vector<5120x256xbf16>
    %convert_element_type3A = arith.extf %get3A_28 : vector<5120x256xbf16> to vector<5120x256xf32>
    %get3A_29 = arith.constant 1 : index
    %get3A_30 = arith.constant 0 : index
    %get3A_31 = arith.constant 0 : index
    %get3A_32 = vector.load %arg5[%get3A_29, %get3A_30, %get3A_31] : memref<2x256x256xf32, #tpu.memory_space<vmem>>, vector<1x256x256xf32>
    %get3A_33 = vector.shape_cast %get3A_32 : vector<1x256x256xf32> to vector<256x256xf32>
    %dot_general3A = arith.constant dense<0.000000e+00> : vector<5120x256xf32>
    %dot_general3A_34 = tpu.matmul %max3A_25, %get3A_33, %dot_general3A {dimension_numbers = #tpu.dot_dimension_numbers<[1], [0], [0], [1], [0, 0, 1, 1], [], []>, transpose_lhs_hint = false} : vector<5120x256xf32>, vector<256x256xf32>, vector<5120x256xf32> -> vector<5120x256xf32>
    %add3A_35 = arith.addf %convert_element_type3A, %dot_general3A_34 : vector<5120x256xf32>
    %get3A_36 = arith.constant 0 : index
    %get3A_37 = arith.constant 0 : index
    %get3A_38 = vector.load %arg6[%get3A_36, %get3A_37] : memref<1x256xf32, #tpu.memory_space<vmem>>, vector<1x256xf32>
    %get3A_39 = vector.shape_cast %get3A_38 : vector<1x256xf32> to vector<256xf32>
    %broadcast_in_dim3A_40 = vector.shape_cast %get3A_39 : vector<256xf32> to vector<1x256xf32>
    %add3A_41 = vector.broadcast %broadcast_in_dim3A_40 : vector<1x256xf32> to vector<5120x256xf32>
    %add3A_42 = arith.addf %add3A_35, %add3A_41 : vector<5120x256xf32>
    %max3A_43 = arith.constant 0.000000e+00 : f32
    %max3A_44 = vector.broadcast %max3A_43 : f32 to vector<5120x256xf32>
    %max3A_45 = arith.maximumf %add3A_42, %max3A_44 : vector<5120x256xf32>
    %get3A_46 = arith.constant 0 : index
    %get3A_47 = arith.constant 0 : index
    %get3A_48 = vector.load %arg7[%get3A_46, %get3A_47] : memref<256x6xf32, #tpu.memory_space<vmem>>, vector<256x6xf32>
    %dot_general3A_49 = arith.constant dense<0.000000e+00> : vector<5120x6xf32>
    %dot_general3A_50 = tpu.matmul %max3A_45, %get3A_48, %dot_general3A_49 {dimension_numbers = #tpu.dot_dimension_numbers<[1], [0], [0], [1], [0, 0, 1, 1], [], []>, transpose_lhs_hint = false} : vector<5120x256xf32>, vector<256x6xf32>, vector<5120x6xf32> -> vector<5120x6xf32>
    %get3A_51 = arith.constant 0 : index
    %get3A_52 = arith.constant 0 : index
    %get3A_53 = vector.load %arg8[%get3A_51, %get3A_52] : memref<1x6xf32, #tpu.memory_space<vmem>>, vector<1x6xf32>
    %get3A_54 = vector.shape_cast %get3A_53 : vector<1x6xf32> to vector<6xf32>
    %broadcast_in_dim3A_55 = vector.shape_cast %get3A_54 : vector<6xf32> to vector<1x6xf32>
    %add3A_56 = vector.broadcast %broadcast_in_dim3A_55 : vector<1x6xf32> to vector<5120x6xf32>
    %add3A_57 = arith.addf %dot_general3A_50, %add3A_56 : vector<5120x6xf32>
    %swap3A = arith.constant 0 : index
    %swap3A_58 = arith.constant 0 : index
    %swap3A_59 = vector.load %arg9[%swap3A, %swap3A_58] : memref<5120x6xf32, #tpu.memory_space<vmem>>, vector<5120x6xf32>
    tpu.vector_store %arg9[%swap3A, %swap3A_58], %add3A_57 {strides = array<i32>} : memref<5120x6xf32, #tpu.memory_space<vmem>>, vector<5120x6xf32>,
    return
  }
  func.func @transform_0(%arg0: i32) -> (i32, i32, i32) {
    %c0_i32 = arith.constant 0 : i32
    %c0_i32_0 = arith.constant 0 : i32
    %c0_i32_1 = arith.constant 0 : i32
    return %c0_i32, %arg0, %c0_i32_0 : i32, i32, i32
  }
  func.func @transform_1(%arg0: i32) -> (i32, i32, i32) {
    %c0_i32 = arith.constant 0 : i32
    %c0_i32_0 = arith.constant 0 : i32
    %c0_i32_1 = arith.constant 0 : i32
    return %c0_i32, %c0_i32_0, %arg0 : i32, i32, i32
  }
  func.func @transform_2(%arg0: i32) -> (i32, i32) {
    %c0_i32 = arith.constant 0 : i32
    %c0_i32_0 = arith.constant 0 : i32
    return %arg0, %c0_i32 : i32, i32
  }
  func.func @transform_3(%arg0: i32) -> (i32, i32) {
    %c0_i32 = arith.constant 0 : i32
    %c0_i32_0 = arith.constant 0 : i32
    %c0_i32_1 = arith.constant 0 : i32
    return %c0_i32, %c0_i32_0 : i32, i32
  }
  func.func @transform_4(%arg0: i32) -> (i32, i32, i32) {
    %c0_i32 = arith.constant 0 : i32
    %c0_i32_0 = arith.constant 0 : i32
    %c0_i32_1 = arith.constant 0 : i32
    %c0_i32_2 = arith.constant 0 : i32
    return %c0_i32, %c0_i32_0, %c0_i32_1 : i32, i32, i32
  }
  func.func @transform_5(%arg0: i32) -> (i32, i32) {
    %c0_i32 = arith.constant 0 : i32
    %c0_i32_0 = arith.constant 0 : i32
    %c0_i32_1 = arith.constant 0 : i32
    return %c0_i32, %c0_i32_0 : i32, i32
  }
  func.func @transform_6(%arg0: i32) -> (i32, i32) {
    %c0_i32 = arith.constant 0 : i32
    %c0_i32_0 = arith.constant 0 : i32
    %c0_i32_1 = arith.constant 0 : i32
    return %c0_i32, %c0_i32_0 : i32, i32
  }
  func.func @transform_7(%arg0: i32) -> (i32, i32) {
    %c0_i32 = arith.constant 0 : i32
    %c0_i32_0 = arith.constant 0 : i32
    %c0_i32_1 = arith.constant 0 : i32
    return %c0_i32, %c0_i32_0 : i32, i32
  }
  func.func @transform_8(%arg0: i32) -> (i32, i32) {
    %c0_i32 = arith.constant 0 : i32
    %c0_i32_0 = arith.constant 0 : i32
    return %arg0, %c0_i32 : i32, i32
  }
}

</mosaic_0001>

<sc_bundles>
// kernel: kernel.11.cloned.1.call-start
scs
__scs_entry_jumppad:
0x0: {  	(pc) =	sbr.rel $0x88, $3  }
0x1: {  	(tag) =	ssettag $0x0;
	lr =	simm.s32 $0x1  }
0x2: {  	[smem:$0x3F95] =	sst lr;
	_ =	strace $0xD0000000  }
0x3: {  	_ = 	snop  }
0x4: {  	_ = 	snop  }
0x5: {  	_ = 	snop  }
0x6: {  	_ = 	snop  }
0x7: {  	_ = 	snop  }
__scs_overlays_trampoline_lowered:
0x8: {  	[smem:$0x3FA4] =	sst s0  }
0x9: {  	[smem:$0x3FA5] =	sst s1  }
0xa: {  	[smem:$0x3FA6] =	sst s2  }
0xb: {  	[smem:$0x3FA7] =	sst s3  }
0xc: {  	[smem:$0x3FA8] =	sst s4  }
0xd: {  	[smem:$0x3FA9] =	sst s5  }
0xe: {  	[smem:$0x3FAA] =	sst s6  }
0xf: {  	[smem:$0x3FAB] =	sst s7  }
0x10: {  	[smem:$0x3FAC] =	sst s8  }
0x11: {  	[smem:$0x3FAD] =	sst s9;
	s0 =	simm.s32 @!p0 $0x0  }
0x12: {  	s1 =	sld [smem:$0x3F93];
	s0 =	simm.s32 @p0 $0x1  }
0x13: {  	[smem:$0x3FAE] =	sst s0;
	s0 =	simm.s32 @!p1 $0x0  }
0x14: {  	s2 =	sld [smem:$0x3F92];
	s0 =	simm.s32 @p1 $0x1  }
0x15: {  	[smem:$0x3FAF] =	sst s0;
	s0 =	simm.s32 @!p2 $0x0  }
0x16: {  	s3 =	sld [smem:$0x3FDB];
	s0 =	simm.s32 @p2 $0x1  }
0x17: {  	s4 =	simm.s32 $0x1BF5;
	[smem:$0x3FB1] =	sst s0  }
0x18: {  	s0 =	sld [smem:$0x3F94];
	_ =	swait.ge [sflag:s4], $0x0  }
0x19: {  	s7 =	sld [smem:$0x3F95]  }
0x1a: {  	s8 =	sadd.s32 $0xFFFFE003, lr  }
0x1b: {  	s9 =	sadd.s32 $0xFFFFFEF7, lr;
	s5 =	simm.s32 $0xFFFFFFFF;
	p2 =	slt.u32 s8, $0xFFFFF086  }
0x1c: {  	p1 =	slt.u32 s9, $0xF7A;
	s5 =	simm.s32 @!p2 $0x0  }
0x1d: {  	s5 =	simm.s32 @p1 $0x1;
	p0 =	seq.s32 s7, s2  }
0x1e: {  	s7 =	smul.u32 @!p0 $0xF7A, s2;
	p2 =	seq.s32 @!p0 s5, $0x0  }
0x1f: {  	s9 =	smul.u32 $0xF7A, s1;
	s8 =	simm.s32 @!p0 $0x1BF5;
	p2 =	por !p2, p0  }
0x20: {  	[sflag:s8] =	ssyncset.s32 @!p0 $0xFFFFF086;
	s6 =	sadd.s32 @!p0 s3, s7;
	s7 =	simm.s32 @!p0 $0x108  }
0x21: {  	s3 =	sadd.s32 s3, s9;
	s6 =	sadd.s32 @!p0 $0x88, s6;
	s7 =	simm.s32 @p2 $0x1082  }
0x22: {  	[simem:s7], [sflag:s8] =	dma.local @!p0 [hbm:s6], $0xF7A  }
0x23: {  	s9 =	sor.u32 $0xD0000000, s2;
	s6 =	simm.s32 $0x108;
	_ =	swait.ge @!p0 [sflag:s8], $0x0  }
0x24: {  	s3 =	sadd.s32 $0x88, s3;
	s6 =	simm.s32 @!p1 $0x1082;
	[sflag:s4] =	ssyncset.s32 $0xFFFFF086  }
0x25: {  	[simem:s6], [sflag:s4] =	dma.local [hbm:s3], $0xF7A  }
0x26: {  	[smem:$0x3F95] =	sst s1;
	(tag) =	ssettag s2;
	_ =	strace s9  }
0x27: {  	s1 =	sld [smem:$0x3FA5]  }
0x28: {  	s2 =	sld [smem:$0x3FA6]  }
0x29: {  	s4 =	sld [smem:$0x3FA8]  }
0x2a: {  	p0 =	seq.s32 s5, $0x0;
	s5 =	sld [smem:$0x3FA9]  }
0x2b: {  	s6 =	sld [smem:$0x3FAA]  }
0x2c: {  	s7 =	sld [smem:$0x3FAB]  }
0x2d: {  	s3 =	simm.s32 $0x108;
	s8 =	sld [smem:$0x3FAC]  }
0x2e: {  	s3 =	simm.s32 @!p0 $0x1082;
	s9 =	sld [smem:$0x3FAD]  }
0x2f: {  	lr =	sadd.s32 s0, s3;
	s0 =	sld [smem:$0x3FA4]  }
0x30: {  	s3 =	sld [smem:$0x3FA7]  }
0x31: {  	[smem:$0x3FB0] =	sst s10  }
0x32: {  	s10 =	sld [smem:$0x3FAE];
	_ =	sdelay $0x3  }
0x33: {  	p0 =	seq.s32 s10, $0x1;
	s10 =	sld [smem:$0x3FB0];
	_ =	sdelay $0x3  }
0x34: {  	[smem:$0x3FB0] =	sst s10  }
0x35: {  	s10 =	sld [smem:$0x3FAF];
	_ =	sdelay $0x3  }
0x36: {  	p1 =	seq.s32 s10, $0x1;
	s10 =	sld [smem:$0x3FB0];
	_ =	sdelay $0x3  }
0x37: {  	[smem:$0x3FB0] =	sst s10  }
0x38: {  	s10 =	sld [smem:$0x3FB1]  }
0x39: {  	_ = 	snop;
	(pc) =	sbr.ind lr, $3  }
0x3a: {  	_ = 	snop  }
0x3b: {  	_ = 	snop  }
0x3c: {  	p2 =	seq.s32 s10, $0x1;
	s10 =	sld [smem:$0x3FB0]  }
0x3d: {  	_ =	shalt  }
0x3e: {  	_ =	shalt  }
0x3f: {  	_ =	shalt  }
0x40: {  	_ =	shalt  }
0x41: {  	_ =	shalt  }
0x42: {  	_ =	shalt  }
0x43: {  	_ =	shalt  }
0x44: {  	_ =	shalt  }
0x45: {  	_ =	shalt  }
0x46: {  	_ =	shalt  }
0x47: {  	_ =	shalt  }
0x48: {  	_ =	shalt  }
0x49: {  	_ =	shalt  }
0x4a: {  	_ =	shalt  }
0x4b: {  	_ =	shalt  }
0x4c: {  	_ =	shalt  }
0x4d: {  	_ =	shalt  }
0x4e: {  	_ =	shalt  }
0x4f: {  	_ =	shalt  }
0x50: {  	_ =	shalt  }
0x51: {  	_ =	shalt  }
0x52: {  	_ =	shalt  }
0x53: {  	_ =	shalt  }
0x54: {  	_ =	shalt  }
0x55: {  	_ =	shalt  }
0x56: {  	_ =	shalt  }
0x57: {  	_ =	shalt  }
0x58: {  	_ =	shalt  }
0x59: {  	_ =	shalt  }
0x5a: {  	_ =	shalt  }
0x5b: {  	_ =	shalt  }
0x5c: {  	_ =	shalt  }
0x5d: {  	_ =	shalt  }
0x5e: {  	_ =	shalt  }
0x5f: {  	_ =	shalt  }
0x60: {  	_ =	shalt  }
0x61: {  	_ =	shalt  }
0x62: {  	_ =	shalt  }
0x63: {  	_ =	shalt  }
0x64: {  	_ =	shalt  }
0x65: {  	_ =	shalt  }
0x66: {  	_ =	shalt  }
0x67: {  	_ =	shalt  }
0x68: {  	_ =	shalt  }
0x69: {  	_ =	shalt  }
0x6a: {  	_ =	shalt  }
0x6b: {  	_ =	shalt  }
0x6c: {  	_ =	shalt  }
0x6d: {  	_ =	shalt  }
0x6e: {  	_ =	shalt  }
0x6f: {  	_ =	shalt  }
0x70: {  	_ =	shalt  }
0x71: {  	_ =	shalt  }
0x72: {  	_ =	shalt  }
0x73: {  	_ =	shalt  }
0x74: {  	_ =	shalt  }
0x75: {  	_ =	shalt  }
0x76: {  	_ =	shalt  }
0x77: {  	_ =	shalt  }
0x78: {  	_ =	shalt  }
0x79: {  	_ =	shalt  }
0x7a: {  	_ =	shalt  }
0x7b: {  	_ =	shalt  }
0x7c: {  	_ =	shalt  }
0x7d: {  	_ =	shalt  }
0x7e: {  	_ =	shalt  }
0x7f: {  	_ =	shalt  }
0x80: {  	_ =	shalt  }
0x81: {  	_ =	shalt  }
0x82: {  	_ =	shalt  }
0x83: {  	_ =	shalt  }
0x84: {  	_ =	shalt  }
0x85: {  	_ =	shalt  }
0x86: {  	_ =	shalt  }
0x87: {  	_ =	shalt  }
.Lfunc_end0:
.L_simem_size_0:
called_computation.1_lowered:
.L_overlay_start_0:
0x88: {  	s2 =	sld [smem:$0x3FD9]  }
0x89: {  	s3 =	sld [smem:$0x3FFE];
	_ =	sdelay $0x1  }
0x8a: {  	s1 =	srdreg.scid  }
0x8b: {  	s0 =	sand.u32 $0x1, s1  }
0x8c: {  	s16 =	sshll.u32 s0, $0xA;
	s2 =	sadd.s32 s3, s2  }
0x8d: {  	s2 =	sadd.s32 s2, s16  }
0x8e: {  	[smem:$0x3FBC] =	sst s2  }
0x8f: {  	_ = 	snop  }
0x90: {  	(tm) =	ssettm $0x1  }
0x91: {  	s17 =	sld [smem:$0x3FFB];
	_ =	sdelay $0x3  }
0x92: {  	_ =	strace s17  }
0x93: {  	s2 =	sld [smem:$0x3FFC];
	_ =	sdelay $0x3  }
0x94: {  	_ =	strace s2  }
0x95: {  	s2 =	sld [smem:$0x3FFD];
	_ =	sdelay $0x3  }
0x96: {  	_ =	strace s2  }
0x97: {  	_ =	strace $0x8FFFFFFF  }
0x98: {  	s18 =	sld [smem:$0x3FDB];
	_ =	sdelay $0x1  }
0x99: {  	s19 =	simm.s32 $_scs_section_size  }
0x9a: {  	s4 =	simm.s32 $_size__tile_overlayer_lowered;
	s5 =	simm.s32 $_tile_overlayer_lowered  }
0x9b: {  	s22 =	simm.s32 $0x1BFF;
	s21 =	sshll.u32 s5, $0x1;
	s2 =	sadd.s32 s19, s18  }
0x9c: {  	s6 =	simm.s32 $0x0;
	s20 =	sshll.u32 s4, $0x1;
	s4 =	sadd.s32 s21, s2  }
0x9d: {  	[timem:s6], [sflag:s22] =	dma.local [hbm:s4], s20  }
0x9e: {  	_ =	swait.ge [sflag:s22], s20  }
0x9f: {  	s3 =	ssub.s32 $0x0, s20;
	[sflag:s22] =	ssyncset.done $0x0  }
0xa0: {  	[sflag:s22] =	ssyncadd.s32 s3;
	_ =	sdelay $0x1  }
0xa1: {  	s23 =	simm.s32 $0x1B8B  }
0xa2: {  	_ =	swait.ge [sflag:s23], $0x1  }
0xa3: {  	[sflag:s23] =	ssyncset.done $0x0  }
0xa4: {  	s25 =	simm.s32 $0x1B8E;
	s24 =	sld [smem:$0x3FFE];
	[sflag:s23] =	ssyncadd.s32 $0xFFFFFFFF  }
0xa5: {  	s26 =	simm.s32 $execute0_lowered;
	[smem:$0x3FD2] =	sst s25  }
0xa6: {  	s4 =	sshll.u32 s26, $0x1;
	_ =	strace $0x80000049;
	[dreg:$0x1] =	wrdreg $0xFFFFFFFF  }
0xa7: {  	s28 =	simm.s32 $_size_execute0_lowered;
	s2 =	sadd.s32 s2, s4;
	[dreg:$0x0] =	wrdreg $0x0  }
0xa8: {  	s4 =	sshll.u32 s28, $0x1;
	[dreg:$0x2] =	wrdreg s2  }
0xa9: {  	[dreg:$0x3] =	wrdreg s4  }
0xaa: {  	[dreg:$0x4] =	wrdreg $0xC0  }
0xab: {  	_ =	task [dreg:s6], $0x5FFFF  }
0xac: {  	[dreg:$0x1] =	wrdreg $0xFFFFFFFF  }
0xad: {  	[dreg:$0x0] =	wrdreg $0x60  }
0xae: {  	[dreg:$0x2] =	wrdreg s24  }
0xaf: {  	[dreg:$0x3] =	wrdreg $0x0  }
0xb0: {  	[dreg:$0x4] =	wrdreg $0x9  }
0xb1: {  	_ =	task.clear_ibuf [dreg:s6], $0x5FFFF;
	_ =	strace $0x90000049  }
0xb2: {  	s29 =	simm.s32 $0x9;
	_ =	strace $0x8000004B  }
0xb3: {  	_ =	swait.ge [sflag:s29], $0x1  }
0xb4: {  	[sflag:s29] =	ssyncadd.s32 $0xFFFFFFFF  }
0xb5: {  	_ =	strace $0x9000004B  }
0xb6: {  	_ =	sfence  }
0xb7: {  	s30 =	sld [smem:$0x0];
	_ =	sdelay $0x2  }
0xb8: {  	s31 =	sshll.u32 s1, $0xD;
	s1 =	sshrl.u32 s1, $0x2  }
0xb9: {  	s3 =	sand.u32 $0x4000, s31;
	s1 =	sadd.s32 s1, s30  }
0xba: {  	s0 =	sor.u32 s3, s0;
	s1 =	sshll.u32 s1, $0x11  }
0xbb: {  	s0 =	sor.u32 s1, s0  }
0xbc: {  	s0 =	sadd.s32 $0x8F2B, s0  }
0xbd: {  	[sflag:s0] =	ssyncadd.remote.s32 $0x1  }
0xbe: {  	_ =	sfence.sel $0xFFFF  }
0xbf: {  	[dreg:$0x0] =	wrdreg $0xFFFFFFFF;
	(pc) =	sbr.abs _section_cstart, $3  }
0xc0: {  	[dreg:$0x1] =	wrdreg $0xFFFFFFFF  }
0xc1: {  	_ =	task.clear_ibuf [dreg:s6], $0x2FFFF;
	_ =	strace $0x9FFFFFFF  }
0xc2: {  	(tm) =	ssettm $0x7FFFFFFF  }
0xc3: {  	_ =	shalt  }
tec
execute0_lowered:
.L_overlay_start_1:
0x0: {  	(tag) =	ssettag $0x1  }
0x1: {  	s0 =	rddreg [dreg:$0x0];
	s1 =	srdreg.scid  }
0x2: {  	s2 =	rddreg [dreg:$0x1];
	s7 =	stileid.u32;
	s5 =	simm.s32 $0x0  }
0x3: {  	s28 =	simm.s32 $0x1;
	s29 =	simm.s32 $0x2;
	s4 =	smul.u32 $0x5000, s7  }
0x4: {  	s30 =	simm.s32 $0x16780;
	s31 =	simm.s32 $0x15300;
	s20 =	smul.u32 $0x14000, s7  }
0x5: {  	s1 =	sand.u32 $0x1, s1;
	[smem:$0x7FF] =	sst s5;
	s7 =	smul.u32 $0x50000, s7  }
0x6: {  	s3 =	smul.u32 $0x140000, s1;
	_ =	strace $0x8000004A;
	s1 =	ssub.s32 $0x2, s1  }
0x7: {  	s4 =	sshrl.u32 s4, $0x3;
	s21 =	sshrl.u32 s7, $0x2;
	s22 =	sshrl.u32 s1, $0x1  }
0x8: {  	s6 =	sshrl.u32 s3, $0x3;
	s18 =	sadd.s32 s4, s0;
	s3 =	sadd.s32 s20, s3  }
0x9: {  	s4 =	sadd.s32 s21, s2;
	s1 =	ssub.s32 s1, s22;
	s21 =	simm.s32 $0x16800  }
0xa: {  	s22 =	simm.s32 $0x3;
	s6 =	sadd.s32 s6, s0;
	s3 =	sshrl.u32 s3, $0x3  }
0xb: {  	s23 =	sadd.s32 $0x3E80, s4;
	s24 =	sadd.s32 $0x7D00, s4;
	s25 =	sadd.s32 $0xBB80, s4  }
0xc: {  	s26 =	sadd.s32 $0xFA00, s4;
	s9 =	sadd.s32 $0x13880, s4;
	s10 =	sadd.s32 $0x3800, s18  }
0xd: {  	s11 =	sadd.s32 $0xD800, s18;
	s13 =	sadd.s32 $0x3A80, s18;
	s14 =	sadd.s32 $0xDA80, s18  }
0xe: {  	s15 =	sadd.s32 $0x3D00, s18;
	s16 =	sadd.s32 $0xDD00, s18;
	[dreg:$0x3] =	wrdreg s23  }
0xf: {  	s17 =	sadd.s32 $0x3F80, s18;
	s18 =	sadd.s32 $0xDF80, s18;
	[dreg:$0x4] =	wrdreg s24  }
0x10: {  	s20 =	smax.u32 s1, $0x1;
	s1 =	simm.s32 $0x0;
	[dreg:$0x5] =	wrdreg s25  }
0x11: {  	s0 =	sadd.s32 s3, s0;
	[dreg:$0x6] =	wrdreg s26;
	s12 =	sadd.s32 $0x17800, s6  }
0x12: {  	s23 =	simm.s32 $0x14000;
	s24 =	simm.s32 $0x15400;
	s25 =	simm.s32 $0x7D  }
0x13: {  	v0 =	vimm.f32 $0.0e+00;
	s26 =	simm.s32 $0x1A800;
	s19 =	sadd.s32 $0x99800, s0;
	s0 =	simm.s32 $0x15380  }
.LBB2_1:
0x14: {  	s5 =	simm.s32 $0x0  }
0x15: {  	s3 =	sand.u32 $0xFE00, s5  }
0x16: {  	s5 =	sand.u32 $0x70, s5;
	s6 =	sshrl.u32 s3, $0x2  }
0x17: {  	s3 =	simm.s32 $0x40;
	s6 =	sor.u32 s5, s6;
	s5 =	simm.s32 $0x0  }
.LBB2_2:
0x18: {  	p0 =	sne.s32 s3, $0xF9C0  }
0x19: {  	[tilespmem:s6+$0x16800] =	vst v0;
	s5 =	sadd.s32 $0x10, s5;
	s6 =	smov.u32 s3;
	s3 =	sadd.s32 $0x40, s3  }
.Ltmp0:
0x1a: {  	(pc) =	sbr.rel @p0 .LBB2_2-.Ltmp0, $4  }
0x1b: {  	_ = 	snop  }
0x1c: {  	s6 =	sand.u32 $0xFE00, s6  }
0x1d: {  	s7 =	sand.u32 $0x70, s5;
	s6 =	sshrl.u32 s6, $0x2  }
0x1e: {  	s6 =	sor.u32 s7, s6  }
0x1f: {  	[tilespmem:s6+$0x16800] =	vst v0  }
0x20: {  	[spmem:s4] =	stream.linear.scatter [tilespmem:s21], [sflag:$0x3], $0x3E80, $0x38;
	[tilespmem:$0x1E800] =	vst v63  }
0x21: {  	_ =	swait.ge [sflag:s22], $0x3E80  }
0x22: {  	[sflag:s22] =	ssyncset.done $0x0  }
0x23: {  	s3 =	rddreg [dreg:$0x3];
	[sflag:s22] =	ssyncadd.s32 $0xFFFFC180  }
0x24: {  	[spmem:s3] =	stream.linear.scatter [tilespmem:s21], [sflag:$0x3], $0x3E80, $0x38;
	[tilespmem:$0x1E800] =	vst v63  }
0x25: {  	_ =	swait.ge [sflag:s22], $0x3E80  }
0x26: {  	[sflag:s22] =	ssyncset.done $0x0  }
0x27: {  	s5 =	rddreg [dreg:$0x4];
	[sflag:s22] =	ssyncadd.s32 $0xFFFFC180  }
0x28: {  	[spmem:s5] =	stream.linear.scatter [tilespmem:s21], [sflag:$0x3], $0x3E80, $0x38;
	[tilespmem:$0x1E800] =	vst v63  }
0x29: {  	_ =	swait.ge [sflag:s22], $0x3E80  }
0x2a: {  	[sflag:s22] =	ssyncset.done $0x0  }
0x2b: {  	s6 =	rddreg [dreg:$0x5];
	[sflag:s22] =	ssyncadd.s32 $0xFFFFC180  }
0x2c: {  	[spmem:s6] =	stream.linear.scatter [tilespmem:s21], [sflag:$0x3], $0x3E80, $0x38;
	[tilespmem:$0x1E800] =	vst v63  }
0x2d: {  	_ =	swait.ge [sflag:s22], $0x3E80  }
0x2e: {  	[sflag:s22] =	ssyncset.done $0x0  }
0x2f: {  	s7 =	rddreg [dreg:$0x6];
	[sflag:s22] =	ssyncadd.s32 $0xFFFFC180  }
0x30: {  	[spmem:s7] =	stream.linear.scatter [tilespmem:s21], [sflag:$0x3], $0x3E80, $0x38;
	[tilespmem:$0x1E800] =	vst v63  }
0x31: {  	_ =	swait.ge [sflag:s22], $0x3E80  }
0x32: {  	[sflag:s22] =	ssyncset.done $0x0  }
0x33: {  	[sflag:s22] =	ssyncadd.s32 $0xFFFFC180  }
0x34: {  	[spmem:s9] =	stream.linear.scatter [tilespmem:s21], [sflag:$0x3], $0x780, $0x38;
	[tilespmem:$0x1E800] =	vst v63  }
0x35: {  	_ =	swait.ge [sflag:s22], $0x780  }
0x36: {  	[sflag:s22] =	ssyncset.done $0x0  }
0x37: {  	[sflag:s22] =	ssyncadd.s32 $0xFFFFF880  }
0x38: {  	s8 =	simm.s32 $0x0;
	[bflag:$0x0] =	sbarrier.arrive $0xFFFF  }
0x39: {  	[tilespmem:s23], [sflag:$0x3] =	stream.linear.gather [hbm4b:s10+s8], $0x1400, $0x38;
	[tilespmem:$0x1E800] =	vst v63  }
0x3a: {  	_ =	swait.ge [sflag:s22], $0x1400  }
0x3b: {  	[sflag:s22] =	ssyncset.done $0x0  }
0x3c: {  	[sflag:s22] =	ssyncadd.s32 $0xFFFFEC00  }
0x3d: {  	[tilespmem:s24], [sflag:$0x3] =	stream.linear.gather [hbm4b:s11+s8], $0x1400, $0x38;
	[tilespmem:$0x1E800] =	vst v63  }
0x3e: {  	_ =	swait.ge [sflag:s22], $0x1400  }
0x3f: {  	[sflag:s22] =	ssyncset.done $0x0  }
0x40: {  	[sflag:s22] =	ssyncadd.s32 $0xFFFFEC00  }
0x41: {  	[tilespmem:s21], [sflag:$0x1] =	stream.indirect.gather [hbm4b:s12+s25], $0x80, s24, s25, $0xb8;
	[tilespmem:$0x1E800] =	vst v63  }
0x42: {  	s5 =	simm.s32 $0x15480  }
0x43: {  	[tilespmem:s26], [sflag:$0x2] =	stream.indirect.gather [hbm4b:s12+s25], $0x80, s5, s25, $0xb8;
	[tilespmem:$0x1E800] =	vst v63  }
0x44: {  	_ =	swait.ge [sflag:s28], $0x3E80  }
0x45: {  	[sflag:s28] =	ssyncset.done $0x0  }
0x46: {  	s6 =	simm.s32 $0x14000;
	[sflag:s28] =	ssyncadd.s32 $0xFFFFC180  }
0x47: {  	[spmem:s2] =	stream.indirect.scatter.add.f32 [tilespmem:s21], [sflag:$0x3], $0x80, s6, s25, $0xb8;
	[tilespmem:$0x1E800] =	vst v63  }
0x48: {  	_ =	swait.ge [sflag:s22], $0x3E80  }
0x49: {  	[sflag:s22] =	ssyncset.done $0x0  }
0x4a: {  	s7 =	simm.s32 $0x15500;
	[sflag:s22] =	ssyncadd.s32 $0xFFFFC180  }
0x4b: {  	[tilespmem:s21], [sflag:$0x1] =	stream.indirect.gather [hbm4b:s12+s25], $0x80, s7, s25, $0xb8;
	[tilespmem:$0x1E800] =	vst v63  }
0x4c: {  	_ =	swait.ge [sflag:s29], $0x3E80  }
0x4d: {  	[sflag:s29] =	ssyncset.done $0x0  }
0x4e: {  	s8 =	simm.s32 $0x14080;
	[sflag:s29] =	ssyncadd.s32 $0xFFFFC180  }
0x4f: {  	[spmem:s2] =	stream.indirect.scatter.add.f32 [tilespmem:s26], [sflag:$0x3], $0x80, s8, s25, $0xb8;
	[tilespmem:$0x1E800] =	vst v63  }
0x50: {  	_ =	swait.ge [sflag:s22], $0x3E80  }
0x51: {  	s3 =	simm.s32 $0x100;
	s5 =	simm.s32 $0x800;
	[sflag:s22] =	ssyncset.done $0x0  }
.LBB2_4:
0x52: {  	s6 =	sadd.s32 $0x15480, s3  }
0x53: {  	[sflag:s22] =	ssyncadd.s32 $0xFFFFC180;
	s7 =	smov.u32 s5;
	s8 =	sadd.s32 $0x400, s5  }
0x54: {  	[tilespmem:s26], [sflag:$0x2] =	stream.indirect.gather [hbm4b:s12+s25], $0x80, s6, s25, $0xb8;
	[tilespmem:$0x1E800] =	vst v63  }
0x55: {  	p0 =	sne.s32 s5, $0x4800;
	_ =	swait.ge [sflag:s28], $0x3E80  }
0x56: {  	[sflag:s28] =	ssyncset.done $0x0  }
0x57: {  	s5 =	sadd.s32 $0x14000, s3;
	[sflag:s28] =	ssyncadd.s32 $0xFFFFC180  }
0x58: {  	[spmem:s2] =	stream.indirect.scatter.add.f32 [tilespmem:s21], [sflag:$0x3], $0x80, s5, s25, $0xb8;
	[tilespmem:$0x1E800] =	vst v63  }
0x59: {  	_ =	swait.ge [sflag:s22], $0x3E80  }
0x5a: {  	[sflag:s22] =	ssyncset.done $0x0  }
0x5b: {  	s5 =	sadd.s32 $0x15500, s3;
	[sflag:s22] =	ssyncadd.s32 $0xFFFFC180  }
0x5c: {  	[tilespmem:s21], [sflag:$0x1] =	stream.indirect.gather [hbm4b:s12+s25], $0x80, s5, s25, $0xb8;
	[tilespmem:$0x1E800] =	vst v63  }
0x5d: {  	_ =	swait.ge [sflag:s29], $0x3E80  }
.Ltmp1:
0x5e: {  	[sflag:s29] =	ssyncset.done $0x0;
	(pc) =	sbr.rel @p0 .LBB2_4-.Ltmp1, $4  }
0x5f: {  	s3 =	sadd.s32 $0x14080, s3;
	[sflag:s29] =	ssyncadd.s32 $0xFFFFC180  }
0x60: {  	[spmem:s2] =	stream.indirect.scatter.add.f32 [tilespmem:s26], [sflag:$0x3], $0x80, s3, s25, $0xb8;
	[tilespmem:$0x1E800] =	vst v63  }
0x61: {  	_ =	swait.ge [sflag:s22], $0x3E80  }
0x62: {  	s5 =	smov.u32 s8;
	s3 =	sshra.s32 s7, $0x2;
	[sflag:s22] =	ssyncset.done $0x0  }
0x63: {  	s5 =	sadd.s32 $0x15480, s3;
	[sflag:s22] =	ssyncadd.s32 $0xFFFFC180  }
0x64: {  	[tilespmem:s26], [sflag:$0x2] =	stream.indirect.gather [hbm4b:s12+s25], $0x80, s5, s25, $0xb8;
	[tilespmem:$0x1E800] =	vst v63  }
0x65: {  	_ =	swait.ge [sflag:s28], $0x3E80  }
0x66: {  	[sflag:s28] =	ssyncset.done $0x0  }
0x67: {  	s8 =	sadd.s32 $0x14000, s3;
	[sflag:s28] =	ssyncadd.s32 $0xFFFFC180  }
0x68: {  	[spmem:s2] =	stream.indirect.scatter.add.f32 [tilespmem:s21], [sflag:$0x3], $0x80, s8, s25, $0xb8;
	[tilespmem:$0x1E800] =	vst v63  }
0x69: {  	_ =	swait.ge [sflag:s22], $0x3E80  }
0x6a: {  	[sflag:s22] =	ssyncset.done $0x0  }
0x6b: {  	s6 =	sadd.s32 $0x15500, s3;
	[sflag:s22] =	ssyncadd.s32 $0xFFFFC180  }
0x6c: {  	[tilespmem:s21], [sflag:$0x1] =	stream.indirect.gather [hbm4b:s12+s25], $0x80, s6, s25, $0xb8;
	[tilespmem:$0x1E800] =	vst v63  }
0x6d: {  	_ =	swait.ge [sflag:s29], $0x3E80  }
0x6e: {  	[sflag:s29] =	ssyncset.done $0x0  }
0x6f: {  	s7 =	sadd.s32 $0x14080, s3;
	[sflag:s29] =	ssyncadd.s32 $0xFFFFC180  }
0x70: {  	[spmem:s2] =	stream.indirect.scatter.add.f32 [tilespmem:s26], [sflag:$0x3], $0x80, s7, s25, $0xb8;
	[tilespmem:$0x1E800] =	vst v63  }
0x71: {  	_ =	swait.ge [sflag:s22], $0x3E80  }
0x72: {  	[sflag:s22] =	ssyncset.done $0x0  }
0x73: {  	[sflag:s22] =	ssyncadd.s32 $0xFFFFC180  }
0x74: {  	[tilespmem:s26], [sflag:$0x2] =	stream.indirect.gather [hbm4b:s12+s25], $0x80, s30, s25, $0xb8;
	[tilespmem:$0x1E800] =	vst v63  }
0x75: {  	_ =	swait.ge [sflag:s28], $0x3E80  }
0x76: {  	[sflag:s28] =	ssyncset.done $0x0  }
0x77: {  	[sflag:s28] =	ssyncadd.s32 $0xFFFFC180  }
0x78: {  	[spmem:s2] =	stream.indirect.scatter.add.f32 [tilespmem:s21], [sflag:$0x3], $0x80, s31, s25, $0xb8;
	[tilespmem:$0x1E800] =	vst v63  }
0x79: {  	_ =	swait.ge [sflag:s22], $0x3E80  }
0x7a: {  	[sflag:s22] =	ssyncset.done $0x0  }
0x7b: {  	[sflag:s22] =	ssyncadd.s32 $0xFFFFC180  }
0x7c: {  	_ =	swait.ge [sflag:s29], $0x3E80  }
0x7d: {  	[sflag:s29] =	ssyncset.done $0x0  }
0x7e: {  	[sflag:s29] =	ssyncadd.s32 $0xFFFFC180  }
0x7f: {  	[spmem:s2] =	stream.indirect.scatter.add.f32 [tilespmem:s26], [sflag:$0x3], $0x80, s0, s25, $0xb8;
	[tilespmem:$0x1E800] =	vst v63  }
0x80: {  	_ =	swait.ge [sflag:s22], $0x3E80  }
0x81: {  	[sflag:s22] =	ssyncset.done $0x0  }
0x82: {  	s8 =	simm.s32 $0x0;
	[sflag:s22] =	ssyncadd.s32 $0xFFFFC180  }
0x83: {  	[tilespmem:s23], [sflag:$0x3] =	stream.linear.gather [hbm4b:s13+s8], $0x1400, $0x38;
	[tilespmem:$0x1E800] =	vst v63  }
0x84: {  	_ =	swait.ge [sflag:s22], $0x1400  }
0x85: {  	[sflag:s22] =	ssyncset.done $0x0  }
0x86: {  	[sflag:s22] =	ssyncadd.s32 $0xFFFFEC00  }
0x87: {  	[tilespmem:s24], [sflag:$0x3] =	stream.linear.gather [hbm4b:s14+s8], $0x1400, $0x38;
	[tilespmem:$0x1E800] =	vst v63  }
0x88: {  	_ =	swait.ge [sflag:s22], $0x1400  }
0x89: {  	[sflag:s22] =	ssyncset.done $0x0  }
0x8a: {  	[sflag:s22] =	ssyncadd.s32 $0xFFFFEC00  }
0x8b: {  	[tilespmem:s21], [sflag:$0x1] =	stream.indirect.gather [hbm4b:s12+s25], $0x80, s24, s25, $0xb8;
	[tilespmem:$0x1E800] =	vst v63  }
0x8c: {  	s5 =	simm.s32 $0x15480  }
0x8d: {  	[tilespmem:s26], [sflag:$0x2] =	stream.indirect.gather [hbm4b:s12+s25], $0x80, s5, s25, $0xb8;
	[tilespmem:$0x1E800] =	vst v63  }
0x8e: {  	_ =	swait.ge [sflag:s28], $0x3E80  }
0x8f: {  	[sflag:s28] =	ssyncset.done $0x0  }
0x90: {  	s6 =	simm.s32 $0x14000;
	[sflag:s28] =	ssyncadd.s32 $0xFFFFC180  }
0x91: {  	[spmem:s2] =	stream.indirect.scatter.add.f32 [tilespmem:s21], [sflag:$0x3], $0x80, s6, s25, $0xb8;
	[tilespmem:$0x1E800] =	vst v63  }
0x92: {  	_ =	swait.ge [sflag:s22], $0x3E80  }
0x93: {  	[sflag:s22] =	ssyncset.done $0x0  }
0x94: {  	s7 =	simm.s32 $0x15500;
	[sflag:s22] =	ssyncadd.s32 $0xFFFFC180  }
0x95: {  	[tilespmem:s21], [sflag:$0x1] =	stream.indirect.gather [hbm4b:s12+s25], $0x80, s7, s25, $0xb8;
	[tilespmem:$0x1E800] =	vst v63  }
0x96: {  	_ =	swait.ge [sflag:s29], $0x3E80  }
0x97: {  	[sflag:s29] =	ssyncset.done $0x0  }
0x98: {  	s8 =	simm.s32 $0x14080;
	[sflag:s29] =	ssyncadd.s32 $0xFFFFC180  }
0x99: {  	[spmem:s2] =	stream.indirect.scatter.add.f32 [tilespmem:s26], [sflag:$0x3], $0x80, s8, s25, $0xb8;
	[tilespmem:$0x1E800] =	vst v63  }
0x9a: {  	_ =	swait.ge [sflag:s22], $0x3E80  }
0x9b: {  	s3 =	simm.s32 $0x100;
	s5 =	simm.s32 $0x800;
	[sflag:s22] =	ssyncset.done $0x0  }
.LBB2_6:
0x9c: {  	s6 =	sadd.s32 $0x15480, s3  }
0x9d: {  	[sflag:s22] =	ssyncadd.s32 $0xFFFFC180;
	s7 =	smov.u32 s5;
	s8 =	sadd.s32 $0x400, s5  }
0x9e: {  	[tilespmem:s26], [sflag:$0x2] =	stream.indirect.gather [hbm4b:s12+s25], $0x80, s6, s25, $0xb8;
	[tilespmem:$0x1E800] =	vst v63  }
0x9f: {  	p0 =	sne.s32 s5, $0x4800;
	_ =	swait.ge [sflag:s28], $0x3E80  }
0xa0: {  	[sflag:s28] =	ssyncset.done $0x0  }
0xa1: {  	s5 =	sadd.s32 $0x14000, s3;
	[sflag:s28] =	ssyncadd.s32 $0xFFFFC180  }
0xa2: {  	[spmem:s2] =	stream.indirect.scatter.add.f32 [tilespmem:s21], [sflag:$0x3], $0x80, s5, s25, $0xb8;
	[tilespmem:$0x1E800] =	vst v63  }
0xa3: {  	_ =	swait.ge [sflag:s22], $0x3E80  }
0xa4: {  	[sflag:s22] =	ssyncset.done $0x0  }
0xa5: {  	s5 =	sadd.s32 $0x15500, s3;
	[sflag:s22] =	ssyncadd.s32 $0xFFFFC180  }
0xa6: {  	[tilespmem:s21], [sflag:$0x1] =	stream.indirect.gather [hbm4b:s12+s25], $0x80, s5, s25, $0xb8;
	[tilespmem:$0x1E800] =	vst v63  }
0xa7: {  	_ =	swait.ge [sflag:s29], $0x3E80  }
.Ltmp2:
0xa8: {  	[sflag:s29] =	ssyncset.done $0x0;
	(pc) =	sbr.rel @p0 .LBB2_6-.Ltmp2, $4  }
0xa9: {  	s3 =	sadd.s32 $0x14080, s3;
	[sflag:s29] =	ssyncadd.s32 $0xFFFFC180  }
0xaa: {  	[spmem:s2] =	stream.indirect.scatter.add.f32 [tilespmem:s26], [sflag:$0x3], $0x80, s3, s25, $0xb8;
	[tilespmem:$0x1E800] =	vst v63  }
0xab: {  	_ =	swait.ge [sflag:s22], $0x3E80  }
0xac: {  	s5 =	smov.u32 s8;
	s3 =	sshra.s32 s7, $0x2;
	[sflag:s22] =	ssyncset.done $0x0  }
0xad: {  	s5 =	sadd.s32 $0x15480, s3;
	[sflag:s22] =	ssyncadd.s32 $0xFFFFC180  }
0xae: {  	[tilespmem:s26], [sflag:$0x2] =	stream.indirect.gather [hbm4b:s12+s25], $0x80, s5, s25, $0xb8;
	[tilespmem:$0x1E800] =	vst v63  }
0xaf: {  	_ =	swait.ge [sflag:s28], $0x3E80  }
0xb0: {  	[sflag:s28] =	ssyncset.done $0x0  }
0xb1: {  	s8 =	sadd.s32 $0x14000, s3;
	[sflag:s28] =	ssyncadd.s32 $0xFFFFC180  }
0xb2: {  	[spmem:s2] =	stream.indirect.scatter.add.f32 [tilespmem:s21], [sflag:$0x3], $0x80, s8, s25, $0xb8;
	[tilespmem:$0x1E800] =	vst v63  }
0xb3: {  	_ =	swait.ge [sflag:s22], $0x3E80  }
0xb4: {  	[sflag:s22] =	ssyncset.done $0x0  }
0xb5: {  	s6 =	sadd.s32 $0x15500, s3;
	[sflag:s22] =	ssyncadd.s32 $0xFFFFC180  }
0xb6: {  	[tilespmem:s21], [sflag:$0x1] =	stream.indirect.gather [hbm4b:s12+s25], $0x80, s6, s25, $0xb8;
	[tilespmem:$0x1E800] =	vst v63  }
0xb7: {  	_ =	swait.ge [sflag:s29], $0x3E80  }
0xb8: {  	[sflag:s29] =	ssyncset.done $0x0  }
0xb9: {  	s7 =	sadd.s32 $0x14080, s3;
	[sflag:s29] =	ssyncadd.s32 $0xFFFFC180  }
0xba: {  	[spmem:s2] =	stream.indirect.scatter.add.f32 [tilespmem:s26], [sflag:$0x3], $0x80, s7, s25, $0xb8;
	[tilespmem:$0x1E800] =	vst v63  }
0xbb: {  	_ =	swait.ge [sflag:s22], $0x3E80  }
0xbc: {  	[sflag:s22] =	ssyncset.done $0x0  }
0xbd: {  	[sflag:s22] =	ssyncadd.s32 $0xFFFFC180  }
0xbe: {  	[tilespmem:s26], [sflag:$0x2] =	stream.indirect.gather [hbm4b:s12+s25], $0x80, s30, s25, $0xb8;
	[tilespmem:$0x1E800] =	vst v63  }
0xbf: {  	_ =	swait.ge [sflag:s28], $0x3E80  }
0xc0: {  	[sflag:s28] =	ssyncset.done $0x0  }
0xc1: {  	[sflag:s28] =	ssyncadd.s32 $0xFFFFC180  }
0xc2: {  	[spmem:s2] =	stream.indirect.scatter.add.f32 [tilespmem:s21], [sflag:$0x3], $0x80, s31, s25, $0xb8;
	[tilespmem:$0x1E800] =	vst v63  }
0xc3: {  	_ =	swait.ge [sflag:s22], $0x3E80  }
0xc4: {  	[sflag:s22] =	ssyncset.done $0x0  }
0xc5: {  	[sflag:s22] =	ssyncadd.s32 $0xFFFFC180  }
0xc6: {  	_ =	swait.ge [sflag:s29], $0x3E80  }
0xc7: {  	[sflag:s29] =	ssyncset.done $0x0  }
0xc8: {  	[sflag:s29] =	ssyncadd.s32 $0xFFFFC180  }
0xc9: {  	[spmem:s2] =	stream.indirect.scatter.add.f32 [tilespmem:s26], [sflag:$0x3], $0x80, s0, s25, $0xb8;
	[tilespmem:$0x1E800] =	vst v63  }
0xca: {  	_ =	swait.ge [sflag:s22], $0x3E80  }
0xcb: {  	[sflag:s22] =	ssyncset.done $0x0  }
0xcc: {  	s8 =	simm.s32 $0x0;
	[sflag:s22] =	ssyncadd.s32 $0xFFFFC180  }
0xcd: {  	[tilespmem:s23], [sflag:$0x3] =	stream.linear.gather [hbm4b:s15+s8], $0x1400, $0x38;
	[tilespmem:$0x1E800] =	vst v63  }
0xce: {  	_ =	swait.ge [sflag:s22], $0x1400  }
0xcf: {  	[sflag:s22] =	ssyncset.done $0x0  }
0xd0: {  	[sflag:s22] =	ssyncadd.s32 $0xFFFFEC00  }
0xd1: {  	[tilespmem:s24], [sflag:$0x3] =	stream.linear.gather [hbm4b:s16+s8], $0x1400, $0x38;
	[tilespmem:$0x1E800] =	vst v63  }
0xd2: {  	_ =	swait.ge [sflag:s22], $0x1400  }
0xd3: {  	[sflag:s22] =	ssyncset.done $0x0  }
0xd4: {  	[sflag:s22] =	ssyncadd.s32 $0xFFFFEC00  }
0xd5: {  	[tilespmem:s21], [sflag:$0x1] =	stream.indirect.gather [hbm4b:s12+s25], $0x80, s24, s25, $0xb8;
	[tilespmem:$0x1E800] =	vst v63  }
0xd6: {  	s5 =	simm.s32 $0x15480  }
0xd7: {  	[tilespmem:s26], [sflag:$0x2] =	stream.indirect.gather [hbm4b:s12+s25], $0x80, s5, s25, $0xb8;
	[tilespmem:$0x1E800] =	vst v63  }
0xd8: {  	_ =	swait.ge [sflag:s28], $0x3E80  }
0xd9: {  	[sflag:s28] =	ssyncset.done $0x0  }
0xda: {  	s6 =	simm.s32 $0x14000;
	[sflag:s28] =	ssyncadd.s32 $0xFFFFC180  }
0xdb: {  	[spmem:s2] =	stream.indirect.scatter.add.f32 [tilespmem:s21], [sflag:$0x3], $0x80, s6, s25, $0xb8;
	[tilespmem:$0x1E800] =	vst v63  }
0xdc: {  	_ =	swait.ge [sflag:s22], $0x3E80  }
0xdd: {  	[sflag:s22] =	ssyncset.done $0x0  }
0xde: {  	s7 =	simm.s32 $0x15500;
	[sflag:s22] =	ssyncadd.s32 $0xFFFFC180  }
0xdf: {  	[tilespmem:s21], [sflag:$0x1] =	stream.indirect.gather [hbm4b:s12+s25], $0x80, s7, s25, $0xb8;
	[tilespmem:$0x1E800] =	vst v63  }
0xe0: {  	_ =	swait.ge [sflag:s29], $0x3E80  }
0xe1: {  	[sflag:s29] =	ssyncset.done $0x0  }
0xe2: {  	s8 =	simm.s32 $0x14080;
	[sflag:s29] =	ssyncadd.s32 $0xFFFFC180  }
0xe3: {  	[spmem:s2] =	stream.indirect.scatter.add.f32 [tilespmem:s26], [sflag:$0x3], $0x80, s8, s25, $0xb8;
	[tilespmem:$0x1E800] =	vst v63  }
0xe4: {  	_ =	swait.ge [sflag:s22], $0x3E80  }
0xe5: {  	s3 =	simm.s32 $0x100;
	s5 =	simm.s32 $0x800;
	[sflag:s22] =	ssyncset.done $0x0  }
.LBB2_8:
0xe6: {  	s6 =	sadd.s32 $0x15480, s3  }
0xe7: {  	[sflag:s22] =	ssyncadd.s32 $0xFFFFC180;
	s7 =	smov.u32 s5;
	s8 =	sadd.s32 $0x400, s5  }
0xe8: {  	[tilespmem:s26], [sflag:$0x2] =	stream.indirect.gather [hbm4b:s12+s25], $0x80, s6, s25, $0xb8;
	[tilespmem:$0x1E800] =	vst v63  }
0xe9: {  	p0 =	sne.s32 s5, $0x4800;
	_ =	swait.ge [sflag:s28], $0x3E80  }
0xea: {  	[sflag:s28] =	ssyncset.done $0x0  }
0xeb: {  	s5 =	sadd.s32 $0x14000, s3;
	[sflag:s28] =	ssyncadd.s32 $0xFFFFC180  }
0xec: {  	[spmem:s2] =	stream.indirect.scatter.add.f32 [tilespmem:s21], [sflag:$0x3], $0x80, s5, s25, $0xb8;
	[tilespmem:$0x1E800] =	vst v63  }
0xed: {  	_ =	swait.ge [sflag:s22], $0x3E80  }
0xee: {  	[sflag:s22] =	ssyncset.done $0x0  }
0xef: {  	s5 =	sadd.s32 $0x15500, s3;
	[sflag:s22] =	ssyncadd.s32 $0xFFFFC180  }
0xf0: {  	[tilespmem:s21], [sflag:$0x1] =	stream.indirect.gather [hbm4b:s12+s25], $0x80, s5, s25, $0xb8;
	[tilespmem:$0x1E800] =	vst v63  }
0xf1: {  	_ =	swait.ge [sflag:s29], $0x3E80  }
.Ltmp3:
0xf2: {  	[sflag:s29] =	ssyncset.done $0x0;
	(pc) =	sbr.rel @p0 .LBB2_8-.Ltmp3, $4  }
0xf3: {  	s3 =	sadd.s32 $0x14080, s3;
	[sflag:s29] =	ssyncadd.s32 $0xFFFFC180  }
0xf4: {  	[spmem:s2] =	stream.indirect.scatter.add.f32 [tilespmem:s26], [sflag:$0x3], $0x80, s3, s25, $0xb8;
	[tilespmem:$0x1E800] =	vst v63  }
0xf5: {  	_ =	swait.ge [sflag:s22], $0x3E80  }
0xf6: {  	s5 =	smov.u32 s8;
	s3 =	sshra.s32 s7, $0x2;
	[sflag:s22] =	ssyncset.done $0x0  }
0xf7: {  	s5 =	sadd.s32 $0x15480, s3;
	[sflag:s22] =	ssyncadd.s32 $0xFFFFC180  }
0xf8: {  	[tilespmem:s26], [sflag:$0x2] =	stream.indirect.gather [hbm4b:s12+s25], $0x80, s5, s25, $0xb8;
	[tilespmem:$0x1E800] =	vst v63  }
0xf9: {  	_ =	swait.ge [sflag:s28], $0x3E80  }
0xfa: {  	[sflag:s28] =	ssyncset.done $0x0  }
0xfb: {  	s8 =	sadd.s32 $0x14000, s3;
	[sflag:s28] =	ssyncadd.s32 $0xFFFFC180  }
0xfc: {  	[spmem:s2] =	stream.indirect.scatter.add.f32 [tilespmem:s21], [sflag:$0x3], $0x80, s8, s25, $0xb8;
	[tilespmem:$0x1E800] =	vst v63  }
0xfd: {  	_ =	swait.ge [sflag:s22], $0x3E80  }
0xfe: {  	[sflag:s22] =	ssyncset.done $0x0  }
0xff: {  	s6 =	sadd.s32 $0x15500, s3;
	[sflag:s22] =	ssyncadd.s32 $0xFFFFC180  }
0x100: {  	[tilespmem:s21], [sflag:$0x1] =	stream.indirect.gather [hbm4b:s12+s25], $0x80, s6, s25, $0xb8;
	[tilespmem:$0x1E800] =	vst v63  }
0x101: {  	_ =	swait.ge [sflag:s29], $0x3E80  }
0x102: {  	[sflag:s29] =	ssyncset.done $0x0  }
0x103: {  	s7 =	sadd.s32 $0x14080, s3;
	[sflag:s29] =	ssyncadd.s32 $0xFFFFC180  }
0x104: {  	[spmem:s2] =	stream.indirect.scatter.add.f32 [tilespmem:s26], [sflag:$0x3], $0x80, s7, s25, $0xb8;
	[tilespmem:$0x1E800] =	vst v63  }
0x105: {  	_ =	swait.ge [sflag:s22], $0x3E80  }
0x106: {  	[sflag:s22] =	ssyncset.done $0x0  }
0x107: {  	[sflag:s22] =	ssyncadd.s32 $0xFFFFC180  }
0x108: {  	[tilespmem:s26], [sflag:$0x2] =	stream.indirect.gather [hbm4b:s12+s25], $0x80, s30, s25, $0xb8;
	[tilespmem:$0x1E800] =	vst v63  }
0x109: {  	_ =	swait.ge [sflag:s28], $0x3E80  }
0x10a: {  	[sflag:s28] =	ssyncset.done $0x0  }
0x10b: {  	[sflag:s28] =	ssyncadd.s32 $0xFFFFC180  }
0x10c: {  	[spmem:s2] =	stream.indirect.scatter.add.f32 [tilespmem:s21], [sflag:$0x3], $0x80, s31, s25, $0xb8;
	[tilespmem:$0x1E800] =	vst v63  }
0x10d: {  	_ =	swait.ge [sflag:s22], $0x3E80  }
0x10e: {  	[sflag:s22] =	ssyncset.done $0x0  }
0x10f: {  	[sflag:s22] =	ssyncadd.s32 $0xFFFFC180  }
0x110: {  	_ =	swait.ge [sflag:s29], $0x3E80  }
0x111: {  	[sflag:s29] =	ssyncset.done $0x0  }
0x112: {  	[sflag:s29] =	ssyncadd.s32 $0xFFFFC180  }
0x113: {  	[spmem:s2] =	stream.indirect.scatter.add.f32 [tilespmem:s26], [sflag:$0x3], $0x80, s0, s25, $0xb8;
	[tilespmem:$0x1E800] =	vst v63  }
0x114: {  	_ =	swait.ge [sflag:s22], $0x3E80  }
0x115: {  	[sflag:s22] =	ssyncset.done $0x0  }
0x116: {  	s8 =	simm.s32 $0x0;
	[sflag:s22] =	ssyncadd.s32 $0xFFFFC180  }
0x117: {  	[tilespmem:s23], [sflag:$0x3] =	stream.linear.gather [hbm4b:s17+s8], $0x1400, $0x38;
	[tilespmem:$0x1E800] =	vst v63  }
0x118: {  	_ =	swait.ge [sflag:s22], $0x1400  }
0x119: {  	[sflag:s22] =	ssyncset.done $0x0  }
0x11a: {  	[sflag:s22] =	ssyncadd.s32 $0xFFFFEC00  }
0x11b: {  	[tilespmem:s24], [sflag:$0x3] =	stream.linear.gather [hbm4b:s18+s8], $0x1400, $0x38;
	[tilespmem:$0x1E800] =	vst v63  }
0x11c: {  	_ =	swait.ge [sflag:s22], $0x1400  }
0x11d: {  	[sflag:s22] =	ssyncset.done $0x0  }
0x11e: {  	[sflag:s22] =	ssyncadd.s32 $0xFFFFEC00  }
0x11f: {  	[tilespmem:s21], [sflag:$0x1] =	stream.indirect.gather [hbm4b:s12+s25], $0x80, s24, s25, $0xb8;
	[tilespmem:$0x1E800] =	vst v63  }
0x120: {  	s5 =	simm.s32 $0x15480  }
0x121: {  	[tilespmem:s26], [sflag:$0x2] =	stream.indirect.gather [hbm4b:s12+s25], $0x80, s5, s25, $0xb8;
	[tilespmem:$0x1E800] =	vst v63  }
0x122: {  	_ =	swait.ge [sflag:s28], $0x3E80  }
0x123: {  	[sflag:s28] =	ssyncset.done $0x0  }
0x124: {  	s6 =	simm.s32 $0x14000;
	[sflag:s28] =	ssyncadd.s32 $0xFFFFC180  }
0x125: {  	[spmem:s2] =	stream.indirect.scatter.add.f32 [tilespmem:s21], [sflag:$0x3], $0x80, s6, s25, $0xb8;
	[tilespmem:$0x1E800] =	vst v63  }
0x126: {  	_ =	swait.ge [sflag:s22], $0x3E80  }
0x127: {  	[sflag:s22] =	ssyncset.done $0x0  }
0x128: {  	s7 =	simm.s32 $0x15500;
	[sflag:s22] =	ssyncadd.s32 $0xFFFFC180  }
0x129: {  	[tilespmem:s21], [sflag:$0x1] =	stream.indirect.gather [hbm4b:s12+s25], $0x80, s7, s25, $0xb8;
	[tilespmem:$0x1E800] =	vst v63  }
0x12a: {  	_ =	swait.ge [sflag:s29], $0x3E80  }
0x12b: {  	[sflag:s29] =	ssyncset.done $0x0  }
0x12c: {  	s8 =	simm.s32 $0x14080;
	[sflag:s29] =	ssyncadd.s32 $0xFFFFC180  }
0x12d: {  	[spmem:s2] =	stream.indirect.scatter.add.f32 [tilespmem:s26], [sflag:$0x3], $0x80, s8, s25, $0xb8;
	[tilespmem:$0x1E800] =	vst v63  }
0x12e: {  	_ =	swait.ge [sflag:s22], $0x3E80  }
0x12f: {  	s3 =	simm.s32 $0x100;
	s5 =	simm.s32 $0x800;
	[sflag:s22] =	ssyncset.done $0x0  }
.LBB2_10:
0x130: {  	s6 =	sadd.s32 $0x15480, s3  }
0x131: {  	[sflag:s22] =	ssyncadd.s32 $0xFFFFC180;
	s7 =	smov.u32 s5;
	s8 =	sadd.s32 $0x400, s5  }
0x132: {  	[tilespmem:s26], [sflag:$0x2] =	stream.indirect.gather [hbm4b:s12+s25], $0x80, s6, s25, $0xb8;
	[tilespmem:$0x1E800] =	vst v63  }
0x133: {  	p0 =	sne.s32 s5, $0x4800;
	_ =	swait.ge [sflag:s28], $0x3E80  }
0x134: {  	[sflag:s28] =	ssyncset.done $0x0  }
0x135: {  	s5 =	sadd.s32 $0x14000, s3;
	[sflag:s28] =	ssyncadd.s32 $0xFFFFC180  }
0x136: {  	[spmem:s2] =	stream.indirect.scatter.add.f32 [tilespmem:s21], [sflag:$0x3], $0x80, s5, s25, $0xb8;
	[tilespmem:$0x1E800] =	vst v63  }
0x137: {  	_ =	swait.ge [sflag:s22], $0x3E80  }
0x138: {  	[sflag:s22] =	ssyncset.done $0x0  }
0x139: {  	s5 =	sadd.s32 $0x15500, s3;
	[sflag:s22] =	ssyncadd.s32 $0xFFFFC180  }
0x13a: {  	[tilespmem:s21], [sflag:$0x1] =	stream.indirect.gather [hbm4b:s12+s25], $0x80, s5, s25, $0xb8;
	[tilespmem:$0x1E800] =	vst v63  }
0x13b: {  	_ =	swait.ge [sflag:s29], $0x3E80  }
.Ltmp4:
0x13c: {  	[sflag:s29] =	ssyncset.done $0x0;
	(pc) =	sbr.rel @p0 .LBB2_10-.Ltmp4, $4  }
0x13d: {  	s3 =	sadd.s32 $0x14080, s3;
	[sflag:s29] =	ssyncadd.s32 $0xFFFFC180  }
0x13e: {  	[spmem:s2] =	stream.indirect.scatter.add.f32 [tilespmem:s26], [sflag:$0x3], $0x80, s3, s25, $0xb8;
	[tilespmem:$0x1E800] =	vst v63  }
0x13f: {  	_ =	swait.ge [sflag:s22], $0x3E80  }
0x140: {  	s5 =	smov.u32 s8;
	s3 =	sshra.s32 s7, $0x2;
	[sflag:s22] =	ssyncset.done $0x0  }
0x141: {  	s5 =	sadd.s32 $0x15480, s3;
	[sflag:s22] =	ssyncadd.s32 $0xFFFFC180  }
0x142: {  	[tilespmem:s26], [sflag:$0x2] =	stream.indirect.gather [hbm4b:s12+s25], $0x80, s5, s25, $0xb8;
	[tilespmem:$0x1E800] =	vst v63  }
0x143: {  	_ =	swait.ge [sflag:s28], $0x3E80  }
0x144: {  	[sflag:s28] =	ssyncset.done $0x0  }
0x145: {  	s7 =	sadd.s32 $0x14000, s3;
	[sflag:s28] =	ssyncadd.s32 $0xFFFFC180  }
0x146: {  	[spmem:s2] =	stream.indirect.scatter.add.f32 [tilespmem:s21], [sflag:$0x3], $0x80, s7, s25, $0xb8;
	[tilespmem:$0x1E800] =	vst v63  }
0x147: {  	_ =	swait.ge [sflag:s22], $0x3E80  }
0x148: {  	[sflag:s22] =	ssyncset.done $0x0  }
0x149: {  	s8 =	sadd.s32 $0x15500, s3;
	[sflag:s22] =	ssyncadd.s32 $0xFFFFC180  }
0x14a: {  	[tilespmem:s21], [sflag:$0x1] =	stream.indirect.gather [hbm4b:s12+s25], $0x80, s8, s25, $0xb8;
	[tilespmem:$0x1E800] =	vst v63  }
0x14b: {  	_ =	swait.ge [sflag:s29], $0x3E80  }
0x14c: {  	[sflag:s29] =	ssyncset.done $0x0  }
0x14d: {  	s6 =	sadd.s32 $0x14080, s3;
	[sflag:s29] =	ssyncadd.s32 $0xFFFFC180  }
0x14e: {  	[spmem:s2] =	stream.indirect.scatter.add.f32 [tilespmem:s26], [sflag:$0x3], $0x80, s6, s25, $0xb8;
	[tilespmem:$0x1E800] =	vst v63  }
0x14f: {  	_ =	swait.ge [sflag:s22], $0x3E80  }
0x150: {  	[sflag:s22] =	ssyncset.done $0x0  }
0x151: {  	[sflag:s22] =	ssyncadd.s32 $0xFFFFC180  }
0x152: {  	[tilespmem:s26], [sflag:$0x2] =	stream.indirect.gather [hbm4b:s12+s25], $0x80, s30, s25, $0xb8;
	[tilespmem:$0x1E800] =	vst v63  }
0x153: {  	_ =	swait.ge [sflag:s28], $0x3E80  }
0x154: {  	[sflag:s28] =	ssyncset.done $0x0  }
0x155: {  	[sflag:s28] =	ssyncadd.s32 $0xFFFFC180  }
0x156: {  	[spmem:s2] =	stream.indirect.scatter.add.f32 [tilespmem:s21], [sflag:$0x3], $0x80, s31, s25, $0xb8;
	[tilespmem:$0x1E800] =	vst v63  }
0x157: {  	_ =	swait.ge [sflag:s22], $0x3E80  }
0x158: {  	[sflag:s22] =	ssyncset.done $0x0  }
0x159: {  	[sflag:s22] =	ssyncadd.s32 $0xFFFFC180  }
0x15a: {  	_ =	swait.ge [sflag:s29], $0x3E80  }
0x15b: {  	[sflag:s29] =	ssyncset.done $0x0  }
0x15c: {  	[sflag:s29] =	ssyncadd.s32 $0xFFFFC180  }
0x15d: {  	[spmem:s2] =	stream.indirect.scatter.add.f32 [tilespmem:s26], [sflag:$0x3], $0x80, s0, s25, $0xb8;
	[tilespmem:$0x1E800] =	vst v63  }
0x15e: {  	s7 =	stileid.u32;
	_ =	swait.ge [sflag:s22], $0x3E80  }
0x15f: {  	s1 =	sadd.s32 $0x1, s1;
	s3 =	sshll.u32 s7, $0x6;
	[sflag:s22] =	ssyncset.done $0x0  }
0x160: {  	p0 =	sne.s32 s1, s20;
	s3 =	sor.u32 $0x1C03, s3;
	[sflag:s22] =	ssyncadd.s32 $0xFFFFC180  }
.Ltmp5:
0x161: {  	s8 =	sshrl.u32 s4, $0x3;
	[bflag:$0x0] =	sbarrier.arrive $0xFFFF;
	(pc) =	sbr.rel @p0 .LBB2_1-.Ltmp5, $4  }
0x162: {  	[hbm:s19], [sflag:s3] =	dma.local [spmem:s8], $0x2800  }
0x163: {  	_ =	swait.ge [sflag:s22], $0x2800  }
0x164: {  	[sflag:s22] =	ssyncset.done $0x0  }
0x165: {  	[sflag:s22] =	ssyncadd.s32 $0xFFFFD800  }
0x166: {  	_ =	sfence.sel $0x180000  }
0x167: {  	[bflag:$0x0] =	sbarrier.arrive $0xFFFF  }
0x168: {  	_ =	strace $0x9000004A  }
0x169: {  	s0 =	stileid.u32;
	[bflag:$0x2] =	sbarrier.arrive $0xFFFF  }
0x16a: {  	p0 =	sne.s32 s0, $0x0;
	s0 =	rddreg [dreg:$0x2]  }
0x16b: {  	s0 =	sadd.s32 @!p0 $0x100000, s0  }
0x16c: {  	[sflag:s0] =	ssyncadd.tile.s32 @!p0 $0x1;
	_ =	shalt  }
.Lfunc_end2:
_tile_overlayer_lowered:
.L_overlay_start_2:
0x16d: {  	(tag) =	ssettag $0x2  }
0x16e: {  	s0 =	rddreg [dreg:$0x0];
	s2 =	stileid.u32  }
0x16f: {  	s1 =	rddreg [dreg:$0x1];
	p0 =	sne.s32 s2, $0x0  }
0x170: {  	s3 =	rddreg [dreg:$0x2];
	[bflag:$0x3] =	sbarrier.arrive $0xFFFF;
	s2 =	simm.s32 @!p0 $0x1C03  }
0x171: {  	[timem:s3], [sflag:s2] =	dma.local @!p0 [hbm:s0], s1  }
0x172: {  	s0 =	simm.s32 @!p0 $0x3  }
0x173: {  	_ =	swait.ge @!p0 [sflag:s0], s1  }
0x174: {  	s1 =	ssub.s32 @!p0 $0x0, s1;
	[sflag:s0] =	ssyncset.done @!p0 $0x0  }
0x175: {  	[sflag:s0] =	ssyncadd.s32 @!p0 s1  }
0x176: {  	[bflag:$0x3] =	sbarrier.arrive $0xFFFF  }
0x177: {  	_ =	shalt  }

// kernel: kernel.8.cloned.1.call-start
scs
__scs_entry_jumppad:
0x0: {  	(pc) =	sbr.rel $0x88, $3  }
0x1: {  	(tag) =	ssettag $0x0;
	lr =	simm.s32 $0x1  }
0x2: {  	[smem:$0x3F95] =	sst lr;
	_ =	strace $0xD0000000  }
0x3: {  	_ = 	snop  }
0x4: {  	_ = 	snop  }
0x5: {  	_ = 	snop  }
0x6: {  	_ = 	snop  }
0x7: {  	_ = 	snop  }
__scs_overlays_trampoline_lowered:
0x8: {  	[smem:$0x3FA4] =	sst s0  }
0x9: {  	[smem:$0x3FA5] =	sst s1  }
0xa: {  	[smem:$0x3FA6] =	sst s2  }
0xb: {  	[smem:$0x3FA7] =	sst s3  }
0xc: {  	[smem:$0x3FA8] =	sst s4  }
0xd: {  	[smem:$0x3FA9] =	sst s5  }
0xe: {  	[smem:$0x3FAA] =	sst s6  }
0xf: {  	[smem:$0x3FAB] =	sst s7  }
0x10: {  	[smem:$0x3FAC] =	sst s8  }
0x11: {  	[smem:$0x3FAD] =	sst s9;
	s0 =	simm.s32 @!p0 $0x0  }
0x12: {  	s1 =	sld [smem:$0x3F93];
	s0 =	simm.s32 @p0 $0x1  }
0x13: {  	[smem:$0x3FAE] =	sst s0;
	s0 =	simm.s32 @!p1 $0x0  }
0x14: {  	s2 =	sld [smem:$0x3F92];
	s0 =	simm.s32 @p1 $0x1  }
0x15: {  	[smem:$0x3FAF] =	sst s0;
	s0 =	simm.s32 @!p2 $0x0  }
0x16: {  	s3 =	sld [smem:$0x3FDB];
	s0 =	simm.s32 @p2 $0x1  }
0x17: {  	s4 =	simm.s32 $0x1BF5;
	[smem:$0x3FB1] =	sst s0  }
0x18: {  	s0 =	sld [smem:$0x3F94];
	_ =	swait.ge [sflag:s4], $0x0  }
0x19: {  	s7 =	sld [smem:$0x3F95]  }
0x1a: {  	s8 =	sadd.s32 $0xFFFFE003, lr  }
0x1b: {  	s9 =	sadd.s32 $0xFFFFFEF7, lr;
	s5 =	simm.s32 $0xFFFFFFFF;
	p2 =	slt.u32 s8, $0xFFFFF086  }
0x1c: {  	p1 =	slt.u32 s9, $0xF7A;
	s5 =	simm.s32 @!p2 $0x0  }
0x1d: {  	s5 =	simm.s32 @p1 $0x1;
	p0 =	seq.s32 s7, s2  }
0x1e: {  	s7 =	smul.u32 @!p0 $0xF7A, s2;
	p2 =	seq.s32 @!p0 s5, $0x0  }
0x1f: {  	s9 =	smul.u32 $0xF7A, s1;
	s8 =	simm.s32 @!p0 $0x1BF5;
	p2 =	por !p2, p0  }
0x20: {  	[sflag:s8] =	ssyncset.s32 @!p0 $0xFFFFF086;
	s6 =	sadd.s32 @!p0 s3, s7;
	s7 =	simm.s32 @!p0 $0x108  }
0x21: {  	s3 =	sadd.s32 s3, s9;
	s6 =	sadd.s32 @!p0 $0x88, s6;
	s7 =	simm.s32 @p2 $0x1082  }
0x22: {  	[simem:s7], [sflag:s8] =	dma.local @!p0 [hbm:s6], $0xF7A  }
0x23: {  	s9 =	sor.u32 $0xD0000000, s2;
	s6 =	simm.s32 $0x108;
	_ =	swait.ge @!p0 [sflag:s8], $0x0  }
0x24: {  	s3 =	sadd.s32 $0x88, s3;
	s6 =	simm.s32 @!p1 $0x1082;
	[sflag:s4] =	ssyncset.s32 $0xFFFFF086  }
0x25: {  	[simem:s6], [sflag:s4] =	dma.local [hbm:s3], $0xF7A  }
0x26: {  	[smem:$0x3F95] =	sst s1;
	(tag) =	ssettag s2;
	_ =	strace s9  }
0x27: {  	s1 =	sld [smem:$0x3FA5]  }
0x28: {  	s2 =	sld [smem:$0x3FA6]  }
0x29: {  	s4 =	sld [smem:$0x3FA8]  }
0x2a: {  	p0 =	seq.s32 s5, $0x0;
	s5 =	sld [smem:$0x3FA9]  }
0x2b: {  	s6 =	sld [smem:$0x3FAA]  }
0x2c: {  	s7 =	sld [smem:$0x3FAB]  }
0x2d: {  	s3 =	simm.s32 $0x108;
	s8 =	sld [smem:$0x3FAC]  }
0x2e: {  	s3 =	simm.s32 @!p0 $0x1082;
	s9 =	sld [smem:$0x3FAD]  }
0x2f: {  	lr =	sadd.s32 s0, s3;
	s0 =	sld [smem:$0x3FA4]  }
0x30: {  	s3 =	sld [smem:$0x3FA7]  }
0x31: {  	[smem:$0x3FB0] =	sst s10  }
0x32: {  	s10 =	sld [smem:$0x3FAE];
	_ =	sdelay $0x3  }
0x33: {  	p0 =	seq.s32 s10, $0x1;
	s10 =	sld [smem:$0x3FB0];
	_ =	sdelay $0x3  }
0x34: {  	[smem:$0x3FB0] =	sst s10  }
0x35: {  	s10 =	sld [smem:$0x3FAF];
	_ =	sdelay $0x3  }
0x36: {  	p1 =	seq.s32 s10, $0x1;
	s10 =	sld [smem:$0x3FB0];
	_ =	sdelay $0x3  }
0x37: {  	[smem:$0x3FB0] =	sst s10  }
0x38: {  	s10 =	sld [smem:$0x3FB1]  }
0x39: {  	_ = 	snop;
	(pc) =	sbr.ind lr, $3  }
0x3a: {  	_ = 	snop  }
0x3b: {  	_ = 	snop  }
0x3c: {  	p2 =	seq.s32 s10, $0x1;
	s10 =	sld [smem:$0x3FB0]  }
0x3d: {  	_ =	shalt  }
0x3e: {  	_ =	shalt  }
0x3f: {  	_ =	shalt  }
0x40: {  	_ =	shalt  }
0x41: {  	_ =	shalt  }
0x42: {  	_ =	shalt  }
0x43: {  	_ =	shalt  }
0x44: {  	_ =	shalt  }
0x45: {  	_ =	shalt  }
0x46: {  	_ =	shalt  }
0x47: {  	_ =	shalt  }
0x48: {  	_ =	shalt  }
0x49: {  	_ =	shalt  }
0x4a: {  	_ =	shalt  }
0x4b: {  	_ =	shalt  }
0x4c: {  	_ =	shalt  }
0x4d: {  	_ =	shalt  }
0x4e: {  	_ =	shalt  }
0x4f: {  	_ =	shalt  }
0x50: {  	_ =	shalt  }
0x51: {  	_ =	shalt  }
0x52: {  	_ =	shalt  }
0x53: {  	_ =	shalt  }
0x54: {  	_ =	shalt  }
0x55: {  	_ =	shalt  }
0x56: {  	_ =	shalt  }
0x57: {  	_ =	shalt  }
0x58: {  	_ =	shalt  }
0x59: {  	_ =	shalt  }
0x5a: {  	_ =	shalt  }
0x5b: {  	_ =	shalt  }
0x5c: {  	_ =	shalt  }
0x5d: {  	_ =	shalt  }
0x5e: {  	_ =	shalt  }
0x5f: {  	_ =	shalt  }
0x60: {  	_ =	shalt  }
0x61: {  	_ =	shalt  }
0x62: {  	_ =	shalt  }
0x63: {  	_ =	shalt  }
0x64: {  	_ =	shalt  }
0x65: {  	_ =	shalt  }
0x66: {  	_ =	shalt  }
0x67: {  	_ =	shalt  }
0x68: {  	_ =	shalt  }
0x69: {  	_ =	shalt  }
0x6a: {  	_ =	shalt  }
0x6b: {  	_ =	shalt  }
0x6c: {  	_ =	shalt  }
0x6d: {  	_ =	shalt  }
0x6e: {  	_ =	shalt  }
0x6f: {  	_ =	shalt  }
0x70: {  	_ =	shalt  }
0x71: {  	_ =	shalt  }
0x72: {  	_ =	shalt  }
0x73: {  	_ =	shalt  }
0x74: {  	_ =	shalt  }
0x75: {  	_ =	shalt  }
0x76: {  	_ =	shalt  }
0x77: {  	_ =	shalt  }
0x78: {  	_ =	shalt  }
0x79: {  	_ =	shalt  }
0x7a: {  	_ =	shalt  }
0x7b: {  	_ =	shalt  }
0x7c: {  	_ =	shalt  }
0x7d: {  	_ =	shalt  }
0x7e: {  	_ =	shalt  }
0x7f: {  	_ =	shalt  }
0x80: {  	_ =	shalt  }
0x81: {  	_ =	shalt  }
0x82: {  	_ =	shalt  }
0x83: {  	_ =	shalt  }
0x84: {  	_ =	shalt  }
0x85: {  	_ =	shalt  }
0x86: {  	_ =	shalt  }
0x87: {  	_ =	shalt  }
.Lfunc_end0:
.L_simem_size_0:
called_computation_lowered:
.L_overlay_start_0:
0x88: {  	s2 =	sld [smem:$0x3FD9]  }
0x89: {  	s3 =	sld [smem:$0x3FFE];
	_ =	sdelay $0x1  }
0x8a: {  	s1 =	srdreg.scid  }
0x8b: {  	s0 =	sand.u32 $0x1, s1  }
0x8c: {  	s17 =	sshll.u32 s0, $0xA;
	s2 =	sadd.s32 s3, s2  }
0x8d: {  	s2 =	sadd.s32 s2, s17  }
0x8e: {  	[smem:$0x3FBC] =	sst s2  }
0x8f: {  	_ = 	snop  }
0x90: {  	s2 =	sld [smem:$0x3FC9];
	(tm) =	ssettm $0x1  }
0x91: {  	s18 =	sld [smem:$0x3FFB];
	_ =	sdelay $0x3  }
0x92: {  	_ =	strace s18  }
0x93: {  	s3 =	sld [smem:$0x3FFC];
	_ =	sdelay $0x3  }
0x94: {  	_ =	strace s3  }
0x95: {  	s3 =	sld [smem:$0x3FFD];
	_ =	sdelay $0x3  }
0x96: {  	_ =	strace s3  }
0x97: {  	_ =	strace $0x8FFFFFFF  }
0x98: {  	s19 =	sld [smem:$0x3FDB];
	_ =	sdelay $0x1  }
0x99: {  	s4 =	simm.s32 $_scs_section_size  }
0x9a: {  	s5 =	simm.s32 $_size__tile_overlayer_lowered;
	s6 =	simm.s32 $_tile_overlayer_lowered  }
0x9b: {  	s22 =	simm.s32 $0x1BFF;
	s21 =	sshll.u32 s6, $0x1;
	s3 =	sadd.s32 s4, s19  }
0x9c: {  	s7 =	simm.s32 $0x0;
	s20 =	sshll.u32 s5, $0x1;
	s5 =	sadd.s32 s21, s3  }
0x9d: {  	[timem:s7], [sflag:s22] =	dma.local [hbm:s5], s20  }
0x9e: {  	_ =	swait.ge [sflag:s22], s20  }
0x9f: {  	s4 =	ssub.s32 $0x0, s20;
	[sflag:s22] =	ssyncset.done $0x0  }
0xa0: {  	[sflag:s22] =	ssyncadd.s32 s4;
	_ =	sdelay $0x1  }
0xa1: {  	s23 =	simm.s32 $0x1B8B  }
0xa2: {  	_ =	swait.ge [sflag:s23], $0x1  }
0xa3: {  	[sflag:s23] =	ssyncset.done $0x0  }
0xa4: {  	s25 =	simm.s32 $0x1B8E;
	s24 =	sld [smem:$0x3FFE];
	[sflag:s23] =	ssyncadd.s32 $0xFFFFFFFF  }
0xa5: {  	s26 =	simm.s32 $execute0_lowered;
	[smem:$0x3FD2] =	sst s25  }
0xa6: {  	s5 =	sshll.u32 s26, $0x1;
	_ =	strace $0x80000046;
	[dreg:$0x1] =	wrdreg $0xFFFFFFFF  }
0xa7: {  	s28 =	simm.s32 $_size_execute0_lowered;
	s3 =	sadd.s32 s3, s5;
	[dreg:$0x0] =	wrdreg $0x0  }
0xa8: {  	s5 =	sshll.u32 s28, $0x1;
	[dreg:$0x2] =	wrdreg s3  }
0xa9: {  	[dreg:$0x3] =	wrdreg s5  }
0xaa: {  	[dreg:$0x4] =	wrdreg $0xC0  }
0xab: {  	_ =	task [dreg:s7], $0x5FFFF  }
0xac: {  	[dreg:$0x1] =	wrdreg $0xFFFFFFFF  }
0xad: {  	[dreg:$0x0] =	wrdreg $0x60  }
0xae: {  	[dreg:$0x2] =	wrdreg s2  }
0xaf: {  	[dreg:$0x3] =	wrdreg s24  }
0xb0: {  	[dreg:$0x4] =	wrdreg $0x0  }
0xb1: {  	[dreg:$0x5] =	wrdreg $0x9  }
0xb2: {  	_ =	task.clear_ibuf [dreg:s7], $0x6FFFF;
	_ =	strace $0x90000046  }
0xb3: {  	s29 =	simm.s32 $0x9;
	_ =	strace $0x80000048  }
0xb4: {  	_ =	swait.ge [sflag:s29], $0x1  }
0xb5: {  	[sflag:s29] =	ssyncadd.s32 $0xFFFFFFFF  }
0xb6: {  	_ =	strace $0x90000048  }
0xb7: {  	_ =	sfence  }
0xb8: {  	s30 =	sld [smem:$0x0];
	_ =	sdelay $0x2  }
0xb9: {  	s31 =	sshll.u32 s1, $0xD;
	s1 =	sshrl.u32 s1, $0x2  }
0xba: {  	s3 =	sand.u32 $0x4000, s31;
	s1 =	sadd.s32 s1, s30  }
0xbb: {  	s0 =	sor.u32 s3, s0;
	s1 =	sshll.u32 s1, $0x11  }
0xbc: {  	s0 =	sor.u32 s1, s0  }
0xbd: {  	s0 =	sadd.s32 $0x8F2B, s0  }
0xbe: {  	[sflag:s0] =	ssyncadd.remote.s32 $0x1  }
0xbf: {  	_ =	sfence.sel $0xFFFF  }
0xc0: {  	[dreg:$0x0] =	wrdreg $0xFFFFFFFF;
	(pc) =	sbr.abs _section_cstart, $3  }
0xc1: {  	[dreg:$0x1] =	wrdreg $0xFFFFFFFF  }
0xc2: {  	_ =	task.clear_ibuf [dreg:s7], $0x2FFFF;
	_ =	strace $0x9FFFFFFF  }
0xc3: {  	(tm) =	ssettm $0x7FFFFFFF  }
tec
execute0_lowered:
.L_overlay_start_1:
0x0: {  	(tag) =	ssettag $0x1  }
0x1: {  	s0 =	rddreg [dreg:$0x0]  }
0x2: {  	s1 =	rddreg [dreg:$0x1]  }
0x3: {  	s2 =	srdreg.scid;
	s3 =	rddreg [dreg:$0x2]  }
0x4: {  	s8 =	stileid.u32;
	s4 =	simm.s32 $0x0;
	s28 =	simm.s32 $0x14800  }
0x5: {  	s29 =	simm.s32 $0x7D;
	s2 =	sand.u32 $0x1, s2;
	s6 =	smul.u32 $0x14000, s8  }
0x6: {  	s30 =	simm.s32 $0x19000;
	s31 =	simm.s32 $0x1;
	s5 =	smul.u32 $0x140000, s2  }
0x7: {  	s9 =	simm.s32 $0x0;
	[smem:$0x7FF] =	sst s4;
	s12 =	smul.u32 $0x50000, s8  }
0x8: {  	s7 =	sshll.u32 s2, $0x4;
	_ =	strace $0x80000047;
	s5 =	sadd.s32 s6, s5  }
0x9: {  	s2 =	ssub.s32 $0x2, s2;
	s17 =	sshrl.u32 s12, $0x2;
	s5 =	sshrl.u32 s5, $0x3  }
0xa: {  	s11 =	sor.u32 s8, s7;
	s13 =	sadd.s32 s5, s1;
	s5 =	sadd.s32 s17, s3  }
0xb: {  	s18 =	sshrl.u32 s2, $0x1;
	s7 =	simm.s32 $0x14700;
	s19 =	sadd.s32 $0x3E80, s5  }
0xc: {  	s8 =	simm.s32 $0x14780;
	s20 =	sadd.s32 $0x7D00, s5;
	[dreg:$0x4] =	wrdreg s19  }
0xd: {  	s6 =	smul.u32 $0x2800, s11;
	s21 =	sadd.s32 $0xBB80, s5;
	[dreg:$0x5] =	wrdreg s20  }
0xe: {  	s2 =	ssub.s32 s2, s18;
	s22 =	sadd.s32 $0xFA00, s5;
	[dreg:$0x6] =	wrdreg s21  }
0xf: {  	s6 =	sshrl.u32 s6, $0x3;
	s23 =	sadd.s32 $0x13880, s5;
	[dreg:$0x7] =	wrdreg s22  }
0x10: {  	s1 =	sadd.s32 s6, s1;
	s6 =	simm.s32 $0x14F80;
	[dreg:$0x8] =	wrdreg s23  }
0x11: {  	s24 =	sadd.s32 $0x3800, s1;
	s25 =	sadd.s32 $0xD800, s1;
	s26 =	sadd.s32 $0x3900, s1  }
0x12: {  	s14 =	sadd.s32 $0xD900, s1;
	s15 =	sadd.s32 $0x3A00, s1;
	s16 =	sadd.s32 $0xDA00, s1  }
0x13: {  	s17 =	sadd.s32 $0x3B00, s1;
	s18 =	sadd.s32 $0xDB00, s1;
	s19 =	sadd.s32 $0x3C00, s1  }
0x14: {  	s20 =	sadd.s32 $0xDC00, s1;
	s21 =	sadd.s32 $0x67800, s1;
	[dreg:$0x9] =	wrdreg s24  }
0x15: {  	s22 =	sadd.s32 $0x17800, s13;
	s23 =	smax.u32 s2, $0x1;
	[dreg:$0xa] =	wrdreg s25  }
0x16: {  	s1 =	simm.s32 $0x1D000;
	s2 =	simm.s32 $0x2;
	[dreg:$0xb] =	wrdreg s26  }
0x17: {  	v0 =	vimm.f32 $0.0e+00;
	v1 =	vimm.f32 $1.000000000e+00;
	vm0 =	vcmask $0x3F0C;
	s24 =	simm.s32 $0x15000;
	s25 =	simm.s32 $0x3;
	s26 =	simm.s32 $0x14000  }
.LBB2_1:
0x18: {  	s10 =	sand.u32 $0xFE00, s4  }
0x19: {  	s11 =	sand.u32 $0x70, s4;
	s12 =	sshrl.u32 s10, $0x2  }
0x1a: {  	s10 =	simm.s32 $0x40;
	s12 =	sor.u32 s11, s12;
	s11 =	simm.s32 $0x0  }
.LBB2_2:
0x1b: {  	p0 =	sne.s32 s10, $0xF9C0  }
0x1c: {  	[tilespmem:s12+$0x15000] =	vst v0;
	s11 =	sadd.s32 $0x10, s11;
	s12 =	smov.u32 s10;
	s10 =	sadd.s32 $0x40, s10  }
.Ltmp0:
0x1d: {  	(pc) =	sbr.rel @p0 .LBB2_2-.Ltmp0, $4  }
0x1e: {  	_ = 	snop  }
0x1f: {  	s12 =	sand.u32 $0xFE00, s12  }
0x20: {  	s13 =	sand.u32 $0x70, s11;
	s12 =	sshrl.u32 s12, $0x2  }
0x21: {  	s12 =	sor.u32 s13, s12  }
0x22: {  	[tilespmem:s12+$0x15000] =	vst v0  }
0x23: {  	[spmem:s5] =	stream.linear.scatter [tilespmem:s24], [sflag:$0x3], $0x3E80, $0x38;
	[tilespmem:$0x1F800] =	vst v63  }
0x24: {  	_ =	swait.ge [sflag:s25], $0x3E80  }
0x25: {  	[sflag:s25] =	ssyncset.done $0x0  }
0x26: {  	s10 =	rddreg [dreg:$0x4];
	[sflag:s25] =	ssyncadd.s32 $0xFFFFC180  }
0x27: {  	[spmem:s10] =	stream.linear.scatter [tilespmem:s24], [sflag:$0x3], $0x3E80, $0x38;
	[tilespmem:$0x1F800] =	vst v63  }
0x28: {  	_ =	swait.ge [sflag:s25], $0x3E80  }
0x29: {  	[sflag:s25] =	ssyncset.done $0x0  }
0x2a: {  	s13 =	rddreg [dreg:$0x5];
	[sflag:s25] =	ssyncadd.s32 $0xFFFFC180  }
0x2b: {  	[spmem:s13] =	stream.linear.scatter [tilespmem:s24], [sflag:$0x3], $0x3E80, $0x38;
	[tilespmem:$0x1F800] =	vst v63  }
0x2c: {  	_ =	swait.ge [sflag:s25], $0x3E80  }
0x2d: {  	[sflag:s25] =	ssyncset.done $0x0  }
0x2e: {  	s11 =	rddreg [dreg:$0x6];
	[sflag:s25] =	ssyncadd.s32 $0xFFFFC180  }
0x2f: {  	[spmem:s11] =	stream.linear.scatter [tilespmem:s24], [sflag:$0x3], $0x3E80, $0x38;
	[tilespmem:$0x1F800] =	vst v63  }
0x30: {  	_ =	swait.ge [sflag:s25], $0x3E80  }
0x31: {  	[sflag:s25] =	ssyncset.done $0x0  }
0x32: {  	s12 =	rddreg [dreg:$0x7];
	[sflag:s25] =	ssyncadd.s32 $0xFFFFC180  }
0x33: {  	[spmem:s12] =	stream.linear.scatter [tilespmem:s24], [sflag:$0x3], $0x3E80, $0x38;
	[tilespmem:$0x1F800] =	vst v63  }
0x34: {  	_ =	swait.ge [sflag:s25], $0x3E80  }
0x35: {  	[sflag:s25] =	ssyncset.done $0x0  }
0x36: {  	s13 =	rddreg [dreg:$0x8];
	[sflag:s25] =	ssyncadd.s32 $0xFFFFC180  }
0x37: {  	[spmem:s13] =	stream.linear.scatter [tilespmem:s24], [sflag:$0x3], $0x780, $0x38;
	[tilespmem:$0x1F800] =	vst v63  }
0x38: {  	_ =	swait.ge [sflag:s25], $0x780  }
0x39: {  	[sflag:s25] =	ssyncset.done $0x0  }
0x3a: {  	s10 =	simm.s32 $0x40;
	s11 =	simm.s32 $0x0;
	[sflag:s25] =	ssyncadd.s32 $0xFFFFF880  }
.LBB2_4:
0x3b: {  	p0 =	sne.s32 s10, $0x9FC0;
	[tilespmem:s11+$0x1D000] =	vst v0;
	s11 =	smov.u32 s10;
	s10 =	sadd.s32 $0x40, s10  }
.Ltmp1:
0x3c: {  	(pc) =	sbr.rel @p0 .LBB2_4-.Ltmp1, $2  }
0x3d: {  	_ =	sdelay $0x2  }
0x3e: {  	s11 =	sshra.s32 s11, $0x2  }
0x3f: {  	[tilespmem:s11+$0x1D000] =	vst v0  }
0x40: {  	[bflag:$0x0] =	sbarrier.arrive $0xFFFF  }
0x41: {  	s10 =	simm.s32 $0x0;
	s12 =	rddreg [dreg:$0x9]  }
0x42: {  	[tilespmem:s26], [sflag:$0x3] =	stream.linear.gather [hbm4b:s12+s10], $0x800, $0x38;
	[tilespmem:$0x1F800] =	vst v63  }
0x43: {  	_ =	swait.ge [sflag:s25], $0x800  }
0x44: {  	[sflag:s25] =	ssyncset.done $0x0  }
0x45: {  	s13 =	rddreg [dreg:$0xa];
	[sflag:s25] =	ssyncadd.s32 $0xFFFFF800  }
0x46: {  	[tilespmem:s28], [sflag:$0x3] =	stream.linear.gather [hbm4b:s13+s10], $0x800, $0x38;
	[tilespmem:$0x1F800] =	vst v63  }
0x47: {  	_ =	swait.ge [sflag:s25], $0x800  }
0x48: {  	[sflag:s25] =	ssyncset.done $0x0  }
0x49: {  	[sflag:s25] =	ssyncadd.s32 $0xFFFFF800  }
0x4a: {  	[tilespmem:s24], [sflag:$0x1] =	stream.indirect.gather [hbm4b:s0+s29], $0x80, s28, s29, $0xb8;
	[tilespmem:$0x1F800] =	vst v63  }
.LBB2_6:
0x4b: {  	s11 =	sshra.s32 s10, $0x2  }
0x4c: {  	s12 =	sadd.s32 $0x14880, s11  }
0x4d: {  	[tilespmem:s30], [sflag:$0x2] =	stream.indirect.gather [hbm4b:s0+s29], $0x80, s12, s29, $0xb8;
	[tilespmem:$0x1F800] =	vst v63  }
0x4e: {  	_ =	swait.ge [sflag:s31], $0x3E80  }
0x4f: {  	[sflag:s31] =	ssyncset.done $0x0  }
0x50: {  	[sflag:s31] =	ssyncadd.s32 $0xFFFFC180  }
0x51: {  	v2 =	vld [tilespmem:s11+$0x14000];
	_ =	sdelay $0x7  }
0x52: {  	[tilespmem:v2+s1+$0x0] =	vst.idx.add.f32.msk $0xffff, v1  }
0x53: {  	v2 =	vld [tilespmem:s11+$0x14010];
	_ =	sdelay $0x7  }
0x54: {  	[tilespmem:v2+s1+$0x0] =	vst.idx.add.f32.msk $0xffff, v1  }
0x55: {  	v2 =	vld [tilespmem:s11+$0x14020];
	_ =	sdelay $0x7  }
0x56: {  	[tilespmem:v2+s1+$0x0] =	vst.idx.add.f32.msk $0xffff, v1  }
0x57: {  	v2 =	vld [tilespmem:s11+$0x14030];
	_ =	sdelay $0x7  }
0x58: {  	[tilespmem:v2+s1+$0x0] =	vst.idx.add.f32.msk $0xffff, v1  }
0x59: {  	v2 =	vld [tilespmem:s11+$0x14040];
	_ =	sdelay $0x7  }
0x5a: {  	[tilespmem:v2+s1+$0x0] =	vst.idx.add.f32.msk $0xffff, v1  }
0x5b: {  	v2 =	vld [tilespmem:s11+$0x14050];
	_ =	sdelay $0x7  }
0x5c: {  	[tilespmem:v2+s1+$0x0] =	vst.idx.add.f32.msk $0xffff, v1  }
0x5d: {  	v2 =	vld [tilespmem:s11+$0x14060];
	_ =	sdelay $0x7  }
0x5e: {  	[tilespmem:v2+s1+$0x0] =	vst.idx.add.f32.msk $0xffff, v1  }
0x5f: {  	v2 =	vld [tilespmem:s11+$0x1406D];
	_ =	sdelay $0x7  }
0x60: {  	s13 =	sadd.s32 $0x14000, s11;
	[tilespmem:v2+s1+$0x0] =	vst.idx.add.f32.msk vm0, v1  }
0x61: {  	[spmem:s3] =	stream.indirect.scatter.add.f32 [tilespmem:s24], [sflag:$0x3], $0x80, s13, s29, $0xb8;
	[tilespmem:$0x1F800] =	vst v63  }
0x62: {  	_ =	swait.ge [sflag:s25], $0x3E80  }
0x63: {  	[sflag:s25] =	ssyncset.done $0x0  }
0x64: {  	s13 =	sadd.s32 $0x14900, s11;
	[sflag:s25] =	ssyncadd.s32 $0xFFFFC180  }
0x65: {  	[tilespmem:s24], [sflag:$0x1] =	stream.indirect.gather [hbm4b:s0+s29], $0x80, s13, s29, $0xb8;
	[tilespmem:$0x1F800] =	vst v63  }
0x66: {  	_ =	swait.ge [sflag:s2], $0x3E80  }
0x67: {  	[sflag:s2] =	ssyncset.done $0x0  }
0x68: {  	[sflag:s2] =	ssyncadd.s32 $0xFFFFC180  }
0x69: {  	v2 =	vld [tilespmem:s11+$0x14080];
	_ =	sdelay $0x7  }
0x6a: {  	[tilespmem:v2+s1+$0x0] =	vst.idx.add.f32.msk $0xffff, v1  }
0x6b: {  	v2 =	vld [tilespmem:s11+$0x14090];
	_ =	sdelay $0x7  }
0x6c: {  	[tilespmem:v2+s1+$0x0] =	vst.idx.add.f32.msk $0xffff, v1  }
0x6d: {  	v2 =	vld [tilespmem:s11+$0x140A0];
	_ =	sdelay $0x7  }
0x6e: {  	[tilespmem:v2+s1+$0x0] =	vst.idx.add.f32.msk $0xffff, v1  }
0x6f: {  	v2 =	vld [tilespmem:s11+$0x140B0];
	_ =	sdelay $0x7  }
0x70: {  	[tilespmem:v2+s1+$0x0] =	vst.idx.add.f32.msk $0xffff, v1  }
0x71: {  	v2 =	vld [tilespmem:s11+$0x140C0];
	_ =	sdelay $0x7  }
0x72: {  	[tilespmem:v2+s1+$0x0] =	vst.idx.add.f32.msk $0xffff, v1  }
0x73: {  	v2 =	vld [tilespmem:s11+$0x140D0];
	_ =	sdelay $0x7  }
0x74: {  	[tilespmem:v2+s1+$0x0] =	vst.idx.add.f32.msk $0xffff, v1  }
0x75: {  	v2 =	vld [tilespmem:s11+$0x140E0];
	_ =	sdelay $0x7  }
0x76: {  	[tilespmem:v2+s1+$0x0] =	vst.idx.add.f32.msk $0xffff, v1  }
0x77: {  	v2 =	vld [tilespmem:s11+$0x140ED];
	_ =	sdelay $0x6  }
0x78: {  	p0 =	sne.s32 s10, $0x1800  }
.Ltmp2:
0x79: {  	s11 =	sadd.s32 $0x14080, s11;
	[tilespmem:v2+s1+$0x0] =	vst.idx.add.f32.msk vm0, v1;
	(pc) =	sbr.rel @p0 .LBB2_6-.Ltmp2, $4  }
0x7a: {  	[spmem:s3] =	stream.indirect.scatter.add.f32 [tilespmem:s30], [sflag:$0x3], $0x80, s11, s29, $0xb8;
	[tilespmem:$0x1F800] =	vst v63  }
0x7b: {  	_ =	swait.ge [sflag:s25], $0x3E80  }
0x7c: {  	[sflag:s25] =	ssyncset.done $0x0  }
0x7d: {  	s10 =	sadd.s32 $0x400, s10;
	[sflag:s25] =	ssyncadd.s32 $0xFFFFC180  }
0x7e: {  	[tilespmem:s30], [sflag:$0x2] =	stream.indirect.gather [hbm4b:s0+s29], $0x80, s6, s29, $0xb8;
	[tilespmem:$0x1F800] =	vst v63  }
0x7f: {  	_ =	swait.ge [sflag:s31], $0x3E80  }
0x80: {  	[sflag:s31] =	ssyncset.done $0x0  }
0x81: {  	[sflag:s31] =	ssyncadd.s32 $0xFFFFC180  }
0x82: {  	v2 =	vld [tilespmem:$0x14700];
	_ =	sdelay $0x7  }
0x83: {  	[tilespmem:v2+s1+$0x0] =	vst.idx.add.f32.msk $0xffff, v1  }
0x84: {  	v2 =	vld [tilespmem:$0x14710];
	_ =	sdelay $0x7  }
0x85: {  	[tilespmem:v2+s1+$0x0] =	vst.idx.add.f32.msk $0xffff, v1  }
0x86: {  	v2 =	vld [tilespmem:$0x14720];
	_ =	sdelay $0x7  }
0x87: {  	[tilespmem:v2+s1+$0x0] =	vst.idx.add.f32.msk $0xffff, v1  }
0x88: {  	v2 =	vld [tilespmem:$0x14730];
	_ =	sdelay $0x7  }
0x89: {  	[tilespmem:v2+s1+$0x0] =	vst.idx.add.f32.msk $0xffff, v1  }
0x8a: {  	v2 =	vld [tilespmem:$0x14740];
	_ =	sdelay $0x7  }
0x8b: {  	[tilespmem:v2+s1+$0x0] =	vst.idx.add.f32.msk $0xffff, v1  }
0x8c: {  	v2 =	vld [tilespmem:$0x14750];
	_ =	sdelay $0x7  }
0x8d: {  	[tilespmem:v2+s1+$0x0] =	vst.idx.add.f32.msk $0xffff, v1  }
0x8e: {  	v2 =	vld [tilespmem:$0x14760];
	_ =	sdelay $0x7  }
0x8f: {  	[tilespmem:v2+s1+$0x0] =	vst.idx.add.f32.msk $0xffff, v1  }
0x90: {  	v2 =	vld [tilespmem:$0x1476D];
	_ =	sdelay $0x7  }
0x91: {  	[tilespmem:v2+s1+$0x0] =	vst.idx.add.f32.msk vm0, v1  }
0x92: {  	[spmem:s3] =	stream.indirect.scatter.add.f32 [tilespmem:s24], [sflag:$0x3], $0x80, s7, s29, $0xb8;
	[tilespmem:$0x1F800] =	vst v63  }
0x93: {  	_ =	swait.ge [sflag:s25], $0x3E80  }
0x94: {  	[sflag:s25] =	ssyncset.done $0x0  }
0x95: {  	[sflag:s25] =	ssyncadd.s32 $0xFFFFC180  }
0x96: {  	_ =	swait.ge [sflag:s2], $0x3E80  }
0x97: {  	[sflag:s2] =	ssyncset.done $0x0  }
0x98: {  	[sflag:s2] =	ssyncadd.s32 $0xFFFFC180  }
0x99: {  	v2 =	vld [tilespmem:$0x14780];
	_ =	sdelay $0x7  }
0x9a: {  	[tilespmem:v2+s1+$0x0] =	vst.idx.add.f32.msk $0xffff, v1  }
0x9b: {  	v2 =	vld [tilespmem:$0x14790];
	_ =	sdelay $0x7  }
0x9c: {  	[tilespmem:v2+s1+$0x0] =	vst.idx.add.f32.msk $0xffff, v1  }
0x9d: {  	v2 =	vld [tilespmem:$0x147A0];
	_ =	sdelay $0x7  }
0x9e: {  	[tilespmem:v2+s1+$0x0] =	vst.idx.add.f32.msk $0xffff, v1  }
0x9f: {  	v2 =	vld [tilespmem:$0x147B0];
	_ =	sdelay $0x7  }
0xa0: {  	[tilespmem:v2+s1+$0x0] =	vst.idx.add.f32.msk $0xffff, v1  }
0xa1: {  	v2 =	vld [tilespmem:$0x147C0];
	_ =	sdelay $0x7  }
0xa2: {  	[tilespmem:v2+s1+$0x0] =	vst.idx.add.f32.msk $0xffff, v1  }
0xa3: {  	v2 =	vld [tilespmem:$0x147D0];
	_ =	sdelay $0x7  }
0xa4: {  	[tilespmem:v2+s1+$0x0] =	vst.idx.add.f32.msk $0xffff, v1  }
0xa5: {  	v2 =	vld [tilespmem:$0x147E0];
	_ =	sdelay $0x7  }
0xa6: {  	[tilespmem:v2+s1+$0x0] =	vst.idx.add.f32.msk $0xffff, v1  }
0xa7: {  	v2 =	vld [tilespmem:$0x147ED];
	_ =	sdelay $0x7  }
0xa8: {  	[tilespmem:v2+s1+$0x0] =	vst.idx.add.f32.msk vm0, v1  }
0xa9: {  	[spmem:s3] =	stream.indirect.scatter.add.f32 [tilespmem:s30], [sflag:$0x3], $0x80, s8, s29, $0xb8;
	[tilespmem:$0x1F800] =	vst v63  }
0xaa: {  	_ =	swait.ge [sflag:s25], $0x3E80  }
0xab: {  	[sflag:s25] =	ssyncset.done $0x0  }
0xac: {  	s10 =	simm.s32 $0x0;
	s11 =	rddreg [dreg:$0xb];
	[sflag:s25] =	ssyncadd.s32 $0xFFFFC180  }
0xad: {  	[tilespmem:s26], [sflag:$0x3] =	stream.linear.gather [hbm4b:s11+s10], $0x800, $0x38;
	[tilespmem:$0x1F800] =	vst v63  }
0xae: {  	_ =	swait.ge [sflag:s25], $0x800  }
0xaf: {  	[sflag:s25] =	ssyncset.done $0x0  }
0xb0: {  	[sflag:s25] =	ssyncadd.s32 $0xFFFFF800  }
0xb1: {  	[tilespmem:s28], [sflag:$0x3] =	stream.linear.gather [hbm4b:s14+s10], $0x800, $0x38;
	[tilespmem:$0x1F800] =	vst v63  }
0xb2: {  	_ =	swait.ge [sflag:s25], $0x800  }
0xb3: {  	[sflag:s25] =	ssyncset.done $0x0  }
0xb4: {  	[sflag:s25] =	ssyncadd.s32 $0xFFFFF800  }
0xb5: {  	[tilespmem:s24], [sflag:$0x1] =	stream.indirect.gather [hbm4b:s0+s29], $0x80, s28, s29, $0xb8;
	[tilespmem:$0x1F800] =	vst v63  }
.LBB2_8:
0xb6: {  	s11 =	sshra.s32 s10, $0x2  }
0xb7: {  	s12 =	sadd.s32 $0x14880, s11  }
0xb8: {  	[tilespmem:s30], [sflag:$0x2] =	stream.indirect.gather [hbm4b:s0+s29], $0x80, s12, s29, $0xb8;
	[tilespmem:$0x1F800] =	vst v63  }
0xb9: {  	_ =	swait.ge [sflag:s31], $0x3E80  }
0xba: {  	[sflag:s31] =	ssyncset.done $0x0  }
0xbb: {  	[sflag:s31] =	ssyncadd.s32 $0xFFFFC180  }
0xbc: {  	v2 =	vld [tilespmem:s11+$0x14000];
	_ =	sdelay $0x7  }
0xbd: {  	[tilespmem:v2+s1+$0x0] =	vst.idx.add.f32.msk $0xffff, v1  }
0xbe: {  	v2 =	vld [tilespmem:s11+$0x14010];
	_ =	sdelay $0x7  }
0xbf: {  	[tilespmem:v2+s1+$0x0] =	vst.idx.add.f32.msk $0xffff, v1  }
0xc0: {  	v2 =	vld [tilespmem:s11+$0x14020];
	_ =	sdelay $0x7  }
0xc1: {  	[tilespmem:v2+s1+$0x0] =	vst.idx.add.f32.msk $0xffff, v1  }
0xc2: {  	v2 =	vld [tilespmem:s11+$0x14030];
	_ =	sdelay $0x7  }
0xc3: {  	[tilespmem:v2+s1+$0x0] =	vst.idx.add.f32.msk $0xffff, v1  }
0xc4: {  	v2 =	vld [tilespmem:s11+$0x14040];
	_ =	sdelay $0x7  }
0xc5: {  	[tilespmem:v2+s1+$0x0] =	vst.idx.add.f32.msk $0xffff, v1  }
0xc6: {  	v2 =	vld [tilespmem:s11+$0x14050];
	_ =	sdelay $0x7  }
0xc7: {  	[tilespmem:v2+s1+$0x0] =	vst.idx.add.f32.msk $0xffff, v1  }
0xc8: {  	v2 =	vld [tilespmem:s11+$0x14060];
	_ =	sdelay $0x7  }
0xc9: {  	[tilespmem:v2+s1+$0x0] =	vst.idx.add.f32.msk $0xffff, v1  }
0xca: {  	v2 =	vld [tilespmem:s11+$0x1406D];
	_ =	sdelay $0x7  }
0xcb: {  	s13 =	sadd.s32 $0x14000, s11;
	[tilespmem:v2+s1+$0x0] =	vst.idx.add.f32.msk vm0, v1  }
0xcc: {  	[spmem:s3] =	stream.indirect.scatter.add.f32 [tilespmem:s24], [sflag:$0x3], $0x80, s13, s29, $0xb8;
	[tilespmem:$0x1F800] =	vst v63  }
0xcd: {  	_ =	swait.ge [sflag:s25], $0x3E80  }
0xce: {  	[sflag:s25] =	ssyncset.done $0x0  }
0xcf: {  	s13 =	sadd.s32 $0x14900, s11;
	[sflag:s25] =	ssyncadd.s32 $0xFFFFC180  }
0xd0: {  	[tilespmem:s24], [sflag:$0x1] =	stream.indirect.gather [hbm4b:s0+s29], $0x80, s13, s29, $0xb8;
	[tilespmem:$0x1F800] =	vst v63  }
0xd1: {  	_ =	swait.ge [sflag:s2], $0x3E80  }
0xd2: {  	[sflag:s2] =	ssyncset.done $0x0  }
0xd3: {  	[sflag:s2] =	ssyncadd.s32 $0xFFFFC180  }
0xd4: {  	v2 =	vld [tilespmem:s11+$0x14080];
	_ =	sdelay $0x7  }
0xd5: {  	[tilespmem:v2+s1+$0x0] =	vst.idx.add.f32.msk $0xffff, v1  }
0xd6: {  	v2 =	vld [tilespmem:s11+$0x14090];
	_ =	sdelay $0x7  }
0xd7: {  	[tilespmem:v2+s1+$0x0] =	vst.idx.add.f32.msk $0xffff, v1  }
0xd8: {  	v2 =	vld [tilespmem:s11+$0x140A0];
	_ =	sdelay $0x7  }
0xd9: {  	[tilespmem:v2+s1+$0x0] =	vst.idx.add.f32.msk $0xffff, v1  }
0xda: {  	v2 =	vld [tilespmem:s11+$0x140B0];
	_ =	sdelay $0x7  }
0xdb: {  	[tilespmem:v2+s1+$0x0] =	vst.idx.add.f32.msk $0xffff, v1  }
0xdc: {  	v2 =	vld [tilespmem:s11+$0x140C0];
	_ =	sdelay $0x7  }
0xdd: {  	[tilespmem:v2+s1+$0x0] =	vst.idx.add.f32.msk $0xffff, v1  }
0xde: {  	v2 =	vld [tilespmem:s11+$0x140D0];
	_ =	sdelay $0x7  }
0xdf: {  	[tilespmem:v2+s1+$0x0] =	vst.idx.add.f32.msk $0xffff, v1  }
0xe0: {  	v2 =	vld [tilespmem:s11+$0x140E0];
	_ =	sdelay $0x7  }
0xe1: {  	[tilespmem:v2+s1+$0x0] =	vst.idx.add.f32.msk $0xffff, v1  }
0xe2: {  	v2 =	vld [tilespmem:s11+$0x140ED];
	_ =	sdelay $0x6  }
0xe3: {  	p0 =	sne.s32 s10, $0x1800  }
.Ltmp3:
0xe4: {  	s11 =	sadd.s32 $0x14080, s11;
	[tilespmem:v2+s1+$0x0] =	vst.idx.add.f32.msk vm0, v1;
	(pc) =	sbr.rel @p0 .LBB2_8-.Ltmp3, $4  }
0xe5: {  	[spmem:s3] =	stream.indirect.scatter.add.f32 [tilespmem:s30], [sflag:$0x3], $0x80, s11, s29, $0xb8;
	[tilespmem:$0x1F800] =	vst v63  }
0xe6: {  	_ =	swait.ge [sflag:s25], $0x3E80  }
0xe7: {  	[sflag:s25] =	ssyncset.done $0x0  }
0xe8: {  	s10 =	sadd.s32 $0x400, s10;
	[sflag:s25] =	ssyncadd.s32 $0xFFFFC180  }
0xe9: {  	[tilespmem:s30], [sflag:$0x2] =	stream.indirect.gather [hbm4b:s0+s29], $0x80, s6, s29, $0xb8;
	[tilespmem:$0x1F800] =	vst v63  }
0xea: {  	_ =	swait.ge [sflag:s31], $0x3E80  }
0xeb: {  	[sflag:s31] =	ssyncset.done $0x0  }
0xec: {  	[sflag:s31] =	ssyncadd.s32 $0xFFFFC180  }
0xed: {  	v2 =	vld [tilespmem:$0x14700];
	_ =	sdelay $0x7  }
0xee: {  	[tilespmem:v2+s1+$0x0] =	vst.idx.add.f32.msk $0xffff, v1  }
0xef: {  	v2 =	vld [tilespmem:$0x14710];
	_ =	sdelay $0x7  }
0xf0: {  	[tilespmem:v2+s1+$0x0] =	vst.idx.add.f32.msk $0xffff, v1  }
0xf1: {  	v2 =	vld [tilespmem:$0x14720];
	_ =	sdelay $0x7  }
0xf2: {  	[tilespmem:v2+s1+$0x0] =	vst.idx.add.f32.msk $0xffff, v1  }
0xf3: {  	v2 =	vld [tilespmem:$0x14730];
	_ =	sdelay $0x7  }
0xf4: {  	[tilespmem:v2+s1+$0x0] =	vst.idx.add.f32.msk $0xffff, v1  }
0xf5: {  	v2 =	vld [tilespmem:$0x14740];
	_ =	sdelay $0x7  }
0xf6: {  	[tilespmem:v2+s1+$0x0] =	vst.idx.add.f32.msk $0xffff, v1  }
0xf7: {  	v2 =	vld [tilespmem:$0x14750];
	_ =	sdelay $0x7  }
0xf8: {  	[tilespmem:v2+s1+$0x0] =	vst.idx.add.f32.msk $0xffff, v1  }
0xf9: {  	v2 =	vld [tilespmem:$0x14760];
	_ =	sdelay $0x7  }
0xfa: {  	[tilespmem:v2+s1+$0x0] =	vst.idx.add.f32.msk $0xffff, v1  }
0xfb: {  	v2 =	vld [tilespmem:$0x1476D];
	_ =	sdelay $0x7  }
0xfc: {  	[tilespmem:v2+s1+$0x0] =	vst.idx.add.f32.msk vm0, v1  }
0xfd: {  	[spmem:s3] =	stream.indirect.scatter.add.f32 [tilespmem:s24], [sflag:$0x3], $0x80, s7, s29, $0xb8;
	[tilespmem:$0x1F800] =	vst v63  }
0xfe: {  	_ =	swait.ge [sflag:s25], $0x3E80  }
0xff: {  	[sflag:s25] =	ssyncset.done $0x0  }
0x100: {  	[sflag:s25] =	ssyncadd.s32 $0xFFFFC180  }
0x101: {  	_ =	swait.ge [sflag:s2], $0x3E80  }
0x102: {  	[sflag:s2] =	ssyncset.done $0x0  }
0x103: {  	[sflag:s2] =	ssyncadd.s32 $0xFFFFC180  }
0x104: {  	v2 =	vld [tilespmem:$0x14780];
	_ =	sdelay $0x7  }
0x105: {  	[tilespmem:v2+s1+$0x0] =	vst.idx.add.f32.msk $0xffff, v1  }
0x106: {  	v2 =	vld [tilespmem:$0x14790];
	_ =	sdelay $0x7  }
0x107: {  	[tilespmem:v2+s1+$0x0] =	vst.idx.add.f32.msk $0xffff, v1  }
0x108: {  	v2 =	vld [tilespmem:$0x147A0];
	_ =	sdelay $0x7  }
0x109: {  	[tilespmem:v2+s1+$0x0] =	vst.idx.add.f32.msk $0xffff, v1  }
0x10a: {  	v2 =	vld [tilespmem:$0x147B0];
	_ =	sdelay $0x7  }
0x10b: {  	[tilespmem:v2+s1+$0x0] =	vst.idx.add.f32.msk $0xffff, v1  }
0x10c: {  	v2 =	vld [tilespmem:$0x147C0];
	_ =	sdelay $0x7  }
0x10d: {  	[tilespmem:v2+s1+$0x0] =	vst.idx.add.f32.msk $0xffff, v1  }
0x10e: {  	v2 =	vld [tilespmem:$0x147D0];
	_ =	sdelay $0x7  }
0x10f: {  	[tilespmem:v2+s1+$0x0] =	vst.idx.add.f32.msk $0xffff, v1  }
0x110: {  	v2 =	vld [tilespmem:$0x147E0];
	_ =	sdelay $0x7  }
0x111: {  	[tilespmem:v2+s1+$0x0] =	vst.idx.add.f32.msk $0xffff, v1  }
0x112: {  	v2 =	vld [tilespmem:$0x147ED];
	_ =	sdelay $0x7  }
0x113: {  	[tilespmem:v2+s1+$0x0] =	vst.idx.add.f32.msk vm0, v1  }
0x114: {  	[spmem:s3] =	stream.indirect.scatter.add.f32 [tilespmem:s30], [sflag:$0x3], $0x80, s8, s29, $0xb8;
	[tilespmem:$0x1F800] =	vst v63  }
0x115: {  	_ =	swait.ge [sflag:s25], $0x3E80  }
0x116: {  	[sflag:s25] =	ssyncset.done $0x0  }
0x117: {  	s10 =	simm.s32 $0x0;
	[sflag:s25] =	ssyncadd.s32 $0xFFFFC180  }
0x118: {  	[tilespmem:s26], [sflag:$0x3] =	stream.linear.gather [hbm4b:s15+s10], $0x800, $0x38;
	[tilespmem:$0x1F800] =	vst v63  }
0x119: {  	_ =	swait.ge [sflag:s25], $0x800  }
0x11a: {  	[sflag:s25] =	ssyncset.done $0x0  }
0x11b: {  	[sflag:s25] =	ssyncadd.s32 $0xFFFFF800  }
0x11c: {  	[tilespmem:s28], [sflag:$0x3] =	stream.linear.gather [hbm4b:s16+s10], $0x800, $0x38;
	[tilespmem:$0x1F800] =	vst v63  }
0x11d: {  	_ =	swait.ge [sflag:s25], $0x800  }
0x11e: {  	[sflag:s25] =	ssyncset.done $0x0  }
0x11f: {  	[sflag:s25] =	ssyncadd.s32 $0xFFFFF800  }
0x120: {  	[tilespmem:s24], [sflag:$0x1] =	stream.indirect.gather [hbm4b:s0+s29], $0x80, s28, s29, $0xb8;
	[tilespmem:$0x1F800] =	vst v63  }
.LBB2_10:
0x121: {  	s11 =	sshra.s32 s10, $0x2  }
0x122: {  	s12 =	sadd.s32 $0x14880, s11  }
0x123: {  	[tilespmem:s30], [sflag:$0x2] =	stream.indirect.gather [hbm4b:s0+s29], $0x80, s12, s29, $0xb8;
	[tilespmem:$0x1F800] =	vst v63  }
0x124: {  	_ =	swait.ge [sflag:s31], $0x3E80  }
0x125: {  	[sflag:s31] =	ssyncset.done $0x0  }
0x126: {  	[sflag:s31] =	ssyncadd.s32 $0xFFFFC180  }
0x127: {  	v2 =	vld [tilespmem:s11+$0x14000];
	_ =	sdelay $0x7  }
0x128: {  	[tilespmem:v2+s1+$0x0] =	vst.idx.add.f32.msk $0xffff, v1  }
0x129: {  	v2 =	vld [tilespmem:s11+$0x14010];
	_ =	sdelay $0x7  }
0x12a: {  	[tilespmem:v2+s1+$0x0] =	vst.idx.add.f32.msk $0xffff, v1  }
0x12b: {  	v2 =	vld [tilespmem:s11+$0x14020];
	_ =	sdelay $0x7  }
0x12c: {  	[tilespmem:v2+s1+$0x0] =	vst.idx.add.f32.msk $0xffff, v1  }
0x12d: {  	v2 =	vld [tilespmem:s11+$0x14030];
	_ =	sdelay $0x7  }
0x12e: {  	[tilespmem:v2+s1+$0x0] =	vst.idx.add.f32.msk $0xffff, v1  }
0x12f: {  	v2 =	vld [tilespmem:s11+$0x14040];
	_ =	sdelay $0x7  }
0x130: {  	[tilespmem:v2+s1+$0x0] =	vst.idx.add.f32.msk $0xffff, v1  }
0x131: {  	v2 =	vld [tilespmem:s11+$0x14050];
	_ =	sdelay $0x7  }
0x132: {  	[tilespmem:v2+s1+$0x0] =	vst.idx.add.f32.msk $0xffff, v1  }
0x133: {  	v2 =	vld [tilespmem:s11+$0x14060];
	_ =	sdelay $0x7  }
0x134: {  	[tilespmem:v2+s1+$0x0] =	vst.idx.add.f32.msk $0xffff, v1  }
0x135: {  	v2 =	vld [tilespmem:s11+$0x1406D];
	_ =	sdelay $0x7  }
0x136: {  	s13 =	sadd.s32 $0x14000, s11;
	[tilespmem:v2+s1+$0x0] =	vst.idx.add.f32.msk vm0, v1  }
0x137: {  	[spmem:s3] =	stream.indirect.scatter.add.f32 [tilespmem:s24], [sflag:$0x3], $0x80, s13, s29, $0xb8;
	[tilespmem:$0x1F800] =	vst v63  }
0x138: {  	_ =	swait.ge [sflag:s25], $0x3E80  }
0x139: {  	[sflag:s25] =	ssyncset.done $0x0  }
0x13a: {  	s13 =	sadd.s32 $0x14900, s11;
	[sflag:s25] =	ssyncadd.s32 $0xFFFFC180  }
0x13b: {  	[tilespmem:s24], [sflag:$0x1] =	stream.indirect.gather [hbm4b:s0+s29], $0x80, s13, s29, $0xb8;
	[tilespmem:$0x1F800] =	vst v63  }
0x13c: {  	_ =	swait.ge [sflag:s2], $0x3E80  }
0x13d: {  	[sflag:s2] =	ssyncset.done $0x0  }
0x13e: {  	[sflag:s2] =	ssyncadd.s32 $0xFFFFC180  }
0x13f: {  	v2 =	vld [tilespmem:s11+$0x14080];
	_ =	sdelay $0x7  }
0x140: {  	[tilespmem:v2+s1+$0x0] =	vst.idx.add.f32.msk $0xffff, v1  }
0x141: {  	v2 =	vld [tilespmem:s11+$0x14090];
	_ =	sdelay $0x7  }
0x142: {  	[tilespmem:v2+s1+$0x0] =	vst.idx.add.f32.msk $0xffff, v1  }
0x143: {  	v2 =	vld [tilespmem:s11+$0x140A0];
	_ =	sdelay $0x7  }
0x144: {  	[tilespmem:v2+s1+$0x0] =	vst.idx.add.f32.msk $0xffff, v1  }
0x145: {  	v2 =	vld [tilespmem:s11+$0x140B0];
	_ =	sdelay $0x7  }
0x146: {  	[tilespmem:v2+s1+$0x0] =	vst.idx.add.f32.msk $0xffff, v1  }
0x147: {  	v2 =	vld [tilespmem:s11+$0x140C0];
	_ =	sdelay $0x7  }
0x148: {  	[tilespmem:v2+s1+$0x0] =	vst.idx.add.f32.msk $0xffff, v1  }
0x149: {  	v2 =	vld [tilespmem:s11+$0x140D0];
	_ =	sdelay $0x7  }
0x14a: {  	[tilespmem:v2+s1+$0x0] =	vst.idx.add.f32.msk $0xffff, v1  }
0x14b: {  	v2 =	vld [tilespmem:s11+$0x140E0];
	_ =	sdelay $0x7  }
0x14c: {  	[tilespmem:v2+s1+$0x0] =	vst.idx.add.f32.msk $0xffff, v1  }
0x14d: {  	v2 =	vld [tilespmem:s11+$0x140ED];
	_ =	sdelay $0x6  }
0x14e: {  	p0 =	sne.s32 s10, $0x1800  }
.Ltmp4:
0x14f: {  	s11 =	sadd.s32 $0x14080, s11;
	[tilespmem:v2+s1+$0x0] =	vst.idx.add.f32.msk vm0, v1;
	(pc) =	sbr.rel @p0 .LBB2_10-.Ltmp4, $4  }
0x150: {  	[spmem:s3] =	stream.indirect.scatter.add.f32 [tilespmem:s30], [sflag:$0x3], $0x80, s11, s29, $0xb8;
	[tilespmem:$0x1F800] =	vst v63  }
0x151: {  	_ =	swait.ge [sflag:s25], $0x3E80  }
0x152: {  	[sflag:s25] =	ssyncset.done $0x0  }
0x153: {  	s10 =	sadd.s32 $0x400, s10;
	[sflag:s25] =	ssyncadd.s32 $0xFFFFC180  }
0x154: {  	[tilespmem:s30], [sflag:$0x2] =	stream.indirect.gather [hbm4b:s0+s29], $0x80, s6, s29, $0xb8;
	[tilespmem:$0x1F800] =	vst v63  }
0x155: {  	_ =	swait.ge [sflag:s31], $0x3E80  }
0x156: {  	[sflag:s31] =	ssyncset.done $0x0  }
0x157: {  	[sflag:s31] =	ssyncadd.s32 $0xFFFFC180  }
0x158: {  	v2 =	vld [tilespmem:$0x14700];
	_ =	sdelay $0x7  }
0x159: {  	[tilespmem:v2+s1+$0x0] =	vst.idx.add.f32.msk $0xffff, v1  }
0x15a: {  	v2 =	vld [tilespmem:$0x14710];
	_ =	sdelay $0x7  }
0x15b: {  	[tilespmem:v2+s1+$0x0] =	vst.idx.add.f32.msk $0xffff, v1  }
0x15c: {  	v2 =	vld [tilespmem:$0x14720];
	_ =	sdelay $0x7  }
0x15d: {  	[tilespmem:v2+s1+$0x0] =	vst.idx.add.f32.msk $0xffff, v1  }
0x15e: {  	v2 =	vld [tilespmem:$0x14730];
	_ =	sdelay $0x7  }
0x15f: {  	[tilespmem:v2+s1+$0x0] =	vst.idx.add.f32.msk $0xffff, v1  }
0x160: {  	v2 =	vld [tilespmem:$0x14740];
	_ =	sdelay $0x7  }
0x161: {  	[tilespmem:v2+s1+$0x0] =	vst.idx.add.f32.msk $0xffff, v1  }
0x162: {  	v2 =	vld [tilespmem:$0x14750];
	_ =	sdelay $0x7  }
0x163: {  	[tilespmem:v2+s1+$0x0] =	vst.idx.add.f32.msk $0xffff, v1  }
0x164: {  	v2 =	vld [tilespmem:$0x14760];
	_ =	sdelay $0x7  }
0x165: {  	[tilespmem:v2+s1+$0x0] =	vst.idx.add.f32.msk $0xffff, v1  }
0x166: {  	v2 =	vld [tilespmem:$0x1476D];
	_ =	sdelay $0x7  }
0x167: {  	[tilespmem:v2+s1+$0x0] =	vst.idx.add.f32.msk vm0, v1  }
0x168: {  	[spmem:s3] =	stream.indirect.scatter.add.f32 [tilespmem:s24], [sflag:$0x3], $0x80, s7, s29, $0xb8;
	[tilespmem:$0x1F800] =	vst v63  }
0x169: {  	_ =	swait.ge [sflag:s25], $0x3E80  }
0x16a: {  	[sflag:s25] =	ssyncset.done $0x0  }
0x16b: {  	[sflag:s25] =	ssyncadd.s32 $0xFFFFC180  }
0x16c: {  	_ =	swait.ge [sflag:s2], $0x3E80  }
0x16d: {  	[sflag:s2] =	ssyncset.done $0x0  }
0x16e: {  	[sflag:s2] =	ssyncadd.s32 $0xFFFFC180  }
0x16f: {  	v2 =	vld [tilespmem:$0x14780];
	_ =	sdelay $0x7  }
0x170: {  	[tilespmem:v2+s1+$0x0] =	vst.idx.add.f32.msk $0xffff, v1  }
0x171: {  	v2 =	vld [tilespmem:$0x14790];
	_ =	sdelay $0x7  }
0x172: {  	[tilespmem:v2+s1+$0x0] =	vst.idx.add.f32.msk $0xffff, v1  }
0x173: {  	v2 =	vld [tilespmem:$0x147A0];
	_ =	sdelay $0x7  }
0x174: {  	[tilespmem:v2+s1+$0x0] =	vst.idx.add.f32.msk $0xffff, v1  }
0x175: {  	v2 =	vld [tilespmem:$0x147B0];
	_ =	sdelay $0x7  }
0x176: {  	[tilespmem:v2+s1+$0x0] =	vst.idx.add.f32.msk $0xffff, v1  }
0x177: {  	v2 =	vld [tilespmem:$0x147C0];
	_ =	sdelay $0x7  }
0x178: {  	[tilespmem:v2+s1+$0x0] =	vst.idx.add.f32.msk $0xffff, v1  }
0x179: {  	v2 =	vld [tilespmem:$0x147D0];
	_ =	sdelay $0x7  }
0x17a: {  	[tilespmem:v2+s1+$0x0] =	vst.idx.add.f32.msk $0xffff, v1  }
0x17b: {  	v2 =	vld [tilespmem:$0x147E0];
	_ =	sdelay $0x7  }
0x17c: {  	[tilespmem:v2+s1+$0x0] =	vst.idx.add.f32.msk $0xffff, v1  }
0x17d: {  	v2 =	vld [tilespmem:$0x147ED];
	_ =	sdelay $0x7  }
0x17e: {  	[tilespmem:v2+s1+$0x0] =	vst.idx.add.f32.msk vm0, v1  }
0x17f: {  	[spmem:s3] =	stream.indirect.scatter.add.f32 [tilespmem:s30], [sflag:$0x3], $0x80, s8, s29, $0xb8;
	[tilespmem:$0x1F800] =	vst v63  }
0x180: {  	_ =	swait.ge [sflag:s25], $0x3E80  }
0x181: {  	[sflag:s25] =	ssyncset.done $0x0  }
0x182: {  	s10 =	simm.s32 $0x0;
	[sflag:s25] =	ssyncadd.s32 $0xFFFFC180  }
0x183: {  	[tilespmem:s26], [sflag:$0x3] =	stream.linear.gather [hbm4b:s17+s10], $0x800, $0x38;
	[tilespmem:$0x1F800] =	vst v63  }
0x184: {  	_ =	swait.ge [sflag:s25], $0x800  }
0x185: {  	[sflag:s25] =	ssyncset.done $0x0  }
0x186: {  	[sflag:s25] =	ssyncadd.s32 $0xFFFFF800  }
0x187: {  	[tilespmem:s28], [sflag:$0x3] =	stream.linear.gather [hbm4b:s18+s10], $0x800, $0x38;
	[tilespmem:$0x1F800] =	vst v63  }
0x188: {  	_ =	swait.ge [sflag:s25], $0x800  }
0x189: {  	[sflag:s25] =	ssyncset.done $0x0  }
0x18a: {  	[sflag:s25] =	ssyncadd.s32 $0xFFFFF800  }
0x18b: {  	[tilespmem:s24], [sflag:$0x1] =	stream.indirect.gather [hbm4b:s0+s29], $0x80, s28, s29, $0xb8;
	[tilespmem:$0x1F800] =	vst v63  }
.LBB2_12:
0x18c: {  	s11 =	sshra.s32 s10, $0x2  }
0x18d: {  	s12 =	sadd.s32 $0x14880, s11  }
0x18e: {  	[tilespmem:s30], [sflag:$0x2] =	stream.indirect.gather [hbm4b:s0+s29], $0x80, s12, s29, $0xb8;
	[tilespmem:$0x1F800] =	vst v63  }
0x18f: {  	_ =	swait.ge [sflag:s31], $0x3E80  }
0x190: {  	[sflag:s31] =	ssyncset.done $0x0  }
0x191: {  	[sflag:s31] =	ssyncadd.s32 $0xFFFFC180  }
0x192: {  	v2 =	vld [tilespmem:s11+$0x14000];
	_ =	sdelay $0x7  }
0x193: {  	[tilespmem:v2+s1+$0x0] =	vst.idx.add.f32.msk $0xffff, v1  }
0x194: {  	v2 =	vld [tilespmem:s11+$0x14010];
	_ =	sdelay $0x7  }
0x195: {  	[tilespmem:v2+s1+$0x0] =	vst.idx.add.f32.msk $0xffff, v1  }
0x196: {  	v2 =	vld [tilespmem:s11+$0x14020];
	_ =	sdelay $0x7  }
0x197: {  	[tilespmem:v2+s1+$0x0] =	vst.idx.add.f32.msk $0xffff, v1  }
0x198: {  	v2 =	vld [tilespmem:s11+$0x14030];
	_ =	sdelay $0x7  }
0x199: {  	[tilespmem:v2+s1+$0x0] =	vst.idx.add.f32.msk $0xffff, v1  }
0x19a: {  	v2 =	vld [tilespmem:s11+$0x14040];
	_ =	sdelay $0x7  }
0x19b: {  	[tilespmem:v2+s1+$0x0] =	vst.idx.add.f32.msk $0xffff, v1  }
0x19c: {  	v2 =	vld [tilespmem:s11+$0x14050];
	_ =	sdelay $0x7  }
0x19d: {  	[tilespmem:v2+s1+$0x0] =	vst.idx.add.f32.msk $0xffff, v1  }
0x19e: {  	v2 =	vld [tilespmem:s11+$0x14060];
	_ =	sdelay $0x7  }
0x19f: {  	[tilespmem:v2+s1+$0x0] =	vst.idx.add.f32.msk $0xffff, v1  }
0x1a0: {  	v2 =	vld [tilespmem:s11+$0x1406D];
	_ =	sdelay $0x7  }
0x1a1: {  	s13 =	sadd.s32 $0x14000, s11;
	[tilespmem:v2+s1+$0x0] =	vst.idx.add.f32.msk vm0, v1  }
0x1a2: {  	[spmem:s3] =	stream.indirect.scatter.add.f32 [tilespmem:s24], [sflag:$0x3], $0x80, s13, s29, $0xb8;
	[tilespmem:$0x1F800] =	vst v63  }
0x1a3: {  	_ =	swait.ge [sflag:s25], $0x3E80  }
0x1a4: {  	[sflag:s25] =	ssyncset.done $0x0  }
0x1a5: {  	s13 =	sadd.s32 $0x14900, s11;
	[sflag:s25] =	ssyncadd.s32 $0xFFFFC180  }
0x1a6: {  	[tilespmem:s24], [sflag:$0x1] =	stream.indirect.gather [hbm4b:s0+s29], $0x80, s13, s29, $0xb8;
	[tilespmem:$0x1F800] =	vst v63  }
0x1a7: {  	_ =	swait.ge [sflag:s2], $0x3E80  }
0x1a8: {  	[sflag:s2] =	ssyncset.done $0x0  }
0x1a9: {  	[sflag:s2] =	ssyncadd.s32 $0xFFFFC180  }
0x1aa: {  	v2 =	vld [tilespmem:s11+$0x14080];
	_ =	sdelay $0x7  }
0x1ab: {  	[tilespmem:v2+s1+$0x0] =	vst.idx.add.f32.msk $0xffff, v1  }
0x1ac: {  	v2 =	vld [tilespmem:s11+$0x14090];
	_ =	sdelay $0x7  }
0x1ad: {  	[tilespmem:v2+s1+$0x0] =	vst.idx.add.f32.msk $0xffff, v1  }
0x1ae: {  	v2 =	vld [tilespmem:s11+$0x140A0];
	_ =	sdelay $0x7  }
0x1af: {  	[tilespmem:v2+s1+$0x0] =	vst.idx.add.f32.msk $0xffff, v1  }
0x1b0: {  	v2 =	vld [tilespmem:s11+$0x140B0];
	_ =	sdelay $0x7  }
0x1b1: {  	[tilespmem:v2+s1+$0x0] =	vst.idx.add.f32.msk $0xffff, v1  }
0x1b2: {  	v2 =	vld [tilespmem:s11+$0x140C0];
	_ =	sdelay $0x7  }
0x1b3: {  	[tilespmem:v2+s1+$0x0] =	vst.idx.add.f32.msk $0xffff, v1  }
0x1b4: {  	v2 =	vld [tilespmem:s11+$0x140D0];
	_ =	sdelay $0x7  }
0x1b5: {  	[tilespmem:v2+s1+$0x0] =	vst.idx.add.f32.msk $0xffff, v1  }
0x1b6: {  	v2 =	vld [tilespmem:s11+$0x140E0];
	_ =	sdelay $0x7  }
0x1b7: {  	[tilespmem:v2+s1+$0x0] =	vst.idx.add.f32.msk $0xffff, v1  }
0x1b8: {  	v2 =	vld [tilespmem:s11+$0x140ED];
	_ =	sdelay $0x6  }
0x1b9: {  	p0 =	sne.s32 s10, $0x1800  }
.Ltmp5:
0x1ba: {  	s11 =	sadd.s32 $0x14080, s11;
	[tilespmem:v2+s1+$0x0] =	vst.idx.add.f32.msk vm0, v1;
	(pc) =	sbr.rel @p0 .LBB2_12-.Ltmp5, $4  }
0x1bb: {  	[spmem:s3] =	stream.indirect.scatter.add.f32 [tilespmem:s30], [sflag:$0x3], $0x80, s11, s29, $0xb8;
	[tilespmem:$0x1F800] =	vst v63  }
0x1bc: {  	_ =	swait.ge [sflag:s25], $0x3E80  }
0x1bd: {  	[sflag:s25] =	ssyncset.done $0x0  }
0x1be: {  	s10 =	sadd.s32 $0x400, s10;
	[sflag:s25] =	ssyncadd.s32 $0xFFFFC180  }
0x1bf: {  	[tilespmem:s30], [sflag:$0x2] =	stream.indirect.gather [hbm4b:s0+s29], $0x80, s6, s29, $0xb8;
	[tilespmem:$0x1F800] =	vst v63  }
0x1c0: {  	_ =	swait.ge [sflag:s31], $0x3E80  }
0x1c1: {  	[sflag:s31] =	ssyncset.done $0x0  }
0x1c2: {  	[sflag:s31] =	ssyncadd.s32 $0xFFFFC180  }
0x1c3: {  	v2 =	vld [tilespmem:$0x14700];
	_ =	sdelay $0x7  }
0x1c4: {  	[tilespmem:v2+s1+$0x0] =	vst.idx.add.f32.msk $0xffff, v1  }
0x1c5: {  	v2 =	vld [tilespmem:$0x14710];
	_ =	sdelay $0x7  }
0x1c6: {  	[tilespmem:v2+s1+$0x0] =	vst.idx.add.f32.msk $0xffff, v1  }
0x1c7: {  	v2 =	vld [tilespmem:$0x14720];
	_ =	sdelay $0x7  }
0x1c8: {  	[tilespmem:v2+s1+$0x0] =	vst.idx.add.f32.msk $0xffff, v1  }
0x1c9: {  	v2 =	vld [tilespmem:$0x14730];
	_ =	sdelay $0x7  }
0x1ca: {  	[tilespmem:v2+s1+$0x0] =	vst.idx.add.f32.msk $0xffff, v1  }
0x1cb: {  	v2 =	vld [tilespmem:$0x14740];
	_ =	sdelay $0x7  }
0x1cc: {  	[tilespmem:v2+s1+$0x0] =	vst.idx.add.f32.msk $0xffff, v1  }
0x1cd: {  	v2 =	vld [tilespmem:$0x14750];
	_ =	sdelay $0x7  }
0x1ce: {  	[tilespmem:v2+s1+$0x0] =	vst.idx.add.f32.msk $0xffff, v1  }
0x1cf: {  	v2 =	vld [tilespmem:$0x14760];
	_ =	sdelay $0x7  }
0x1d0: {  	[tilespmem:v2+s1+$0x0] =	vst.idx.add.f32.msk $0xffff, v1  }
0x1d1: {  	v2 =	vld [tilespmem:$0x1476D];
	_ =	sdelay $0x7  }
0x1d2: {  	[tilespmem:v2+s1+$0x0] =	vst.idx.add.f32.msk vm0, v1  }
0x1d3: {  	[spmem:s3] =	stream.indirect.scatter.add.f32 [tilespmem:s24], [sflag:$0x3], $0x80, s7, s29, $0xb8;
	[tilespmem:$0x1F800] =	vst v63  }
0x1d4: {  	_ =	swait.ge [sflag:s25], $0x3E80  }
0x1d5: {  	[sflag:s25] =	ssyncset.done $0x0  }
0x1d6: {  	[sflag:s25] =	ssyncadd.s32 $0xFFFFC180  }
0x1d7: {  	_ =	swait.ge [sflag:s2], $0x3E80  }
0x1d8: {  	[sflag:s2] =	ssyncset.done $0x0  }
0x1d9: {  	[sflag:s2] =	ssyncadd.s32 $0xFFFFC180  }
0x1da: {  	v2 =	vld [tilespmem:$0x14780];
	_ =	sdelay $0x7  }
0x1db: {  	[tilespmem:v2+s1+$0x0] =	vst.idx.add.f32.msk $0xffff, v1  }
0x1dc: {  	v2 =	vld [tilespmem:$0x14790];
	_ =	sdelay $0x7  }
0x1dd: {  	[tilespmem:v2+s1+$0x0] =	vst.idx.add.f32.msk $0xffff, v1  }
0x1de: {  	v2 =	vld [tilespmem:$0x147A0];
	_ =	sdelay $0x7  }
0x1df: {  	[tilespmem:v2+s1+$0x0] =	vst.idx.add.f32.msk $0xffff, v1  }
0x1e0: {  	v2 =	vld [tilespmem:$0x147B0];
	_ =	sdelay $0x7  }
0x1e1: {  	[tilespmem:v2+s1+$0x0] =	vst.idx.add.f32.msk $0xffff, v1  }
0x1e2: {  	v2 =	vld [tilespmem:$0x147C0];
	_ =	sdelay $0x7  }
0x1e3: {  	[tilespmem:v2+s1+$0x0] =	vst.idx.add.f32.msk $0xffff, v1  }
0x1e4: {  	v2 =	vld [tilespmem:$0x147D0];
	_ =	sdelay $0x7  }
0x1e5: {  	[tilespmem:v2+s1+$0x0] =	vst.idx.add.f32.msk $0xffff, v1  }
0x1e6: {  	v2 =	vld [tilespmem:$0x147E0];
	_ =	sdelay $0x7  }
0x1e7: {  	[tilespmem:v2+s1+$0x0] =	vst.idx.add.f32.msk $0xffff, v1  }
0x1e8: {  	v2 =	vld [tilespmem:$0x147ED];
	_ =	sdelay $0x7  }
0x1e9: {  	[tilespmem:v2+s1+$0x0] =	vst.idx.add.f32.msk vm0, v1  }
0x1ea: {  	[spmem:s3] =	stream.indirect.scatter.add.f32 [tilespmem:s30], [sflag:$0x3], $0x80, s8, s29, $0xb8;
	[tilespmem:$0x1F800] =	vst v63  }
0x1eb: {  	_ =	swait.ge [sflag:s25], $0x3E80  }
0x1ec: {  	[sflag:s25] =	ssyncset.done $0x0  }
0x1ed: {  	s10 =	simm.s32 $0x0;
	[sflag:s25] =	ssyncadd.s32 $0xFFFFC180  }
0x1ee: {  	[tilespmem:s26], [sflag:$0x3] =	stream.linear.gather [hbm4b:s19+s10], $0x800, $0x38;
	[tilespmem:$0x1F800] =	vst v63  }
0x1ef: {  	_ =	swait.ge [sflag:s25], $0x800  }
0x1f0: {  	[sflag:s25] =	ssyncset.done $0x0  }
0x1f1: {  	[sflag:s25] =	ssyncadd.s32 $0xFFFFF800  }
0x1f2: {  	[tilespmem:s28], [sflag:$0x3] =	stream.linear.gather [hbm4b:s20+s10], $0x800, $0x38;
	[tilespmem:$0x1F800] =	vst v63  }
0x1f3: {  	_ =	swait.ge [sflag:s25], $0x800  }
0x1f4: {  	[sflag:s25] =	ssyncset.done $0x0  }
0x1f5: {  	[sflag:s25] =	ssyncadd.s32 $0xFFFFF800  }
0x1f6: {  	[tilespmem:s24], [sflag:$0x1] =	stream.indirect.gather [hbm4b:s0+s29], $0x80, s28, s29, $0xb8;
	[tilespmem:$0x1F800] =	vst v63  }
.LBB2_14:
0x1f7: {  	s11 =	sshra.s32 s10, $0x2  }
0x1f8: {  	s12 =	sadd.s32 $0x14880, s11  }
0x1f9: {  	[tilespmem:s30], [sflag:$0x2] =	stream.indirect.gather [hbm4b:s0+s29], $0x80, s12, s29, $0xb8;
	[tilespmem:$0x1F800] =	vst v63  }
0x1fa: {  	_ =	swait.ge [sflag:s31], $0x3E80  }
0x1fb: {  	[sflag:s31] =	ssyncset.done $0x0  }
0x1fc: {  	[sflag:s31] =	ssyncadd.s32 $0xFFFFC180  }
0x1fd: {  	v2 =	vld [tilespmem:s11+$0x14000];
	_ =	sdelay $0x7  }
0x1fe: {  	[tilespmem:v2+s1+$0x0] =	vst.idx.add.f32.msk $0xffff, v1  }
0x1ff: {  	v2 =	vld [tilespmem:s11+$0x14010];
	_ =	sdelay $0x7  }
0x200: {  	[tilespmem:v2+s1+$0x0] =	vst.idx.add.f32.msk $0xffff, v1  }
0x201: {  	v2 =	vld [tilespmem:s11+$0x14020];
	_ =	sdelay $0x7  }
0x202: {  	[tilespmem:v2+s1+$0x0] =	vst.idx.add.f32.msk $0xffff, v1  }
0x203: {  	v2 =	vld [tilespmem:s11+$0x14030];
	_ =	sdelay $0x7  }
0x204: {  	[tilespmem:v2+s1+$0x0] =	vst.idx.add.f32.msk $0xffff, v1  }
0x205: {  	v2 =	vld [tilespmem:s11+$0x14040];
	_ =	sdelay $0x7  }
0x206: {  	[tilespmem:v2+s1+$0x0] =	vst.idx.add.f32.msk $0xffff, v1  }
0x207: {  	v2 =	vld [tilespmem:s11+$0x14050];
	_ =	sdelay $0x7  }
0x208: {  	[tilespmem:v2+s1+$0x0] =	vst.idx.add.f32.msk $0xffff, v1  }
0x209: {  	v2 =	vld [tilespmem:s11+$0x14060];
	_ =	sdelay $0x7  }
0x20a: {  	[tilespmem:v2+s1+$0x0] =	vst.idx.add.f32.msk $0xffff, v1  }
0x20b: {  	v2 =	vld [tilespmem:s11+$0x1406D];
	_ =	sdelay $0x7  }
0x20c: {  	s13 =	sadd.s32 $0x14000, s11;
	[tilespmem:v2+s1+$0x0] =	vst.idx.add.f32.msk vm0, v1  }
0x20d: {  	[spmem:s3] =	stream.indirect.scatter.add.f32 [tilespmem:s24], [sflag:$0x3], $0x80, s13, s29, $0xb8;
	[tilespmem:$0x1F800] =	vst v63  }
0x20e: {  	_ =	swait.ge [sflag:s25], $0x3E80  }
0x20f: {  	[sflag:s25] =	ssyncset.done $0x0  }
0x210: {  	s13 =	sadd.s32 $0x14900, s11;
	[sflag:s25] =	ssyncadd.s32 $0xFFFFC180  }
0x211: {  	[tilespmem:s24], [sflag:$0x1] =	stream.indirect.gather [hbm4b:s0+s29], $0x80, s13, s29, $0xb8;
	[tilespmem:$0x1F800] =	vst v63  }
0x212: {  	_ =	swait.ge [sflag:s2], $0x3E80  }
0x213: {  	[sflag:s2] =	ssyncset.done $0x0  }
0x214: {  	[sflag:s2] =	ssyncadd.s32 $0xFFFFC180  }
0x215: {  	v2 =	vld [tilespmem:s11+$0x14080];
	_ =	sdelay $0x7  }
0x216: {  	[tilespmem:v2+s1+$0x0] =	vst.idx.add.f32.msk $0xffff, v1  }
0x217: {  	v2 =	vld [tilespmem:s11+$0x14090];
	_ =	sdelay $0x7  }
0x218: {  	[tilespmem:v2+s1+$0x0] =	vst.idx.add.f32.msk $0xffff, v1  }
0x219: {  	v2 =	vld [tilespmem:s11+$0x140A0];
	_ =	sdelay $0x7  }
0x21a: {  	[tilespmem:v2+s1+$0x0] =	vst.idx.add.f32.msk $0xffff, v1  }
0x21b: {  	v2 =	vld [tilespmem:s11+$0x140B0];
	_ =	sdelay $0x7  }
0x21c: {  	[tilespmem:v2+s1+$0x0] =	vst.idx.add.f32.msk $0xffff, v1  }
0x21d: {  	v2 =	vld [tilespmem:s11+$0x140C0];
	_ =	sdelay $0x7  }
0x21e: {  	[tilespmem:v2+s1+$0x0] =	vst.idx.add.f32.msk $0xffff, v1  }
0x21f: {  	v2 =	vld [tilespmem:s11+$0x140D0];
	_ =	sdelay $0x7  }
0x220: {  	[tilespmem:v2+s1+$0x0] =	vst.idx.add.f32.msk $0xffff, v1  }
0x221: {  	v2 =	vld [tilespmem:s11+$0x140E0];
	_ =	sdelay $0x7  }
0x222: {  	[tilespmem:v2+s1+$0x0] =	vst.idx.add.f32.msk $0xffff, v1  }
0x223: {  	v2 =	vld [tilespmem:s11+$0x140ED];
	_ =	sdelay $0x6  }
0x224: {  	p0 =	sne.s32 s10, $0x1800  }
.Ltmp6:
0x225: {  	s11 =	sadd.s32 $0x14080, s11;
	[tilespmem:v2+s1+$0x0] =	vst.idx.add.f32.msk vm0, v1;
	(pc) =	sbr.rel @p0 .LBB2_14-.Ltmp6, $4  }
0x226: {  	[spmem:s3] =	stream.indirect.scatter.add.f32 [tilespmem:s30], [sflag:$0x3], $0x80, s11, s29, $0xb8;
	[tilespmem:$0x1F800] =	vst v63  }
0x227: {  	_ =	swait.ge [sflag:s25], $0x3E80  }
0x228: {  	[sflag:s25] =	ssyncset.done $0x0  }
0x229: {  	s10 =	sadd.s32 $0x400, s10;
	[sflag:s25] =	ssyncadd.s32 $0xFFFFC180  }
0x22a: {  	[tilespmem:s30], [sflag:$0x2] =	stream.indirect.gather [hbm4b:s0+s29], $0x80, s6, s29, $0xb8;
	[tilespmem:$0x1F800] =	vst v63  }
0x22b: {  	_ =	swait.ge [sflag:s31], $0x3E80  }
0x22c: {  	[sflag:s31] =	ssyncset.done $0x0  }
0x22d: {  	[sflag:s31] =	ssyncadd.s32 $0xFFFFC180  }
0x22e: {  	v2 =	vld [tilespmem:$0x14700];
	_ =	sdelay $0x7  }
0x22f: {  	[tilespmem:v2+s1+$0x0] =	vst.idx.add.f32.msk $0xffff, v1  }
0x230: {  	v2 =	vld [tilespmem:$0x14710];
	_ =	sdelay $0x7  }
0x231: {  	[tilespmem:v2+s1+$0x0] =	vst.idx.add.f32.msk $0xffff, v1  }
0x232: {  	v2 =	vld [tilespmem:$0x14720];
	_ =	sdelay $0x7  }
0x233: {  	[tilespmem:v2+s1+$0x0] =	vst.idx.add.f32.msk $0xffff, v1  }
0x234: {  	v2 =	vld [tilespmem:$0x14730];
	_ =	sdelay $0x7  }
0x235: {  	[tilespmem:v2+s1+$0x0] =	vst.idx.add.f32.msk $0xffff, v1  }
0x236: {  	v2 =	vld [tilespmem:$0x14740];
	_ =	sdelay $0x7  }
0x237: {  	[tilespmem:v2+s1+$0x0] =	vst.idx.add.f32.msk $0xffff, v1  }
0x238: {  	v2 =	vld [tilespmem:$0x14750];
	_ =	sdelay $0x7  }
0x239: {  	[tilespmem:v2+s1+$0x0] =	vst.idx.add.f32.msk $0xffff, v1  }
0x23a: {  	v2 =	vld [tilespmem:$0x14760];
	_ =	sdelay $0x7  }
0x23b: {  	[tilespmem:v2+s1+$0x0] =	vst.idx.add.f32.msk $0xffff, v1  }
0x23c: {  	v2 =	vld [tilespmem:$0x1476D];
	_ =	sdelay $0x7  }
0x23d: {  	[tilespmem:v2+s1+$0x0] =	vst.idx.add.f32.msk vm0, v1  }
0x23e: {  	[spmem:s3] =	stream.indirect.scatter.add.f32 [tilespmem:s24], [sflag:$0x3], $0x80, s7, s29, $0xb8;
	[tilespmem:$0x1F800] =	vst v63  }
0x23f: {  	_ =	swait.ge [sflag:s25], $0x3E80  }
0x240: {  	[sflag:s25] =	ssyncset.done $0x0  }
0x241: {  	[sflag:s25] =	ssyncadd.s32 $0xFFFFC180  }
0x242: {  	_ =	swait.ge [sflag:s2], $0x3E80  }
0x243: {  	[sflag:s2] =	ssyncset.done $0x0  }
0x244: {  	[sflag:s2] =	ssyncadd.s32 $0xFFFFC180  }
0x245: {  	v2 =	vld [tilespmem:$0x14780];
	_ =	sdelay $0x7  }
0x246: {  	[tilespmem:v2+s1+$0x0] =	vst.idx.add.f32.msk $0xffff, v1  }
0x247: {  	v2 =	vld [tilespmem:$0x14790];
	_ =	sdelay $0x7  }
0x248: {  	[tilespmem:v2+s1+$0x0] =	vst.idx.add.f32.msk $0xffff, v1  }
0x249: {  	v2 =	vld [tilespmem:$0x147A0];
	_ =	sdelay $0x7  }
0x24a: {  	[tilespmem:v2+s1+$0x0] =	vst.idx.add.f32.msk $0xffff, v1  }
0x24b: {  	v2 =	vld [tilespmem:$0x147B0];
	_ =	sdelay $0x7  }
0x24c: {  	[tilespmem:v2+s1+$0x0] =	vst.idx.add.f32.msk $0xffff, v1  }
0x24d: {  	v2 =	vld [tilespmem:$0x147C0];
	_ =	sdelay $0x7  }
0x24e: {  	[tilespmem:v2+s1+$0x0] =	vst.idx.add.f32.msk $0xffff, v1  }
0x24f: {  	v2 =	vld [tilespmem:$0x147D0];
	_ =	sdelay $0x7  }
0x250: {  	[tilespmem:v2+s1+$0x0] =	vst.idx.add.f32.msk $0xffff, v1  }
0x251: {  	v2 =	vld [tilespmem:$0x147E0];
	_ =	sdelay $0x7  }
0x252: {  	[tilespmem:v2+s1+$0x0] =	vst.idx.add.f32.msk $0xffff, v1  }
0x253: {  	v2 =	vld [tilespmem:$0x147ED];
	_ =	sdelay $0x7  }
0x254: {  	[tilespmem:v2+s1+$0x0] =	vst.idx.add.f32.msk vm0, v1  }
0x255: {  	[spmem:s3] =	stream.indirect.scatter.add.f32 [tilespmem:s30], [sflag:$0x3], $0x80, s8, s29, $0xb8;
	[tilespmem:$0x1F800] =	vst v63  }
0x256: {  	_ =	swait.ge [sflag:s25], $0x3E80  }
0x257: {  	[sflag:s25] =	ssyncset.done $0x0  }
0x258: {  	[sflag:s25] =	ssyncadd.s32 $0xFFFFC180  }
0x259: {  	[hbm4b:s21+s4] =	stream.linear.scatter [tilespmem:s1], [sflag:$0x3], $0x2800, $0x38;
	[tilespmem:$0x1F800] =	vst v63  }
0x25a: {  	s10 =	stileid.u32;
	_ =	swait.ge [sflag:s25], $0x2800  }
0x25b: {  	s11 =	sshrl.u32 s5, $0x3;
	s9 =	sadd.s32 $0x1, s9;
	[sflag:s25] =	ssyncset.done $0x0  }
0x25c: {  	s10 =	sshll.u32 s10, $0x6;
	p0 =	sne.s32 s9, s23;
	[sflag:s25] =	ssyncadd.s32 $0xFFFFD800  }
.Ltmp7:
0x25d: {  	s10 =	sor.u32 $0x1C03, s10;
	[bflag:$0x0] =	sbarrier.arrive $0xFFFF;
	(pc) =	sbr.rel @p0 .LBB2_1-.Ltmp7, $4  }
0x25e: {  	[hbm:s22], [sflag:s10] =	dma.local [spmem:s11], $0x2800  }
0x25f: {  	_ =	swait.ge [sflag:s25], $0x2800  }
0x260: {  	[sflag:s25] =	ssyncset.done $0x0  }
0x261: {  	[sflag:s25] =	ssyncadd.s32 $0xFFFFD800  }
0x262: {  	_ =	sfence.sel $0x180000  }
0x263: {  	[bflag:$0x0] =	sbarrier.arrive $0xFFFF  }
0x264: {  	_ =	strace $0x90000047  }
0x265: {  	s0 =	stileid.u32;
	[bflag:$0x2] =	sbarrier.arrive $0xFFFF  }
0x266: {  	p0 =	sne.s32 s0, $0x0;
	s0 =	rddreg [dreg:$0x3]  }
0x267: {  	s0 =	sadd.s32 @!p0 $0x100000, s0  }
0x268: {  	[sflag:s0] =	ssyncadd.tile.s32 @!p0 $0x1;
	_ =	shalt  }
.Lfunc_end2:
_tile_overlayer_lowered:
.L_overlay_start_2:
0x269: {  	(tag) =	ssettag $0x2  }
0x26a: {  	s0 =	rddreg [dreg:$0x0];
	s2 =	stileid.u32  }
0x26b: {  	s1 =	rddreg [dreg:$0x1];
	p0 =	sne.s32 s2, $0x0  }
0x26c: {  	s3 =	rddreg [dreg:$0x2];
	[bflag:$0x3] =	sbarrier.arrive $0xFFFF;
	s2 =	simm.s32 @!p0 $0x1C03  }
0x26d: {  	[timem:s3], [sflag:s2] =	dma.local @!p0 [hbm:s0], s1  }
0x26e: {  	s0 =	simm.s32 @!p0 $0x3  }
0x26f: {  	_ =	swait.ge @!p0 [sflag:s0], s1  }
0x270: {  	s1 =	ssub.s32 @!p0 $0x0, s1;
	[sflag:s0] =	ssyncset.done @!p0 $0x0  }
0x271: {  	[sflag:s0] =	ssyncadd.s32 @!p0 s1  }
0x272: {  	[bflag:$0x3] =	sbarrier.arrive $0xFFFF  }
0x273: {  	_ =	shalt  }

</sc_bundles>
